<compile_context>
chip_gen: v7x
topology: tpu7x:2x2x1
jax: 0.10.2.dev20260603
libtpu: 0.0.44.dev20260713+nightly
codegen_flags: <defaults>
</compile_context>

<pallas_src>
import functools

import jax
import jax.numpy as jnp
from jax import lax
from jax.experimental import pallas as pl
from jax.experimental.pallas import tpu as pltpu
from jax.experimental.pallas import tpu_sc as plsc

N_FEAT = 128
N_NODES = 10000
N_EDGES = 320000
N_RBF = 20

_LOG2 = 0.6931471805599453


def _ssp(v):
    return jnp.maximum(v, 0.0) + jnp.log1p(jnp.exp(-jnp.abs(v))) - _LOG2



def _h_body(x_ref, w_ref, b_ref, o_ref):
    o_ref[...] = (
        jnp.dot(x_ref[...], w_ref[...], preferred_element_type=jnp.float32)
        + b_ref[...]
    )


def _wij_body(s0, f_ref, rc_ref, w1_ref, b1_ref, w2_ref, b2_ref, o_ref):
    w = lax.dot_general(f_ref[...], w1_ref[...], (((0,), (0,)), ((), ())),
                        preferred_element_type=jnp.float32)
    w = _ssp(w + b1_ref[...])
    w = jnp.dot(w, w2_ref[...], preferred_element_type=jnp.float32) + b2_ref[...]
    eb = w.shape[0]
    rb = eb // 128
    rc = rc_ref[pl.ds((s0 + pl.program_id(0)) * rb, rb), :]
    w3 = w.reshape(rb, 128, N_FEAT)
    rc3 = lax.broadcast_in_dim(rc, (rb, 128, N_FEAT), (0, 1))
    o_ref[...] = (w3 * rc3).reshape(eb, N_FEAT)


def _out_body(pa_ref, pb_ref, w1_ref, b1_ref, w2_ref, b2_ref, o_ref):
    agg = (pa_ref[0] + pa_ref[1]) + (pb_ref[0] + pb_ref[1])
    o = jnp.dot(agg, w1_ref[...], preferred_element_type=jnp.float32)
    o = _ssp(o + b1_ref[...])
    o_ref[...] = (
        jnp.dot(o, w2_ref[...], preferred_element_type=jnp.float32) + b2_ref[...]
    )



_NTILES = 32
_NSPLIT = 2
_EHALF = N_EDGES // _NSPLIT
_EPT = _EHALF // _NTILES
_C = 40
_NCHUNK = _EPT // _C
_SLAB = 40
_NSLAB = N_NODES // _SLAB


def _sc_body(idx_off, h_hbm, wij_hbm, idxj_hbm, idxi_hbm, out_hbm,
             idxj0_v, idxj1_v, idxi0_v, idxi1_v,
             rows0_v, rows1_v, wij0_v, wij1_v, acc_sh,
             jsem0, jsem1, msem0, msem1,
             gsem0, gsem1, wsem0, wsem1, ssem0, ssem1):
    core = lax.axis_index("c")
    sub = lax.axis_index("s")
    tile_base = pl.multiple_of((sub * 2 + core) * _EPT, _EPT)

    def zrow(r, _):
        for cb in range(N_FEAT // 16):
            rows0_v[r, pl.ds(cb * 16, 16)] = jnp.zeros((16,), jnp.float32)
        return 0
    lax.fori_loop(0, _SLAB, zrow, 0)
    for t in range((_NSLAB + 15) // 16):
        sl = sub + 16 * t

        @pl.when(sl < _NSLAB)
        def _():
            off = pl.multiple_of(sl * _SLAB, _SLAB)
            pltpu.sync_copy(rows0_v.at[pl.ds(0, _SLAB)],
                            acc_sh.at[pl.ds(off, _SLAB)])
    plsc.subcore_barrier()

    idxj = (idxj0_v, idxj1_v)
    idxi = (idxi0_v, idxi1_v)
    rows = (rows0_v, rows1_v)
    wijb = (wij0_v, wij1_v)
    jsem = (jsem0, jsem1)
    msem = (msem0, msem1)
    gsem = (gsem0, gsem1)
    wsem = (wsem0, wsem1)
    ssem = (ssem0, ssem1)

    def mul(rv, wv):
        def body(r, _):
            for cb in range(N_FEAT // 16):
                sl = pl.ds(cb * 16, 16)
                rv[r, sl] = rv[r, sl] * wv[r, sl]
            return 0
        lax.fori_loop(0, _C, body, 0)

    def drain_scatter(b):
        pltpu.make_async_copy(rows[b], acc_sh.at[idxi[b]], ssem[b]).wait()

    def do_pair(k0, nb, drain):
        for b in range(nb):
            if drain:
                drain_scatter(b)
        dj, di, dw = [], [], []
        for b in range(nb):
            base = pl.multiple_of(tile_base + (k0 + b) * _C, _C)
            dj.append(pltpu.async_copy(
                idxj_hbm.at[pl.ds(base + idx_off, _C)], idxj[b], jsem[b]))
            di.append(pltpu.async_copy(
                idxi_hbm.at[pl.ds(base + idx_off, _C)], idxi[b], msem[b]))
            dw.append(pltpu.async_copy(wij_hbm.at[pl.ds(base, _C)], wijb[b],
                                       wsem[b]))
        dg = []
        for b in range(nb):
            dj[b].wait()
            dg.append(pltpu.async_copy(h_hbm.at[idxj[b]], rows[b], gsem[b]))
        for b in range(nb):
            dg[b].wait()
            dw[b].wait()
            mul(rows[b], wijb[b])
            di[b].wait()
            pltpu.async_copy(rows[b], acc_sh.at[idxi[b]], ssem[b], add=True)

    do_pair(0, 2, False)

    def pair(g, _):
        do_pair(g * 2, 2, True)
        return 0
    lax.fori_loop(1, _NCHUNK // 2, pair, 0)
    if _NCHUNK % 2:
        do_pair(_NCHUNK - 1, 1, True)
        drain_scatter(0)
        drain_scatter(1)
    else:
        drain_scatter(0)
        drain_scatter(1)

    plsc.subcore_barrier()
    for t in range((_NSLAB + 15) // 16):
        sl = sub + 16 * t

        @pl.when(sl < _NSLAB)
        def _():
            off = pl.multiple_of(sl * _SLAB, _SLAB)
            pltpu.sync_copy(acc_sh.at[pl.ds(off, _SLAB)],
                            out_hbm.at[core, pl.ds(off, _SLAB)])


@functools.cache
def _sc_edge_stage(idx_off):
    return pl.kernel(
        functools.partial(_sc_body, idx_off),
        out_type=jax.ShapeDtypeStruct((2, N_NODES, N_FEAT), jnp.float32),
        mesh=plsc.VectorSubcoreMesh(core_axis_name="c", subcore_axis_name="s"),
        scratch_types=[
            pltpu.VMEM((_C,), jnp.int32),
            pltpu.VMEM((_C,), jnp.int32),
            pltpu.VMEM((_C,), jnp.int32),
            pltpu.VMEM((_C,), jnp.int32),
            pltpu.VMEM((_C, N_FEAT), jnp.float32),
            pltpu.VMEM((_C, N_FEAT), jnp.float32),
            pltpu.VMEM((_C, N_FEAT), jnp.float32),
            pltpu.VMEM((_C, N_FEAT), jnp.float32),
            pltpu.VMEM_SHARED((N_NODES, N_FEAT), jnp.float32),
        ] + [pltpu.SemaphoreType.DMA] * 10,
    )



def kernel(x, f_ij, idx_i, idx_j, rcut_ij,
           W_in, b_in, W_f1, b_f1, W_f2, b_f2,
           W_o1, b_o1, W_o2, b_o2):
    batch, atoms, feat = x.shape
    x2 = x.reshape(batch * atoms, feat)

    mb = 2000
    h = pl.pallas_call(
        _h_body,
        grid=(N_NODES // mb,),
        in_specs=[
            pl.BlockSpec((mb, feat), lambda i: (i, 0)),
            pl.BlockSpec((feat, N_FEAT), lambda i: (0, 0)),
            pl.BlockSpec((1, N_FEAT), lambda i: (0, 0)),
        ],
        out_specs=pl.BlockSpec((mb, N_FEAT), lambda i: (i, 0)),
        out_shape=jax.ShapeDtypeStruct((N_NODES, N_FEAT), jnp.float32),
    )(x2, W_in, b_in.reshape(1, N_FEAT))

    eb = 3200
    nblk = _EHALF // eb
    rb = eb // 128
    idx_j32 = idx_j.astype(jnp.int32)
    idx_i32 = idx_i.astype(jnp.int32)
    f_t = f_ij.T
    rc2d = rcut_ij.reshape(-1, 128)

    def wij_half(s):
        return pl.pallas_call(
            functools.partial(_wij_body, s * nblk),
            grid=(nblk,),
            in_specs=[
                pl.BlockSpec((N_RBF, eb), lambda i, s0=s * nblk: (0, s0 + i)),
                pl.BlockSpec(rc2d.shape, lambda i: (0, 0)),
                pl.BlockSpec((N_RBF, N_FEAT), lambda i: (0, 0)),
                pl.BlockSpec((1, N_FEAT), lambda i: (0, 0)),
                pl.BlockSpec((N_FEAT, N_FEAT), lambda i: (0, 0)),
                pl.BlockSpec((1, N_FEAT), lambda i: (0, 0)),
            ],
            out_specs=pl.BlockSpec((eb, N_FEAT), lambda i: (i, 0)),
            out_shape=jax.ShapeDtypeStruct((_EHALF, N_FEAT), jnp.float32),
        )(f_t, rc2d, W_f1, b_f1.reshape(1, N_FEAT),
          W_f2, b_f2.reshape(1, N_FEAT))

    wij_a = wij_half(0)
    wij_b = wij_half(1)
    part_a = _sc_edge_stage(0)(h, wij_a, idx_j32, idx_i32)
    part_b = _sc_edge_stage(_EHALF)(h, wij_b, idx_j32, idx_i32)

    ob = 2000
    out = pl.pallas_call(
        _out_body,
        grid=(N_NODES // ob,),
        in_specs=[
            pl.BlockSpec((2, ob, N_FEAT), lambda i: (0, i, 0)),
            pl.BlockSpec((2, ob, N_FEAT), lambda i: (0, i, 0)),
            pl.BlockSpec((N_FEAT, N_FEAT), lambda i: (0, 0)),
            pl.BlockSpec((1, N_FEAT), lambda i: (0, 0)),
            pl.BlockSpec((N_FEAT, N_FEAT), lambda i: (0, 0)),
            pl.BlockSpec((1, N_FEAT), lambda i: (0, 0)),
        ],
        out_specs=pl.BlockSpec((ob, N_FEAT), lambda i: (i, 0)),
        out_shape=jax.ShapeDtypeStruct((N_NODES, N_FEAT), jnp.float32),
    )(part_a, part_b, W_o1, b_o1.reshape(1, N_FEAT),
      W_o2, b_o2.reshape(1, N_FEAT))

    return out.reshape(batch, atoms, N_FEAT)

# --- scband reference (transcript-rebuilt; emitter-appended) ---
"""Pipeline reference for scband-sch-net-interaction-block-64433099374649 (READ-ONLY COPY).

The authoritative reference and input builder live on the scoring server;
editing this copy changes nothing except your own understanding.
"""

import jax, jax.numpy as jnp
import numpy as np

N_ATOM_BASIS = 128
N_FILTERS = 128
N_RBF = 20
BATCH = 10
N_ATOMS = 1000
N_EDGES = 320000
N_NODES = BATCH * N_ATOMS


def ssp(x):
    return jax.nn.softplus(x) - jnp.log(2.0)


def _linear_params(key, fan_in, fan_out):
    k1, k2 = jax.random.split(key)
    bound = 1.0 / np.sqrt(fan_in)
    W = jax.random.uniform(k1, (fan_in, fan_out), minval=-bound, maxval=bound, dtype=jnp.float32)
    b = jax.random.uniform(k2, (fan_out,), minval=-bound, maxval=bound, dtype=jnp.float32)
    return W, b


def setup_inputs(seed: int = 0) -> dict:
    key = jax.random.key(seed)
    ks = jax.random.split(key, 12)
    x = jax.random.normal(ks[0], (BATCH, N_ATOMS, N_ATOM_BASIS), dtype=jnp.float32)
    f_ij = jax.random.normal(ks[1], (N_EDGES, N_RBF), dtype=jnp.float32)
    idx_i = jax.random.randint(ks[2], (N_EDGES,), 0, N_NODES, dtype=jnp.int64 if jax.config.jax_enable_x64 else jnp.int32)
    idx_j = jax.random.randint(ks[3], (N_EDGES,), 0, N_NODES, dtype=jnp.int64 if jax.config.jax_enable_x64 else jnp.int32)
    rcut_ij = jax.random.uniform(ks[4], (N_EDGES,), dtype=jnp.float32)
    W_in, b_in = _linear_params(ks[5], N_ATOM_BASIS, N_FILTERS)
    W_f1, b_f1 = _linear_params(ks[6], N_RBF, N_FILTERS)
    W_f2, b_f2 = _linear_params(ks[7], N_FILTERS, N_FILTERS)
    W_o1, b_o1 = _linear_params(ks[8], N_FILTERS, N_ATOM_BASIS)
    W_o2, b_o2 = _linear_params(ks[9], N_ATOM_BASIS, N_ATOM_BASIS)
    return {
        'x': x, 'f_ij': f_ij, 'idx_i': idx_i, 'idx_j': idx_j, 'rcut_ij': rcut_ij,
        'W_in': W_in, 'b_in': b_in,
        'W_f1': W_f1, 'b_f1': b_f1, 'W_f2': W_f2, 'b_f2': b_f2,
        'W_o1': W_o1, 'b_o1': b_o1, 'W_o2': W_o2, 'b_o2': b_o2,
    }


def reference(x, f_ij, idx_i, idx_j, rcut_ij,
              W_in, b_in, W_f1, b_f1, W_f2, b_f2,
              W_o1, b_o1, W_o2, b_o2):
    batch_size, nr_of_atoms = x.shape[0], x.shape[1]
    # input_to_feature
    h = jnp.dot(x, W_in) + b_in              # [B, A, n_filters]
    h = h.reshape(batch_size * nr_of_atoms, -1)  # flatten(0,1)
    # filter_network: Linear -> ShiftedSoftplus -> Linear
    w = jnp.dot(f_ij, W_f1) + b_f1
    w = ssp(w)
    Wij = jnp.dot(w, W_f2) + b_f2            # [E, n_filters]
    Wij = Wij * rcut_ij[:, None]
    Wij = Wij.astype(h.dtype)
    # gather neighbor features, modulate, scatter-add
    x_j = h[idx_j]                           # gather [E, n_filters]
    x_ij = x_j * Wij
    agg = jax.ops.segment_sum(x_ij, idx_i, num_segments=h.shape[0])  # scatter_add
    # feature_to_output: Linear -> ShiftedSoftplus -> Linear
    o = jnp.dot(agg, W_o1) + b_o1
    o = ssp(o)
    o = jnp.dot(o, W_o2) + b_o2
    return o.reshape(batch_size, nr_of_atoms, 128)


if False:  # reference __main__ guard neutralized (emitter)
    out = reference(**setup_inputs())
    print(out.shape)

if __name__ == "__main__":
    import jax
    _d = setup_inputs()
    print(jax.jit(kernel)(*tuple(_d.values())))

</pallas_src>

<mosaic_0001>
#map = affine_map<(d0, d1) -> (0, 0)>
#map1 = affine_map<(d0, d1) -> (0)>
#map2 = affine_map<(d0, d1) -> (0, 0, 0)>
module attributes {stable_mosaic.version = 14 : i64} {
  func.func @_sc_body(%arg0: i32, %arg1: i32, %arg2: memref<10000x128xf32, #tpu.memory_space<hbm>>, %arg3: memref<160000x128xf32, #tpu.memory_space<hbm>>, %arg4: memref<320000xi32, #tpu.memory_space<hbm>>, %arg5: memref<320000xi32, #tpu.memory_space<hbm>>, %arg6: memref<2x10000x128xf32, #tpu.memory_space<hbm>>, %arg7: memref<40xi32, #tpu.memory_space<vmem>>, %arg8: memref<40xi32, #tpu.memory_space<vmem>>, %arg9: memref<40xi32, #tpu.memory_space<vmem>>, %arg10: memref<40xi32, #tpu.memory_space<vmem>>, %arg11: memref<40x128xf32, #tpu.memory_space<vmem>>, %arg12: memref<40x128xf32, #tpu.memory_space<vmem>>, %arg13: memref<40x128xf32, #tpu.memory_space<vmem>>, %arg14: memref<40x128xf32, #tpu.memory_space<vmem>>, %arg15: memref<10000x128xf32, #tpu.memory_space<vmem_shared>>, %arg16: memref<!tpu.dma_semaphore, #tpu.memory_space<semaphore_mem>>, %arg17: memref<!tpu.dma_semaphore, #tpu.memory_space<semaphore_mem>>, %arg18: memref<!tpu.dma_semaphore, #tpu.memory_space<semaphore_mem>>, %arg19: memref<!tpu.dma_semaphore, #tpu.memory_space<semaphore_mem>>, %arg20: memref<!tpu.dma_semaphore, #tpu.memory_space<semaphore_mem>>, %arg21: memref<!tpu.dma_semaphore, #tpu.memory_space<semaphore_mem>>, %arg22: memref<!tpu.dma_semaphore, #tpu.memory_space<semaphore_mem>>, %arg23: memref<!tpu.dma_semaphore, #tpu.memory_space<semaphore_mem>>, %arg24: memref<!tpu.dma_semaphore, #tpu.memory_space<semaphore_mem>>, %arg25: memref<!tpu.dma_semaphore, #tpu.memory_space<semaphore_mem>>) attributes {dimension_semantics = [#tpu.dimension_semantics<core_parallel>, #tpu.dimension_semantics<subcore_parallel>], iteration_bounds = array<i64: 2, 16>, scalar_prefetch = 0 : i64, scratch_operands = 19 : i64, tpu.core_type = #tpu.core_type<sc_vector_subcore>, window_params = [{transform_indices = #map}, {transform_indices = #map}, {transform_indices = #map1}, {transform_indices = #map1}, {transform_indices = #map2}]} {
    %mul3A = arith.constant 2 : i32
    %mul3A_0 = arith.muli %arg1, %mul3A : i32
    %add3A = arith.addi %mul3A_0, %arg0 : i32
    %mul3A_1 = arith.constant 5000 : i32
    %mul3A_2 = arith.muli %add3A, %mul3A_1 : i32
    %multiple_of3A = tpu.assume_multiple %mul3A_2, 5000 : i32
    %scan3A = arith.constant 0 : i32
    %scan3A_3 = arith.constant 0 : i32
    %scan3A_4 = arith.constant 40 : i32
    %scan3A_5 = arith.addi %scan3A_3, %scan3A_4 : i32
    %scan3A_6 = arith.constant 1 : i32
    %scan3A_7 = scf.for %scan3A_362 = %scan3A_3 to %scan3A_5 step %scan3A_6 iter_args(%scan3A_363 = %scan3A) -> (i32)  : i32 {
      %broadcast_in_dim3A = arith.constant 0.000000e+00 : f32
      %broadcast_in_dim3A_364 = vector.broadcast %broadcast_in_dim3A : f32 to vector<16xf32>
      %swap3A = arith.index_cast %scan3A_362 : i32 to index
      %swap3A_365 = arith.constant 0 : index
      %swap3A_366 = tpu.vector_load %arg11[%swap3A, %swap3A_365] {strides = array<i32>} : memref<40x128xf32, #tpu.memory_space<vmem>>, vector<1x16xf32>,
      %swap3A_367 = vector.shape_cast %swap3A_366 : vector<1x16xf32> to vector<16xf32>
      %swap3A_368 = vector.shape_cast %broadcast_in_dim3A_364 : vector<16xf32> to vector<1x16xf32>
      tpu.vector_store %arg11[%swap3A, %swap3A_365], %swap3A_368 {strides = array<i32>} : memref<40x128xf32, #tpu.memory_space<vmem>>, vector<1x16xf32>,
      %broadcast_in_dim3A_369 = arith.constant 0.000000e+00 : f32
      %broadcast_in_dim3A_370 = vector.broadcast %broadcast_in_dim3A_369 : f32 to vector<16xf32>
      %swap3A_371 = arith.index_cast %scan3A_362 : i32 to index
      %swap3A_372 = arith.constant 16 : index
      %swap3A_373 = tpu.vector_load %arg11[%swap3A_371, %swap3A_372] {strides = array<i32>} : memref<40x128xf32, #tpu.memory_space<vmem>>, vector<1x16xf32>,
      %swap3A_374 = vector.shape_cast %swap3A_373 : vector<1x16xf32> to vector<16xf32>
      %swap3A_375 = vector.shape_cast %broadcast_in_dim3A_370 : vector<16xf32> to vector<1x16xf32>
      tpu.vector_store %arg11[%swap3A_371, %swap3A_372], %swap3A_375 {strides = array<i32>} : memref<40x128xf32, #tpu.memory_space<vmem>>, vector<1x16xf32>,
      %broadcast_in_dim3A_376 = arith.constant 0.000000e+00 : f32
      %broadcast_in_dim3A_377 = vector.broadcast %broadcast_in_dim3A_376 : f32 to vector<16xf32>
      %swap3A_378 = arith.index_cast %scan3A_362 : i32 to index
      %swap3A_379 = arith.constant 32 : index
      %swap3A_380 = tpu.vector_load %arg11[%swap3A_378, %swap3A_379] {strides = array<i32>} : memref<40x128xf32, #tpu.memory_space<vmem>>, vector<1x16xf32>,
      %swap3A_381 = vector.shape_cast %swap3A_380 : vector<1x16xf32> to vector<16xf32>
      %swap3A_382 = vector.shape_cast %broadcast_in_dim3A_377 : vector<16xf32> to vector<1x16xf32>
      tpu.vector_store %arg11[%swap3A_378, %swap3A_379], %swap3A_382 {strides = array<i32>} : memref<40x128xf32, #tpu.memory_space<vmem>>, vector<1x16xf32>,
      %broadcast_in_dim3A_383 = arith.constant 0.000000e+00 : f32
      %broadcast_in_dim3A_384 = vector.broadcast %broadcast_in_dim3A_383 : f32 to vector<16xf32>
      %swap3A_385 = arith.index_cast %scan3A_362 : i32 to index
      %swap3A_386 = arith.constant 48 : index
      %swap3A_387 = tpu.vector_load %arg11[%swap3A_385, %swap3A_386] {strides = array<i32>} : memref<40x128xf32, #tpu.memory_space<vmem>>, vector<1x16xf32>,
      %swap3A_388 = vector.shape_cast %swap3A_387 : vector<1x16xf32> to vector<16xf32>
      %swap3A_389 = vector.shape_cast %broadcast_in_dim3A_384 : vector<16xf32> to vector<1x16xf32>
      tpu.vector_store %arg11[%swap3A_385, %swap3A_386], %swap3A_389 {strides = array<i32>} : memref<40x128xf32, #tpu.memory_space<vmem>>, vector<1x16xf32>,
      %broadcast_in_dim3A_390 = arith.constant 0.000000e+00 : f32
      %broadcast_in_dim3A_391 = vector.broadcast %broadcast_in_dim3A_390 : f32 to vector<16xf32>
      %swap3A_392 = arith.index_cast %scan3A_362 : i32 to index
      %swap3A_393 = arith.constant 64 : index
      %swap3A_394 = tpu.vector_load %arg11[%swap3A_392, %swap3A_393] {strides = array<i32>} : memref<40x128xf32, #tpu.memory_space<vmem>>, vector<1x16xf32>,
      %swap3A_395 = vector.shape_cast %swap3A_394 : vector<1x16xf32> to vector<16xf32>
      %swap3A_396 = vector.shape_cast %broadcast_in_dim3A_391 : vector<16xf32> to vector<1x16xf32>
      tpu.vector_store %arg11[%swap3A_392, %swap3A_393], %swap3A_396 {strides = array<i32>} : memref<40x128xf32, #tpu.memory_space<vmem>>, vector<1x16xf32>,
      %broadcast_in_dim3A_397 = arith.constant 0.000000e+00 : f32
      %broadcast_in_dim3A_398 = vector.broadcast %broadcast_in_dim3A_397 : f32 to vector<16xf32>
      %swap3A_399 = arith.index_cast %scan3A_362 : i32 to index
      %swap3A_400 = arith.constant 80 : index
      %swap3A_401 = tpu.vector_load %arg11[%swap3A_399, %swap3A_400] {strides = array<i32>} : memref<40x128xf32, #tpu.memory_space<vmem>>, vector<1x16xf32>,
      %swap3A_402 = vector.shape_cast %swap3A_401 : vector<1x16xf32> to vector<16xf32>
      %swap3A_403 = vector.shape_cast %broadcast_in_dim3A_398 : vector<16xf32> to vector<1x16xf32>
      tpu.vector_store %arg11[%swap3A_399, %swap3A_400], %swap3A_403 {strides = array<i32>} : memref<40x128xf32, #tpu.memory_space<vmem>>, vector<1x16xf32>,
      %broadcast_in_dim3A_404 = arith.constant 0.000000e+00 : f32
      %broadcast_in_dim3A_405 = vector.broadcast %broadcast_in_dim3A_404 : f32 to vector<16xf32>
      %swap3A_406 = arith.index_cast %scan3A_362 : i32 to index
      %swap3A_407 = arith.constant 96 : index
      %swap3A_408 = tpu.vector_load %arg11[%swap3A_406, %swap3A_407] {strides = array<i32>} : memref<40x128xf32, #tpu.memory_space<vmem>>, vector<1x16xf32>,
      %swap3A_409 = vector.shape_cast %swap3A_408 : vector<1x16xf32> to vector<16xf32>
      %swap3A_410 = vector.shape_cast %broadcast_in_dim3A_405 : vector<16xf32> to vector<1x16xf32>
      tpu.vector_store %arg11[%swap3A_406, %swap3A_407], %swap3A_410 {strides = array<i32>} : memref<40x128xf32, #tpu.memory_space<vmem>>, vector<1x16xf32>,
      %broadcast_in_dim3A_411 = arith.constant 0.000000e+00 : f32
      %broadcast_in_dim3A_412 = vector.broadcast %broadcast_in_dim3A_411 : f32 to vector<16xf32>
      %swap3A_413 = arith.index_cast %scan3A_362 : i32 to index
      %swap3A_414 = arith.constant 112 : index
      %swap3A_415 = tpu.vector_load %arg11[%swap3A_413, %swap3A_414] {strides = array<i32>} : memref<40x128xf32, #tpu.memory_space<vmem>>, vector<1x16xf32>,
      %swap3A_416 = vector.shape_cast %swap3A_415 : vector<1x16xf32> to vector<16xf32>
      %swap3A_417 = vector.shape_cast %broadcast_in_dim3A_412 : vector<16xf32> to vector<1x16xf32>
      tpu.vector_store %arg11[%swap3A_413, %swap3A_414], %swap3A_417 {strides = array<i32>} : memref<40x128xf32, #tpu.memory_space<vmem>>, vector<1x16xf32>,
      %scan3A_418 = arith.constant 0 : i32
      scf.yield %scan3A_418 : i32
    }
    %scan3A_8 = arith.constant 40 : i32
    %add3A_9 = arith.constant 0 : i32
    %add3A_10 = arith.addi %arg1, %add3A_9 : i32
    %lt3A = arith.constant 250 : i32
    %lt3A_11 = arith.cmpi slt, %add3A_10, %lt3A : i32
    %convert_element_type3A = arith.extui %lt3A_11 : i1 to i32
    %cond3A = arith.constant 0 : i32
    %cond3A_12 = arith.cmpi ne, %convert_element_type3A, %cond3A : i32
    scf.if %cond3A_12 {
      %mul3A_362 = arith.constant 40 : i32
      %mul3A_363 = arith.muli %add3A_10, %mul3A_362 : i32
      %multiple_of3A_364 = tpu.assume_multiple %mul3A_363, 40 : i32
      "tpu.region"() ({
        %run_scoped3A = tpu.sem_alloc : memref<!tpu.dma_semaphore, #tpu.memory_space<semaphore_mem>>
        %dma_start3A_365 = arith.constant 0 : i32
        %dma_start3A_366 = arith.constant 0 : i32
        %dma_start3A_367 = tpu.memref_slice %arg11[%dma_start3A_365, %dma_start3A_366] : memref<40x128xf32, #tpu.memory_space<vmem>> -> memref<40x128xf32, #tpu.memory_space<vmem>>
        %dma_start3A_368 = arith.constant 0 : i32
        %dma_start3A_369 = tpu.memref_slice %arg15[%multiple_of3A_364, %dma_start3A_368] : memref<10000x128xf32, #tpu.memory_space<vmem_shared>> -> memref<40x128xf32, #tpu.memory_space<vmem_shared>>
        %dma_start3A_370 = arith.constant 0 : i32
        %dma_start3A_371 = tpu.memref_slice %arg15[%multiple_of3A_364, %dma_start3A_370] : memref<10000x128xf32, #tpu.memory_space<vmem_shared>> -> memref<40x128xf32, #tpu.memory_space<vmem_shared>>
        %dma_start3A_372 = arith.constant 0 : i32
        %dma_start3A_373 = arith.constant 0 : i32
        %dma_start3A_374 = tpu.memref_slice %arg11[%dma_start3A_372, %dma_start3A_373] : memref<40x128xf32, #tpu.memory_space<vmem>> -> memref<40x128xf32, #tpu.memory_space<vmem>>
        tpu.enqueue_dma source(%dma_start3A_374 : memref<40x128xf32, #tpu.memory_space<vmem>>) target(%dma_start3A_371 : memref<40x128xf32, #tpu.memory_space<vmem_shared>>) target_semaphore(%run_scoped3A : memref<!tpu.dma_semaphore, #tpu.memory_space<semaphore_mem>>)
        %dma_wait3A_375 = arith.constant 0 : i32
        %dma_wait3A_376 = arith.constant 0 : i32
        %dma_wait3A_377 = tpu.memref_slice %arg11[%dma_wait3A_375, %dma_wait3A_376] : memref<40x128xf32, #tpu.memory_space<vmem>> -> memref<40x128xf32, #tpu.memory_space<vmem>>
        %dma_wait3A_378 = arith.constant 0 : i32
        %dma_wait3A_379 = tpu.memref_slice %arg15[%multiple_of3A_364, %dma_wait3A_378] : memref<10000x128xf32, #tpu.memory_space<vmem_shared>> -> memref<40x128xf32, #tpu.memory_space<vmem_shared>>
        %dma_wait3A_380 = arith.constant 0 : i32
        %dma_wait3A_381 = tpu.memref_slice %arg15[%multiple_of3A_364, %dma_wait3A_380] : memref<10000x128xf32, #tpu.memory_space<vmem_shared>> -> memref<40x128xf32, #tpu.memory_space<vmem_shared>>
        %dma_wait3A_382 = arith.constant 0 : i32
        %dma_wait3A_383 = arith.constant 0 : i32
        %dma_wait3A_384 = tpu.memref_slice %arg11[%dma_wait3A_382, %dma_wait3A_383] : memref<40x128xf32, #tpu.memory_space<vmem>> -> memref<40x128xf32, #tpu.memory_space<vmem>>
        tpu.wait_dma2 semaphore(%run_scoped3A : memref<!tpu.dma_semaphore, #tpu.memory_space<semaphore_mem>>) src(%dma_wait3A_384 : memref<40x128xf32, #tpu.memory_space<vmem>>) dst(%dma_wait3A_381 : memref<40x128xf32, #tpu.memory_space<vmem_shared>>)
        tpu.yield
      }) : () -> ()
    } else {
    }
    %add3A_13 = arith.constant 16 : i32
    %add3A_14 = arith.addi %arg1, %add3A_13 : i32
    %lt3A_15 = arith.constant 250 : i32
    %lt3A_16 = arith.cmpi slt, %add3A_14, %lt3A_15 : i32
    %convert_element_type3A_17 = arith.extui %lt3A_16 : i1 to i32
    %cond3A_18 = arith.constant 0 : i32
    %cond3A_19 = arith.cmpi ne, %convert_element_type3A_17, %cond3A_18 : i32
    scf.if %cond3A_19 {
      %mul3A_362 = arith.constant 40 : i32
      %mul3A_363 = arith.muli %add3A_14, %mul3A_362 : i32
      %multiple_of3A_364 = tpu.assume_multiple %mul3A_363, 40 : i32
      "tpu.region"() ({
        %run_scoped3A = tpu.sem_alloc : memref<!tpu.dma_semaphore, #tpu.memory_space<semaphore_mem>>
        %dma_start3A_365 = arith.constant 0 : i32
        %dma_start3A_366 = arith.constant 0 : i32
        %dma_start3A_367 = tpu.memref_slice %arg11[%dma_start3A_365, %dma_start3A_366] : memref<40x128xf32, #tpu.memory_space<vmem>> -> memref<40x128xf32, #tpu.memory_space<vmem>>
        %dma_start3A_368 = arith.constant 0 : i32
        %dma_start3A_369 = tpu.memref_slice %arg15[%multiple_of3A_364, %dma_start3A_368] : memref<10000x128xf32, #tpu.memory_space<vmem_shared>> -> memref<40x128xf32, #tpu.memory_space<vmem_shared>>
        %dma_start3A_370 = arith.constant 0 : i32
        %dma_start3A_371 = tpu.memref_slice %arg15[%multiple_of3A_364, %dma_start3A_370] : memref<10000x128xf32, #tpu.memory_space<vmem_shared>> -> memref<40x128xf32, #tpu.memory_space<vmem_shared>>
        %dma_start3A_372 = arith.constant 0 : i32
        %dma_start3A_373 = arith.constant 0 : i32
        %dma_start3A_374 = tpu.memref_slice %arg11[%dma_start3A_372, %dma_start3A_373] : memref<40x128xf32, #tpu.memory_space<vmem>> -> memref<40x128xf32, #tpu.memory_space<vmem>>
        tpu.enqueue_dma source(%dma_start3A_374 : memref<40x128xf32, #tpu.memory_space<vmem>>) target(%dma_start3A_371 : memref<40x128xf32, #tpu.memory_space<vmem_shared>>) target_semaphore(%run_scoped3A : memref<!tpu.dma_semaphore, #tpu.memory_space<semaphore_mem>>)
        %dma_wait3A_375 = arith.constant 0 : i32
        %dma_wait3A_376 = arith.constant 0 : i32
        %dma_wait3A_377 = tpu.memref_slice %arg11[%dma_wait3A_375, %dma_wait3A_376] : memref<40x128xf32, #tpu.memory_space<vmem>> -> memref<40x128xf32, #tpu.memory_space<vmem>>
        %dma_wait3A_378 = arith.constant 0 : i32
        %dma_wait3A_379 = tpu.memref_slice %arg15[%multiple_of3A_364, %dma_wait3A_378] : memref<10000x128xf32, #tpu.memory_space<vmem_shared>> -> memref<40x128xf32, #tpu.memory_space<vmem_shared>>
        %dma_wait3A_380 = arith.constant 0 : i32
        %dma_wait3A_381 = tpu.memref_slice %arg15[%multiple_of3A_364, %dma_wait3A_380] : memref<10000x128xf32, #tpu.memory_space<vmem_shared>> -> memref<40x128xf32, #tpu.memory_space<vmem_shared>>
        %dma_wait3A_382 = arith.constant 0 : i32
        %dma_wait3A_383 = arith.constant 0 : i32
        %dma_wait3A_384 = tpu.memref_slice %arg11[%dma_wait3A_382, %dma_wait3A_383] : memref<40x128xf32, #tpu.memory_space<vmem>> -> memref<40x128xf32, #tpu.memory_space<vmem>>
        tpu.wait_dma2 semaphore(%run_scoped3A : memref<!tpu.dma_semaphore, #tpu.memory_space<semaphore_mem>>) src(%dma_wait3A_384 : memref<40x128xf32, #tpu.memory_space<vmem>>) dst(%dma_wait3A_381 : memref<40x128xf32, #tpu.memory_space<vmem_shared>>)
        tpu.yield
      }) : () -> ()
    } else {
    }
    %add3A_20 = arith.constant 32 : i32
    %add3A_21 = arith.addi %arg1, %add3A_20 : i32
    %lt3A_22 = arith.constant 250 : i32
    %lt3A_23 = arith.cmpi slt, %add3A_21, %lt3A_22 : i32
    %convert_element_type3A_24 = arith.extui %lt3A_23 : i1 to i32
    %cond3A_25 = arith.constant 0 : i32
    %cond3A_26 = arith.cmpi ne, %convert_element_type3A_24, %cond3A_25 : i32
    scf.if %cond3A_26 {
      %mul3A_362 = arith.constant 40 : i32
      %mul3A_363 = arith.muli %add3A_21, %mul3A_362 : i32
      %multiple_of3A_364 = tpu.assume_multiple %mul3A_363, 40 : i32
      "tpu.region"() ({
        %run_scoped3A = tpu.sem_alloc : memref<!tpu.dma_semaphore, #tpu.memory_space<semaphore_mem>>
        %dma_start3A_365 = arith.constant 0 : i32
        %dma_start3A_366 = arith.constant 0 : i32
        %dma_start3A_367 = tpu.memref_slice %arg11[%dma_start3A_365, %dma_start3A_366] : memref<40x128xf32, #tpu.memory_space<vmem>> -> memref<40x128xf32, #tpu.memory_space<vmem>>
        %dma_start3A_368 = arith.constant 0 : i32
        %dma_start3A_369 = tpu.memref_slice %arg15[%multiple_of3A_364, %dma_start3A_368] : memref<10000x128xf32, #tpu.memory_space<vmem_shared>> -> memref<40x128xf32, #tpu.memory_space<vmem_shared>>
        %dma_start3A_370 = arith.constant 0 : i32
        %dma_start3A_371 = tpu.memref_slice %arg15[%multiple_of3A_364, %dma_start3A_370] : memref<10000x128xf32, #tpu.memory_space<vmem_shared>> -> memref<40x128xf32, #tpu.memory_space<vmem_shared>>
        %dma_start3A_372 = arith.constant 0 : i32
        %dma_start3A_373 = arith.constant 0 : i32
        %dma_start3A_374 = tpu.memref_slice %arg11[%dma_start3A_372, %dma_start3A_373] : memref<40x128xf32, #tpu.memory_space<vmem>> -> memref<40x128xf32, #tpu.memory_space<vmem>>
        tpu.enqueue_dma source(%dma_start3A_374 : memref<40x128xf32, #tpu.memory_space<vmem>>) target(%dma_start3A_371 : memref<40x128xf32, #tpu.memory_space<vmem_shared>>) target_semaphore(%run_scoped3A : memref<!tpu.dma_semaphore, #tpu.memory_space<semaphore_mem>>)
        %dma_wait3A_375 = arith.constant 0 : i32
        %dma_wait3A_376 = arith.constant 0 : i32
        %dma_wait3A_377 = tpu.memref_slice %arg11[%dma_wait3A_375, %dma_wait3A_376] : memref<40x128xf32, #tpu.memory_space<vmem>> -> memref<40x128xf32, #tpu.memory_space<vmem>>
        %dma_wait3A_378 = arith.constant 0 : i32
        %dma_wait3A_379 = tpu.memref_slice %arg15[%multiple_of3A_364, %dma_wait3A_378] : memref<10000x128xf32, #tpu.memory_space<vmem_shared>> -> memref<40x128xf32, #tpu.memory_space<vmem_shared>>
        %dma_wait3A_380 = arith.constant 0 : i32
        %dma_wait3A_381 = tpu.memref_slice %arg15[%multiple_of3A_364, %dma_wait3A_380] : memref<10000x128xf32, #tpu.memory_space<vmem_shared>> -> memref<40x128xf32, #tpu.memory_space<vmem_shared>>
        %dma_wait3A_382 = arith.constant 0 : i32
        %dma_wait3A_383 = arith.constant 0 : i32
        %dma_wait3A_384 = tpu.memref_slice %arg11[%dma_wait3A_382, %dma_wait3A_383] : memref<40x128xf32, #tpu.memory_space<vmem>> -> memref<40x128xf32, #tpu.memory_space<vmem>>
        tpu.wait_dma2 semaphore(%run_scoped3A : memref<!tpu.dma_semaphore, #tpu.memory_space<semaphore_mem>>) src(%dma_wait3A_384 : memref<40x128xf32, #tpu.memory_space<vmem>>) dst(%dma_wait3A_381 : memref<40x128xf32, #tpu.memory_space<vmem_shared>>)
        tpu.yield
      }) : () -> ()
    } else {
    }
    %add3A_27 = arith.constant 48 : i32
    %add3A_28 = arith.addi %arg1, %add3A_27 : i32
    %lt3A_29 = arith.constant 250 : i32
    %lt3A_30 = arith.cmpi slt, %add3A_28, %lt3A_29 : i32
    %convert_element_type3A_31 = arith.extui %lt3A_30 : i1 to i32
    %cond3A_32 = arith.constant 0 : i32
    %cond3A_33 = arith.cmpi ne, %convert_element_type3A_31, %cond3A_32 : i32
    scf.if %cond3A_33 {
      %mul3A_362 = arith.constant 40 : i32
      %mul3A_363 = arith.muli %add3A_28, %mul3A_362 : i32
      %multiple_of3A_364 = tpu.assume_multiple %mul3A_363, 40 : i32
      "tpu.region"() ({
        %run_scoped3A = tpu.sem_alloc : memref<!tpu.dma_semaphore, #tpu.memory_space<semaphore_mem>>
        %dma_start3A_365 = arith.constant 0 : i32
        %dma_start3A_366 = arith.constant 0 : i32
        %dma_start3A_367 = tpu.memref_slice %arg11[%dma_start3A_365, %dma_start3A_366] : memref<40x128xf32, #tpu.memory_space<vmem>> -> memref<40x128xf32, #tpu.memory_space<vmem>>
        %dma_start3A_368 = arith.constant 0 : i32
        %dma_start3A_369 = tpu.memref_slice %arg15[%multiple_of3A_364, %dma_start3A_368] : memref<10000x128xf32, #tpu.memory_space<vmem_shared>> -> memref<40x128xf32, #tpu.memory_space<vmem_shared>>
        %dma_start3A_370 = arith.constant 0 : i32
        %dma_start3A_371 = tpu.memref_slice %arg15[%multiple_of3A_364, %dma_start3A_370] : memref<10000x128xf32, #tpu.memory_space<vmem_shared>> -> memref<40x128xf32, #tpu.memory_space<vmem_shared>>
        %dma_start3A_372 = arith.constant 0 : i32
        %dma_start3A_373 = arith.constant 0 : i32
        %dma_start3A_374 = tpu.memref_slice %arg11[%dma_start3A_372, %dma_start3A_373] : memref<40x128xf32, #tpu.memory_space<vmem>> -> memref<40x128xf32, #tpu.memory_space<vmem>>
        tpu.enqueue_dma source(%dma_start3A_374 : memref<40x128xf32, #tpu.memory_space<vmem>>) target(%dma_start3A_371 : memref<40x128xf32, #tpu.memory_space<vmem_shared>>) target_semaphore(%run_scoped3A : memref<!tpu.dma_semaphore, #tpu.memory_space<semaphore_mem>>)
        %dma_wait3A_375 = arith.constant 0 : i32
        %dma_wait3A_376 = arith.constant 0 : i32
        %dma_wait3A_377 = tpu.memref_slice %arg11[%dma_wait3A_375, %dma_wait3A_376] : memref<40x128xf32, #tpu.memory_space<vmem>> -> memref<40x128xf32, #tpu.memory_space<vmem>>
        %dma_wait3A_378 = arith.constant 0 : i32
        %dma_wait3A_379 = tpu.memref_slice %arg15[%multiple_of3A_364, %dma_wait3A_378] : memref<10000x128xf32, #tpu.memory_space<vmem_shared>> -> memref<40x128xf32, #tpu.memory_space<vmem_shared>>
        %dma_wait3A_380 = arith.constant 0 : i32
        %dma_wait3A_381 = tpu.memref_slice %arg15[%multiple_of3A_364, %dma_wait3A_380] : memref<10000x128xf32, #tpu.memory_space<vmem_shared>> -> memref<40x128xf32, #tpu.memory_space<vmem_shared>>
        %dma_wait3A_382 = arith.constant 0 : i32
        %dma_wait3A_383 = arith.constant 0 : i32
        %dma_wait3A_384 = tpu.memref_slice %arg11[%dma_wait3A_382, %dma_wait3A_383] : memref<40x128xf32, #tpu.memory_space<vmem>> -> memref<40x128xf32, #tpu.memory_space<vmem>>
        tpu.wait_dma2 semaphore(%run_scoped3A : memref<!tpu.dma_semaphore, #tpu.memory_space<semaphore_mem>>) src(%dma_wait3A_384 : memref<40x128xf32, #tpu.memory_space<vmem>>) dst(%dma_wait3A_381 : memref<40x128xf32, #tpu.memory_space<vmem_shared>>)
        tpu.yield
      }) : () -> ()
    } else {
    }
    %add3A_34 = arith.constant 64 : i32
    %add3A_35 = arith.addi %arg1, %add3A_34 : i32
    %lt3A_36 = arith.constant 250 : i32
    %lt3A_37 = arith.cmpi slt, %add3A_35, %lt3A_36 : i32
    %convert_element_type3A_38 = arith.extui %lt3A_37 : i1 to i32
    %cond3A_39 = arith.constant 0 : i32
    %cond3A_40 = arith.cmpi ne, %convert_element_type3A_38, %cond3A_39 : i32
    scf.if %cond3A_40 {
      %mul3A_362 = arith.constant 40 : i32
      %mul3A_363 = arith.muli %add3A_35, %mul3A_362 : i32
      %multiple_of3A_364 = tpu.assume_multiple %mul3A_363, 40 : i32
      "tpu.region"() ({
        %run_scoped3A = tpu.sem_alloc : memref<!tpu.dma_semaphore, #tpu.memory_space<semaphore_mem>>
        %dma_start3A_365 = arith.constant 0 : i32
        %dma_start3A_366 = arith.constant 0 : i32
        %dma_start3A_367 = tpu.memref_slice %arg11[%dma_start3A_365, %dma_start3A_366] : memref<40x128xf32, #tpu.memory_space<vmem>> -> memref<40x128xf32, #tpu.memory_space<vmem>>
        %dma_start3A_368 = arith.constant 0 : i32
        %dma_start3A_369 = tpu.memref_slice %arg15[%multiple_of3A_364, %dma_start3A_368] : memref<10000x128xf32, #tpu.memory_space<vmem_shared>> -> memref<40x128xf32, #tpu.memory_space<vmem_shared>>
        %dma_start3A_370 = arith.constant 0 : i32
        %dma_start3A_371 = tpu.memref_slice %arg15[%multiple_of3A_364, %dma_start3A_370] : memref<10000x128xf32, #tpu.memory_space<vmem_shared>> -> memref<40x128xf32, #tpu.memory_space<vmem_shared>>
        %dma_start3A_372 = arith.constant 0 : i32
        %dma_start3A_373 = arith.constant 0 : i32
        %dma_start3A_374 = tpu.memref_slice %arg11[%dma_start3A_372, %dma_start3A_373] : memref<40x128xf32, #tpu.memory_space<vmem>> -> memref<40x128xf32, #tpu.memory_space<vmem>>
        tpu.enqueue_dma source(%dma_start3A_374 : memref<40x128xf32, #tpu.memory_space<vmem>>) target(%dma_start3A_371 : memref<40x128xf32, #tpu.memory_space<vmem_shared>>) target_semaphore(%run_scoped3A : memref<!tpu.dma_semaphore, #tpu.memory_space<semaphore_mem>>)
        %dma_wait3A_375 = arith.constant 0 : i32
        %dma_wait3A_376 = arith.constant 0 : i32
        %dma_wait3A_377 = tpu.memref_slice %arg11[%dma_wait3A_375, %dma_wait3A_376] : memref<40x128xf32, #tpu.memory_space<vmem>> -> memref<40x128xf32, #tpu.memory_space<vmem>>
        %dma_wait3A_378 = arith.constant 0 : i32
        %dma_wait3A_379 = tpu.memref_slice %arg15[%multiple_of3A_364, %dma_wait3A_378] : memref<10000x128xf32, #tpu.memory_space<vmem_shared>> -> memref<40x128xf32, #tpu.memory_space<vmem_shared>>
        %dma_wait3A_380 = arith.constant 0 : i32
        %dma_wait3A_381 = tpu.memref_slice %arg15[%multiple_of3A_364, %dma_wait3A_380] : memref<10000x128xf32, #tpu.memory_space<vmem_shared>> -> memref<40x128xf32, #tpu.memory_space<vmem_shared>>
        %dma_wait3A_382 = arith.constant 0 : i32
        %dma_wait3A_383 = arith.constant 0 : i32
        %dma_wait3A_384 = tpu.memref_slice %arg11[%dma_wait3A_382, %dma_wait3A_383] : memref<40x128xf32, #tpu.memory_space<vmem>> -> memref<40x128xf32, #tpu.memory_space<vmem>>
        tpu.wait_dma2 semaphore(%run_scoped3A : memref<!tpu.dma_semaphore, #tpu.memory_space<semaphore_mem>>) src(%dma_wait3A_384 : memref<40x128xf32, #tpu.memory_space<vmem>>) dst(%dma_wait3A_381 : memref<40x128xf32, #tpu.memory_space<vmem_shared>>)
        tpu.yield
      }) : () -> ()
    } else {
    }
    %add3A_41 = arith.constant 80 : i32
    %add3A_42 = arith.addi %arg1, %add3A_41 : i32
    %lt3A_43 = arith.constant 250 : i32
    %lt3A_44 = arith.cmpi slt, %add3A_42, %lt3A_43 : i32
    %convert_element_type3A_45 = arith.extui %lt3A_44 : i1 to i32
    %cond3A_46 = arith.constant 0 : i32
    %cond3A_47 = arith.cmpi ne, %convert_element_type3A_45, %cond3A_46 : i32
    scf.if %cond3A_47 {
      %mul3A_362 = arith.constant 40 : i32
      %mul3A_363 = arith.muli %add3A_42, %mul3A_362 : i32
      %multiple_of3A_364 = tpu.assume_multiple %mul3A_363, 40 : i32
      "tpu.region"() ({
        %run_scoped3A = tpu.sem_alloc : memref<!tpu.dma_semaphore, #tpu.memory_space<semaphore_mem>>
        %dma_start3A_365 = arith.constant 0 : i32
        %dma_start3A_366 = arith.constant 0 : i32
        %dma_start3A_367 = tpu.memref_slice %arg11[%dma_start3A_365, %dma_start3A_366] : memref<40x128xf32, #tpu.memory_space<vmem>> -> memref<40x128xf32, #tpu.memory_space<vmem>>
        %dma_start3A_368 = arith.constant 0 : i32
        %dma_start3A_369 = tpu.memref_slice %arg15[%multiple_of3A_364, %dma_start3A_368] : memref<10000x128xf32, #tpu.memory_space<vmem_shared>> -> memref<40x128xf32, #tpu.memory_space<vmem_shared>>
        %dma_start3A_370 = arith.constant 0 : i32
        %dma_start3A_371 = tpu.memref_slice %arg15[%multiple_of3A_364, %dma_start3A_370] : memref<10000x128xf32, #tpu.memory_space<vmem_shared>> -> memref<40x128xf32, #tpu.memory_space<vmem_shared>>
        %dma_start3A_372 = arith.constant 0 : i32
        %dma_start3A_373 = arith.constant 0 : i32
        %dma_start3A_374 = tpu.memref_slice %arg11[%dma_start3A_372, %dma_start3A_373] : memref<40x128xf32, #tpu.memory_space<vmem>> -> memref<40x128xf32, #tpu.memory_space<vmem>>
        tpu.enqueue_dma source(%dma_start3A_374 : memref<40x128xf32, #tpu.memory_space<vmem>>) target(%dma_start3A_371 : memref<40x128xf32, #tpu.memory_space<vmem_shared>>) target_semaphore(%run_scoped3A : memref<!tpu.dma_semaphore, #tpu.memory_space<semaphore_mem>>)
        %dma_wait3A_375 = arith.constant 0 : i32
        %dma_wait3A_376 = arith.constant 0 : i32
        %dma_wait3A_377 = tpu.memref_slice %arg11[%dma_wait3A_375, %dma_wait3A_376] : memref<40x128xf32, #tpu.memory_space<vmem>> -> memref<40x128xf32, #tpu.memory_space<vmem>>
        %dma_wait3A_378 = arith.constant 0 : i32
        %dma_wait3A_379 = tpu.memref_slice %arg15[%multiple_of3A_364, %dma_wait3A_378] : memref<10000x128xf32, #tpu.memory_space<vmem_shared>> -> memref<40x128xf32, #tpu.memory_space<vmem_shared>>
        %dma_wait3A_380 = arith.constant 0 : i32
        %dma_wait3A_381 = tpu.memref_slice %arg15[%multiple_of3A_364, %dma_wait3A_380] : memref<10000x128xf32, #tpu.memory_space<vmem_shared>> -> memref<40x128xf32, #tpu.memory_space<vmem_shared>>
        %dma_wait3A_382 = arith.constant 0 : i32
        %dma_wait3A_383 = arith.constant 0 : i32
        %dma_wait3A_384 = tpu.memref_slice %arg11[%dma_wait3A_382, %dma_wait3A_383] : memref<40x128xf32, #tpu.memory_space<vmem>> -> memref<40x128xf32, #tpu.memory_space<vmem>>
        tpu.wait_dma2 semaphore(%run_scoped3A : memref<!tpu.dma_semaphore, #tpu.memory_space<semaphore_mem>>) src(%dma_wait3A_384 : memref<40x128xf32, #tpu.memory_space<vmem>>) dst(%dma_wait3A_381 : memref<40x128xf32, #tpu.memory_space<vmem_shared>>)
        tpu.yield
      }) : () -> ()
    } else {
    }
    %add3A_48 = arith.constant 96 : i32
    %add3A_49 = arith.addi %arg1, %add3A_48 : i32
    %lt3A_50 = arith.constant 250 : i32
    %lt3A_51 = arith.cmpi slt, %add3A_49, %lt3A_50 : i32
    %convert_element_type3A_52 = arith.extui %lt3A_51 : i1 to i32
    %cond3A_53 = arith.constant 0 : i32
    %cond3A_54 = arith.cmpi ne, %convert_element_type3A_52, %cond3A_53 : i32
    scf.if %cond3A_54 {
      %mul3A_362 = arith.constant 40 : i32
      %mul3A_363 = arith.muli %add3A_49, %mul3A_362 : i32
      %multiple_of3A_364 = tpu.assume_multiple %mul3A_363, 40 : i32
      "tpu.region"() ({
        %run_scoped3A = tpu.sem_alloc : memref<!tpu.dma_semaphore, #tpu.memory_space<semaphore_mem>>
        %dma_start3A_365 = arith.constant 0 : i32
        %dma_start3A_366 = arith.constant 0 : i32
        %dma_start3A_367 = tpu.memref_slice %arg11[%dma_start3A_365, %dma_start3A_366] : memref<40x128xf32, #tpu.memory_space<vmem>> -> memref<40x128xf32, #tpu.memory_space<vmem>>
        %dma_start3A_368 = arith.constant 0 : i32
        %dma_start3A_369 = tpu.memref_slice %arg15[%multiple_of3A_364, %dma_start3A_368] : memref<10000x128xf32, #tpu.memory_space<vmem_shared>> -> memref<40x128xf32, #tpu.memory_space<vmem_shared>>
        %dma_start3A_370 = arith.constant 0 : i32
        %dma_start3A_371 = tpu.memref_slice %arg15[%multiple_of3A_364, %dma_start3A_370] : memref<10000x128xf32, #tpu.memory_space<vmem_shared>> -> memref<40x128xf32, #tpu.memory_space<vmem_shared>>
        %dma_start3A_372 = arith.constant 0 : i32
        %dma_start3A_373 = arith.constant 0 : i32
        %dma_start3A_374 = tpu.memref_slice %arg11[%dma_start3A_372, %dma_start3A_373] : memref<40x128xf32, #tpu.memory_space<vmem>> -> memref<40x128xf32, #tpu.memory_space<vmem>>
        tpu.enqueue_dma source(%dma_start3A_374 : memref<40x128xf32, #tpu.memory_space<vmem>>) target(%dma_start3A_371 : memref<40x128xf32, #tpu.memory_space<vmem_shared>>) target_semaphore(%run_scoped3A : memref<!tpu.dma_semaphore, #tpu.memory_space<semaphore_mem>>)
        %dma_wait3A_375 = arith.constant 0 : i32
        %dma_wait3A_376 = arith.constant 0 : i32
        %dma_wait3A_377 = tpu.memref_slice %arg11[%dma_wait3A_375, %dma_wait3A_376] : memref<40x128xf32, #tpu.memory_space<vmem>> -> memref<40x128xf32, #tpu.memory_space<vmem>>
        %dma_wait3A_378 = arith.constant 0 : i32
        %dma_wait3A_379 = tpu.memref_slice %arg15[%multiple_of3A_364, %dma_wait3A_378] : memref<10000x128xf32, #tpu.memory_space<vmem_shared>> -> memref<40x128xf32, #tpu.memory_space<vmem_shared>>
        %dma_wait3A_380 = arith.constant 0 : i32
        %dma_wait3A_381 = tpu.memref_slice %arg15[%multiple_of3A_364, %dma_wait3A_380] : memref<10000x128xf32, #tpu.memory_space<vmem_shared>> -> memref<40x128xf32, #tpu.memory_space<vmem_shared>>
        %dma_wait3A_382 = arith.constant 0 : i32
        %dma_wait3A_383 = arith.constant 0 : i32
        %dma_wait3A_384 = tpu.memref_slice %arg11[%dma_wait3A_382, %dma_wait3A_383] : memref<40x128xf32, #tpu.memory_space<vmem>> -> memref<40x128xf32, #tpu.memory_space<vmem>>
        tpu.wait_dma2 semaphore(%run_scoped3A : memref<!tpu.dma_semaphore, #tpu.memory_space<semaphore_mem>>) src(%dma_wait3A_384 : memref<40x128xf32, #tpu.memory_space<vmem>>) dst(%dma_wait3A_381 : memref<40x128xf32, #tpu.memory_space<vmem_shared>>)
        tpu.yield
      }) : () -> ()
    } else {
    }
    %add3A_55 = arith.constant 112 : i32
    %add3A_56 = arith.addi %arg1, %add3A_55 : i32
    %lt3A_57 = arith.constant 250 : i32
    %lt3A_58 = arith.cmpi slt, %add3A_56, %lt3A_57 : i32
    %convert_element_type3A_59 = arith.extui %lt3A_58 : i1 to i32
    %cond3A_60 = arith.constant 0 : i32
    %cond3A_61 = arith.cmpi ne, %convert_element_type3A_59, %cond3A_60 : i32
    scf.if %cond3A_61 {
      %mul3A_362 = arith.constant 40 : i32
      %mul3A_363 = arith.muli %add3A_56, %mul3A_362 : i32
      %multiple_of3A_364 = tpu.assume_multiple %mul3A_363, 40 : i32
      "tpu.region"() ({
        %run_scoped3A = tpu.sem_alloc : memref<!tpu.dma_semaphore, #tpu.memory_space<semaphore_mem>>
        %dma_start3A_365 = arith.constant 0 : i32
        %dma_start3A_366 = arith.constant 0 : i32
        %dma_start3A_367 = tpu.memref_slice %arg11[%dma_start3A_365, %dma_start3A_366] : memref<40x128xf32, #tpu.memory_space<vmem>> -> memref<40x128xf32, #tpu.memory_space<vmem>>
        %dma_start3A_368 = arith.constant 0 : i32
        %dma_start3A_369 = tpu.memref_slice %arg15[%multiple_of3A_364, %dma_start3A_368] : memref<10000x128xf32, #tpu.memory_space<vmem_shared>> -> memref<40x128xf32, #tpu.memory_space<vmem_shared>>
        %dma_start3A_370 = arith.constant 0 : i32
        %dma_start3A_371 = tpu.memref_slice %arg15[%multiple_of3A_364, %dma_start3A_370] : memref<10000x128xf32, #tpu.memory_space<vmem_shared>> -> memref<40x128xf32, #tpu.memory_space<vmem_shared>>
        %dma_start3A_372 = arith.constant 0 : i32
        %dma_start3A_373 = arith.constant 0 : i32
        %dma_start3A_374 = tpu.memref_slice %arg11[%dma_start3A_372, %dma_start3A_373] : memref<40x128xf32, #tpu.memory_space<vmem>> -> memref<40x128xf32, #tpu.memory_space<vmem>>
        tpu.enqueue_dma source(%dma_start3A_374 : memref<40x128xf32, #tpu.memory_space<vmem>>) target(%dma_start3A_371 : memref<40x128xf32, #tpu.memory_space<vmem_shared>>) target_semaphore(%run_scoped3A : memref<!tpu.dma_semaphore, #tpu.memory_space<semaphore_mem>>)
        %dma_wait3A_375 = arith.constant 0 : i32
        %dma_wait3A_376 = arith.constant 0 : i32
        %dma_wait3A_377 = tpu.memref_slice %arg11[%dma_wait3A_375, %dma_wait3A_376] : memref<40x128xf32, #tpu.memory_space<vmem>> -> memref<40x128xf32, #tpu.memory_space<vmem>>
        %dma_wait3A_378 = arith.constant 0 : i32
        %dma_wait3A_379 = tpu.memref_slice %arg15[%multiple_of3A_364, %dma_wait3A_378] : memref<10000x128xf32, #tpu.memory_space<vmem_shared>> -> memref<40x128xf32, #tpu.memory_space<vmem_shared>>
        %dma_wait3A_380 = arith.constant 0 : i32
        %dma_wait3A_381 = tpu.memref_slice %arg15[%multiple_of3A_364, %dma_wait3A_380] : memref<10000x128xf32, #tpu.memory_space<vmem_shared>> -> memref<40x128xf32, #tpu.memory_space<vmem_shared>>
        %dma_wait3A_382 = arith.constant 0 : i32
        %dma_wait3A_383 = arith.constant 0 : i32
        %dma_wait3A_384 = tpu.memref_slice %arg11[%dma_wait3A_382, %dma_wait3A_383] : memref<40x128xf32, #tpu.memory_space<vmem>> -> memref<40x128xf32, #tpu.memory_space<vmem>>
        tpu.wait_dma2 semaphore(%run_scoped3A : memref<!tpu.dma_semaphore, #tpu.memory_space<semaphore_mem>>) src(%dma_wait3A_384 : memref<40x128xf32, #tpu.memory_space<vmem>>) dst(%dma_wait3A_381 : memref<40x128xf32, #tpu.memory_space<vmem_shared>>)
        tpu.yield
      }) : () -> ()
    } else {
    }
    %add3A_62 = arith.constant 128 : i32
    %add3A_63 = arith.addi %arg1, %add3A_62 : i32
    %lt3A_64 = arith.constant 250 : i32
    %lt3A_65 = arith.cmpi slt, %add3A_63, %lt3A_64 : i32
    %convert_element_type3A_66 = arith.extui %lt3A_65 : i1 to i32
    %cond3A_67 = arith.constant 0 : i32
    %cond3A_68 = arith.cmpi ne, %convert_element_type3A_66, %cond3A_67 : i32
    scf.if %cond3A_68 {
      %mul3A_362 = arith.constant 40 : i32
      %mul3A_363 = arith.muli %add3A_63, %mul3A_362 : i32
      %multiple_of3A_364 = tpu.assume_multiple %mul3A_363, 40 : i32
      "tpu.region"() ({
        %run_scoped3A = tpu.sem_alloc : memref<!tpu.dma_semaphore, #tpu.memory_space<semaphore_mem>>
        %dma_start3A_365 = arith.constant 0 : i32
        %dma_start3A_366 = arith.constant 0 : i32
        %dma_start3A_367 = tpu.memref_slice %arg11[%dma_start3A_365, %dma_start3A_366] : memref<40x128xf32, #tpu.memory_space<vmem>> -> memref<40x128xf32, #tpu.memory_space<vmem>>
        %dma_start3A_368 = arith.constant 0 : i32
        %dma_start3A_369 = tpu.memref_slice %arg15[%multiple_of3A_364, %dma_start3A_368] : memref<10000x128xf32, #tpu.memory_space<vmem_shared>> -> memref<40x128xf32, #tpu.memory_space<vmem_shared>>
        %dma_start3A_370 = arith.constant 0 : i32
        %dma_start3A_371 = tpu.memref_slice %arg15[%multiple_of3A_364, %dma_start3A_370] : memref<10000x128xf32, #tpu.memory_space<vmem_shared>> -> memref<40x128xf32, #tpu.memory_space<vmem_shared>>
        %dma_start3A_372 = arith.constant 0 : i32
        %dma_start3A_373 = arith.constant 0 : i32
        %dma_start3A_374 = tpu.memref_slice %arg11[%dma_start3A_372, %dma_start3A_373] : memref<40x128xf32, #tpu.memory_space<vmem>> -> memref<40x128xf32, #tpu.memory_space<vmem>>
        tpu.enqueue_dma source(%dma_start3A_374 : memref<40x128xf32, #tpu.memory_space<vmem>>) target(%dma_start3A_371 : memref<40x128xf32, #tpu.memory_space<vmem_shared>>) target_semaphore(%run_scoped3A : memref<!tpu.dma_semaphore, #tpu.memory_space<semaphore_mem>>)
        %dma_wait3A_375 = arith.constant 0 : i32
        %dma_wait3A_376 = arith.constant 0 : i32
        %dma_wait3A_377 = tpu.memref_slice %arg11[%dma_wait3A_375, %dma_wait3A_376] : memref<40x128xf32, #tpu.memory_space<vmem>> -> memref<40x128xf32, #tpu.memory_space<vmem>>
        %dma_wait3A_378 = arith.constant 0 : i32
        %dma_wait3A_379 = tpu.memref_slice %arg15[%multiple_of3A_364, %dma_wait3A_378] : memref<10000x128xf32, #tpu.memory_space<vmem_shared>> -> memref<40x128xf32, #tpu.memory_space<vmem_shared>>
        %dma_wait3A_380 = arith.constant 0 : i32
        %dma_wait3A_381 = tpu.memref_slice %arg15[%multiple_of3A_364, %dma_wait3A_380] : memref<10000x128xf32, #tpu.memory_space<vmem_shared>> -> memref<40x128xf32, #tpu.memory_space<vmem_shared>>
        %dma_wait3A_382 = arith.constant 0 : i32
        %dma_wait3A_383 = arith.constant 0 : i32
        %dma_wait3A_384 = tpu.memref_slice %arg11[%dma_wait3A_382, %dma_wait3A_383] : memref<40x128xf32, #tpu.memory_space<vmem>> -> memref<40x128xf32, #tpu.memory_space<vmem>>
        tpu.wait_dma2 semaphore(%run_scoped3A : memref<!tpu.dma_semaphore, #tpu.memory_space<semaphore_mem>>) src(%dma_wait3A_384 : memref<40x128xf32, #tpu.memory_space<vmem>>) dst(%dma_wait3A_381 : memref<40x128xf32, #tpu.memory_space<vmem_shared>>)
        tpu.yield
      }) : () -> ()
    } else {
    }
    %add3A_69 = arith.constant 144 : i32
    %add3A_70 = arith.addi %arg1, %add3A_69 : i32
    %lt3A_71 = arith.constant 250 : i32
    %lt3A_72 = arith.cmpi slt, %add3A_70, %lt3A_71 : i32
    %convert_element_type3A_73 = arith.extui %lt3A_72 : i1 to i32
    %cond3A_74 = arith.constant 0 : i32
    %cond3A_75 = arith.cmpi ne, %convert_element_type3A_73, %cond3A_74 : i32
    scf.if %cond3A_75 {
      %mul3A_362 = arith.constant 40 : i32
      %mul3A_363 = arith.muli %add3A_70, %mul3A_362 : i32
      %multiple_of3A_364 = tpu.assume_multiple %mul3A_363, 40 : i32
      "tpu.region"() ({
        %run_scoped3A = tpu.sem_alloc : memref<!tpu.dma_semaphore, #tpu.memory_space<semaphore_mem>>
        %dma_start3A_365 = arith.constant 0 : i32
        %dma_start3A_366 = arith.constant 0 : i32
        %dma_start3A_367 = tpu.memref_slice %arg11[%dma_start3A_365, %dma_start3A_366] : memref<40x128xf32, #tpu.memory_space<vmem>> -> memref<40x128xf32, #tpu.memory_space<vmem>>
        %dma_start3A_368 = arith.constant 0 : i32
        %dma_start3A_369 = tpu.memref_slice %arg15[%multiple_of3A_364, %dma_start3A_368] : memref<10000x128xf32, #tpu.memory_space<vmem_shared>> -> memref<40x128xf32, #tpu.memory_space<vmem_shared>>
        %dma_start3A_370 = arith.constant 0 : i32
        %dma_start3A_371 = tpu.memref_slice %arg15[%multiple_of3A_364, %dma_start3A_370] : memref<10000x128xf32, #tpu.memory_space<vmem_shared>> -> memref<40x128xf32, #tpu.memory_space<vmem_shared>>
        %dma_start3A_372 = arith.constant 0 : i32
        %dma_start3A_373 = arith.constant 0 : i32
        %dma_start3A_374 = tpu.memref_slice %arg11[%dma_start3A_372, %dma_start3A_373] : memref<40x128xf32, #tpu.memory_space<vmem>> -> memref<40x128xf32, #tpu.memory_space<vmem>>
        tpu.enqueue_dma source(%dma_start3A_374 : memref<40x128xf32, #tpu.memory_space<vmem>>) target(%dma_start3A_371 : memref<40x128xf32, #tpu.memory_space<vmem_shared>>) target_semaphore(%run_scoped3A : memref<!tpu.dma_semaphore, #tpu.memory_space<semaphore_mem>>)
        %dma_wait3A_375 = arith.constant 0 : i32
        %dma_wait3A_376 = arith.constant 0 : i32
        %dma_wait3A_377 = tpu.memref_slice %arg11[%dma_wait3A_375, %dma_wait3A_376] : memref<40x128xf32, #tpu.memory_space<vmem>> -> memref<40x128xf32, #tpu.memory_space<vmem>>
        %dma_wait3A_378 = arith.constant 0 : i32
        %dma_wait3A_379 = tpu.memref_slice %arg15[%multiple_of3A_364, %dma_wait3A_378] : memref<10000x128xf32, #tpu.memory_space<vmem_shared>> -> memref<40x128xf32, #tpu.memory_space<vmem_shared>>
        %dma_wait3A_380 = arith.constant 0 : i32
        %dma_wait3A_381 = tpu.memref_slice %arg15[%multiple_of3A_364, %dma_wait3A_380] : memref<10000x128xf32, #tpu.memory_space<vmem_shared>> -> memref<40x128xf32, #tpu.memory_space<vmem_shared>>
        %dma_wait3A_382 = arith.constant 0 : i32
        %dma_wait3A_383 = arith.constant 0 : i32
        %dma_wait3A_384 = tpu.memref_slice %arg11[%dma_wait3A_382, %dma_wait3A_383] : memref<40x128xf32, #tpu.memory_space<vmem>> -> memref<40x128xf32, #tpu.memory_space<vmem>>
        tpu.wait_dma2 semaphore(%run_scoped3A : memref<!tpu.dma_semaphore, #tpu.memory_space<semaphore_mem>>) src(%dma_wait3A_384 : memref<40x128xf32, #tpu.memory_space<vmem>>) dst(%dma_wait3A_381 : memref<40x128xf32, #tpu.memory_space<vmem_shared>>)
        tpu.yield
      }) : () -> ()
    } else {
    }
    %add3A_76 = arith.constant 160 : i32
    %add3A_77 = arith.addi %arg1, %add3A_76 : i32
    %lt3A_78 = arith.constant 250 : i32
    %lt3A_79 = arith.cmpi slt, %add3A_77, %lt3A_78 : i32
    %convert_element_type3A_80 = arith.extui %lt3A_79 : i1 to i32
    %cond3A_81 = arith.constant 0 : i32
    %cond3A_82 = arith.cmpi ne, %convert_element_type3A_80, %cond3A_81 : i32
    scf.if %cond3A_82 {
      %mul3A_362 = arith.constant 40 : i32
      %mul3A_363 = arith.muli %add3A_77, %mul3A_362 : i32
      %multiple_of3A_364 = tpu.assume_multiple %mul3A_363, 40 : i32
      "tpu.region"() ({
        %run_scoped3A = tpu.sem_alloc : memref<!tpu.dma_semaphore, #tpu.memory_space<semaphore_mem>>
        %dma_start3A_365 = arith.constant 0 : i32
        %dma_start3A_366 = arith.constant 0 : i32
        %dma_start3A_367 = tpu.memref_slice %arg11[%dma_start3A_365, %dma_start3A_366] : memref<40x128xf32, #tpu.memory_space<vmem>> -> memref<40x128xf32, #tpu.memory_space<vmem>>
        %dma_start3A_368 = arith.constant 0 : i32
        %dma_start3A_369 = tpu.memref_slice %arg15[%multiple_of3A_364, %dma_start3A_368] : memref<10000x128xf32, #tpu.memory_space<vmem_shared>> -> memref<40x128xf32, #tpu.memory_space<vmem_shared>>
        %dma_start3A_370 = arith.constant 0 : i32
        %dma_start3A_371 = tpu.memref_slice %arg15[%multiple_of3A_364, %dma_start3A_370] : memref<10000x128xf32, #tpu.memory_space<vmem_shared>> -> memref<40x128xf32, #tpu.memory_space<vmem_shared>>
        %dma_start3A_372 = arith.constant 0 : i32
        %dma_start3A_373 = arith.constant 0 : i32
        %dma_start3A_374 = tpu.memref_slice %arg11[%dma_start3A_372, %dma_start3A_373] : memref<40x128xf32, #tpu.memory_space<vmem>> -> memref<40x128xf32, #tpu.memory_space<vmem>>
        tpu.enqueue_dma source(%dma_start3A_374 : memref<40x128xf32, #tpu.memory_space<vmem>>) target(%dma_start3A_371 : memref<40x128xf32, #tpu.memory_space<vmem_shared>>) target_semaphore(%run_scoped3A : memref<!tpu.dma_semaphore, #tpu.memory_space<semaphore_mem>>)
        %dma_wait3A_375 = arith.constant 0 : i32
        %dma_wait3A_376 = arith.constant 0 : i32
        %dma_wait3A_377 = tpu.memref_slice %arg11[%dma_wait3A_375, %dma_wait3A_376] : memref<40x128xf32, #tpu.memory_space<vmem>> -> memref<40x128xf32, #tpu.memory_space<vmem>>
        %dma_wait3A_378 = arith.constant 0 : i32
        %dma_wait3A_379 = tpu.memref_slice %arg15[%multiple_of3A_364, %dma_wait3A_378] : memref<10000x128xf32, #tpu.memory_space<vmem_shared>> -> memref<40x128xf32, #tpu.memory_space<vmem_shared>>
        %dma_wait3A_380 = arith.constant 0 : i32
        %dma_wait3A_381 = tpu.memref_slice %arg15[%multiple_of3A_364, %dma_wait3A_380] : memref<10000x128xf32, #tpu.memory_space<vmem_shared>> -> memref<40x128xf32, #tpu.memory_space<vmem_shared>>
        %dma_wait3A_382 = arith.constant 0 : i32
        %dma_wait3A_383 = arith.constant 0 : i32
        %dma_wait3A_384 = tpu.memref_slice %arg11[%dma_wait3A_382, %dma_wait3A_383] : memref<40x128xf32, #tpu.memory_space<vmem>> -> memref<40x128xf32, #tpu.memory_space<vmem>>
        tpu.wait_dma2 semaphore(%run_scoped3A : memref<!tpu.dma_semaphore, #tpu.memory_space<semaphore_mem>>) src(%dma_wait3A_384 : memref<40x128xf32, #tpu.memory_space<vmem>>) dst(%dma_wait3A_381 : memref<40x128xf32, #tpu.memory_space<vmem_shared>>)
        tpu.yield
      }) : () -> ()
    } else {
    }
    %add3A_83 = arith.constant 176 : i32
    %add3A_84 = arith.addi %arg1, %add3A_83 : i32
    %lt3A_85 = arith.constant 250 : i32
    %lt3A_86 = arith.cmpi slt, %add3A_84, %lt3A_85 : i32
    %convert_element_type3A_87 = arith.extui %lt3A_86 : i1 to i32
    %cond3A_88 = arith.constant 0 : i32
    %cond3A_89 = arith.cmpi ne, %convert_element_type3A_87, %cond3A_88 : i32
    scf.if %cond3A_89 {
      %mul3A_362 = arith.constant 40 : i32
      %mul3A_363 = arith.muli %add3A_84, %mul3A_362 : i32
      %multiple_of3A_364 = tpu.assume_multiple %mul3A_363, 40 : i32
      "tpu.region"() ({
        %run_scoped3A = tpu.sem_alloc : memref<!tpu.dma_semaphore, #tpu.memory_space<semaphore_mem>>
        %dma_start3A_365 = arith.constant 0 : i32
        %dma_start3A_366 = arith.constant 0 : i32
        %dma_start3A_367 = tpu.memref_slice %arg11[%dma_start3A_365, %dma_start3A_366] : memref<40x128xf32, #tpu.memory_space<vmem>> -> memref<40x128xf32, #tpu.memory_space<vmem>>
        %dma_start3A_368 = arith.constant 0 : i32
        %dma_start3A_369 = tpu.memref_slice %arg15[%multiple_of3A_364, %dma_start3A_368] : memref<10000x128xf32, #tpu.memory_space<vmem_shared>> -> memref<40x128xf32, #tpu.memory_space<vmem_shared>>
        %dma_start3A_370 = arith.constant 0 : i32
        %dma_start3A_371 = tpu.memref_slice %arg15[%multiple_of3A_364, %dma_start3A_370] : memref<10000x128xf32, #tpu.memory_space<vmem_shared>> -> memref<40x128xf32, #tpu.memory_space<vmem_shared>>
        %dma_start3A_372 = arith.constant 0 : i32
        %dma_start3A_373 = arith.constant 0 : i32
        %dma_start3A_374 = tpu.memref_slice %arg11[%dma_start3A_372, %dma_start3A_373] : memref<40x128xf32, #tpu.memory_space<vmem>> -> memref<40x128xf32, #tpu.memory_space<vmem>>
        tpu.enqueue_dma source(%dma_start3A_374 : memref<40x128xf32, #tpu.memory_space<vmem>>) target(%dma_start3A_371 : memref<40x128xf32, #tpu.memory_space<vmem_shared>>) target_semaphore(%run_scoped3A : memref<!tpu.dma_semaphore, #tpu.memory_space<semaphore_mem>>)
        %dma_wait3A_375 = arith.constant 0 : i32
        %dma_wait3A_376 = arith.constant 0 : i32
        %dma_wait3A_377 = tpu.memref_slice %arg11[%dma_wait3A_375, %dma_wait3A_376] : memref<40x128xf32, #tpu.memory_space<vmem>> -> memref<40x128xf32, #tpu.memory_space<vmem>>
        %dma_wait3A_378 = arith.constant 0 : i32
        %dma_wait3A_379 = tpu.memref_slice %arg15[%multiple_of3A_364, %dma_wait3A_378] : memref<10000x128xf32, #tpu.memory_space<vmem_shared>> -> memref<40x128xf32, #tpu.memory_space<vmem_shared>>
        %dma_wait3A_380 = arith.constant 0 : i32
        %dma_wait3A_381 = tpu.memref_slice %arg15[%multiple_of3A_364, %dma_wait3A_380] : memref<10000x128xf32, #tpu.memory_space<vmem_shared>> -> memref<40x128xf32, #tpu.memory_space<vmem_shared>>
        %dma_wait3A_382 = arith.constant 0 : i32
        %dma_wait3A_383 = arith.constant 0 : i32
        %dma_wait3A_384 = tpu.memref_slice %arg11[%dma_wait3A_382, %dma_wait3A_383] : memref<40x128xf32, #tpu.memory_space<vmem>> -> memref<40x128xf32, #tpu.memory_space<vmem>>
        tpu.wait_dma2 semaphore(%run_scoped3A : memref<!tpu.dma_semaphore, #tpu.memory_space<semaphore_mem>>) src(%dma_wait3A_384 : memref<40x128xf32, #tpu.memory_space<vmem>>) dst(%dma_wait3A_381 : memref<40x128xf32, #tpu.memory_space<vmem_shared>>)
        tpu.yield
      }) : () -> ()
    } else {
    }
    %add3A_90 = arith.constant 192 : i32
    %add3A_91 = arith.addi %arg1, %add3A_90 : i32
    %lt3A_92 = arith.constant 250 : i32
    %lt3A_93 = arith.cmpi slt, %add3A_91, %lt3A_92 : i32
    %convert_element_type3A_94 = arith.extui %lt3A_93 : i1 to i32
    %cond3A_95 = arith.constant 0 : i32
    %cond3A_96 = arith.cmpi ne, %convert_element_type3A_94, %cond3A_95 : i32
    scf.if %cond3A_96 {
      %mul3A_362 = arith.constant 40 : i32
      %mul3A_363 = arith.muli %add3A_91, %mul3A_362 : i32
      %multiple_of3A_364 = tpu.assume_multiple %mul3A_363, 40 : i32
      "tpu.region"() ({
        %run_scoped3A = tpu.sem_alloc : memref<!tpu.dma_semaphore, #tpu.memory_space<semaphore_mem>>
        %dma_start3A_365 = arith.constant 0 : i32
        %dma_start3A_366 = arith.constant 0 : i32
        %dma_start3A_367 = tpu.memref_slice %arg11[%dma_start3A_365, %dma_start3A_366] : memref<40x128xf32, #tpu.memory_space<vmem>> -> memref<40x128xf32, #tpu.memory_space<vmem>>
        %dma_start3A_368 = arith.constant 0 : i32
        %dma_start3A_369 = tpu.memref_slice %arg15[%multiple_of3A_364, %dma_start3A_368] : memref<10000x128xf32, #tpu.memory_space<vmem_shared>> -> memref<40x128xf32, #tpu.memory_space<vmem_shared>>
        %dma_start3A_370 = arith.constant 0 : i32
        %dma_start3A_371 = tpu.memref_slice %arg15[%multiple_of3A_364, %dma_start3A_370] : memref<10000x128xf32, #tpu.memory_space<vmem_shared>> -> memref<40x128xf32, #tpu.memory_space<vmem_shared>>
        %dma_start3A_372 = arith.constant 0 : i32
        %dma_start3A_373 = arith.constant 0 : i32
        %dma_start3A_374 = tpu.memref_slice %arg11[%dma_start3A_372, %dma_start3A_373] : memref<40x128xf32, #tpu.memory_space<vmem>> -> memref<40x128xf32, #tpu.memory_space<vmem>>
        tpu.enqueue_dma source(%dma_start3A_374 : memref<40x128xf32, #tpu.memory_space<vmem>>) target(%dma_start3A_371 : memref<40x128xf32, #tpu.memory_space<vmem_shared>>) target_semaphore(%run_scoped3A : memref<!tpu.dma_semaphore, #tpu.memory_space<semaphore_mem>>)
        %dma_wait3A_375 = arith.constant 0 : i32
        %dma_wait3A_376 = arith.constant 0 : i32
        %dma_wait3A_377 = tpu.memref_slice %arg11[%dma_wait3A_375, %dma_wait3A_376] : memref<40x128xf32, #tpu.memory_space<vmem>> -> memref<40x128xf32, #tpu.memory_space<vmem>>
        %dma_wait3A_378 = arith.constant 0 : i32
        %dma_wait3A_379 = tpu.memref_slice %arg15[%multiple_of3A_364, %dma_wait3A_378] : memref<10000x128xf32, #tpu.memory_space<vmem_shared>> -> memref<40x128xf32, #tpu.memory_space<vmem_shared>>
        %dma_wait3A_380 = arith.constant 0 : i32
        %dma_wait3A_381 = tpu.memref_slice %arg15[%multiple_of3A_364, %dma_wait3A_380] : memref<10000x128xf32, #tpu.memory_space<vmem_shared>> -> memref<40x128xf32, #tpu.memory_space<vmem_shared>>
        %dma_wait3A_382 = arith.constant 0 : i32
        %dma_wait3A_383 = arith.constant 0 : i32
        %dma_wait3A_384 = tpu.memref_slice %arg11[%dma_wait3A_382, %dma_wait3A_383] : memref<40x128xf32, #tpu.memory_space<vmem>> -> memref<40x128xf32, #tpu.memory_space<vmem>>
        tpu.wait_dma2 semaphore(%run_scoped3A : memref<!tpu.dma_semaphore, #tpu.memory_space<semaphore_mem>>) src(%dma_wait3A_384 : memref<40x128xf32, #tpu.memory_space<vmem>>) dst(%dma_wait3A_381 : memref<40x128xf32, #tpu.memory_space<vmem_shared>>)
        tpu.yield
      }) : () -> ()
    } else {
    }
    %add3A_97 = arith.constant 208 : i32
    %add3A_98 = arith.addi %arg1, %add3A_97 : i32
    %lt3A_99 = arith.constant 250 : i32
    %lt3A_100 = arith.cmpi slt, %add3A_98, %lt3A_99 : i32
    %convert_element_type3A_101 = arith.extui %lt3A_100 : i1 to i32
    %cond3A_102 = arith.constant 0 : i32
    %cond3A_103 = arith.cmpi ne, %convert_element_type3A_101, %cond3A_102 : i32
    scf.if %cond3A_103 {
      %mul3A_362 = arith.constant 40 : i32
      %mul3A_363 = arith.muli %add3A_98, %mul3A_362 : i32
      %multiple_of3A_364 = tpu.assume_multiple %mul3A_363, 40 : i32
      "tpu.region"() ({
        %run_scoped3A = tpu.sem_alloc : memref<!tpu.dma_semaphore, #tpu.memory_space<semaphore_mem>>
        %dma_start3A_365 = arith.constant 0 : i32
        %dma_start3A_366 = arith.constant 0 : i32
        %dma_start3A_367 = tpu.memref_slice %arg11[%dma_start3A_365, %dma_start3A_366] : memref<40x128xf32, #tpu.memory_space<vmem>> -> memref<40x128xf32, #tpu.memory_space<vmem>>
        %dma_start3A_368 = arith.constant 0 : i32
        %dma_start3A_369 = tpu.memref_slice %arg15[%multiple_of3A_364, %dma_start3A_368] : memref<10000x128xf32, #tpu.memory_space<vmem_shared>> -> memref<40x128xf32, #tpu.memory_space<vmem_shared>>
        %dma_start3A_370 = arith.constant 0 : i32
        %dma_start3A_371 = tpu.memref_slice %arg15[%multiple_of3A_364, %dma_start3A_370] : memref<10000x128xf32, #tpu.memory_space<vmem_shared>> -> memref<40x128xf32, #tpu.memory_space<vmem_shared>>
        %dma_start3A_372 = arith.constant 0 : i32
        %dma_start3A_373 = arith.constant 0 : i32
        %dma_start3A_374 = tpu.memref_slice %arg11[%dma_start3A_372, %dma_start3A_373] : memref<40x128xf32, #tpu.memory_space<vmem>> -> memref<40x128xf32, #tpu.memory_space<vmem>>
        tpu.enqueue_dma source(%dma_start3A_374 : memref<40x128xf32, #tpu.memory_space<vmem>>) target(%dma_start3A_371 : memref<40x128xf32, #tpu.memory_space<vmem_shared>>) target_semaphore(%run_scoped3A : memref<!tpu.dma_semaphore, #tpu.memory_space<semaphore_mem>>)
        %dma_wait3A_375 = arith.constant 0 : i32
        %dma_wait3A_376 = arith.constant 0 : i32
        %dma_wait3A_377 = tpu.memref_slice %arg11[%dma_wait3A_375, %dma_wait3A_376] : memref<40x128xf32, #tpu.memory_space<vmem>> -> memref<40x128xf32, #tpu.memory_space<vmem>>
        %dma_wait3A_378 = arith.constant 0 : i32
        %dma_wait3A_379 = tpu.memref_slice %arg15[%multiple_of3A_364, %dma_wait3A_378] : memref<10000x128xf32, #tpu.memory_space<vmem_shared>> -> memref<40x128xf32, #tpu.memory_space<vmem_shared>>
        %dma_wait3A_380 = arith.constant 0 : i32
        %dma_wait3A_381 = tpu.memref_slice %arg15[%multiple_of3A_364, %dma_wait3A_380] : memref<10000x128xf32, #tpu.memory_space<vmem_shared>> -> memref<40x128xf32, #tpu.memory_space<vmem_shared>>
        %dma_wait3A_382 = arith.constant 0 : i32
        %dma_wait3A_383 = arith.constant 0 : i32
        %dma_wait3A_384 = tpu.memref_slice %arg11[%dma_wait3A_382, %dma_wait3A_383] : memref<40x128xf32, #tpu.memory_space<vmem>> -> memref<40x128xf32, #tpu.memory_space<vmem>>
        tpu.wait_dma2 semaphore(%run_scoped3A : memref<!tpu.dma_semaphore, #tpu.memory_space<semaphore_mem>>) src(%dma_wait3A_384 : memref<40x128xf32, #tpu.memory_space<vmem>>) dst(%dma_wait3A_381 : memref<40x128xf32, #tpu.memory_space<vmem_shared>>)
        tpu.yield
      }) : () -> ()
    } else {
    }
    %add3A_104 = arith.constant 224 : i32
    %add3A_105 = arith.addi %arg1, %add3A_104 : i32
    %lt3A_106 = arith.constant 250 : i32
    %lt3A_107 = arith.cmpi slt, %add3A_105, %lt3A_106 : i32
    %convert_element_type3A_108 = arith.extui %lt3A_107 : i1 to i32
    %cond3A_109 = arith.constant 0 : i32
    %cond3A_110 = arith.cmpi ne, %convert_element_type3A_108, %cond3A_109 : i32
    scf.if %cond3A_110 {
      %mul3A_362 = arith.constant 40 : i32
      %mul3A_363 = arith.muli %add3A_105, %mul3A_362 : i32
      %multiple_of3A_364 = tpu.assume_multiple %mul3A_363, 40 : i32
      "tpu.region"() ({
        %run_scoped3A = tpu.sem_alloc : memref<!tpu.dma_semaphore, #tpu.memory_space<semaphore_mem>>
        %dma_start3A_365 = arith.constant 0 : i32
        %dma_start3A_366 = arith.constant 0 : i32
        %dma_start3A_367 = tpu.memref_slice %arg11[%dma_start3A_365, %dma_start3A_366] : memref<40x128xf32, #tpu.memory_space<vmem>> -> memref<40x128xf32, #tpu.memory_space<vmem>>
        %dma_start3A_368 = arith.constant 0 : i32
        %dma_start3A_369 = tpu.memref_slice %arg15[%multiple_of3A_364, %dma_start3A_368] : memref<10000x128xf32, #tpu.memory_space<vmem_shared>> -> memref<40x128xf32, #tpu.memory_space<vmem_shared>>
        %dma_start3A_370 = arith.constant 0 : i32
        %dma_start3A_371 = tpu.memref_slice %arg15[%multiple_of3A_364, %dma_start3A_370] : memref<10000x128xf32, #tpu.memory_space<vmem_shared>> -> memref<40x128xf32, #tpu.memory_space<vmem_shared>>
        %dma_start3A_372 = arith.constant 0 : i32
        %dma_start3A_373 = arith.constant 0 : i32
        %dma_start3A_374 = tpu.memref_slice %arg11[%dma_start3A_372, %dma_start3A_373] : memref<40x128xf32, #tpu.memory_space<vmem>> -> memref<40x128xf32, #tpu.memory_space<vmem>>
        tpu.enqueue_dma source(%dma_start3A_374 : memref<40x128xf32, #tpu.memory_space<vmem>>) target(%dma_start3A_371 : memref<40x128xf32, #tpu.memory_space<vmem_shared>>) target_semaphore(%run_scoped3A : memref<!tpu.dma_semaphore, #tpu.memory_space<semaphore_mem>>)
        %dma_wait3A_375 = arith.constant 0 : i32
        %dma_wait3A_376 = arith.constant 0 : i32
        %dma_wait3A_377 = tpu.memref_slice %arg11[%dma_wait3A_375, %dma_wait3A_376] : memref<40x128xf32, #tpu.memory_space<vmem>> -> memref<40x128xf32, #tpu.memory_space<vmem>>
        %dma_wait3A_378 = arith.constant 0 : i32
        %dma_wait3A_379 = tpu.memref_slice %arg15[%multiple_of3A_364, %dma_wait3A_378] : memref<10000x128xf32, #tpu.memory_space<vmem_shared>> -> memref<40x128xf32, #tpu.memory_space<vmem_shared>>
        %dma_wait3A_380 = arith.constant 0 : i32
        %dma_wait3A_381 = tpu.memref_slice %arg15[%multiple_of3A_364, %dma_wait3A_380] : memref<10000x128xf32, #tpu.memory_space<vmem_shared>> -> memref<40x128xf32, #tpu.memory_space<vmem_shared>>
        %dma_wait3A_382 = arith.constant 0 : i32
        %dma_wait3A_383 = arith.constant 0 : i32
        %dma_wait3A_384 = tpu.memref_slice %arg11[%dma_wait3A_382, %dma_wait3A_383] : memref<40x128xf32, #tpu.memory_space<vmem>> -> memref<40x128xf32, #tpu.memory_space<vmem>>
        tpu.wait_dma2 semaphore(%run_scoped3A : memref<!tpu.dma_semaphore, #tpu.memory_space<semaphore_mem>>) src(%dma_wait3A_384 : memref<40x128xf32, #tpu.memory_space<vmem>>) dst(%dma_wait3A_381 : memref<40x128xf32, #tpu.memory_space<vmem_shared>>)
        tpu.yield
      }) : () -> ()
    } else {
    }
    %add3A_111 = arith.constant 240 : i32
    %add3A_112 = arith.addi %arg1, %add3A_111 : i32
    %lt3A_113 = arith.constant 250 : i32
    %lt3A_114 = arith.cmpi slt, %add3A_112, %lt3A_113 : i32
    %convert_element_type3A_115 = arith.extui %lt3A_114 : i1 to i32
    %cond3A_116 = arith.constant 0 : i32
    %cond3A_117 = arith.cmpi ne, %convert_element_type3A_115, %cond3A_116 : i32
    scf.if %cond3A_117 {
      %mul3A_362 = arith.constant 40 : i32
      %mul3A_363 = arith.muli %add3A_112, %mul3A_362 : i32
      %multiple_of3A_364 = tpu.assume_multiple %mul3A_363, 40 : i32
      "tpu.region"() ({
        %run_scoped3A = tpu.sem_alloc : memref<!tpu.dma_semaphore, #tpu.memory_space<semaphore_mem>>
        %dma_start3A_365 = arith.constant 0 : i32
        %dma_start3A_366 = arith.constant 0 : i32
        %dma_start3A_367 = tpu.memref_slice %arg11[%dma_start3A_365, %dma_start3A_366] : memref<40x128xf32, #tpu.memory_space<vmem>> -> memref<40x128xf32, #tpu.memory_space<vmem>>
        %dma_start3A_368 = arith.constant 0 : i32
        %dma_start3A_369 = tpu.memref_slice %arg15[%multiple_of3A_364, %dma_start3A_368] : memref<10000x128xf32, #tpu.memory_space<vmem_shared>> -> memref<40x128xf32, #tpu.memory_space<vmem_shared>>
        %dma_start3A_370 = arith.constant 0 : i32
        %dma_start3A_371 = tpu.memref_slice %arg15[%multiple_of3A_364, %dma_start3A_370] : memref<10000x128xf32, #tpu.memory_space<vmem_shared>> -> memref<40x128xf32, #tpu.memory_space<vmem_shared>>
        %dma_start3A_372 = arith.constant 0 : i32
        %dma_start3A_373 = arith.constant 0 : i32
        %dma_start3A_374 = tpu.memref_slice %arg11[%dma_start3A_372, %dma_start3A_373] : memref<40x128xf32, #tpu.memory_space<vmem>> -> memref<40x128xf32, #tpu.memory_space<vmem>>
        tpu.enqueue_dma source(%dma_start3A_374 : memref<40x128xf32, #tpu.memory_space<vmem>>) target(%dma_start3A_371 : memref<40x128xf32, #tpu.memory_space<vmem_shared>>) target_semaphore(%run_scoped3A : memref<!tpu.dma_semaphore, #tpu.memory_space<semaphore_mem>>)
        %dma_wait3A_375 = arith.constant 0 : i32
        %dma_wait3A_376 = arith.constant 0 : i32
        %dma_wait3A_377 = tpu.memref_slice %arg11[%dma_wait3A_375, %dma_wait3A_376] : memref<40x128xf32, #tpu.memory_space<vmem>> -> memref<40x128xf32, #tpu.memory_space<vmem>>
        %dma_wait3A_378 = arith.constant 0 : i32
        %dma_wait3A_379 = tpu.memref_slice %arg15[%multiple_of3A_364, %dma_wait3A_378] : memref<10000x128xf32, #tpu.memory_space<vmem_shared>> -> memref<40x128xf32, #tpu.memory_space<vmem_shared>>
        %dma_wait3A_380 = arith.constant 0 : i32
        %dma_wait3A_381 = tpu.memref_slice %arg15[%multiple_of3A_364, %dma_wait3A_380] : memref<10000x128xf32, #tpu.memory_space<vmem_shared>> -> memref<40x128xf32, #tpu.memory_space<vmem_shared>>
        %dma_wait3A_382 = arith.constant 0 : i32
        %dma_wait3A_383 = arith.constant 0 : i32
        %dma_wait3A_384 = tpu.memref_slice %arg11[%dma_wait3A_382, %dma_wait3A_383] : memref<40x128xf32, #tpu.memory_space<vmem>> -> memref<40x128xf32, #tpu.memory_space<vmem>>
        tpu.wait_dma2 semaphore(%run_scoped3A : memref<!tpu.dma_semaphore, #tpu.memory_space<semaphore_mem>>) src(%dma_wait3A_384 : memref<40x128xf32, #tpu.memory_space<vmem>>) dst(%dma_wait3A_381 : memref<40x128xf32, #tpu.memory_space<vmem_shared>>)
        tpu.yield
      }) : () -> ()
    } else {
    }
    %barrier3A = arith.constant 0 : index
    tpu.barrier barrier_id(%barrier3A)
    %add3A_118 = arith.constant 0 : i32
    %add3A_119 = arith.addi %multiple_of3A, %add3A_118 : i32
    %multiple_of3A_120 = tpu.assume_multiple %add3A_119, 40 : i32
    %add3A_121 = arith.constant 160000 : i32
    %add3A_122 = arith.addi %multiple_of3A_120, %add3A_121 : i32
    %dma_start3A = tpu.memref_slice %arg4[%add3A_122] : memref<320000xi32, #tpu.memory_space<hbm>> -> memref<40xi32, #tpu.memory_space<hbm>>
    %dma_start3A_123 = tpu.memref_slice %arg4[%add3A_122] : memref<320000xi32, #tpu.memory_space<hbm>> -> memref<40xi32, #tpu.memory_space<hbm>>
    tpu.enqueue_dma source(%dma_start3A_123 : memref<40xi32, #tpu.memory_space<hbm>>) target(%arg7 : memref<40xi32, #tpu.memory_space<vmem>>) target_semaphore(%arg16 : memref<!tpu.dma_semaphore, #tpu.memory_space<semaphore_mem>>)
    %add3A_124 = arith.constant 160000 : i32
    %add3A_125 = arith.addi %multiple_of3A_120, %add3A_124 : i32
    %dma_start3A_126 = tpu.memref_slice %arg5[%add3A_125] : memref<320000xi32, #tpu.memory_space<hbm>> -> memref<40xi32, #tpu.memory_space<hbm>>
    %dma_start3A_127 = tpu.memref_slice %arg5[%add3A_125] : memref<320000xi32, #tpu.memory_space<hbm>> -> memref<40xi32, #tpu.memory_space<hbm>>
    tpu.enqueue_dma source(%dma_start3A_127 : memref<40xi32, #tpu.memory_space<hbm>>) target(%arg9 : memref<40xi32, #tpu.memory_space<vmem>>) target_semaphore(%arg18 : memref<!tpu.dma_semaphore, #tpu.memory_space<semaphore_mem>>)
    %dma_start3A_128 = arith.constant 0 : i32
    %dma_start3A_129 = tpu.memref_slice %arg3[%multiple_of3A_120, %dma_start3A_128] : memref<160000x128xf32, #tpu.memory_space<hbm>> -> memref<40x128xf32, #tpu.memory_space<hbm>>
    %dma_start3A_130 = arith.constant 0 : i32
    %dma_start3A_131 = tpu.memref_slice %arg3[%multiple_of3A_120, %dma_start3A_130] : memref<160000x128xf32, #tpu.memory_space<hbm>> -> memref<40x128xf32, #tpu.memory_space<hbm>>
    tpu.enqueue_dma source(%dma_start3A_131 : memref<40x128xf32, #tpu.memory_space<hbm>>) target(%arg13 : memref<40x128xf32, #tpu.memory_space<vmem>>) target_semaphore(%arg22 : memref<!tpu.dma_semaphore, #tpu.memory_space<semaphore_mem>>)
    %add3A_132 = arith.constant 40 : i32
    %add3A_133 = arith.addi %multiple_of3A, %add3A_132 : i32
    %multiple_of3A_134 = tpu.assume_multiple %add3A_133, 40 : i32
    %add3A_135 = arith.constant 160000 : i32
    %add3A_136 = arith.addi %multiple_of3A_134, %add3A_135 : i32
    %dma_start3A_137 = tpu.memref_slice %arg4[%add3A_136] : memref<320000xi32, #tpu.memory_space<hbm>> -> memref<40xi32, #tpu.memory_space<hbm>>
    %dma_start3A_138 = tpu.memref_slice %arg4[%add3A_136] : memref<320000xi32, #tpu.memory_space<hbm>> -> memref<40xi32, #tpu.memory_space<hbm>>
    tpu.enqueue_dma source(%dma_start3A_138 : memref<40xi32, #tpu.memory_space<hbm>>) target(%arg8 : memref<40xi32, #tpu.memory_space<vmem>>) target_semaphore(%arg17 : memref<!tpu.dma_semaphore, #tpu.memory_space<semaphore_mem>>)
    %add3A_139 = arith.constant 160000 : i32
    %add3A_140 = arith.addi %multiple_of3A_134, %add3A_139 : i32
    %dma_start3A_141 = tpu.memref_slice %arg5[%add3A_140] : memref<320000xi32, #tpu.memory_space<hbm>> -> memref<40xi32, #tpu.memory_space<hbm>>
    %dma_start3A_142 = tpu.memref_slice %arg5[%add3A_140] : memref<320000xi32, #tpu.memory_space<hbm>> -> memref<40xi32, #tpu.memory_space<hbm>>
    tpu.enqueue_dma source(%dma_start3A_142 : memref<40xi32, #tpu.memory_space<hbm>>) target(%arg10 : memref<40xi32, #tpu.memory_space<vmem>>) target_semaphore(%arg19 : memref<!tpu.dma_semaphore, #tpu.memory_space<semaphore_mem>>)
    %dma_start3A_143 = arith.constant 0 : i32
    %dma_start3A_144 = tpu.memref_slice %arg3[%multiple_of3A_134, %dma_start3A_143] : memref<160000x128xf32, #tpu.memory_space<hbm>> -> memref<40x128xf32, #tpu.memory_space<hbm>>
    %dma_start3A_145 = arith.constant 0 : i32
    %dma_start3A_146 = tpu.memref_slice %arg3[%multiple_of3A_134, %dma_start3A_145] : memref<160000x128xf32, #tpu.memory_space<hbm>> -> memref<40x128xf32, #tpu.memory_space<hbm>>
    tpu.enqueue_dma source(%dma_start3A_146 : memref<40x128xf32, #tpu.memory_space<hbm>>) target(%arg14 : memref<40x128xf32, #tpu.memory_space<vmem>>) target_semaphore(%arg23 : memref<!tpu.dma_semaphore, #tpu.memory_space<semaphore_mem>>)
    %dma_wait3A = tpu.memref_slice %arg4[%add3A_122] : memref<320000xi32, #tpu.memory_space<hbm>> -> memref<40xi32, #tpu.memory_space<hbm>>
    %dma_wait3A_147 = tpu.memref_slice %arg4[%add3A_122] : memref<320000xi32, #tpu.memory_space<hbm>> -> memref<40xi32, #tpu.memory_space<hbm>>
    tpu.wait_dma2 semaphore(%arg16 : memref<!tpu.dma_semaphore, #tpu.memory_space<semaphore_mem>>) src(%dma_wait3A_147 : memref<40xi32, #tpu.memory_space<hbm>>) dst(%arg7 : memref<40xi32, #tpu.memory_space<vmem>>)
    %dma_start3A_148 = arith.constant 0 : i32
    %dma_start3A_149 = arith.constant 0 : i32
    %dma_start3A_150 = tpu.memref_slice %arg2[%dma_start3A_148, %dma_start3A_149] : memref<10000x128xf32, #tpu.memory_space<hbm>> -> memref<10000x128xf32, #tpu.memory_space<hbm>>
    tpu.enqueue_indirect_dma source(%dma_start3A_150 : memref<10000x128xf32, #tpu.memory_space<hbm>>) target(%arg11 : memref<40x128xf32, #tpu.memory_space<vmem>>) offsets(%arg7 : memref<40xi32, #tpu.memory_space<vmem>>) semaphore(%arg20 : memref<!tpu.dma_semaphore, #tpu.memory_space<semaphore_mem>>)
    %dma_wait3A_151 = tpu.memref_slice %arg4[%add3A_136] : memref<320000xi32, #tpu.memory_space<hbm>> -> memref<40xi32, #tpu.memory_space<hbm>>
    %dma_wait3A_152 = tpu.memref_slice %arg4[%add3A_136] : memref<320000xi32, #tpu.memory_space<hbm>> -> memref<40xi32, #tpu.memory_space<hbm>>
    tpu.wait_dma2 semaphore(%arg17 : memref<!tpu.dma_semaphore, #tpu.memory_space<semaphore_mem>>) src(%dma_wait3A_152 : memref<40xi32, #tpu.memory_space<hbm>>) dst(%arg8 : memref<40xi32, #tpu.memory_space<vmem>>)
    %dma_start3A_153 = arith.constant 0 : i32
    %dma_start3A_154 = arith.constant 0 : i32
    %dma_start3A_155 = tpu.memref_slice %arg2[%dma_start3A_153, %dma_start3A_154] : memref<10000x128xf32, #tpu.memory_space<hbm>> -> memref<10000x128xf32, #tpu.memory_space<hbm>>
    tpu.enqueue_indirect_dma source(%dma_start3A_155 : memref<10000x128xf32, #tpu.memory_space<hbm>>) target(%arg12 : memref<40x128xf32, #tpu.memory_space<vmem>>) offsets(%arg8 : memref<40xi32, #tpu.memory_space<vmem>>) semaphore(%arg21 : memref<!tpu.dma_semaphore, #tpu.memory_space<semaphore_mem>>)
    %dma_wait3A_156 = arith.constant 0 : i32
    %dma_wait3A_157 = arith.constant 0 : i32
    %dma_wait3A_158 = tpu.memref_slice %arg2[%dma_wait3A_156, %dma_wait3A_157] : memref<10000x128xf32, #tpu.memory_space<hbm>> -> memref<10000x128xf32, #tpu.memory_space<hbm>>
    tpu.wait_indirect_dma semaphore(%arg20 : memref<!tpu.dma_semaphore, #tpu.memory_space<semaphore_mem>>) src(%dma_wait3A_158 : memref<10000x128xf32, #tpu.memory_space<hbm>>) dst(%arg11 : memref<40x128xf32, #tpu.memory_space<vmem>>)
    %dma_wait3A_159 = arith.constant 0 : i32
    %dma_wait3A_160 = tpu.memref_slice %arg3[%multiple_of3A_120, %dma_wait3A_159] : memref<160000x128xf32, #tpu.memory_space<hbm>> -> memref<40x128xf32, #tpu.memory_space<hbm>>
    %dma_wait3A_161 = arith.constant 0 : i32
    %dma_wait3A_162 = tpu.memref_slice %arg3[%multiple_of3A_120, %dma_wait3A_161] : memref<160000x128xf32, #tpu.memory_space<hbm>> -> memref<40x128xf32, #tpu.memory_space<hbm>>
    tpu.wait_dma2 semaphore(%arg22 : memref<!tpu.dma_semaphore, #tpu.memory_space<semaphore_mem>>) src(%dma_wait3A_162 : memref<40x128xf32, #tpu.memory_space<hbm>>) dst(%arg13 : memref<40x128xf32, #tpu.memory_space<vmem>>)
    %scan3A_163 = arith.constant 0 : i32
    %scan3A_164 = arith.constant 0 : i32
    %scan3A_165 = arith.constant 40 : i32
    %scan3A_166 = arith.addi %scan3A_164, %scan3A_165 : i32
    %scan3A_167 = arith.constant 1 : i32
    %scan3A_168 = scf.for %scan3A_362 = %scan3A_164 to %scan3A_166 step %scan3A_167 iter_args(%scan3A_363 = %scan3A_163) -> (i32)  : i32 {
      %get3A = arith.index_cast %scan3A_362 : i32 to index
      %get3A_364 = arith.constant 0 : index
      %get3A_365 = tpu.vector_load %arg11[%get3A, %get3A_364] {strides = array<i32>} : memref<40x128xf32, #tpu.memory_space<vmem>>, vector<1x16xf32>,
      %get3A_366 = vector.shape_cast %get3A_365 : vector<1x16xf32> to vector<16xf32>
      %get3A_367 = arith.index_cast %scan3A_362 : i32 to index
      %get3A_368 = arith.constant 0 : index
      %get3A_369 = tpu.vector_load %arg13[%get3A_367, %get3A_368] {strides = array<i32>} : memref<40x128xf32, #tpu.memory_space<vmem>>, vector<1x16xf32>,
      %get3A_370 = vector.shape_cast %get3A_369 : vector<1x16xf32> to vector<16xf32>
      %mul3A_371 = arith.mulf %get3A_366, %get3A_370 : vector<16xf32>
      %swap3A = arith.index_cast %scan3A_362 : i32 to index
      %swap3A_372 = arith.constant 0 : index
      %swap3A_373 = tpu.vector_load %arg11[%swap3A, %swap3A_372] {strides = array<i32>} : memref<40x128xf32, #tpu.memory_space<vmem>>, vector<1x16xf32>,
      %swap3A_374 = vector.shape_cast %swap3A_373 : vector<1x16xf32> to vector<16xf32>
      %swap3A_375 = vector.shape_cast %mul3A_371 : vector<16xf32> to vector<1x16xf32>
      tpu.vector_store %arg11[%swap3A, %swap3A_372], %swap3A_375 {strides = array<i32>} : memref<40x128xf32, #tpu.memory_space<vmem>>, vector<1x16xf32>,
      %get3A_376 = arith.index_cast %scan3A_362 : i32 to index
      %get3A_377 = arith.constant 16 : index
      %get3A_378 = tpu.vector_load %arg11[%get3A_376, %get3A_377] {strides = array<i32>} : memref<40x128xf32, #tpu.memory_space<vmem>>, vector<1x16xf32>,
      %get3A_379 = vector.shape_cast %get3A_378 : vector<1x16xf32> to vector<16xf32>
      %get3A_380 = arith.index_cast %scan3A_362 : i32 to index
      %get3A_381 = arith.constant 16 : index
      %get3A_382 = tpu.vector_load %arg13[%get3A_380, %get3A_381] {strides = array<i32>} : memref<40x128xf32, #tpu.memory_space<vmem>>, vector<1x16xf32>,
      %get3A_383 = vector.shape_cast %get3A_382 : vector<1x16xf32> to vector<16xf32>
      %mul3A_384 = arith.mulf %get3A_379, %get3A_383 : vector<16xf32>
      %swap3A_385 = arith.index_cast %scan3A_362 : i32 to index
      %swap3A_386 = arith.constant 16 : index
      %swap3A_387 = tpu.vector_load %arg11[%swap3A_385, %swap3A_386] {strides = array<i32>} : memref<40x128xf32, #tpu.memory_space<vmem>>, vector<1x16xf32>,
      %swap3A_388 = vector.shape_cast %swap3A_387 : vector<1x16xf32> to vector<16xf32>
      %swap3A_389 = vector.shape_cast %mul3A_384 : vector<16xf32> to vector<1x16xf32>
      tpu.vector_store %arg11[%swap3A_385, %swap3A_386], %swap3A_389 {strides = array<i32>} : memref<40x128xf32, #tpu.memory_space<vmem>>, vector<1x16xf32>,
      %get3A_390 = arith.index_cast %scan3A_362 : i32 to index
      %get3A_391 = arith.constant 32 : index
      %get3A_392 = tpu.vector_load %arg11[%get3A_390, %get3A_391] {strides = array<i32>} : memref<40x128xf32, #tpu.memory_space<vmem>>, vector<1x16xf32>,
      %get3A_393 = vector.shape_cast %get3A_392 : vector<1x16xf32> to vector<16xf32>
      %get3A_394 = arith.index_cast %scan3A_362 : i32 to index
      %get3A_395 = arith.constant 32 : index
      %get3A_396 = tpu.vector_load %arg13[%get3A_394, %get3A_395] {strides = array<i32>} : memref<40x128xf32, #tpu.memory_space<vmem>>, vector<1x16xf32>,
      %get3A_397 = vector.shape_cast %get3A_396 : vector<1x16xf32> to vector<16xf32>
      %mul3A_398 = arith.mulf %get3A_393, %get3A_397 : vector<16xf32>
      %swap3A_399 = arith.index_cast %scan3A_362 : i32 to index
      %swap3A_400 = arith.constant 32 : index
      %swap3A_401 = tpu.vector_load %arg11[%swap3A_399, %swap3A_400] {strides = array<i32>} : memref<40x128xf32, #tpu.memory_space<vmem>>, vector<1x16xf32>,
      %swap3A_402 = vector.shape_cast %swap3A_401 : vector<1x16xf32> to vector<16xf32>
      %swap3A_403 = vector.shape_cast %mul3A_398 : vector<16xf32> to vector<1x16xf32>
      tpu.vector_store %arg11[%swap3A_399, %swap3A_400], %swap3A_403 {strides = array<i32>} : memref<40x128xf32, #tpu.memory_space<vmem>>, vector<1x16xf32>,
      %get3A_404 = arith.index_cast %scan3A_362 : i32 to index
      %get3A_405 = arith.constant 48 : index
      %get3A_406 = tpu.vector_load %arg11[%get3A_404, %get3A_405] {strides = array<i32>} : memref<40x128xf32, #tpu.memory_space<vmem>>, vector<1x16xf32>,
      %get3A_407 = vector.shape_cast %get3A_406 : vector<1x16xf32> to vector<16xf32>
      %get3A_408 = arith.index_cast %scan3A_362 : i32 to index
      %get3A_409 = arith.constant 48 : index
      %get3A_410 = tpu.vector_load %arg13[%get3A_408, %get3A_409] {strides = array<i32>} : memref<40x128xf32, #tpu.memory_space<vmem>>, vector<1x16xf32>,
      %get3A_411 = vector.shape_cast %get3A_410 : vector<1x16xf32> to vector<16xf32>
      %mul3A_412 = arith.mulf %get3A_407, %get3A_411 : vector<16xf32>
      %swap3A_413 = arith.index_cast %scan3A_362 : i32 to index
      %swap3A_414 = arith.constant 48 : index
      %swap3A_415 = tpu.vector_load %arg11[%swap3A_413, %swap3A_414] {strides = array<i32>} : memref<40x128xf32, #tpu.memory_space<vmem>>, vector<1x16xf32>,
      %swap3A_416 = vector.shape_cast %swap3A_415 : vector<1x16xf32> to vector<16xf32>
      %swap3A_417 = vector.shape_cast %mul3A_412 : vector<16xf32> to vector<1x16xf32>
      tpu.vector_store %arg11[%swap3A_413, %swap3A_414], %swap3A_417 {strides = array<i32>} : memref<40x128xf32, #tpu.memory_space<vmem>>, vector<1x16xf32>,
      %get3A_418 = arith.index_cast %scan3A_362 : i32 to index
      %get3A_419 = arith.constant 64 : index
      %get3A_420 = tpu.vector_load %arg11[%get3A_418, %get3A_419] {strides = array<i32>} : memref<40x128xf32, #tpu.memory_space<vmem>>, vector<1x16xf32>,
      %get3A_421 = vector.shape_cast %get3A_420 : vector<1x16xf32> to vector<16xf32>
      %get3A_422 = arith.index_cast %scan3A_362 : i32 to index
      %get3A_423 = arith.constant 64 : index
      %get3A_424 = tpu.vector_load %arg13[%get3A_422, %get3A_423] {strides = array<i32>} : memref<40x128xf32, #tpu.memory_space<vmem>>, vector<1x16xf32>,
      %get3A_425 = vector.shape_cast %get3A_424 : vector<1x16xf32> to vector<16xf32>
      %mul3A_426 = arith.mulf %get3A_421, %get3A_425 : vector<16xf32>
      %swap3A_427 = arith.index_cast %scan3A_362 : i32 to index
      %swap3A_428 = arith.constant 64 : index
      %swap3A_429 = tpu.vector_load %arg11[%swap3A_427, %swap3A_428] {strides = array<i32>} : memref<40x128xf32, #tpu.memory_space<vmem>>, vector<1x16xf32>,
      %swap3A_430 = vector.shape_cast %swap3A_429 : vector<1x16xf32> to vector<16xf32>
      %swap3A_431 = vector.shape_cast %mul3A_426 : vector<16xf32> to vector<1x16xf32>
      tpu.vector_store %arg11[%swap3A_427, %swap3A_428], %swap3A_431 {strides = array<i32>} : memref<40x128xf32, #tpu.memory_space<vmem>>, vector<1x16xf32>,
      %get3A_432 = arith.index_cast %scan3A_362 : i32 to index
      %get3A_433 = arith.constant 80 : index
      %get3A_434 = tpu.vector_load %arg11[%get3A_432, %get3A_433] {strides = array<i32>} : memref<40x128xf32, #tpu.memory_space<vmem>>, vector<1x16xf32>,
      %get3A_435 = vector.shape_cast %get3A_434 : vector<1x16xf32> to vector<16xf32>
      %get3A_436 = arith.index_cast %scan3A_362 : i32 to index
      %get3A_437 = arith.constant 80 : index
      %get3A_438 = tpu.vector_load %arg13[%get3A_436, %get3A_437] {strides = array<i32>} : memref<40x128xf32, #tpu.memory_space<vmem>>, vector<1x16xf32>,
      %get3A_439 = vector.shape_cast %get3A_438 : vector<1x16xf32> to vector<16xf32>
      %mul3A_440 = arith.mulf %get3A_435, %get3A_439 : vector<16xf32>
      %swap3A_441 = arith.index_cast %scan3A_362 : i32 to index
      %swap3A_442 = arith.constant 80 : index
      %swap3A_443 = tpu.vector_load %arg11[%swap3A_441, %swap3A_442] {strides = array<i32>} : memref<40x128xf32, #tpu.memory_space<vmem>>, vector<1x16xf32>,
      %swap3A_444 = vector.shape_cast %swap3A_443 : vector<1x16xf32> to vector<16xf32>
      %swap3A_445 = vector.shape_cast %mul3A_440 : vector<16xf32> to vector<1x16xf32>
      tpu.vector_store %arg11[%swap3A_441, %swap3A_442], %swap3A_445 {strides = array<i32>} : memref<40x128xf32, #tpu.memory_space<vmem>>, vector<1x16xf32>,
      %get3A_446 = arith.index_cast %scan3A_362 : i32 to index
      %get3A_447 = arith.constant 96 : index
      %get3A_448 = tpu.vector_load %arg11[%get3A_446, %get3A_447] {strides = array<i32>} : memref<40x128xf32, #tpu.memory_space<vmem>>, vector<1x16xf32>,
      %get3A_449 = vector.shape_cast %get3A_448 : vector<1x16xf32> to vector<16xf32>
      %get3A_450 = arith.index_cast %scan3A_362 : i32 to index
      %get3A_451 = arith.constant 96 : index
      %get3A_452 = tpu.vector_load %arg13[%get3A_450, %get3A_451] {strides = array<i32>} : memref<40x128xf32, #tpu.memory_space<vmem>>, vector<1x16xf32>,
      %get3A_453 = vector.shape_cast %get3A_452 : vector<1x16xf32> to vector<16xf32>
      %mul3A_454 = arith.mulf %get3A_449, %get3A_453 : vector<16xf32>
      %swap3A_455 = arith.index_cast %scan3A_362 : i32 to index
      %swap3A_456 = arith.constant 96 : index
      %swap3A_457 = tpu.vector_load %arg11[%swap3A_455, %swap3A_456] {strides = array<i32>} : memref<40x128xf32, #tpu.memory_space<vmem>>, vector<1x16xf32>,
      %swap3A_458 = vector.shape_cast %swap3A_457 : vector<1x16xf32> to vector<16xf32>
      %swap3A_459 = vector.shape_cast %mul3A_454 : vector<16xf32> to vector<1x16xf32>
      tpu.vector_store %arg11[%swap3A_455, %swap3A_456], %swap3A_459 {strides = array<i32>} : memref<40x128xf32, #tpu.memory_space<vmem>>, vector<1x16xf32>,
      %get3A_460 = arith.index_cast %scan3A_362 : i32 to index
      %get3A_461 = arith.constant 112 : index
      %get3A_462 = tpu.vector_load %arg11[%get3A_460, %get3A_461] {strides = array<i32>} : memref<40x128xf32, #tpu.memory_space<vmem>>, vector<1x16xf32>,
      %get3A_463 = vector.shape_cast %get3A_462 : vector<1x16xf32> to vector<16xf32>
      %get3A_464 = arith.index_cast %scan3A_362 : i32 to index
      %get3A_465 = arith.constant 112 : index
      %get3A_466 = tpu.vector_load %arg13[%get3A_464, %get3A_465] {strides = array<i32>} : memref<40x128xf32, #tpu.memory_space<vmem>>, vector<1x16xf32>,
      %get3A_467 = vector.shape_cast %get3A_466 : vector<1x16xf32> to vector<16xf32>
      %mul3A_468 = arith.mulf %get3A_463, %get3A_467 : vector<16xf32>
      %swap3A_469 = arith.index_cast %scan3A_362 : i32 to index
      %swap3A_470 = arith.constant 112 : index
      %swap3A_471 = tpu.vector_load %arg11[%swap3A_469, %swap3A_470] {strides = array<i32>} : memref<40x128xf32, #tpu.memory_space<vmem>>, vector<1x16xf32>,
      %swap3A_472 = vector.shape_cast %swap3A_471 : vector<1x16xf32> to vector<16xf32>
      %swap3A_473 = vector.shape_cast %mul3A_468 : vector<16xf32> to vector<1x16xf32>
      tpu.vector_store %arg11[%swap3A_469, %swap3A_470], %swap3A_473 {strides = array<i32>} : memref<40x128xf32, #tpu.memory_space<vmem>>, vector<1x16xf32>,
      %scan3A_474 = arith.constant 0 : i32
      scf.yield %scan3A_474 : i32
    }
    %scan3A_169 = arith.constant 40 : i32
    %dma_wait3A_170 = tpu.memref_slice %arg5[%add3A_125] : memref<320000xi32, #tpu.memory_space<hbm>> -> memref<40xi32, #tpu.memory_space<hbm>>
    %dma_wait3A_171 = tpu.memref_slice %arg5[%add3A_125] : memref<320000xi32, #tpu.memory_space<hbm>> -> memref<40xi32, #tpu.memory_space<hbm>>
    tpu.wait_dma2 semaphore(%arg18 : memref<!tpu.dma_semaphore, #tpu.memory_space<semaphore_mem>>) src(%dma_wait3A_171 : memref<40xi32, #tpu.memory_space<hbm>>) dst(%arg9 : memref<40xi32, #tpu.memory_space<vmem>>)
    %dma_start3A_172 = arith.constant 0 : i32
    %dma_start3A_173 = arith.constant 0 : i32
    %dma_start3A_174 = tpu.memref_slice %arg15[%dma_start3A_172, %dma_start3A_173] : memref<10000x128xf32, #tpu.memory_space<vmem_shared>> -> memref<10000x128xf32, #tpu.memory_space<vmem_shared>>
    tpu.enqueue_indirect_dma source(%arg11 : memref<40x128xf32, #tpu.memory_space<vmem>>) target(%dma_start3A_174 : memref<10000x128xf32, #tpu.memory_space<vmem_shared>>) offsets(%arg9 : memref<40xi32, #tpu.memory_space<vmem>>) semaphore(%arg24 : memref<!tpu.dma_semaphore, #tpu.memory_space<semaphore_mem>>) {add = true}
    %dma_wait3A_175 = arith.constant 0 : i32
    %dma_wait3A_176 = arith.constant 0 : i32
    %dma_wait3A_177 = tpu.memref_slice %arg2[%dma_wait3A_175, %dma_wait3A_176] : memref<10000x128xf32, #tpu.memory_space<hbm>> -> memref<10000x128xf32, #tpu.memory_space<hbm>>
    tpu.wait_indirect_dma semaphore(%arg21 : memref<!tpu.dma_semaphore, #tpu.memory_space<semaphore_mem>>) src(%dma_wait3A_177 : memref<10000x128xf32, #tpu.memory_space<hbm>>) dst(%arg12 : memref<40x128xf32, #tpu.memory_space<vmem>>)
    %dma_wait3A_178 = arith.constant 0 : i32
    %dma_wait3A_179 = tpu.memref_slice %arg3[%multiple_of3A_134, %dma_wait3A_178] : memref<160000x128xf32, #tpu.memory_space<hbm>> -> memref<40x128xf32, #tpu.memory_space<hbm>>
    %dma_wait3A_180 = arith.constant 0 : i32
    %dma_wait3A_181 = tpu.memref_slice %arg3[%multiple_of3A_134, %dma_wait3A_180] : memref<160000x128xf32, #tpu.memory_space<hbm>> -> memref<40x128xf32, #tpu.memory_space<hbm>>
    tpu.wait_dma2 semaphore(%arg23 : memref<!tpu.dma_semaphore, #tpu.memory_space<semaphore_mem>>) src(%dma_wait3A_181 : memref<40x128xf32, #tpu.memory_space<hbm>>) dst(%arg14 : memref<40x128xf32, #tpu.memory_space<vmem>>)
    %scan3A_182 = arith.constant 0 : i32
    %scan3A_183 = arith.constant 0 : i32
    %scan3A_184 = arith.constant 40 : i32
    %scan3A_185 = arith.addi %scan3A_183, %scan3A_184 : i32
    %scan3A_186 = arith.constant 1 : i32
    %scan3A_187 = scf.for %scan3A_362 = %scan3A_183 to %scan3A_185 step %scan3A_186 iter_args(%scan3A_363 = %scan3A_182) -> (i32)  : i32 {
      %get3A = arith.index_cast %scan3A_362 : i32 to index
      %get3A_364 = arith.constant 0 : index
      %get3A_365 = tpu.vector_load %arg12[%get3A, %get3A_364] {strides = array<i32>} : memref<40x128xf32, #tpu.memory_space<vmem>>, vector<1x16xf32>,
      %get3A_366 = vector.shape_cast %get3A_365 : vector<1x16xf32> to vector<16xf32>
      %get3A_367 = arith.index_cast %scan3A_362 : i32 to index
      %get3A_368 = arith.constant 0 : index
      %get3A_369 = tpu.vector_load %arg14[%get3A_367, %get3A_368] {strides = array<i32>} : memref<40x128xf32, #tpu.memory_space<vmem>>, vector<1x16xf32>,
      %get3A_370 = vector.shape_cast %get3A_369 : vector<1x16xf32> to vector<16xf32>
      %mul3A_371 = arith.mulf %get3A_366, %get3A_370 : vector<16xf32>
      %swap3A = arith.index_cast %scan3A_362 : i32 to index
      %swap3A_372 = arith.constant 0 : index
      %swap3A_373 = tpu.vector_load %arg12[%swap3A, %swap3A_372] {strides = array<i32>} : memref<40x128xf32, #tpu.memory_space<vmem>>, vector<1x16xf32>,
      %swap3A_374 = vector.shape_cast %swap3A_373 : vector<1x16xf32> to vector<16xf32>
      %swap3A_375 = vector.shape_cast %mul3A_371 : vector<16xf32> to vector<1x16xf32>
      tpu.vector_store %arg12[%swap3A, %swap3A_372], %swap3A_375 {strides = array<i32>} : memref<40x128xf32, #tpu.memory_space<vmem>>, vector<1x16xf32>,
      %get3A_376 = arith.index_cast %scan3A_362 : i32 to index
      %get3A_377 = arith.constant 16 : index
      %get3A_378 = tpu.vector_load %arg12[%get3A_376, %get3A_377] {strides = array<i32>} : memref<40x128xf32, #tpu.memory_space<vmem>>, vector<1x16xf32>,
      %get3A_379 = vector.shape_cast %get3A_378 : vector<1x16xf32> to vector<16xf32>
      %get3A_380 = arith.index_cast %scan3A_362 : i32 to index
      %get3A_381 = arith.constant 16 : index
      %get3A_382 = tpu.vector_load %arg14[%get3A_380, %get3A_381] {strides = array<i32>} : memref<40x128xf32, #tpu.memory_space<vmem>>, vector<1x16xf32>,
      %get3A_383 = vector.shape_cast %get3A_382 : vector<1x16xf32> to vector<16xf32>
      %mul3A_384 = arith.mulf %get3A_379, %get3A_383 : vector<16xf32>
      %swap3A_385 = arith.index_cast %scan3A_362 : i32 to index
      %swap3A_386 = arith.constant 16 : index
      %swap3A_387 = tpu.vector_load %arg12[%swap3A_385, %swap3A_386] {strides = array<i32>} : memref<40x128xf32, #tpu.memory_space<vmem>>, vector<1x16xf32>,
      %swap3A_388 = vector.shape_cast %swap3A_387 : vector<1x16xf32> to vector<16xf32>
      %swap3A_389 = vector.shape_cast %mul3A_384 : vector<16xf32> to vector<1x16xf32>
      tpu.vector_store %arg12[%swap3A_385, %swap3A_386], %swap3A_389 {strides = array<i32>} : memref<40x128xf32, #tpu.memory_space<vmem>>, vector<1x16xf32>,
      %get3A_390 = arith.index_cast %scan3A_362 : i32 to index
      %get3A_391 = arith.constant 32 : index
      %get3A_392 = tpu.vector_load %arg12[%get3A_390, %get3A_391] {strides = array<i32>} : memref<40x128xf32, #tpu.memory_space<vmem>>, vector<1x16xf32>,
      %get3A_393 = vector.shape_cast %get3A_392 : vector<1x16xf32> to vector<16xf32>
      %get3A_394 = arith.index_cast %scan3A_362 : i32 to index
      %get3A_395 = arith.constant 32 : index
      %get3A_396 = tpu.vector_load %arg14[%get3A_394, %get3A_395] {strides = array<i32>} : memref<40x128xf32, #tpu.memory_space<vmem>>, vector<1x16xf32>,
      %get3A_397 = vector.shape_cast %get3A_396 : vector<1x16xf32> to vector<16xf32>
      %mul3A_398 = arith.mulf %get3A_393, %get3A_397 : vector<16xf32>
      %swap3A_399 = arith.index_cast %scan3A_362 : i32 to index
      %swap3A_400 = arith.constant 32 : index
      %swap3A_401 = tpu.vector_load %arg12[%swap3A_399, %swap3A_400] {strides = array<i32>} : memref<40x128xf32, #tpu.memory_space<vmem>>, vector<1x16xf32>,
      %swap3A_402 = vector.shape_cast %swap3A_401 : vector<1x16xf32> to vector<16xf32>
      %swap3A_403 = vector.shape_cast %mul3A_398 : vector<16xf32> to vector<1x16xf32>
      tpu.vector_store %arg12[%swap3A_399, %swap3A_400], %swap3A_403 {strides = array<i32>} : memref<40x128xf32, #tpu.memory_space<vmem>>, vector<1x16xf32>,
      %get3A_404 = arith.index_cast %scan3A_362 : i32 to index
      %get3A_405 = arith.constant 48 : index
      %get3A_406 = tpu.vector_load %arg12[%get3A_404, %get3A_405] {strides = array<i32>} : memref<40x128xf32, #tpu.memory_space<vmem>>, vector<1x16xf32>,
      %get3A_407 = vector.shape_cast %get3A_406 : vector<1x16xf32> to vector<16xf32>
      %get3A_408 = arith.index_cast %scan3A_362 : i32 to index
      %get3A_409 = arith.constant 48 : index
      %get3A_410 = tpu.vector_load %arg14[%get3A_408, %get3A_409] {strides = array<i32>} : memref<40x128xf32, #tpu.memory_space<vmem>>, vector<1x16xf32>,
      %get3A_411 = vector.shape_cast %get3A_410 : vector<1x16xf32> to vector<16xf32>
      %mul3A_412 = arith.mulf %get3A_407, %get3A_411 : vector<16xf32>
      %swap3A_413 = arith.index_cast %scan3A_362 : i32 to index
      %swap3A_414 = arith.constant 48 : index
      %swap3A_415 = tpu.vector_load %arg12[%swap3A_413, %swap3A_414] {strides = array<i32>} : memref<40x128xf32, #tpu.memory_space<vmem>>, vector<1x16xf32>,
      %swap3A_416 = vector.shape_cast %swap3A_415 : vector<1x16xf32> to vector<16xf32>
      %swap3A_417 = vector.shape_cast %mul3A_412 : vector<16xf32> to vector<1x16xf32>
      tpu.vector_store %arg12[%swap3A_413, %swap3A_414], %swap3A_417 {strides = array<i32>} : memref<40x128xf32, #tpu.memory_space<vmem>>, vector<1x16xf32>,
      %get3A_418 = arith.index_cast %scan3A_362 : i32 to index
      %get3A_419 = arith.constant 64 : index
      %get3A_420 = tpu.vector_load %arg12[%get3A_418, %get3A_419] {strides = array<i32>} : memref<40x128xf32, #tpu.memory_space<vmem>>, vector<1x16xf32>,
      %get3A_421 = vector.shape_cast %get3A_420 : vector<1x16xf32> to vector<16xf32>
      %get3A_422 = arith.index_cast %scan3A_362 : i32 to index
      %get3A_423 = arith.constant 64 : index
      %get3A_424 = tpu.vector_load %arg14[%get3A_422, %get3A_423] {strides = array<i32>} : memref<40x128xf32, #tpu.memory_space<vmem>>, vector<1x16xf32>,
      %get3A_425 = vector.shape_cast %get3A_424 : vector<1x16xf32> to vector<16xf32>
      %mul3A_426 = arith.mulf %get3A_421, %get3A_425 : vector<16xf32>
      %swap3A_427 = arith.index_cast %scan3A_362 : i32 to index
      %swap3A_428 = arith.constant 64 : index
      %swap3A_429 = tpu.vector_load %arg12[%swap3A_427, %swap3A_428] {strides = array<i32>} : memref<40x128xf32, #tpu.memory_space<vmem>>, vector<1x16xf32>,
      %swap3A_430 = vector.shape_cast %swap3A_429 : vector<1x16xf32> to vector<16xf32>
      %swap3A_431 = vector.shape_cast %mul3A_426 : vector<16xf32> to vector<1x16xf32>
      tpu.vector_store %arg12[%swap3A_427, %swap3A_428], %swap3A_431 {strides = array<i32>} : memref<40x128xf32, #tpu.memory_space<vmem>>, vector<1x16xf32>,
      %get3A_432 = arith.index_cast %scan3A_362 : i32 to index
      %get3A_433 = arith.constant 80 : index
      %get3A_434 = tpu.vector_load %arg12[%get3A_432, %get3A_433] {strides = array<i32>} : memref<40x128xf32, #tpu.memory_space<vmem>>, vector<1x16xf32>,
      %get3A_435 = vector.shape_cast %get3A_434 : vector<1x16xf32> to vector<16xf32>
      %get3A_436 = arith.index_cast %scan3A_362 : i32 to index
      %get3A_437 = arith.constant 80 : index
      %get3A_438 = tpu.vector_load %arg14[%get3A_436, %get3A_437] {strides = array<i32>} : memref<40x128xf32, #tpu.memory_space<vmem>>, vector<1x16xf32>,
      %get3A_439 = vector.shape_cast %get3A_438 : vector<1x16xf32> to vector<16xf32>
      %mul3A_440 = arith.mulf %get3A_435, %get3A_439 : vector<16xf32>
      %swap3A_441 = arith.index_cast %scan3A_362 : i32 to index
      %swap3A_442 = arith.constant 80 : index
      %swap3A_443 = tpu.vector_load %arg12[%swap3A_441, %swap3A_442] {strides = array<i32>} : memref<40x128xf32, #tpu.memory_space<vmem>>, vector<1x16xf32>,
      %swap3A_444 = vector.shape_cast %swap3A_443 : vector<1x16xf32> to vector<16xf32>
      %swap3A_445 = vector.shape_cast %mul3A_440 : vector<16xf32> to vector<1x16xf32>
      tpu.vector_store %arg12[%swap3A_441, %swap3A_442], %swap3A_445 {strides = array<i32>} : memref<40x128xf32, #tpu.memory_space<vmem>>, vector<1x16xf32>,
      %get3A_446 = arith.index_cast %scan3A_362 : i32 to index
      %get3A_447 = arith.constant 96 : index
      %get3A_448 = tpu.vector_load %arg12[%get3A_446, %get3A_447] {strides = array<i32>} : memref<40x128xf32, #tpu.memory_space<vmem>>, vector<1x16xf32>,
      %get3A_449 = vector.shape_cast %get3A_448 : vector<1x16xf32> to vector<16xf32>
      %get3A_450 = arith.index_cast %scan3A_362 : i32 to index
      %get3A_451 = arith.constant 96 : index
      %get3A_452 = tpu.vector_load %arg14[%get3A_450, %get3A_451] {strides = array<i32>} : memref<40x128xf32, #tpu.memory_space<vmem>>, vector<1x16xf32>,
      %get3A_453 = vector.shape_cast %get3A_452 : vector<1x16xf32> to vector<16xf32>
      %mul3A_454 = arith.mulf %get3A_449, %get3A_453 : vector<16xf32>
      %swap3A_455 = arith.index_cast %scan3A_362 : i32 to index
      %swap3A_456 = arith.constant 96 : index
      %swap3A_457 = tpu.vector_load %arg12[%swap3A_455, %swap3A_456] {strides = array<i32>} : memref<40x128xf32, #tpu.memory_space<vmem>>, vector<1x16xf32>,
      %swap3A_458 = vector.shape_cast %swap3A_457 : vector<1x16xf32> to vector<16xf32>
      %swap3A_459 = vector.shape_cast %mul3A_454 : vector<16xf32> to vector<1x16xf32>
      tpu.vector_store %arg12[%swap3A_455, %swap3A_456], %swap3A_459 {strides = array<i32>} : memref<40x128xf32, #tpu.memory_space<vmem>>, vector<1x16xf32>,
      %get3A_460 = arith.index_cast %scan3A_362 : i32 to index
      %get3A_461 = arith.constant 112 : index
      %get3A_462 = tpu.vector_load %arg12[%get3A_460, %get3A_461] {strides = array<i32>} : memref<40x128xf32, #tpu.memory_space<vmem>>, vector<1x16xf32>,
      %get3A_463 = vector.shape_cast %get3A_462 : vector<1x16xf32> to vector<16xf32>
      %get3A_464 = arith.index_cast %scan3A_362 : i32 to index
      %get3A_465 = arith.constant 112 : index
      %get3A_466 = tpu.vector_load %arg14[%get3A_464, %get3A_465] {strides = array<i32>} : memref<40x128xf32, #tpu.memory_space<vmem>>, vector<1x16xf32>,
      %get3A_467 = vector.shape_cast %get3A_466 : vector<1x16xf32> to vector<16xf32>
      %mul3A_468 = arith.mulf %get3A_463, %get3A_467 : vector<16xf32>
      %swap3A_469 = arith.index_cast %scan3A_362 : i32 to index
      %swap3A_470 = arith.constant 112 : index
      %swap3A_471 = tpu.vector_load %arg12[%swap3A_469, %swap3A_470] {strides = array<i32>} : memref<40x128xf32, #tpu.memory_space<vmem>>, vector<1x16xf32>,
      %swap3A_472 = vector.shape_cast %swap3A_471 : vector<1x16xf32> to vector<16xf32>
      %swap3A_473 = vector.shape_cast %mul3A_468 : vector<16xf32> to vector<1x16xf32>
      tpu.vector_store %arg12[%swap3A_469, %swap3A_470], %swap3A_473 {strides = array<i32>} : memref<40x128xf32, #tpu.memory_space<vmem>>, vector<1x16xf32>,
      %scan3A_474 = arith.constant 0 : i32
      scf.yield %scan3A_474 : i32
    }
    %scan3A_188 = arith.constant 40 : i32
    %dma_wait3A_189 = tpu.memref_slice %arg5[%add3A_140] : memref<320000xi32, #tpu.memory_space<hbm>> -> memref<40xi32, #tpu.memory_space<hbm>>
    %dma_wait3A_190 = tpu.memref_slice %arg5[%add3A_140] : memref<320000xi32, #tpu.memory_space<hbm>> -> memref<40xi32, #tpu.memory_space<hbm>>
    tpu.wait_dma2 semaphore(%arg19 : memref<!tpu.dma_semaphore, #tpu.memory_space<semaphore_mem>>) src(%dma_wait3A_190 : memref<40xi32, #tpu.memory_space<hbm>>) dst(%arg10 : memref<40xi32, #tpu.memory_space<vmem>>)
    %dma_start3A_191 = arith.constant 0 : i32
    %dma_start3A_192 = arith.constant 0 : i32
    %dma_start3A_193 = tpu.memref_slice %arg15[%dma_start3A_191, %dma_start3A_192] : memref<10000x128xf32, #tpu.memory_space<vmem_shared>> -> memref<10000x128xf32, #tpu.memory_space<vmem_shared>>
    tpu.enqueue_indirect_dma source(%arg12 : memref<40x128xf32, #tpu.memory_space<vmem>>) target(%dma_start3A_193 : memref<10000x128xf32, #tpu.memory_space<vmem_shared>>) offsets(%arg10 : memref<40xi32, #tpu.memory_space<vmem>>) semaphore(%arg25 : memref<!tpu.dma_semaphore, #tpu.memory_space<semaphore_mem>>) {add = true}
    %scan3A_194 = arith.constant 0 : i32
    %scan3A_195 = arith.constant 1 : i32
    %scan3A_196 = arith.constant 61 : i32
    %scan3A_197 = arith.addi %scan3A_195, %scan3A_196 : i32
    %scan3A_198 = arith.constant 1 : i32
    %scan3A_199 = scf.for %scan3A_362 = %scan3A_195 to %scan3A_197 step %scan3A_198 iter_args(%scan3A_363 = %scan3A_194) -> (i32)  : i32 {
      %mul3A_364 = arith.constant 2 : i32
      %mul3A_365 = arith.muli %scan3A_362, %mul3A_364 : i32
      %dma_wait3A_366 = arith.constant 0 : i32
      %dma_wait3A_367 = arith.constant 0 : i32
      %dma_wait3A_368 = tpu.memref_slice %arg15[%dma_wait3A_366, %dma_wait3A_367] : memref<10000x128xf32, #tpu.memory_space<vmem_shared>> -> memref<10000x128xf32, #tpu.memory_space<vmem_shared>>
      tpu.wait_indirect_dma semaphore(%arg24 : memref<!tpu.dma_semaphore, #tpu.memory_space<semaphore_mem>>) src(%arg11 : memref<40x128xf32, #tpu.memory_space<vmem>>) dst(%dma_wait3A_368 : memref<10000x128xf32, #tpu.memory_space<vmem_shared>>)
      %dma_wait3A_369 = arith.constant 0 : i32
      %dma_wait3A_370 = arith.constant 0 : i32
      %dma_wait3A_371 = tpu.memref_slice %arg15[%dma_wait3A_369, %dma_wait3A_370] : memref<10000x128xf32, #tpu.memory_space<vmem_shared>> -> memref<10000x128xf32, #tpu.memory_space<vmem_shared>>
      tpu.wait_indirect_dma semaphore(%arg25 : memref<!tpu.dma_semaphore, #tpu.memory_space<semaphore_mem>>) src(%arg12 : memref<40x128xf32, #tpu.memory_space<vmem>>) dst(%dma_wait3A_371 : memref<10000x128xf32, #tpu.memory_space<vmem_shared>>)
      %add3A_372 = arith.constant 0 : i32
      %add3A_373 = arith.addi %mul3A_365, %add3A_372 : i32
      %mul3A_374 = arith.constant 40 : i32
      %mul3A_375 = arith.muli %add3A_373, %mul3A_374 : i32
      %add3A_376 = arith.addi %multiple_of3A, %mul3A_375 : i32
      %multiple_of3A_377 = tpu.assume_multiple %add3A_376, 40 : i32
      %add3A_378 = arith.constant 160000 : i32
      %add3A_379 = arith.addi %multiple_of3A_377, %add3A_378 : i32
      %dma_start3A_380 = tpu.memref_slice %arg4[%add3A_379] : memref<320000xi32, #tpu.memory_space<hbm>> -> memref<40xi32, #tpu.memory_space<hbm>>
      %dma_start3A_381 = tpu.memref_slice %arg4[%add3A_379] : memref<320000xi32, #tpu.memory_space<hbm>> -> memref<40xi32, #tpu.memory_space<hbm>>
      tpu.enqueue_dma source(%dma_start3A_381 : memref<40xi32, #tpu.memory_space<hbm>>) target(%arg7 : memref<40xi32, #tpu.memory_space<vmem>>) target_semaphore(%arg16 : memref<!tpu.dma_semaphore, #tpu.memory_space<semaphore_mem>>)
      %add3A_382 = arith.constant 160000 : i32
      %add3A_383 = arith.addi %multiple_of3A_377, %add3A_382 : i32
      %dma_start3A_384 = tpu.memref_slice %arg5[%add3A_383] : memref<320000xi32, #tpu.memory_space<hbm>> -> memref<40xi32, #tpu.memory_space<hbm>>
      %dma_start3A_385 = tpu.memref_slice %arg5[%add3A_383] : memref<320000xi32, #tpu.memory_space<hbm>> -> memref<40xi32, #tpu.memory_space<hbm>>
      tpu.enqueue_dma source(%dma_start3A_385 : memref<40xi32, #tpu.memory_space<hbm>>) target(%arg9 : memref<40xi32, #tpu.memory_space<vmem>>) target_semaphore(%arg18 : memref<!tpu.dma_semaphore, #tpu.memory_space<semaphore_mem>>)
      %dma_start3A_386 = arith.constant 0 : i32
      %dma_start3A_387 = tpu.memref_slice %arg3[%multiple_of3A_377, %dma_start3A_386] : memref<160000x128xf32, #tpu.memory_space<hbm>> -> memref<40x128xf32, #tpu.memory_space<hbm>>
      %dma_start3A_388 = arith.constant 0 : i32
      %dma_start3A_389 = tpu.memref_slice %arg3[%multiple_of3A_377, %dma_start3A_388] : memref<160000x128xf32, #tpu.memory_space<hbm>> -> memref<40x128xf32, #tpu.memory_space<hbm>>
      tpu.enqueue_dma source(%dma_start3A_389 : memref<40x128xf32, #tpu.memory_space<hbm>>) target(%arg13 : memref<40x128xf32, #tpu.memory_space<vmem>>) target_semaphore(%arg22 : memref<!tpu.dma_semaphore, #tpu.memory_space<semaphore_mem>>)
      %add3A_390 = arith.constant 1 : i32
      %add3A_391 = arith.addi %mul3A_365, %add3A_390 : i32
      %mul3A_392 = arith.constant 40 : i32
      %mul3A_393 = arith.muli %add3A_391, %mul3A_392 : i32
      %add3A_394 = arith.addi %multiple_of3A, %mul3A_393 : i32
      %multiple_of3A_395 = tpu.assume_multiple %add3A_394, 40 : i32
      %add3A_396 = arith.constant 160000 : i32
      %add3A_397 = arith.addi %multiple_of3A_395, %add3A_396 : i32
      %dma_start3A_398 = tpu.memref_slice %arg4[%add3A_397] : memref<320000xi32, #tpu.memory_space<hbm>> -> memref<40xi32, #tpu.memory_space<hbm>>
      %dma_start3A_399 = tpu.memref_slice %arg4[%add3A_397] : memref<320000xi32, #tpu.memory_space<hbm>> -> memref<40xi32, #tpu.memory_space<hbm>>
      tpu.enqueue_dma source(%dma_start3A_399 : memref<40xi32, #tpu.memory_space<hbm>>) target(%arg8 : memref<40xi32, #tpu.memory_space<vmem>>) target_semaphore(%arg17 : memref<!tpu.dma_semaphore, #tpu.memory_space<semaphore_mem>>)
      %add3A_400 = arith.constant 160000 : i32
      %add3A_401 = arith.addi %multiple_of3A_395, %add3A_400 : i32
      %dma_start3A_402 = tpu.memref_slice %arg5[%add3A_401] : memref<320000xi32, #tpu.memory_space<hbm>> -> memref<40xi32, #tpu.memory_space<hbm>>
      %dma_start3A_403 = tpu.memref_slice %arg5[%add3A_401] : memref<320000xi32, #tpu.memory_space<hbm>> -> memref<40xi32, #tpu.memory_space<hbm>>
      tpu.enqueue_dma source(%dma_start3A_403 : memref<40xi32, #tpu.memory_space<hbm>>) target(%arg10 : memref<40xi32, #tpu.memory_space<vmem>>) target_semaphore(%arg19 : memref<!tpu.dma_semaphore, #tpu.memory_space<semaphore_mem>>)
      %dma_start3A_404 = arith.constant 0 : i32
      %dma_start3A_405 = tpu.memref_slice %arg3[%multiple_of3A_395, %dma_start3A_404] : memref<160000x128xf32, #tpu.memory_space<hbm>> -> memref<40x128xf32, #tpu.memory_space<hbm>>
      %dma_start3A_406 = arith.constant 0 : i32
      %dma_start3A_407 = tpu.memref_slice %arg3[%multiple_of3A_395, %dma_start3A_406] : memref<160000x128xf32, #tpu.memory_space<hbm>> -> memref<40x128xf32, #tpu.memory_space<hbm>>
      tpu.enqueue_dma source(%dma_start3A_407 : memref<40x128xf32, #tpu.memory_space<hbm>>) target(%arg14 : memref<40x128xf32, #tpu.memory_space<vmem>>) target_semaphore(%arg23 : memref<!tpu.dma_semaphore, #tpu.memory_space<semaphore_mem>>)
      %dma_wait3A_408 = tpu.memref_slice %arg4[%add3A_379] : memref<320000xi32, #tpu.memory_space<hbm>> -> memref<40xi32, #tpu.memory_space<hbm>>
      %dma_wait3A_409 = tpu.memref_slice %arg4[%add3A_379] : memref<320000xi32, #tpu.memory_space<hbm>> -> memref<40xi32, #tpu.memory_space<hbm>>
      tpu.wait_dma2 semaphore(%arg16 : memref<!tpu.dma_semaphore, #tpu.memory_space<semaphore_mem>>) src(%dma_wait3A_409 : memref<40xi32, #tpu.memory_space<hbm>>) dst(%arg7 : memref<40xi32, #tpu.memory_space<vmem>>)
      %dma_start3A_410 = arith.constant 0 : i32
      %dma_start3A_411 = arith.constant 0 : i32
      %dma_start3A_412 = tpu.memref_slice %arg2[%dma_start3A_410, %dma_start3A_411] : memref<10000x128xf32, #tpu.memory_space<hbm>> -> memref<10000x128xf32, #tpu.memory_space<hbm>>
      tpu.enqueue_indirect_dma source(%dma_start3A_412 : memref<10000x128xf32, #tpu.memory_space<hbm>>) target(%arg11 : memref<40x128xf32, #tpu.memory_space<vmem>>) offsets(%arg7 : memref<40xi32, #tpu.memory_space<vmem>>) semaphore(%arg20 : memref<!tpu.dma_semaphore, #tpu.memory_space<semaphore_mem>>)
      %dma_wait3A_413 = tpu.memref_slice %arg4[%add3A_397] : memref<320000xi32, #tpu.memory_space<hbm>> -> memref<40xi32, #tpu.memory_space<hbm>>
      %dma_wait3A_414 = tpu.memref_slice %arg4[%add3A_397] : memref<320000xi32, #tpu.memory_space<hbm>> -> memref<40xi32, #tpu.memory_space<hbm>>
      tpu.wait_dma2 semaphore(%arg17 : memref<!tpu.dma_semaphore, #tpu.memory_space<semaphore_mem>>) src(%dma_wait3A_414 : memref<40xi32, #tpu.memory_space<hbm>>) dst(%arg8 : memref<40xi32, #tpu.memory_space<vmem>>)
      %dma_start3A_415 = arith.constant 0 : i32
      %dma_start3A_416 = arith.constant 0 : i32
      %dma_start3A_417 = tpu.memref_slice %arg2[%dma_start3A_415, %dma_start3A_416] : memref<10000x128xf32, #tpu.memory_space<hbm>> -> memref<10000x128xf32, #tpu.memory_space<hbm>>
      tpu.enqueue_indirect_dma source(%dma_start3A_417 : memref<10000x128xf32, #tpu.memory_space<hbm>>) target(%arg12 : memref<40x128xf32, #tpu.memory_space<vmem>>) offsets(%arg8 : memref<40xi32, #tpu.memory_space<vmem>>) semaphore(%arg21 : memref<!tpu.dma_semaphore, #tpu.memory_space<semaphore_mem>>)
      %dma_wait3A_418 = arith.constant 0 : i32
      %dma_wait3A_419 = arith.constant 0 : i32
      %dma_wait3A_420 = tpu.memref_slice %arg2[%dma_wait3A_418, %dma_wait3A_419] : memref<10000x128xf32, #tpu.memory_space<hbm>> -> memref<10000x128xf32, #tpu.memory_space<hbm>>
      tpu.wait_indirect_dma semaphore(%arg20 : memref<!tpu.dma_semaphore, #tpu.memory_space<semaphore_mem>>) src(%dma_wait3A_420 : memref<10000x128xf32, #tpu.memory_space<hbm>>) dst(%arg11 : memref<40x128xf32, #tpu.memory_space<vmem>>)
      %dma_wait3A_421 = arith.constant 0 : i32
      %dma_wait3A_422 = tpu.memref_slice %arg3[%multiple_of3A_377, %dma_wait3A_421] : memref<160000x128xf32, #tpu.memory_space<hbm>> -> memref<40x128xf32, #tpu.memory_space<hbm>>
      %dma_wait3A_423 = arith.constant 0 : i32
      %dma_wait3A_424 = tpu.memref_slice %arg3[%multiple_of3A_377, %dma_wait3A_423] : memref<160000x128xf32, #tpu.memory_space<hbm>> -> memref<40x128xf32, #tpu.memory_space<hbm>>
      tpu.wait_dma2 semaphore(%arg22 : memref<!tpu.dma_semaphore, #tpu.memory_space<semaphore_mem>>) src(%dma_wait3A_424 : memref<40x128xf32, #tpu.memory_space<hbm>>) dst(%arg13 : memref<40x128xf32, #tpu.memory_space<vmem>>)
      %scan3A_425 = arith.constant 0 : i32
      %scan3A_426 = arith.constant 0 : i32
      %scan3A_427 = arith.constant 40 : i32
      %scan3A_428 = arith.addi %scan3A_426, %scan3A_427 : i32
      %scan3A_429 = arith.constant 1 : i32
      %scan3A_430 = scf.for %scan3A_457 = %scan3A_426 to %scan3A_428 step %scan3A_429 iter_args(%scan3A_458 = %scan3A_425) -> (i32)  : i32 {
        %get3A = arith.index_cast %scan3A_457 : i32 to index
        %get3A_459 = arith.constant 0 : index
        %get3A_460 = tpu.vector_load %arg11[%get3A, %get3A_459] {strides = array<i32>} : memref<40x128xf32, #tpu.memory_space<vmem>>, vector<1x16xf32>,
        %get3A_461 = vector.shape_cast %get3A_460 : vector<1x16xf32> to vector<16xf32>
        %get3A_462 = arith.index_cast %scan3A_457 : i32 to index
        %get3A_463 = arith.constant 0 : index
        %get3A_464 = tpu.vector_load %arg13[%get3A_462, %get3A_463] {strides = array<i32>} : memref<40x128xf32, #tpu.memory_space<vmem>>, vector<1x16xf32>,
        %get3A_465 = vector.shape_cast %get3A_464 : vector<1x16xf32> to vector<16xf32>
        %mul3A_466 = arith.mulf %get3A_461, %get3A_465 : vector<16xf32>
        %swap3A = arith.index_cast %scan3A_457 : i32 to index
        %swap3A_467 = arith.constant 0 : index
        %swap3A_468 = tpu.vector_load %arg11[%swap3A, %swap3A_467] {strides = array<i32>} : memref<40x128xf32, #tpu.memory_space<vmem>>, vector<1x16xf32>,
        %swap3A_469 = vector.shape_cast %swap3A_468 : vector<1x16xf32> to vector<16xf32>
        %swap3A_470 = vector.shape_cast %mul3A_466 : vector<16xf32> to vector<1x16xf32>
        tpu.vector_store %arg11[%swap3A, %swap3A_467], %swap3A_470 {strides = array<i32>} : memref<40x128xf32, #tpu.memory_space<vmem>>, vector<1x16xf32>,
        %get3A_471 = arith.index_cast %scan3A_457 : i32 to index
        %get3A_472 = arith.constant 16 : index
        %get3A_473 = tpu.vector_load %arg11[%get3A_471, %get3A_472] {strides = array<i32>} : memref<40x128xf32, #tpu.memory_space<vmem>>, vector<1x16xf32>,
        %get3A_474 = vector.shape_cast %get3A_473 : vector<1x16xf32> to vector<16xf32>
        %get3A_475 = arith.index_cast %scan3A_457 : i32 to index
        %get3A_476 = arith.constant 16 : index
        %get3A_477 = tpu.vector_load %arg13[%get3A_475, %get3A_476] {strides = array<i32>} : memref<40x128xf32, #tpu.memory_space<vmem>>, vector<1x16xf32>,
        %get3A_478 = vector.shape_cast %get3A_477 : vector<1x16xf32> to vector<16xf32>
        %mul3A_479 = arith.mulf %get3A_474, %get3A_478 : vector<16xf32>
        %swap3A_480 = arith.index_cast %scan3A_457 : i32 to index
        %swap3A_481 = arith.constant 16 : index
        %swap3A_482 = tpu.vector_load %arg11[%swap3A_480, %swap3A_481] {strides = array<i32>} : memref<40x128xf32, #tpu.memory_space<vmem>>, vector<1x16xf32>,
        %swap3A_483 = vector.shape_cast %swap3A_482 : vector<1x16xf32> to vector<16xf32>
        %swap3A_484 = vector.shape_cast %mul3A_479 : vector<16xf32> to vector<1x16xf32>
        tpu.vector_store %arg11[%swap3A_480, %swap3A_481], %swap3A_484 {strides = array<i32>} : memref<40x128xf32, #tpu.memory_space<vmem>>, vector<1x16xf32>,
        %get3A_485 = arith.index_cast %scan3A_457 : i32 to index
        %get3A_486 = arith.constant 32 : index
        %get3A_487 = tpu.vector_load %arg11[%get3A_485, %get3A_486] {strides = array<i32>} : memref<40x128xf32, #tpu.memory_space<vmem>>, vector<1x16xf32>,
        %get3A_488 = vector.shape_cast %get3A_487 : vector<1x16xf32> to vector<16xf32>
        %get3A_489 = arith.index_cast %scan3A_457 : i32 to index
        %get3A_490 = arith.constant 32 : index
        %get3A_491 = tpu.vector_load %arg13[%get3A_489, %get3A_490] {strides = array<i32>} : memref<40x128xf32, #tpu.memory_space<vmem>>, vector<1x16xf32>,
        %get3A_492 = vector.shape_cast %get3A_491 : vector<1x16xf32> to vector<16xf32>
        %mul3A_493 = arith.mulf %get3A_488, %get3A_492 : vector<16xf32>
        %swap3A_494 = arith.index_cast %scan3A_457 : i32 to index
        %swap3A_495 = arith.constant 32 : index
        %swap3A_496 = tpu.vector_load %arg11[%swap3A_494, %swap3A_495] {strides = array<i32>} : memref<40x128xf32, #tpu.memory_space<vmem>>, vector<1x16xf32>,
        %swap3A_497 = vector.shape_cast %swap3A_496 : vector<1x16xf32> to vector<16xf32>
        %swap3A_498 = vector.shape_cast %mul3A_493 : vector<16xf32> to vector<1x16xf32>
        tpu.vector_store %arg11[%swap3A_494, %swap3A_495], %swap3A_498 {strides = array<i32>} : memref<40x128xf32, #tpu.memory_space<vmem>>, vector<1x16xf32>,
        %get3A_499 = arith.index_cast %scan3A_457 : i32 to index
        %get3A_500 = arith.constant 48 : index
        %get3A_501 = tpu.vector_load %arg11[%get3A_499, %get3A_500] {strides = array<i32>} : memref<40x128xf32, #tpu.memory_space<vmem>>, vector<1x16xf32>,
        %get3A_502 = vector.shape_cast %get3A_501 : vector<1x16xf32> to vector<16xf32>
        %get3A_503 = arith.index_cast %scan3A_457 : i32 to index
        %get3A_504 = arith.constant 48 : index
        %get3A_505 = tpu.vector_load %arg13[%get3A_503, %get3A_504] {strides = array<i32>} : memref<40x128xf32, #tpu.memory_space<vmem>>, vector<1x16xf32>,
        %get3A_506 = vector.shape_cast %get3A_505 : vector<1x16xf32> to vector<16xf32>
        %mul3A_507 = arith.mulf %get3A_502, %get3A_506 : vector<16xf32>
        %swap3A_508 = arith.index_cast %scan3A_457 : i32 to index
        %swap3A_509 = arith.constant 48 : index
        %swap3A_510 = tpu.vector_load %arg11[%swap3A_508, %swap3A_509] {strides = array<i32>} : memref<40x128xf32, #tpu.memory_space<vmem>>, vector<1x16xf32>,
        %swap3A_511 = vector.shape_cast %swap3A_510 : vector<1x16xf32> to vector<16xf32>
        %swap3A_512 = vector.shape_cast %mul3A_507 : vector<16xf32> to vector<1x16xf32>
        tpu.vector_store %arg11[%swap3A_508, %swap3A_509], %swap3A_512 {strides = array<i32>} : memref<40x128xf32, #tpu.memory_space<vmem>>, vector<1x16xf32>,
        %get3A_513 = arith.index_cast %scan3A_457 : i32 to index
        %get3A_514 = arith.constant 64 : index
        %get3A_515 = tpu.vector_load %arg11[%get3A_513, %get3A_514] {strides = array<i32>} : memref<40x128xf32, #tpu.memory_space<vmem>>, vector<1x16xf32>,
        %get3A_516 = vector.shape_cast %get3A_515 : vector<1x16xf32> to vector<16xf32>
        %get3A_517 = arith.index_cast %scan3A_457 : i32 to index
        %get3A_518 = arith.constant 64 : index
        %get3A_519 = tpu.vector_load %arg13[%get3A_517, %get3A_518] {strides = array<i32>} : memref<40x128xf32, #tpu.memory_space<vmem>>, vector<1x16xf32>,
        %get3A_520 = vector.shape_cast %get3A_519 : vector<1x16xf32> to vector<16xf32>
        %mul3A_521 = arith.mulf %get3A_516, %get3A_520 : vector<16xf32>
        %swap3A_522 = arith.index_cast %scan3A_457 : i32 to index
        %swap3A_523 = arith.constant 64 : index
        %swap3A_524 = tpu.vector_load %arg11[%swap3A_522, %swap3A_523] {strides = array<i32>} : memref<40x128xf32, #tpu.memory_space<vmem>>, vector<1x16xf32>,
        %swap3A_525 = vector.shape_cast %swap3A_524 : vector<1x16xf32> to vector<16xf32>
        %swap3A_526 = vector.shape_cast %mul3A_521 : vector<16xf32> to vector<1x16xf32>
        tpu.vector_store %arg11[%swap3A_522, %swap3A_523], %swap3A_526 {strides = array<i32>} : memref<40x128xf32, #tpu.memory_space<vmem>>, vector<1x16xf32>,
        %get3A_527 = arith.index_cast %scan3A_457 : i32 to index
        %get3A_528 = arith.constant 80 : index
        %get3A_529 = tpu.vector_load %arg11[%get3A_527, %get3A_528] {strides = array<i32>} : memref<40x128xf32, #tpu.memory_space<vmem>>, vector<1x16xf32>,
        %get3A_530 = vector.shape_cast %get3A_529 : vector<1x16xf32> to vector<16xf32>
        %get3A_531 = arith.index_cast %scan3A_457 : i32 to index
        %get3A_532 = arith.constant 80 : index
        %get3A_533 = tpu.vector_load %arg13[%get3A_531, %get3A_532] {strides = array<i32>} : memref<40x128xf32, #tpu.memory_space<vmem>>, vector<1x16xf32>,
        %get3A_534 = vector.shape_cast %get3A_533 : vector<1x16xf32> to vector<16xf32>
        %mul3A_535 = arith.mulf %get3A_530, %get3A_534 : vector<16xf32>
        %swap3A_536 = arith.index_cast %scan3A_457 : i32 to index
        %swap3A_537 = arith.constant 80 : index
        %swap3A_538 = tpu.vector_load %arg11[%swap3A_536, %swap3A_537] {strides = array<i32>} : memref<40x128xf32, #tpu.memory_space<vmem>>, vector<1x16xf32>,
        %swap3A_539 = vector.shape_cast %swap3A_538 : vector<1x16xf32> to vector<16xf32>
        %swap3A_540 = vector.shape_cast %mul3A_535 : vector<16xf32> to vector<1x16xf32>
        tpu.vector_store %arg11[%swap3A_536, %swap3A_537], %swap3A_540 {strides = array<i32>} : memref<40x128xf32, #tpu.memory_space<vmem>>, vector<1x16xf32>,
        %get3A_541 = arith.index_cast %scan3A_457 : i32 to index
        %get3A_542 = arith.constant 96 : index
        %get3A_543 = tpu.vector_load %arg11[%get3A_541, %get3A_542] {strides = array<i32>} : memref<40x128xf32, #tpu.memory_space<vmem>>, vector<1x16xf32>,
        %get3A_544 = vector.shape_cast %get3A_543 : vector<1x16xf32> to vector<16xf32>
        %get3A_545 = arith.index_cast %scan3A_457 : i32 to index
        %get3A_546 = arith.constant 96 : index
        %get3A_547 = tpu.vector_load %arg13[%get3A_545, %get3A_546] {strides = array<i32>} : memref<40x128xf32, #tpu.memory_space<vmem>>, vector<1x16xf32>,
        %get3A_548 = vector.shape_cast %get3A_547 : vector<1x16xf32> to vector<16xf32>
        %mul3A_549 = arith.mulf %get3A_544, %get3A_548 : vector<16xf32>
        %swap3A_550 = arith.index_cast %scan3A_457 : i32 to index
        %swap3A_551 = arith.constant 96 : index
        %swap3A_552 = tpu.vector_load %arg11[%swap3A_550, %swap3A_551] {strides = array<i32>} : memref<40x128xf32, #tpu.memory_space<vmem>>, vector<1x16xf32>,
        %swap3A_553 = vector.shape_cast %swap3A_552 : vector<1x16xf32> to vector<16xf32>
        %swap3A_554 = vector.shape_cast %mul3A_549 : vector<16xf32> to vector<1x16xf32>
        tpu.vector_store %arg11[%swap3A_550, %swap3A_551], %swap3A_554 {strides = array<i32>} : memref<40x128xf32, #tpu.memory_space<vmem>>, vector<1x16xf32>,
        %get3A_555 = arith.index_cast %scan3A_457 : i32 to index
        %get3A_556 = arith.constant 112 : index
        %get3A_557 = tpu.vector_load %arg11[%get3A_555, %get3A_556] {strides = array<i32>} : memref<40x128xf32, #tpu.memory_space<vmem>>, vector<1x16xf32>,
        %get3A_558 = vector.shape_cast %get3A_557 : vector<1x16xf32> to vector<16xf32>
        %get3A_559 = arith.index_cast %scan3A_457 : i32 to index
        %get3A_560 = arith.constant 112 : index
        %get3A_561 = tpu.vector_load %arg13[%get3A_559, %get3A_560] {strides = array<i32>} : memref<40x128xf32, #tpu.memory_space<vmem>>, vector<1x16xf32>,
        %get3A_562 = vector.shape_cast %get3A_561 : vector<1x16xf32> to vector<16xf32>
        %mul3A_563 = arith.mulf %get3A_558, %get3A_562 : vector<16xf32>
        %swap3A_564 = arith.index_cast %scan3A_457 : i32 to index
        %swap3A_565 = arith.constant 112 : index
        %swap3A_566 = tpu.vector_load %arg11[%swap3A_564, %swap3A_565] {strides = array<i32>} : memref<40x128xf32, #tpu.memory_space<vmem>>, vector<1x16xf32>,
        %swap3A_567 = vector.shape_cast %swap3A_566 : vector<1x16xf32> to vector<16xf32>
        %swap3A_568 = vector.shape_cast %mul3A_563 : vector<16xf32> to vector<1x16xf32>
        tpu.vector_store %arg11[%swap3A_564, %swap3A_565], %swap3A_568 {strides = array<i32>} : memref<40x128xf32, #tpu.memory_space<vmem>>, vector<1x16xf32>,
        %scan3A_569 = arith.constant 0 : i32
        scf.yield %scan3A_569 : i32
      }
      %scan3A_431 = arith.constant 40 : i32
      %dma_wait3A_432 = tpu.memref_slice %arg5[%add3A_383] : memref<320000xi32, #tpu.memory_space<hbm>> -> memref<40xi32, #tpu.memory_space<hbm>>
      %dma_wait3A_433 = tpu.memref_slice %arg5[%add3A_383] : memref<320000xi32, #tpu.memory_space<hbm>> -> memref<40xi32, #tpu.memory_space<hbm>>
      tpu.wait_dma2 semaphore(%arg18 : memref<!tpu.dma_semaphore, #tpu.memory_space<semaphore_mem>>) src(%dma_wait3A_433 : memref<40xi32, #tpu.memory_space<hbm>>) dst(%arg9 : memref<40xi32, #tpu.memory_space<vmem>>)
      %dma_start3A_434 = arith.constant 0 : i32
      %dma_start3A_435 = arith.constant 0 : i32
      %dma_start3A_436 = tpu.memref_slice %arg15[%dma_start3A_434, %dma_start3A_435] : memref<10000x128xf32, #tpu.memory_space<vmem_shared>> -> memref<10000x128xf32, #tpu.memory_space<vmem_shared>>
      tpu.enqueue_indirect_dma source(%arg11 : memref<40x128xf32, #tpu.memory_space<vmem>>) target(%dma_start3A_436 : memref<10000x128xf32, #tpu.memory_space<vmem_shared>>) offsets(%arg9 : memref<40xi32, #tpu.memory_space<vmem>>) semaphore(%arg24 : memref<!tpu.dma_semaphore, #tpu.memory_space<semaphore_mem>>) {add = true}
      %dma_wait3A_437 = arith.constant 0 : i32
      %dma_wait3A_438 = arith.constant 0 : i32
      %dma_wait3A_439 = tpu.memref_slice %arg2[%dma_wait3A_437, %dma_wait3A_438] : memref<10000x128xf32, #tpu.memory_space<hbm>> -> memref<10000x128xf32, #tpu.memory_space<hbm>>
      tpu.wait_indirect_dma semaphore(%arg21 : memref<!tpu.dma_semaphore, #tpu.memory_space<semaphore_mem>>) src(%dma_wait3A_439 : memref<10000x128xf32, #tpu.memory_space<hbm>>) dst(%arg12 : memref<40x128xf32, #tpu.memory_space<vmem>>)
      %dma_wait3A_440 = arith.constant 0 : i32
      %dma_wait3A_441 = tpu.memref_slice %arg3[%multiple_of3A_395, %dma_wait3A_440] : memref<160000x128xf32, #tpu.memory_space<hbm>> -> memref<40x128xf32, #tpu.memory_space<hbm>>
      %dma_wait3A_442 = arith.constant 0 : i32
      %dma_wait3A_443 = tpu.memref_slice %arg3[%multiple_of3A_395, %dma_wait3A_442] : memref<160000x128xf32, #tpu.memory_space<hbm>> -> memref<40x128xf32, #tpu.memory_space<hbm>>
      tpu.wait_dma2 semaphore(%arg23 : memref<!tpu.dma_semaphore, #tpu.memory_space<semaphore_mem>>) src(%dma_wait3A_443 : memref<40x128xf32, #tpu.memory_space<hbm>>) dst(%arg14 : memref<40x128xf32, #tpu.memory_space<vmem>>)
      %scan3A_444 = arith.constant 0 : i32
      %scan3A_445 = arith.constant 0 : i32
      %scan3A_446 = arith.constant 40 : i32
      %scan3A_447 = arith.addi %scan3A_445, %scan3A_446 : i32
      %scan3A_448 = arith.constant 1 : i32
      %scan3A_449 = scf.for %scan3A_457 = %scan3A_445 to %scan3A_447 step %scan3A_448 iter_args(%scan3A_458 = %scan3A_444) -> (i32)  : i32 {
        %get3A = arith.index_cast %scan3A_457 : i32 to index
        %get3A_459 = arith.constant 0 : index
        %get3A_460 = tpu.vector_load %arg12[%get3A, %get3A_459] {strides = array<i32>} : memref<40x128xf32, #tpu.memory_space<vmem>>, vector<1x16xf32>,
        %get3A_461 = vector.shape_cast %get3A_460 : vector<1x16xf32> to vector<16xf32>
        %get3A_462 = arith.index_cast %scan3A_457 : i32 to index
        %get3A_463 = arith.constant 0 : index
        %get3A_464 = tpu.vector_load %arg14[%get3A_462, %get3A_463] {strides = array<i32>} : memref<40x128xf32, #tpu.memory_space<vmem>>, vector<1x16xf32>,
        %get3A_465 = vector.shape_cast %get3A_464 : vector<1x16xf32> to vector<16xf32>
        %mul3A_466 = arith.mulf %get3A_461, %get3A_465 : vector<16xf32>
        %swap3A = arith.index_cast %scan3A_457 : i32 to index
        %swap3A_467 = arith.constant 0 : index
        %swap3A_468 = tpu.vector_load %arg12[%swap3A, %swap3A_467] {strides = array<i32>} : memref<40x128xf32, #tpu.memory_space<vmem>>, vector<1x16xf32>,
        %swap3A_469 = vector.shape_cast %swap3A_468 : vector<1x16xf32> to vector<16xf32>
        %swap3A_470 = vector.shape_cast %mul3A_466 : vector<16xf32> to vector<1x16xf32>
        tpu.vector_store %arg12[%swap3A, %swap3A_467], %swap3A_470 {strides = array<i32>} : memref<40x128xf32, #tpu.memory_space<vmem>>, vector<1x16xf32>,
        %get3A_471 = arith.index_cast %scan3A_457 : i32 to index
        %get3A_472 = arith.constant 16 : index
        %get3A_473 = tpu.vector_load %arg12[%get3A_471, %get3A_472] {strides = array<i32>} : memref<40x128xf32, #tpu.memory_space<vmem>>, vector<1x16xf32>,
        %get3A_474 = vector.shape_cast %get3A_473 : vector<1x16xf32> to vector<16xf32>
        %get3A_475 = arith.index_cast %scan3A_457 : i32 to index
        %get3A_476 = arith.constant 16 : index
        %get3A_477 = tpu.vector_load %arg14[%get3A_475, %get3A_476] {strides = array<i32>} : memref<40x128xf32, #tpu.memory_space<vmem>>, vector<1x16xf32>,
        %get3A_478 = vector.shape_cast %get3A_477 : vector<1x16xf32> to vector<16xf32>
        %mul3A_479 = arith.mulf %get3A_474, %get3A_478 : vector<16xf32>
        %swap3A_480 = arith.index_cast %scan3A_457 : i32 to index
        %swap3A_481 = arith.constant 16 : index
        %swap3A_482 = tpu.vector_load %arg12[%swap3A_480, %swap3A_481] {strides = array<i32>} : memref<40x128xf32, #tpu.memory_space<vmem>>, vector<1x16xf32>,
        %swap3A_483 = vector.shape_cast %swap3A_482 : vector<1x16xf32> to vector<16xf32>
        %swap3A_484 = vector.shape_cast %mul3A_479 : vector<16xf32> to vector<1x16xf32>
        tpu.vector_store %arg12[%swap3A_480, %swap3A_481], %swap3A_484 {strides = array<i32>} : memref<40x128xf32, #tpu.memory_space<vmem>>, vector<1x16xf32>,
        %get3A_485 = arith.index_cast %scan3A_457 : i32 to index
        %get3A_486 = arith.constant 32 : index
        %get3A_487 = tpu.vector_load %arg12[%get3A_485, %get3A_486] {strides = array<i32>} : memref<40x128xf32, #tpu.memory_space<vmem>>, vector<1x16xf32>,
        %get3A_488 = vector.shape_cast %get3A_487 : vector<1x16xf32> to vector<16xf32>
        %get3A_489 = arith.index_cast %scan3A_457 : i32 to index
        %get3A_490 = arith.constant 32 : index
        %get3A_491 = tpu.vector_load %arg14[%get3A_489, %get3A_490] {strides = array<i32>} : memref<40x128xf32, #tpu.memory_space<vmem>>, vector<1x16xf32>,
        %get3A_492 = vector.shape_cast %get3A_491 : vector<1x16xf32> to vector<16xf32>
        %mul3A_493 = arith.mulf %get3A_488, %get3A_492 : vector<16xf32>
        %swap3A_494 = arith.index_cast %scan3A_457 : i32 to index
        %swap3A_495 = arith.constant 32 : index
        %swap3A_496 = tpu.vector_load %arg12[%swap3A_494, %swap3A_495] {strides = array<i32>} : memref<40x128xf32, #tpu.memory_space<vmem>>, vector<1x16xf32>,
        %swap3A_497 = vector.shape_cast %swap3A_496 : vector<1x16xf32> to vector<16xf32>
        %swap3A_498 = vector.shape_cast %mul3A_493 : vector<16xf32> to vector<1x16xf32>
        tpu.vector_store %arg12[%swap3A_494, %swap3A_495], %swap3A_498 {strides = array<i32>} : memref<40x128xf32, #tpu.memory_space<vmem>>, vector<1x16xf32>,
        %get3A_499 = arith.index_cast %scan3A_457 : i32 to index
        %get3A_500 = arith.constant 48 : index
        %get3A_501 = tpu.vector_load %arg12[%get3A_499, %get3A_500] {strides = array<i32>} : memref<40x128xf32, #tpu.memory_space<vmem>>, vector<1x16xf32>,
        %get3A_502 = vector.shape_cast %get3A_501 : vector<1x16xf32> to vector<16xf32>
        %get3A_503 = arith.index_cast %scan3A_457 : i32 to index
        %get3A_504 = arith.constant 48 : index
        %get3A_505 = tpu.vector_load %arg14[%get3A_503, %get3A_504] {strides = array<i32>} : memref<40x128xf32, #tpu.memory_space<vmem>>, vector<1x16xf32>,
        %get3A_506 = vector.shape_cast %get3A_505 : vector<1x16xf32> to vector<16xf32>
        %mul3A_507 = arith.mulf %get3A_502, %get3A_506 : vector<16xf32>
        %swap3A_508 = arith.index_cast %scan3A_457 : i32 to index
        %swap3A_509 = arith.constant 48 : index
        %swap3A_510 = tpu.vector_load %arg12[%swap3A_508, %swap3A_509] {strides = array<i32>} : memref<40x128xf32, #tpu.memory_space<vmem>>, vector<1x16xf32>,
        %swap3A_511 = vector.shape_cast %swap3A_510 : vector<1x16xf32> to vector<16xf32>
        %swap3A_512 = vector.shape_cast %mul3A_507 : vector<16xf32> to vector<1x16xf32>
        tpu.vector_store %arg12[%swap3A_508, %swap3A_509], %swap3A_512 {strides = array<i32>} : memref<40x128xf32, #tpu.memory_space<vmem>>, vector<1x16xf32>,
        %get3A_513 = arith.index_cast %scan3A_457 : i32 to index
        %get3A_514 = arith.constant 64 : index
        %get3A_515 = tpu.vector_load %arg12[%get3A_513, %get3A_514] {strides = array<i32>} : memref<40x128xf32, #tpu.memory_space<vmem>>, vector<1x16xf32>,
        %get3A_516 = vector.shape_cast %get3A_515 : vector<1x16xf32> to vector<16xf32>
        %get3A_517 = arith.index_cast %scan3A_457 : i32 to index
        %get3A_518 = arith.constant 64 : index
        %get3A_519 = tpu.vector_load %arg14[%get3A_517, %get3A_518] {strides = array<i32>} : memref<40x128xf32, #tpu.memory_space<vmem>>, vector<1x16xf32>,
        %get3A_520 = vector.shape_cast %get3A_519 : vector<1x16xf32> to vector<16xf32>
        %mul3A_521 = arith.mulf %get3A_516, %get3A_520 : vector<16xf32>
        %swap3A_522 = arith.index_cast %scan3A_457 : i32 to index
        %swap3A_523 = arith.constant 64 : index
        %swap3A_524 = tpu.vector_load %arg12[%swap3A_522, %swap3A_523] {strides = array<i32>} : memref<40x128xf32, #tpu.memory_space<vmem>>, vector<1x16xf32>,
        %swap3A_525 = vector.shape_cast %swap3A_524 : vector<1x16xf32> to vector<16xf32>
        %swap3A_526 = vector.shape_cast %mul3A_521 : vector<16xf32> to vector<1x16xf32>
        tpu.vector_store %arg12[%swap3A_522, %swap3A_523], %swap3A_526 {strides = array<i32>} : memref<40x128xf32, #tpu.memory_space<vmem>>, vector<1x16xf32>,
        %get3A_527 = arith.index_cast %scan3A_457 : i32 to index
        %get3A_528 = arith.constant 80 : index
        %get3A_529 = tpu.vector_load %arg12[%get3A_527, %get3A_528] {strides = array<i32>} : memref<40x128xf32, #tpu.memory_space<vmem>>, vector<1x16xf32>,
        %get3A_530 = vector.shape_cast %get3A_529 : vector<1x16xf32> to vector<16xf32>
        %get3A_531 = arith.index_cast %scan3A_457 : i32 to index
        %get3A_532 = arith.constant 80 : index
        %get3A_533 = tpu.vector_load %arg14[%get3A_531, %get3A_532] {strides = array<i32>} : memref<40x128xf32, #tpu.memory_space<vmem>>, vector<1x16xf32>,
        %get3A_534 = vector.shape_cast %get3A_533 : vector<1x16xf32> to vector<16xf32>
        %mul3A_535 = arith.mulf %get3A_530, %get3A_534 : vector<16xf32>
        %swap3A_536 = arith.index_cast %scan3A_457 : i32 to index
        %swap3A_537 = arith.constant 80 : index
        %swap3A_538 = tpu.vector_load %arg12[%swap3A_536, %swap3A_537] {strides = array<i32>} : memref<40x128xf32, #tpu.memory_space<vmem>>, vector<1x16xf32>,
        %swap3A_539 = vector.shape_cast %swap3A_538 : vector<1x16xf32> to vector<16xf32>
        %swap3A_540 = vector.shape_cast %mul3A_535 : vector<16xf32> to vector<1x16xf32>
        tpu.vector_store %arg12[%swap3A_536, %swap3A_537], %swap3A_540 {strides = array<i32>} : memref<40x128xf32, #tpu.memory_space<vmem>>, vector<1x16xf32>,
        %get3A_541 = arith.index_cast %scan3A_457 : i32 to index
        %get3A_542 = arith.constant 96 : index
        %get3A_543 = tpu.vector_load %arg12[%get3A_541, %get3A_542] {strides = array<i32>} : memref<40x128xf32, #tpu.memory_space<vmem>>, vector<1x16xf32>,
        %get3A_544 = vector.shape_cast %get3A_543 : vector<1x16xf32> to vector<16xf32>
        %get3A_545 = arith.index_cast %scan3A_457 : i32 to index
        %get3A_546 = arith.constant 96 : index
        %get3A_547 = tpu.vector_load %arg14[%get3A_545, %get3A_546] {strides = array<i32>} : memref<40x128xf32, #tpu.memory_space<vmem>>, vector<1x16xf32>,
        %get3A_548 = vector.shape_cast %get3A_547 : vector<1x16xf32> to vector<16xf32>
        %mul3A_549 = arith.mulf %get3A_544, %get3A_548 : vector<16xf32>
        %swap3A_550 = arith.index_cast %scan3A_457 : i32 to index
        %swap3A_551 = arith.constant 96 : index
        %swap3A_552 = tpu.vector_load %arg12[%swap3A_550, %swap3A_551] {strides = array<i32>} : memref<40x128xf32, #tpu.memory_space<vmem>>, vector<1x16xf32>,
        %swap3A_553 = vector.shape_cast %swap3A_552 : vector<1x16xf32> to vector<16xf32>
        %swap3A_554 = vector.shape_cast %mul3A_549 : vector<16xf32> to vector<1x16xf32>
        tpu.vector_store %arg12[%swap3A_550, %swap3A_551], %swap3A_554 {strides = array<i32>} : memref<40x128xf32, #tpu.memory_space<vmem>>, vector<1x16xf32>,
        %get3A_555 = arith.index_cast %scan3A_457 : i32 to index
        %get3A_556 = arith.constant 112 : index
        %get3A_557 = tpu.vector_load %arg12[%get3A_555, %get3A_556] {strides = array<i32>} : memref<40x128xf32, #tpu.memory_space<vmem>>, vector<1x16xf32>,
        %get3A_558 = vector.shape_cast %get3A_557 : vector<1x16xf32> to vector<16xf32>
        %get3A_559 = arith.index_cast %scan3A_457 : i32 to index
        %get3A_560 = arith.constant 112 : index
        %get3A_561 = tpu.vector_load %arg14[%get3A_559, %get3A_560] {strides = array<i32>} : memref<40x128xf32, #tpu.memory_space<vmem>>, vector<1x16xf32>,
        %get3A_562 = vector.shape_cast %get3A_561 : vector<1x16xf32> to vector<16xf32>
        %mul3A_563 = arith.mulf %get3A_558, %get3A_562 : vector<16xf32>
        %swap3A_564 = arith.index_cast %scan3A_457 : i32 to index
        %swap3A_565 = arith.constant 112 : index
        %swap3A_566 = tpu.vector_load %arg12[%swap3A_564, %swap3A_565] {strides = array<i32>} : memref<40x128xf32, #tpu.memory_space<vmem>>, vector<1x16xf32>,
        %swap3A_567 = vector.shape_cast %swap3A_566 : vector<1x16xf32> to vector<16xf32>
        %swap3A_568 = vector.shape_cast %mul3A_563 : vector<16xf32> to vector<1x16xf32>
        tpu.vector_store %arg12[%swap3A_564, %swap3A_565], %swap3A_568 {strides = array<i32>} : memref<40x128xf32, #tpu.memory_space<vmem>>, vector<1x16xf32>,
        %scan3A_569 = arith.constant 0 : i32
        scf.yield %scan3A_569 : i32
      }
      %scan3A_450 = arith.constant 40 : i32
      %dma_wait3A_451 = tpu.memref_slice %arg5[%add3A_401] : memref<320000xi32, #tpu.memory_space<hbm>> -> memref<40xi32, #tpu.memory_space<hbm>>
      %dma_wait3A_452 = tpu.memref_slice %arg5[%add3A_401] : memref<320000xi32, #tpu.memory_space<hbm>> -> memref<40xi32, #tpu.memory_space<hbm>>
      tpu.wait_dma2 semaphore(%arg19 : memref<!tpu.dma_semaphore, #tpu.memory_space<semaphore_mem>>) src(%dma_wait3A_452 : memref<40xi32, #tpu.memory_space<hbm>>) dst(%arg10 : memref<40xi32, #tpu.memory_space<vmem>>)
      %dma_start3A_453 = arith.constant 0 : i32
      %dma_start3A_454 = arith.constant 0 : i32
      %dma_start3A_455 = tpu.memref_slice %arg15[%dma_start3A_453, %dma_start3A_454] : memref<10000x128xf32, #tpu.memory_space<vmem_shared>> -> memref<10000x128xf32, #tpu.memory_space<vmem_shared>>
      tpu.enqueue_indirect_dma source(%arg12 : memref<40x128xf32, #tpu.memory_space<vmem>>) target(%dma_start3A_455 : memref<10000x128xf32, #tpu.memory_space<vmem_shared>>) offsets(%arg10 : memref<40xi32, #tpu.memory_space<vmem>>) semaphore(%arg25 : memref<!tpu.dma_semaphore, #tpu.memory_space<semaphore_mem>>) {add = true}
      %scan3A_456 = arith.constant 0 : i32
      scf.yield %scan3A_456 : i32
    }
    %scan3A_200 = arith.constant 61 : i32
    %dma_wait3A_201 = arith.constant 0 : i32
    %dma_wait3A_202 = arith.constant 0 : i32
    %dma_wait3A_203 = tpu.memref_slice %arg15[%dma_wait3A_201, %dma_wait3A_202] : memref<10000x128xf32, #tpu.memory_space<vmem_shared>> -> memref<10000x128xf32, #tpu.memory_space<vmem_shared>>
    tpu.wait_indirect_dma semaphore(%arg24 : memref<!tpu.dma_semaphore, #tpu.memory_space<semaphore_mem>>) src(%arg11 : memref<40x128xf32, #tpu.memory_space<vmem>>) dst(%dma_wait3A_203 : memref<10000x128xf32, #tpu.memory_space<vmem_shared>>)
    %add3A_204 = arith.constant 4960 : i32
    %add3A_205 = arith.addi %multiple_of3A, %add3A_204 : i32
    %multiple_of3A_206 = tpu.assume_multiple %add3A_205, 40 : i32
    %add3A_207 = arith.constant 160000 : i32
    %add3A_208 = arith.addi %multiple_of3A_206, %add3A_207 : i32
    %dma_start3A_209 = tpu.memref_slice %arg4[%add3A_208] : memref<320000xi32, #tpu.memory_space<hbm>> -> memref<40xi32, #tpu.memory_space<hbm>>
    %dma_start3A_210 = tpu.memref_slice %arg4[%add3A_208] : memref<320000xi32, #tpu.memory_space<hbm>> -> memref<40xi32, #tpu.memory_space<hbm>>
    tpu.enqueue_dma source(%dma_start3A_210 : memref<40xi32, #tpu.memory_space<hbm>>) target(%arg7 : memref<40xi32, #tpu.memory_space<vmem>>) target_semaphore(%arg16 : memref<!tpu.dma_semaphore, #tpu.memory_space<semaphore_mem>>)
    %add3A_211 = arith.constant 160000 : i32
    %add3A_212 = arith.addi %multiple_of3A_206, %add3A_211 : i32
    %dma_start3A_213 = tpu.memref_slice %arg5[%add3A_212] : memref<320000xi32, #tpu.memory_space<hbm>> -> memref<40xi32, #tpu.memory_space<hbm>>
    %dma_start3A_214 = tpu.memref_slice %arg5[%add3A_212] : memref<320000xi32, #tpu.memory_space<hbm>> -> memref<40xi32, #tpu.memory_space<hbm>>
    tpu.enqueue_dma source(%dma_start3A_214 : memref<40xi32, #tpu.memory_space<hbm>>) target(%arg9 : memref<40xi32, #tpu.memory_space<vmem>>) target_semaphore(%arg18 : memref<!tpu.dma_semaphore, #tpu.memory_space<semaphore_mem>>)
    %dma_start3A_215 = arith.constant 0 : i32
    %dma_start3A_216 = tpu.memref_slice %arg3[%multiple_of3A_206, %dma_start3A_215] : memref<160000x128xf32, #tpu.memory_space<hbm>> -> memref<40x128xf32, #tpu.memory_space<hbm>>
    %dma_start3A_217 = arith.constant 0 : i32
    %dma_start3A_218 = tpu.memref_slice %arg3[%multiple_of3A_206, %dma_start3A_217] : memref<160000x128xf32, #tpu.memory_space<hbm>> -> memref<40x128xf32, #tpu.memory_space<hbm>>
    tpu.enqueue_dma source(%dma_start3A_218 : memref<40x128xf32, #tpu.memory_space<hbm>>) target(%arg13 : memref<40x128xf32, #tpu.memory_space<vmem>>) target_semaphore(%arg22 : memref<!tpu.dma_semaphore, #tpu.memory_space<semaphore_mem>>)
    %dma_wait3A_219 = tpu.memref_slice %arg4[%add3A_208] : memref<320000xi32, #tpu.memory_space<hbm>> -> memref<40xi32, #tpu.memory_space<hbm>>
    %dma_wait3A_220 = tpu.memref_slice %arg4[%add3A_208] : memref<320000xi32, #tpu.memory_space<hbm>> -> memref<40xi32, #tpu.memory_space<hbm>>
    tpu.wait_dma2 semaphore(%arg16 : memref<!tpu.dma_semaphore, #tpu.memory_space<semaphore_mem>>) src(%dma_wait3A_220 : memref<40xi32, #tpu.memory_space<hbm>>) dst(%arg7 : memref<40xi32, #tpu.memory_space<vmem>>)
    %dma_start3A_221 = arith.constant 0 : i32
    %dma_start3A_222 = arith.constant 0 : i32
    %dma_start3A_223 = tpu.memref_slice %arg2[%dma_start3A_221, %dma_start3A_222] : memref<10000x128xf32, #tpu.memory_space<hbm>> -> memref<10000x128xf32, #tpu.memory_space<hbm>>
    tpu.enqueue_indirect_dma source(%dma_start3A_223 : memref<10000x128xf32, #tpu.memory_space<hbm>>) target(%arg11 : memref<40x128xf32, #tpu.memory_space<vmem>>) offsets(%arg7 : memref<40xi32, #tpu.memory_space<vmem>>) semaphore(%arg20 : memref<!tpu.dma_semaphore, #tpu.memory_space<semaphore_mem>>)
    %dma_wait3A_224 = arith.constant 0 : i32
    %dma_wait3A_225 = arith.constant 0 : i32
    %dma_wait3A_226 = tpu.memref_slice %arg2[%dma_wait3A_224, %dma_wait3A_225] : memref<10000x128xf32, #tpu.memory_space<hbm>> -> memref<10000x128xf32, #tpu.memory_space<hbm>>
    tpu.wait_indirect_dma semaphore(%arg20 : memref<!tpu.dma_semaphore, #tpu.memory_space<semaphore_mem>>) src(%dma_wait3A_226 : memref<10000x128xf32, #tpu.memory_space<hbm>>) dst(%arg11 : memref<40x128xf32, #tpu.memory_space<vmem>>)
    %dma_wait3A_227 = arith.constant 0 : i32
    %dma_wait3A_228 = tpu.memref_slice %arg3[%multiple_of3A_206, %dma_wait3A_227] : memref<160000x128xf32, #tpu.memory_space<hbm>> -> memref<40x128xf32, #tpu.memory_space<hbm>>
    %dma_wait3A_229 = arith.constant 0 : i32
    %dma_wait3A_230 = tpu.memref_slice %arg3[%multiple_of3A_206, %dma_wait3A_229] : memref<160000x128xf32, #tpu.memory_space<hbm>> -> memref<40x128xf32, #tpu.memory_space<hbm>>
    tpu.wait_dma2 semaphore(%arg22 : memref<!tpu.dma_semaphore, #tpu.memory_space<semaphore_mem>>) src(%dma_wait3A_230 : memref<40x128xf32, #tpu.memory_space<hbm>>) dst(%arg13 : memref<40x128xf32, #tpu.memory_space<vmem>>)
    %scan3A_231 = arith.constant 0 : i32
    %scan3A_232 = arith.constant 0 : i32
    %scan3A_233 = arith.constant 40 : i32
    %scan3A_234 = arith.addi %scan3A_232, %scan3A_233 : i32
    %scan3A_235 = arith.constant 1 : i32
    %scan3A_236 = scf.for %scan3A_362 = %scan3A_232 to %scan3A_234 step %scan3A_235 iter_args(%scan3A_363 = %scan3A_231) -> (i32)  : i32 {
      %get3A = arith.index_cast %scan3A_362 : i32 to index
      %get3A_364 = arith.constant 0 : index
      %get3A_365 = tpu.vector_load %arg11[%get3A, %get3A_364] {strides = array<i32>} : memref<40x128xf32, #tpu.memory_space<vmem>>, vector<1x16xf32>,
      %get3A_366 = vector.shape_cast %get3A_365 : vector<1x16xf32> to vector<16xf32>
      %get3A_367 = arith.index_cast %scan3A_362 : i32 to index
      %get3A_368 = arith.constant 0 : index
      %get3A_369 = tpu.vector_load %arg13[%get3A_367, %get3A_368] {strides = array<i32>} : memref<40x128xf32, #tpu.memory_space<vmem>>, vector<1x16xf32>,
      %get3A_370 = vector.shape_cast %get3A_369 : vector<1x16xf32> to vector<16xf32>
      %mul3A_371 = arith.mulf %get3A_366, %get3A_370 : vector<16xf32>
      %swap3A = arith.index_cast %scan3A_362 : i32 to index
      %swap3A_372 = arith.constant 0 : index
      %swap3A_373 = tpu.vector_load %arg11[%swap3A, %swap3A_372] {strides = array<i32>} : memref<40x128xf32, #tpu.memory_space<vmem>>, vector<1x16xf32>,
      %swap3A_374 = vector.shape_cast %swap3A_373 : vector<1x16xf32> to vector<16xf32>
      %swap3A_375 = vector.shape_cast %mul3A_371 : vector<16xf32> to vector<1x16xf32>
      tpu.vector_store %arg11[%swap3A, %swap3A_372], %swap3A_375 {strides = array<i32>} : memref<40x128xf32, #tpu.memory_space<vmem>>, vector<1x16xf32>,
      %get3A_376 = arith.index_cast %scan3A_362 : i32 to index
      %get3A_377 = arith.constant 16 : index
      %get3A_378 = tpu.vector_load %arg11[%get3A_376, %get3A_377] {strides = array<i32>} : memref<40x128xf32, #tpu.memory_space<vmem>>, vector<1x16xf32>,
      %get3A_379 = vector.shape_cast %get3A_378 : vector<1x16xf32> to vector<16xf32>
      %get3A_380 = arith.index_cast %scan3A_362 : i32 to index
      %get3A_381 = arith.constant 16 : index
      %get3A_382 = tpu.vector_load %arg13[%get3A_380, %get3A_381] {strides = array<i32>} : memref<40x128xf32, #tpu.memory_space<vmem>>, vector<1x16xf32>,
      %get3A_383 = vector.shape_cast %get3A_382 : vector<1x16xf32> to vector<16xf32>
      %mul3A_384 = arith.mulf %get3A_379, %get3A_383 : vector<16xf32>
      %swap3A_385 = arith.index_cast %scan3A_362 : i32 to index
      %swap3A_386 = arith.constant 16 : index
      %swap3A_387 = tpu.vector_load %arg11[%swap3A_385, %swap3A_386] {strides = array<i32>} : memref<40x128xf32, #tpu.memory_space<vmem>>, vector<1x16xf32>,
      %swap3A_388 = vector.shape_cast %swap3A_387 : vector<1x16xf32> to vector<16xf32>
      %swap3A_389 = vector.shape_cast %mul3A_384 : vector<16xf32> to vector<1x16xf32>
      tpu.vector_store %arg11[%swap3A_385, %swap3A_386], %swap3A_389 {strides = array<i32>} : memref<40x128xf32, #tpu.memory_space<vmem>>, vector<1x16xf32>,
      %get3A_390 = arith.index_cast %scan3A_362 : i32 to index
      %get3A_391 = arith.constant 32 : index
      %get3A_392 = tpu.vector_load %arg11[%get3A_390, %get3A_391] {strides = array<i32>} : memref<40x128xf32, #tpu.memory_space<vmem>>, vector<1x16xf32>,
      %get3A_393 = vector.shape_cast %get3A_392 : vector<1x16xf32> to vector<16xf32>
      %get3A_394 = arith.index_cast %scan3A_362 : i32 to index
      %get3A_395 = arith.constant 32 : index
      %get3A_396 = tpu.vector_load %arg13[%get3A_394, %get3A_395] {strides = array<i32>} : memref<40x128xf32, #tpu.memory_space<vmem>>, vector<1x16xf32>,
      %get3A_397 = vector.shape_cast %get3A_396 : vector<1x16xf32> to vector<16xf32>
      %mul3A_398 = arith.mulf %get3A_393, %get3A_397 : vector<16xf32>
      %swap3A_399 = arith.index_cast %scan3A_362 : i32 to index
      %swap3A_400 = arith.constant 32 : index
      %swap3A_401 = tpu.vector_load %arg11[%swap3A_399, %swap3A_400] {strides = array<i32>} : memref<40x128xf32, #tpu.memory_space<vmem>>, vector<1x16xf32>,
      %swap3A_402 = vector.shape_cast %swap3A_401 : vector<1x16xf32> to vector<16xf32>
      %swap3A_403 = vector.shape_cast %mul3A_398 : vector<16xf32> to vector<1x16xf32>
      tpu.vector_store %arg11[%swap3A_399, %swap3A_400], %swap3A_403 {strides = array<i32>} : memref<40x128xf32, #tpu.memory_space<vmem>>, vector<1x16xf32>,
      %get3A_404 = arith.index_cast %scan3A_362 : i32 to index
      %get3A_405 = arith.constant 48 : index
      %get3A_406 = tpu.vector_load %arg11[%get3A_404, %get3A_405] {strides = array<i32>} : memref<40x128xf32, #tpu.memory_space<vmem>>, vector<1x16xf32>,
      %get3A_407 = vector.shape_cast %get3A_406 : vector<1x16xf32> to vector<16xf32>
      %get3A_408 = arith.index_cast %scan3A_362 : i32 to index
      %get3A_409 = arith.constant 48 : index
      %get3A_410 = tpu.vector_load %arg13[%get3A_408, %get3A_409] {strides = array<i32>} : memref<40x128xf32, #tpu.memory_space<vmem>>, vector<1x16xf32>,
      %get3A_411 = vector.shape_cast %get3A_410 : vector<1x16xf32> to vector<16xf32>
      %mul3A_412 = arith.mulf %get3A_407, %get3A_411 : vector<16xf32>
      %swap3A_413 = arith.index_cast %scan3A_362 : i32 to index
      %swap3A_414 = arith.constant 48 : index
      %swap3A_415 = tpu.vector_load %arg11[%swap3A_413, %swap3A_414] {strides = array<i32>} : memref<40x128xf32, #tpu.memory_space<vmem>>, vector<1x16xf32>,
      %swap3A_416 = vector.shape_cast %swap3A_415 : vector<1x16xf32> to vector<16xf32>
      %swap3A_417 = vector.shape_cast %mul3A_412 : vector<16xf32> to vector<1x16xf32>
      tpu.vector_store %arg11[%swap3A_413, %swap3A_414], %swap3A_417 {strides = array<i32>} : memref<40x128xf32, #tpu.memory_space<vmem>>, vector<1x16xf32>,
      %get3A_418 = arith.index_cast %scan3A_362 : i32 to index
      %get3A_419 = arith.constant 64 : index
      %get3A_420 = tpu.vector_load %arg11[%get3A_418, %get3A_419] {strides = array<i32>} : memref<40x128xf32, #tpu.memory_space<vmem>>, vector<1x16xf32>,
      %get3A_421 = vector.shape_cast %get3A_420 : vector<1x16xf32> to vector<16xf32>
      %get3A_422 = arith.index_cast %scan3A_362 : i32 to index
      %get3A_423 = arith.constant 64 : index
      %get3A_424 = tpu.vector_load %arg13[%get3A_422, %get3A_423] {strides = array<i32>} : memref<40x128xf32, #tpu.memory_space<vmem>>, vector<1x16xf32>,
      %get3A_425 = vector.shape_cast %get3A_424 : vector<1x16xf32> to vector<16xf32>
      %mul3A_426 = arith.mulf %get3A_421, %get3A_425 : vector<16xf32>
      %swap3A_427 = arith.index_cast %scan3A_362 : i32 to index
      %swap3A_428 = arith.constant 64 : index
      %swap3A_429 = tpu.vector_load %arg11[%swap3A_427, %swap3A_428] {strides = array<i32>} : memref<40x128xf32, #tpu.memory_space<vmem>>, vector<1x16xf32>,
      %swap3A_430 = vector.shape_cast %swap3A_429 : vector<1x16xf32> to vector<16xf32>
      %swap3A_431 = vector.shape_cast %mul3A_426 : vector<16xf32> to vector<1x16xf32>
      tpu.vector_store %arg11[%swap3A_427, %swap3A_428], %swap3A_431 {strides = array<i32>} : memref<40x128xf32, #tpu.memory_space<vmem>>, vector<1x16xf32>,
      %get3A_432 = arith.index_cast %scan3A_362 : i32 to index
      %get3A_433 = arith.constant 80 : index
      %get3A_434 = tpu.vector_load %arg11[%get3A_432, %get3A_433] {strides = array<i32>} : memref<40x128xf32, #tpu.memory_space<vmem>>, vector<1x16xf32>,
      %get3A_435 = vector.shape_cast %get3A_434 : vector<1x16xf32> to vector<16xf32>
      %get3A_436 = arith.index_cast %scan3A_362 : i32 to index
      %get3A_437 = arith.constant 80 : index
      %get3A_438 = tpu.vector_load %arg13[%get3A_436, %get3A_437] {strides = array<i32>} : memref<40x128xf32, #tpu.memory_space<vmem>>, vector<1x16xf32>,
      %get3A_439 = vector.shape_cast %get3A_438 : vector<1x16xf32> to vector<16xf32>
      %mul3A_440 = arith.mulf %get3A_435, %get3A_439 : vector<16xf32>
      %swap3A_441 = arith.index_cast %scan3A_362 : i32 to index
      %swap3A_442 = arith.constant 80 : index
      %swap3A_443 = tpu.vector_load %arg11[%swap3A_441, %swap3A_442] {strides = array<i32>} : memref<40x128xf32, #tpu.memory_space<vmem>>, vector<1x16xf32>,
      %swap3A_444 = vector.shape_cast %swap3A_443 : vector<1x16xf32> to vector<16xf32>
      %swap3A_445 = vector.shape_cast %mul3A_440 : vector<16xf32> to vector<1x16xf32>
      tpu.vector_store %arg11[%swap3A_441, %swap3A_442], %swap3A_445 {strides = array<i32>} : memref<40x128xf32, #tpu.memory_space<vmem>>, vector<1x16xf32>,
      %get3A_446 = arith.index_cast %scan3A_362 : i32 to index
      %get3A_447 = arith.constant 96 : index
      %get3A_448 = tpu.vector_load %arg11[%get3A_446, %get3A_447] {strides = array<i32>} : memref<40x128xf32, #tpu.memory_space<vmem>>, vector<1x16xf32>,
      %get3A_449 = vector.shape_cast %get3A_448 : vector<1x16xf32> to vector<16xf32>
      %get3A_450 = arith.index_cast %scan3A_362 : i32 to index
      %get3A_451 = arith.constant 96 : index
      %get3A_452 = tpu.vector_load %arg13[%get3A_450, %get3A_451] {strides = array<i32>} : memref<40x128xf32, #tpu.memory_space<vmem>>, vector<1x16xf32>,
      %get3A_453 = vector.shape_cast %get3A_452 : vector<1x16xf32> to vector<16xf32>
      %mul3A_454 = arith.mulf %get3A_449, %get3A_453 : vector<16xf32>
      %swap3A_455 = arith.index_cast %scan3A_362 : i32 to index
      %swap3A_456 = arith.constant 96 : index
      %swap3A_457 = tpu.vector_load %arg11[%swap3A_455, %swap3A_456] {strides = array<i32>} : memref<40x128xf32, #tpu.memory_space<vmem>>, vector<1x16xf32>,
      %swap3A_458 = vector.shape_cast %swap3A_457 : vector<1x16xf32> to vector<16xf32>
      %swap3A_459 = vector.shape_cast %mul3A_454 : vector<16xf32> to vector<1x16xf32>
      tpu.vector_store %arg11[%swap3A_455, %swap3A_456], %swap3A_459 {strides = array<i32>} : memref<40x128xf32, #tpu.memory_space<vmem>>, vector<1x16xf32>,
      %get3A_460 = arith.index_cast %scan3A_362 : i32 to index
      %get3A_461 = arith.constant 112 : index
      %get3A_462 = tpu.vector_load %arg11[%get3A_460, %get3A_461] {strides = array<i32>} : memref<40x128xf32, #tpu.memory_space<vmem>>, vector<1x16xf32>,
      %get3A_463 = vector.shape_cast %get3A_462 : vector<1x16xf32> to vector<16xf32>
      %get3A_464 = arith.index_cast %scan3A_362 : i32 to index
      %get3A_465 = arith.constant 112 : index
      %get3A_466 = tpu.vector_load %arg13[%get3A_464, %get3A_465] {strides = array<i32>} : memref<40x128xf32, #tpu.memory_space<vmem>>, vector<1x16xf32>,
      %get3A_467 = vector.shape_cast %get3A_466 : vector<1x16xf32> to vector<16xf32>
      %mul3A_468 = arith.mulf %get3A_463, %get3A_467 : vector<16xf32>
      %swap3A_469 = arith.index_cast %scan3A_362 : i32 to index
      %swap3A_470 = arith.constant 112 : index
      %swap3A_471 = tpu.vector_load %arg11[%swap3A_469, %swap3A_470] {strides = array<i32>} : memref<40x128xf32, #tpu.memory_space<vmem>>, vector<1x16xf32>,
      %swap3A_472 = vector.shape_cast %swap3A_471 : vector<1x16xf32> to vector<16xf32>
      %swap3A_473 = vector.shape_cast %mul3A_468 : vector<16xf32> to vector<1x16xf32>
      tpu.vector_store %arg11[%swap3A_469, %swap3A_470], %swap3A_473 {strides = array<i32>} : memref<40x128xf32, #tpu.memory_space<vmem>>, vector<1x16xf32>,
      %scan3A_474 = arith.constant 0 : i32
      scf.yield %scan3A_474 : i32
    }
    %scan3A_237 = arith.constant 40 : i32
    %dma_wait3A_238 = tpu.memref_slice %arg5[%add3A_212] : memref<320000xi32, #tpu.memory_space<hbm>> -> memref<40xi32, #tpu.memory_space<hbm>>
    %dma_wait3A_239 = tpu.memref_slice %arg5[%add3A_212] : memref<320000xi32, #tpu.memory_space<hbm>> -> memref<40xi32, #tpu.memory_space<hbm>>
    tpu.wait_dma2 semaphore(%arg18 : memref<!tpu.dma_semaphore, #tpu.memory_space<semaphore_mem>>) src(%dma_wait3A_239 : memref<40xi32, #tpu.memory_space<hbm>>) dst(%arg9 : memref<40xi32, #tpu.memory_space<vmem>>)
    %dma_start3A_240 = arith.constant 0 : i32
    %dma_start3A_241 = arith.constant 0 : i32
    %dma_start3A_242 = tpu.memref_slice %arg15[%dma_start3A_240, %dma_start3A_241] : memref<10000x128xf32, #tpu.memory_space<vmem_shared>> -> memref<10000x128xf32, #tpu.memory_space<vmem_shared>>
    tpu.enqueue_indirect_dma source(%arg11 : memref<40x128xf32, #tpu.memory_space<vmem>>) target(%dma_start3A_242 : memref<10000x128xf32, #tpu.memory_space<vmem_shared>>) offsets(%arg9 : memref<40xi32, #tpu.memory_space<vmem>>) semaphore(%arg24 : memref<!tpu.dma_semaphore, #tpu.memory_space<semaphore_mem>>) {add = true}
    %dma_wait3A_243 = arith.constant 0 : i32
    %dma_wait3A_244 = arith.constant 0 : i32
    %dma_wait3A_245 = tpu.memref_slice %arg15[%dma_wait3A_243, %dma_wait3A_244] : memref<10000x128xf32, #tpu.memory_space<vmem_shared>> -> memref<10000x128xf32, #tpu.memory_space<vmem_shared>>
    tpu.wait_indirect_dma semaphore(%arg24 : memref<!tpu.dma_semaphore, #tpu.memory_space<semaphore_mem>>) src(%arg11 : memref<40x128xf32, #tpu.memory_space<vmem>>) dst(%dma_wait3A_245 : memref<10000x128xf32, #tpu.memory_space<vmem_shared>>)
    %dma_wait3A_246 = arith.constant 0 : i32
    %dma_wait3A_247 = arith.constant 0 : i32
    %dma_wait3A_248 = tpu.memref_slice %arg15[%dma_wait3A_246, %dma_wait3A_247] : memref<10000x128xf32, #tpu.memory_space<vmem_shared>> -> memref<10000x128xf32, #tpu.memory_space<vmem_shared>>
    tpu.wait_indirect_dma semaphore(%arg25 : memref<!tpu.dma_semaphore, #tpu.memory_space<semaphore_mem>>) src(%arg12 : memref<40x128xf32, #tpu.memory_space<vmem>>) dst(%dma_wait3A_248 : memref<10000x128xf32, #tpu.memory_space<vmem_shared>>)
    %barrier3A_249 = arith.constant 0 : index
    tpu.barrier barrier_id(%barrier3A_249)
    %add3A_250 = arith.constant 0 : i32
    %add3A_251 = arith.addi %arg1, %add3A_250 : i32
    %lt3A_252 = arith.constant 250 : i32
    %lt3A_253 = arith.cmpi slt, %add3A_251, %lt3A_252 : i32
    %convert_element_type3A_254 = arith.extui %lt3A_253 : i1 to i32
    %cond3A_255 = arith.constant 0 : i32
    %cond3A_256 = arith.cmpi ne, %convert_element_type3A_254, %cond3A_255 : i32
    scf.if %cond3A_256 {
      %mul3A_362 = arith.constant 40 : i32
      %mul3A_363 = arith.muli %add3A_251, %mul3A_362 : i32
      %multiple_of3A_364 = tpu.assume_multiple %mul3A_363, 40 : i32
      "tpu.region"() ({
        %run_scoped3A = tpu.sem_alloc : memref<!tpu.dma_semaphore, #tpu.memory_space<semaphore_mem>>
        %dma_start3A_365 = arith.constant 0 : i32
        %dma_start3A_366 = tpu.memref_slice %arg6[%arg0, %multiple_of3A_364, %dma_start3A_365] : memref<2x10000x128xf32, #tpu.memory_space<hbm>> -> memref<1x40x128xf32, #tpu.memory_space<hbm>>
        %dma_start3A_367 = tpu.memref_squeeze %dma_start3A_366 : memref<1x40x128xf32, #tpu.memory_space<hbm>> -> memref<40x128xf32, #tpu.memory_space<hbm>>
        %dma_start3A_368 = arith.constant 0 : i32
        %dma_start3A_369 = tpu.memref_slice %arg15[%multiple_of3A_364, %dma_start3A_368] : memref<10000x128xf32, #tpu.memory_space<vmem_shared>> -> memref<40x128xf32, #tpu.memory_space<vmem_shared>>
        tpu.enqueue_dma source(%dma_start3A_369 : memref<40x128xf32, #tpu.memory_space<vmem_shared>>) target(%dma_start3A_367 : memref<40x128xf32, #tpu.memory_space<hbm>>) target_semaphore(%run_scoped3A : memref<!tpu.dma_semaphore, #tpu.memory_space<semaphore_mem>>)
        %dma_wait3A_370 = arith.constant 0 : i32
        %dma_wait3A_371 = tpu.memref_slice %arg6[%arg0, %multiple_of3A_364, %dma_wait3A_370] : memref<2x10000x128xf32, #tpu.memory_space<hbm>> -> memref<1x40x128xf32, #tpu.memory_space<hbm>>
        %dma_wait3A_372 = tpu.memref_squeeze %dma_wait3A_371 : memref<1x40x128xf32, #tpu.memory_space<hbm>> -> memref<40x128xf32, #tpu.memory_space<hbm>>
        %dma_wait3A_373 = arith.constant 0 : i32
        %dma_wait3A_374 = tpu.memref_slice %arg15[%multiple_of3A_364, %dma_wait3A_373] : memref<10000x128xf32, #tpu.memory_space<vmem_shared>> -> memref<40x128xf32, #tpu.memory_space<vmem_shared>>
        tpu.wait_dma2 semaphore(%run_scoped3A : memref<!tpu.dma_semaphore, #tpu.memory_space<semaphore_mem>>) src(%dma_wait3A_374 : memref<40x128xf32, #tpu.memory_space<vmem_shared>>) dst(%dma_wait3A_372 : memref<40x128xf32, #tpu.memory_space<hbm>>)
        tpu.yield
      }) : () -> ()
    } else {
    }
    %add3A_257 = arith.constant 16 : i32
    %add3A_258 = arith.addi %arg1, %add3A_257 : i32
    %lt3A_259 = arith.constant 250 : i32
    %lt3A_260 = arith.cmpi slt, %add3A_258, %lt3A_259 : i32
    %convert_element_type3A_261 = arith.extui %lt3A_260 : i1 to i32
    %cond3A_262 = arith.constant 0 : i32
    %cond3A_263 = arith.cmpi ne, %convert_element_type3A_261, %cond3A_262 : i32
    scf.if %cond3A_263 {
      %mul3A_362 = arith.constant 40 : i32
      %mul3A_363 = arith.muli %add3A_258, %mul3A_362 : i32
      %multiple_of3A_364 = tpu.assume_multiple %mul3A_363, 40 : i32
      "tpu.region"() ({
        %run_scoped3A = tpu.sem_alloc : memref<!tpu.dma_semaphore, #tpu.memory_space<semaphore_mem>>
        %dma_start3A_365 = arith.constant 0 : i32
        %dma_start3A_366 = tpu.memref_slice %arg6[%arg0, %multiple_of3A_364, %dma_start3A_365] : memref<2x10000x128xf32, #tpu.memory_space<hbm>> -> memref<1x40x128xf32, #tpu.memory_space<hbm>>
        %dma_start3A_367 = tpu.memref_squeeze %dma_start3A_366 : memref<1x40x128xf32, #tpu.memory_space<hbm>> -> memref<40x128xf32, #tpu.memory_space<hbm>>
        %dma_start3A_368 = arith.constant 0 : i32
        %dma_start3A_369 = tpu.memref_slice %arg15[%multiple_of3A_364, %dma_start3A_368] : memref<10000x128xf32, #tpu.memory_space<vmem_shared>> -> memref<40x128xf32, #tpu.memory_space<vmem_shared>>
        tpu.enqueue_dma source(%dma_start3A_369 : memref<40x128xf32, #tpu.memory_space<vmem_shared>>) target(%dma_start3A_367 : memref<40x128xf32, #tpu.memory_space<hbm>>) target_semaphore(%run_scoped3A : memref<!tpu.dma_semaphore, #tpu.memory_space<semaphore_mem>>)
        %dma_wait3A_370 = arith.constant 0 : i32
        %dma_wait3A_371 = tpu.memref_slice %arg6[%arg0, %multiple_of3A_364, %dma_wait3A_370] : memref<2x10000x128xf32, #tpu.memory_space<hbm>> -> memref<1x40x128xf32, #tpu.memory_space<hbm>>
        %dma_wait3A_372 = tpu.memref_squeeze %dma_wait3A_371 : memref<1x40x128xf32, #tpu.memory_space<hbm>> -> memref<40x128xf32, #tpu.memory_space<hbm>>
        %dma_wait3A_373 = arith.constant 0 : i32
        %dma_wait3A_374 = tpu.memref_slice %arg15[%multiple_of3A_364, %dma_wait3A_373] : memref<10000x128xf32, #tpu.memory_space<vmem_shared>> -> memref<40x128xf32, #tpu.memory_space<vmem_shared>>
        tpu.wait_dma2 semaphore(%run_scoped3A : memref<!tpu.dma_semaphore, #tpu.memory_space<semaphore_mem>>) src(%dma_wait3A_374 : memref<40x128xf32, #tpu.memory_space<vmem_shared>>) dst(%dma_wait3A_372 : memref<40x128xf32, #tpu.memory_space<hbm>>)
        tpu.yield
      }) : () -> ()
    } else {
    }
    %add3A_264 = arith.constant 32 : i32
    %add3A_265 = arith.addi %arg1, %add3A_264 : i32
    %lt3A_266 = arith.constant 250 : i32
    %lt3A_267 = arith.cmpi slt, %add3A_265, %lt3A_266 : i32
    %convert_element_type3A_268 = arith.extui %lt3A_267 : i1 to i32
    %cond3A_269 = arith.constant 0 : i32
    %cond3A_270 = arith.cmpi ne, %convert_element_type3A_268, %cond3A_269 : i32
    scf.if %cond3A_270 {
      %mul3A_362 = arith.constant 40 : i32
      %mul3A_363 = arith.muli %add3A_265, %mul3A_362 : i32
      %multiple_of3A_364 = tpu.assume_multiple %mul3A_363, 40 : i32
      "tpu.region"() ({
        %run_scoped3A = tpu.sem_alloc : memref<!tpu.dma_semaphore, #tpu.memory_space<semaphore_mem>>
        %dma_start3A_365 = arith.constant 0 : i32
        %dma_start3A_366 = tpu.memref_slice %arg6[%arg0, %multiple_of3A_364, %dma_start3A_365] : memref<2x10000x128xf32, #tpu.memory_space<hbm>> -> memref<1x40x128xf32, #tpu.memory_space<hbm>>
        %dma_start3A_367 = tpu.memref_squeeze %dma_start3A_366 : memref<1x40x128xf32, #tpu.memory_space<hbm>> -> memref<40x128xf32, #tpu.memory_space<hbm>>
        %dma_start3A_368 = arith.constant 0 : i32
        %dma_start3A_369 = tpu.memref_slice %arg15[%multiple_of3A_364, %dma_start3A_368] : memref<10000x128xf32, #tpu.memory_space<vmem_shared>> -> memref<40x128xf32, #tpu.memory_space<vmem_shared>>
        tpu.enqueue_dma source(%dma_start3A_369 : memref<40x128xf32, #tpu.memory_space<vmem_shared>>) target(%dma_start3A_367 : memref<40x128xf32, #tpu.memory_space<hbm>>) target_semaphore(%run_scoped3A : memref<!tpu.dma_semaphore, #tpu.memory_space<semaphore_mem>>)
        %dma_wait3A_370 = arith.constant 0 : i32
        %dma_wait3A_371 = tpu.memref_slice %arg6[%arg0, %multiple_of3A_364, %dma_wait3A_370] : memref<2x10000x128xf32, #tpu.memory_space<hbm>> -> memref<1x40x128xf32, #tpu.memory_space<hbm>>
        %dma_wait3A_372 = tpu.memref_squeeze %dma_wait3A_371 : memref<1x40x128xf32, #tpu.memory_space<hbm>> -> memref<40x128xf32, #tpu.memory_space<hbm>>
        %dma_wait3A_373 = arith.constant 0 : i32
        %dma_wait3A_374 = tpu.memref_slice %arg15[%multiple_of3A_364, %dma_wait3A_373] : memref<10000x128xf32, #tpu.memory_space<vmem_shared>> -> memref<40x128xf32, #tpu.memory_space<vmem_shared>>
        tpu.wait_dma2 semaphore(%run_scoped3A : memref<!tpu.dma_semaphore, #tpu.memory_space<semaphore_mem>>) src(%dma_wait3A_374 : memref<40x128xf32, #tpu.memory_space<vmem_shared>>) dst(%dma_wait3A_372 : memref<40x128xf32, #tpu.memory_space<hbm>>)
        tpu.yield
      }) : () -> ()
    } else {
    }
    %add3A_271 = arith.constant 48 : i32
    %add3A_272 = arith.addi %arg1, %add3A_271 : i32
    %lt3A_273 = arith.constant 250 : i32
    %lt3A_274 = arith.cmpi slt, %add3A_272, %lt3A_273 : i32
    %convert_element_type3A_275 = arith.extui %lt3A_274 : i1 to i32
    %cond3A_276 = arith.constant 0 : i32
    %cond3A_277 = arith.cmpi ne, %convert_element_type3A_275, %cond3A_276 : i32
    scf.if %cond3A_277 {
      %mul3A_362 = arith.constant 40 : i32
      %mul3A_363 = arith.muli %add3A_272, %mul3A_362 : i32
      %multiple_of3A_364 = tpu.assume_multiple %mul3A_363, 40 : i32
      "tpu.region"() ({
        %run_scoped3A = tpu.sem_alloc : memref<!tpu.dma_semaphore, #tpu.memory_space<semaphore_mem>>
        %dma_start3A_365 = arith.constant 0 : i32
        %dma_start3A_366 = tpu.memref_slice %arg6[%arg0, %multiple_of3A_364, %dma_start3A_365] : memref<2x10000x128xf32, #tpu.memory_space<hbm>> -> memref<1x40x128xf32, #tpu.memory_space<hbm>>
        %dma_start3A_367 = tpu.memref_squeeze %dma_start3A_366 : memref<1x40x128xf32, #tpu.memory_space<hbm>> -> memref<40x128xf32, #tpu.memory_space<hbm>>
        %dma_start3A_368 = arith.constant 0 : i32
        %dma_start3A_369 = tpu.memref_slice %arg15[%multiple_of3A_364, %dma_start3A_368] : memref<10000x128xf32, #tpu.memory_space<vmem_shared>> -> memref<40x128xf32, #tpu.memory_space<vmem_shared>>
        tpu.enqueue_dma source(%dma_start3A_369 : memref<40x128xf32, #tpu.memory_space<vmem_shared>>) target(%dma_start3A_367 : memref<40x128xf32, #tpu.memory_space<hbm>>) target_semaphore(%run_scoped3A : memref<!tpu.dma_semaphore, #tpu.memory_space<semaphore_mem>>)
        %dma_wait3A_370 = arith.constant 0 : i32
        %dma_wait3A_371 = tpu.memref_slice %arg6[%arg0, %multiple_of3A_364, %dma_wait3A_370] : memref<2x10000x128xf32, #tpu.memory_space<hbm>> -> memref<1x40x128xf32, #tpu.memory_space<hbm>>
        %dma_wait3A_372 = tpu.memref_squeeze %dma_wait3A_371 : memref<1x40x128xf32, #tpu.memory_space<hbm>> -> memref<40x128xf32, #tpu.memory_space<hbm>>
        %dma_wait3A_373 = arith.constant 0 : i32
        %dma_wait3A_374 = tpu.memref_slice %arg15[%multiple_of3A_364, %dma_wait3A_373] : memref<10000x128xf32, #tpu.memory_space<vmem_shared>> -> memref<40x128xf32, #tpu.memory_space<vmem_shared>>
        tpu.wait_dma2 semaphore(%run_scoped3A : memref<!tpu.dma_semaphore, #tpu.memory_space<semaphore_mem>>) src(%dma_wait3A_374 : memref<40x128xf32, #tpu.memory_space<vmem_shared>>) dst(%dma_wait3A_372 : memref<40x128xf32, #tpu.memory_space<hbm>>)
        tpu.yield
      }) : () -> ()
    } else {
    }
    %add3A_278 = arith.constant 64 : i32
    %add3A_279 = arith.addi %arg1, %add3A_278 : i32
    %lt3A_280 = arith.constant 250 : i32
    %lt3A_281 = arith.cmpi slt, %add3A_279, %lt3A_280 : i32
    %convert_element_type3A_282 = arith.extui %lt3A_281 : i1 to i32
    %cond3A_283 = arith.constant 0 : i32
    %cond3A_284 = arith.cmpi ne, %convert_element_type3A_282, %cond3A_283 : i32
    scf.if %cond3A_284 {
      %mul3A_362 = arith.constant 40 : i32
      %mul3A_363 = arith.muli %add3A_279, %mul3A_362 : i32
      %multiple_of3A_364 = tpu.assume_multiple %mul3A_363, 40 : i32
      "tpu.region"() ({
        %run_scoped3A = tpu.sem_alloc : memref<!tpu.dma_semaphore, #tpu.memory_space<semaphore_mem>>
        %dma_start3A_365 = arith.constant 0 : i32
        %dma_start3A_366 = tpu.memref_slice %arg6[%arg0, %multiple_of3A_364, %dma_start3A_365] : memref<2x10000x128xf32, #tpu.memory_space<hbm>> -> memref<1x40x128xf32, #tpu.memory_space<hbm>>
        %dma_start3A_367 = tpu.memref_squeeze %dma_start3A_366 : memref<1x40x128xf32, #tpu.memory_space<hbm>> -> memref<40x128xf32, #tpu.memory_space<hbm>>
        %dma_start3A_368 = arith.constant 0 : i32
        %dma_start3A_369 = tpu.memref_slice %arg15[%multiple_of3A_364, %dma_start3A_368] : memref<10000x128xf32, #tpu.memory_space<vmem_shared>> -> memref<40x128xf32, #tpu.memory_space<vmem_shared>>
        tpu.enqueue_dma source(%dma_start3A_369 : memref<40x128xf32, #tpu.memory_space<vmem_shared>>) target(%dma_start3A_367 : memref<40x128xf32, #tpu.memory_space<hbm>>) target_semaphore(%run_scoped3A : memref<!tpu.dma_semaphore, #tpu.memory_space<semaphore_mem>>)
        %dma_wait3A_370 = arith.constant 0 : i32
        %dma_wait3A_371 = tpu.memref_slice %arg6[%arg0, %multiple_of3A_364, %dma_wait3A_370] : memref<2x10000x128xf32, #tpu.memory_space<hbm>> -> memref<1x40x128xf32, #tpu.memory_space<hbm>>
        %dma_wait3A_372 = tpu.memref_squeeze %dma_wait3A_371 : memref<1x40x128xf32, #tpu.memory_space<hbm>> -> memref<40x128xf32, #tpu.memory_space<hbm>>
        %dma_wait3A_373 = arith.constant 0 : i32
        %dma_wait3A_374 = tpu.memref_slice %arg15[%multiple_of3A_364, %dma_wait3A_373] : memref<10000x128xf32, #tpu.memory_space<vmem_shared>> -> memref<40x128xf32, #tpu.memory_space<vmem_shared>>
        tpu.wait_dma2 semaphore(%run_scoped3A : memref<!tpu.dma_semaphore, #tpu.memory_space<semaphore_mem>>) src(%dma_wait3A_374 : memref<40x128xf32, #tpu.memory_space<vmem_shared>>) dst(%dma_wait3A_372 : memref<40x128xf32, #tpu.memory_space<hbm>>)
        tpu.yield
      }) : () -> ()
    } else {
    }
    %add3A_285 = arith.constant 80 : i32
    %add3A_286 = arith.addi %arg1, %add3A_285 : i32
    %lt3A_287 = arith.constant 250 : i32
    %lt3A_288 = arith.cmpi slt, %add3A_286, %lt3A_287 : i32
    %convert_element_type3A_289 = arith.extui %lt3A_288 : i1 to i32
    %cond3A_290 = arith.constant 0 : i32
    %cond3A_291 = arith.cmpi ne, %convert_element_type3A_289, %cond3A_290 : i32
    scf.if %cond3A_291 {
      %mul3A_362 = arith.constant 40 : i32
      %mul3A_363 = arith.muli %add3A_286, %mul3A_362 : i32
      %multiple_of3A_364 = tpu.assume_multiple %mul3A_363, 40 : i32
      "tpu.region"() ({
        %run_scoped3A = tpu.sem_alloc : memref<!tpu.dma_semaphore, #tpu.memory_space<semaphore_mem>>
        %dma_start3A_365 = arith.constant 0 : i32
        %dma_start3A_366 = tpu.memref_slice %arg6[%arg0, %multiple_of3A_364, %dma_start3A_365] : memref<2x10000x128xf32, #tpu.memory_space<hbm>> -> memref<1x40x128xf32, #tpu.memory_space<hbm>>
        %dma_start3A_367 = tpu.memref_squeeze %dma_start3A_366 : memref<1x40x128xf32, #tpu.memory_space<hbm>> -> memref<40x128xf32, #tpu.memory_space<hbm>>
        %dma_start3A_368 = arith.constant 0 : i32
        %dma_start3A_369 = tpu.memref_slice %arg15[%multiple_of3A_364, %dma_start3A_368] : memref<10000x128xf32, #tpu.memory_space<vmem_shared>> -> memref<40x128xf32, #tpu.memory_space<vmem_shared>>
        tpu.enqueue_dma source(%dma_start3A_369 : memref<40x128xf32, #tpu.memory_space<vmem_shared>>) target(%dma_start3A_367 : memref<40x128xf32, #tpu.memory_space<hbm>>) target_semaphore(%run_scoped3A : memref<!tpu.dma_semaphore, #tpu.memory_space<semaphore_mem>>)
        %dma_wait3A_370 = arith.constant 0 : i32
        %dma_wait3A_371 = tpu.memref_slice %arg6[%arg0, %multiple_of3A_364, %dma_wait3A_370] : memref<2x10000x128xf32, #tpu.memory_space<hbm>> -> memref<1x40x128xf32, #tpu.memory_space<hbm>>
        %dma_wait3A_372 = tpu.memref_squeeze %dma_wait3A_371 : memref<1x40x128xf32, #tpu.memory_space<hbm>> -> memref<40x128xf32, #tpu.memory_space<hbm>>
        %dma_wait3A_373 = arith.constant 0 : i32
        %dma_wait3A_374 = tpu.memref_slice %arg15[%multiple_of3A_364, %dma_wait3A_373] : memref<10000x128xf32, #tpu.memory_space<vmem_shared>> -> memref<40x128xf32, #tpu.memory_space<vmem_shared>>
        tpu.wait_dma2 semaphore(%run_scoped3A : memref<!tpu.dma_semaphore, #tpu.memory_space<semaphore_mem>>) src(%dma_wait3A_374 : memref<40x128xf32, #tpu.memory_space<vmem_shared>>) dst(%dma_wait3A_372 : memref<40x128xf32, #tpu.memory_space<hbm>>)
        tpu.yield
      }) : () -> ()
    } else {
    }
    %add3A_292 = arith.constant 96 : i32
    %add3A_293 = arith.addi %arg1, %add3A_292 : i32
    %lt3A_294 = arith.constant 250 : i32
    %lt3A_295 = arith.cmpi slt, %add3A_293, %lt3A_294 : i32
    %convert_element_type3A_296 = arith.extui %lt3A_295 : i1 to i32
    %cond3A_297 = arith.constant 0 : i32
    %cond3A_298 = arith.cmpi ne, %convert_element_type3A_296, %cond3A_297 : i32
    scf.if %cond3A_298 {
      %mul3A_362 = arith.constant 40 : i32
      %mul3A_363 = arith.muli %add3A_293, %mul3A_362 : i32
      %multiple_of3A_364 = tpu.assume_multiple %mul3A_363, 40 : i32
      "tpu.region"() ({
        %run_scoped3A = tpu.sem_alloc : memref<!tpu.dma_semaphore, #tpu.memory_space<semaphore_mem>>
        %dma_start3A_365 = arith.constant 0 : i32
        %dma_start3A_366 = tpu.memref_slice %arg6[%arg0, %multiple_of3A_364, %dma_start3A_365] : memref<2x10000x128xf32, #tpu.memory_space<hbm>> -> memref<1x40x128xf32, #tpu.memory_space<hbm>>
        %dma_start3A_367 = tpu.memref_squeeze %dma_start3A_366 : memref<1x40x128xf32, #tpu.memory_space<hbm>> -> memref<40x128xf32, #tpu.memory_space<hbm>>
        %dma_start3A_368 = arith.constant 0 : i32
        %dma_start3A_369 = tpu.memref_slice %arg15[%multiple_of3A_364, %dma_start3A_368] : memref<10000x128xf32, #tpu.memory_space<vmem_shared>> -> memref<40x128xf32, #tpu.memory_space<vmem_shared>>
        tpu.enqueue_dma source(%dma_start3A_369 : memref<40x128xf32, #tpu.memory_space<vmem_shared>>) target(%dma_start3A_367 : memref<40x128xf32, #tpu.memory_space<hbm>>) target_semaphore(%run_scoped3A : memref<!tpu.dma_semaphore, #tpu.memory_space<semaphore_mem>>)
        %dma_wait3A_370 = arith.constant 0 : i32
        %dma_wait3A_371 = tpu.memref_slice %arg6[%arg0, %multiple_of3A_364, %dma_wait3A_370] : memref<2x10000x128xf32, #tpu.memory_space<hbm>> -> memref<1x40x128xf32, #tpu.memory_space<hbm>>
        %dma_wait3A_372 = tpu.memref_squeeze %dma_wait3A_371 : memref<1x40x128xf32, #tpu.memory_space<hbm>> -> memref<40x128xf32, #tpu.memory_space<hbm>>
        %dma_wait3A_373 = arith.constant 0 : i32
        %dma_wait3A_374 = tpu.memref_slice %arg15[%multiple_of3A_364, %dma_wait3A_373] : memref<10000x128xf32, #tpu.memory_space<vmem_shared>> -> memref<40x128xf32, #tpu.memory_space<vmem_shared>>
        tpu.wait_dma2 semaphore(%run_scoped3A : memref<!tpu.dma_semaphore, #tpu.memory_space<semaphore_mem>>) src(%dma_wait3A_374 : memref<40x128xf32, #tpu.memory_space<vmem_shared>>) dst(%dma_wait3A_372 : memref<40x128xf32, #tpu.memory_space<hbm>>)
        tpu.yield
      }) : () -> ()
    } else {
    }
    %add3A_299 = arith.constant 112 : i32
    %add3A_300 = arith.addi %arg1, %add3A_299 : i32
    %lt3A_301 = arith.constant 250 : i32
    %lt3A_302 = arith.cmpi slt, %add3A_300, %lt3A_301 : i32
    %convert_element_type3A_303 = arith.extui %lt3A_302 : i1 to i32
    %cond3A_304 = arith.constant 0 : i32
    %cond3A_305 = arith.cmpi ne, %convert_element_type3A_303, %cond3A_304 : i32
    scf.if %cond3A_305 {
      %mul3A_362 = arith.constant 40 : i32
      %mul3A_363 = arith.muli %add3A_300, %mul3A_362 : i32
      %multiple_of3A_364 = tpu.assume_multiple %mul3A_363, 40 : i32
      "tpu.region"() ({
        %run_scoped3A = tpu.sem_alloc : memref<!tpu.dma_semaphore, #tpu.memory_space<semaphore_mem>>
        %dma_start3A_365 = arith.constant 0 : i32
        %dma_start3A_366 = tpu.memref_slice %arg6[%arg0, %multiple_of3A_364, %dma_start3A_365] : memref<2x10000x128xf32, #tpu.memory_space<hbm>> -> memref<1x40x128xf32, #tpu.memory_space<hbm>>
        %dma_start3A_367 = tpu.memref_squeeze %dma_start3A_366 : memref<1x40x128xf32, #tpu.memory_space<hbm>> -> memref<40x128xf32, #tpu.memory_space<hbm>>
        %dma_start3A_368 = arith.constant 0 : i32
        %dma_start3A_369 = tpu.memref_slice %arg15[%multiple_of3A_364, %dma_start3A_368] : memref<10000x128xf32, #tpu.memory_space<vmem_shared>> -> memref<40x128xf32, #tpu.memory_space<vmem_shared>>
        tpu.enqueue_dma source(%dma_start3A_369 : memref<40x128xf32, #tpu.memory_space<vmem_shared>>) target(%dma_start3A_367 : memref<40x128xf32, #tpu.memory_space<hbm>>) target_semaphore(%run_scoped3A : memref<!tpu.dma_semaphore, #tpu.memory_space<semaphore_mem>>)
        %dma_wait3A_370 = arith.constant 0 : i32
        %dma_wait3A_371 = tpu.memref_slice %arg6[%arg0, %multiple_of3A_364, %dma_wait3A_370] : memref<2x10000x128xf32, #tpu.memory_space<hbm>> -> memref<1x40x128xf32, #tpu.memory_space<hbm>>
        %dma_wait3A_372 = tpu.memref_squeeze %dma_wait3A_371 : memref<1x40x128xf32, #tpu.memory_space<hbm>> -> memref<40x128xf32, #tpu.memory_space<hbm>>
        %dma_wait3A_373 = arith.constant 0 : i32
        %dma_wait3A_374 = tpu.memref_slice %arg15[%multiple_of3A_364, %dma_wait3A_373] : memref<10000x128xf32, #tpu.memory_space<vmem_shared>> -> memref<40x128xf32, #tpu.memory_space<vmem_shared>>
        tpu.wait_dma2 semaphore(%run_scoped3A : memref<!tpu.dma_semaphore, #tpu.memory_space<semaphore_mem>>) src(%dma_wait3A_374 : memref<40x128xf32, #tpu.memory_space<vmem_shared>>) dst(%dma_wait3A_372 : memref<40x128xf32, #tpu.memory_space<hbm>>)
        tpu.yield
      }) : () -> ()
    } else {
    }
    %add3A_306 = arith.constant 128 : i32
    %add3A_307 = arith.addi %arg1, %add3A_306 : i32
    %lt3A_308 = arith.constant 250 : i32
    %lt3A_309 = arith.cmpi slt, %add3A_307, %lt3A_308 : i32
    %convert_element_type3A_310 = arith.extui %lt3A_309 : i1 to i32
    %cond3A_311 = arith.constant 0 : i32
    %cond3A_312 = arith.cmpi ne, %convert_element_type3A_310, %cond3A_311 : i32
    scf.if %cond3A_312 {
      %mul3A_362 = arith.constant 40 : i32
      %mul3A_363 = arith.muli %add3A_307, %mul3A_362 : i32
      %multiple_of3A_364 = tpu.assume_multiple %mul3A_363, 40 : i32
      "tpu.region"() ({
        %run_scoped3A = tpu.sem_alloc : memref<!tpu.dma_semaphore, #tpu.memory_space<semaphore_mem>>
        %dma_start3A_365 = arith.constant 0 : i32
        %dma_start3A_366 = tpu.memref_slice %arg6[%arg0, %multiple_of3A_364, %dma_start3A_365] : memref<2x10000x128xf32, #tpu.memory_space<hbm>> -> memref<1x40x128xf32, #tpu.memory_space<hbm>>
        %dma_start3A_367 = tpu.memref_squeeze %dma_start3A_366 : memref<1x40x128xf32, #tpu.memory_space<hbm>> -> memref<40x128xf32, #tpu.memory_space<hbm>>
        %dma_start3A_368 = arith.constant 0 : i32
        %dma_start3A_369 = tpu.memref_slice %arg15[%multiple_of3A_364, %dma_start3A_368] : memref<10000x128xf32, #tpu.memory_space<vmem_shared>> -> memref<40x128xf32, #tpu.memory_space<vmem_shared>>
        tpu.enqueue_dma source(%dma_start3A_369 : memref<40x128xf32, #tpu.memory_space<vmem_shared>>) target(%dma_start3A_367 : memref<40x128xf32, #tpu.memory_space<hbm>>) target_semaphore(%run_scoped3A : memref<!tpu.dma_semaphore, #tpu.memory_space<semaphore_mem>>)
        %dma_wait3A_370 = arith.constant 0 : i32
        %dma_wait3A_371 = tpu.memref_slice %arg6[%arg0, %multiple_of3A_364, %dma_wait3A_370] : memref<2x10000x128xf32, #tpu.memory_space<hbm>> -> memref<1x40x128xf32, #tpu.memory_space<hbm>>
        %dma_wait3A_372 = tpu.memref_squeeze %dma_wait3A_371 : memref<1x40x128xf32, #tpu.memory_space<hbm>> -> memref<40x128xf32, #tpu.memory_space<hbm>>
        %dma_wait3A_373 = arith.constant 0 : i32
        %dma_wait3A_374 = tpu.memref_slice %arg15[%multiple_of3A_364, %dma_wait3A_373] : memref<10000x128xf32, #tpu.memory_space<vmem_shared>> -> memref<40x128xf32, #tpu.memory_space<vmem_shared>>
        tpu.wait_dma2 semaphore(%run_scoped3A : memref<!tpu.dma_semaphore, #tpu.memory_space<semaphore_mem>>) src(%dma_wait3A_374 : memref<40x128xf32, #tpu.memory_space<vmem_shared>>) dst(%dma_wait3A_372 : memref<40x128xf32, #tpu.memory_space<hbm>>)
        tpu.yield
      }) : () -> ()
    } else {
    }
    %add3A_313 = arith.constant 144 : i32
    %add3A_314 = arith.addi %arg1, %add3A_313 : i32
    %lt3A_315 = arith.constant 250 : i32
    %lt3A_316 = arith.cmpi slt, %add3A_314, %lt3A_315 : i32
    %convert_element_type3A_317 = arith.extui %lt3A_316 : i1 to i32
    %cond3A_318 = arith.constant 0 : i32
    %cond3A_319 = arith.cmpi ne, %convert_element_type3A_317, %cond3A_318 : i32
    scf.if %cond3A_319 {
      %mul3A_362 = arith.constant 40 : i32
      %mul3A_363 = arith.muli %add3A_314, %mul3A_362 : i32
      %multiple_of3A_364 = tpu.assume_multiple %mul3A_363, 40 : i32
      "tpu.region"() ({
        %run_scoped3A = tpu.sem_alloc : memref<!tpu.dma_semaphore, #tpu.memory_space<semaphore_mem>>
        %dma_start3A_365 = arith.constant 0 : i32
        %dma_start3A_366 = tpu.memref_slice %arg6[%arg0, %multiple_of3A_364, %dma_start3A_365] : memref<2x10000x128xf32, #tpu.memory_space<hbm>> -> memref<1x40x128xf32, #tpu.memory_space<hbm>>
        %dma_start3A_367 = tpu.memref_squeeze %dma_start3A_366 : memref<1x40x128xf32, #tpu.memory_space<hbm>> -> memref<40x128xf32, #tpu.memory_space<hbm>>
        %dma_start3A_368 = arith.constant 0 : i32
        %dma_start3A_369 = tpu.memref_slice %arg15[%multiple_of3A_364, %dma_start3A_368] : memref<10000x128xf32, #tpu.memory_space<vmem_shared>> -> memref<40x128xf32, #tpu.memory_space<vmem_shared>>
        tpu.enqueue_dma source(%dma_start3A_369 : memref<40x128xf32, #tpu.memory_space<vmem_shared>>) target(%dma_start3A_367 : memref<40x128xf32, #tpu.memory_space<hbm>>) target_semaphore(%run_scoped3A : memref<!tpu.dma_semaphore, #tpu.memory_space<semaphore_mem>>)
        %dma_wait3A_370 = arith.constant 0 : i32
        %dma_wait3A_371 = tpu.memref_slice %arg6[%arg0, %multiple_of3A_364, %dma_wait3A_370] : memref<2x10000x128xf32, #tpu.memory_space<hbm>> -> memref<1x40x128xf32, #tpu.memory_space<hbm>>
        %dma_wait3A_372 = tpu.memref_squeeze %dma_wait3A_371 : memref<1x40x128xf32, #tpu.memory_space<hbm>> -> memref<40x128xf32, #tpu.memory_space<hbm>>
        %dma_wait3A_373 = arith.constant 0 : i32
        %dma_wait3A_374 = tpu.memref_slice %arg15[%multiple_of3A_364, %dma_wait3A_373] : memref<10000x128xf32, #tpu.memory_space<vmem_shared>> -> memref<40x128xf32, #tpu.memory_space<vmem_shared>>
        tpu.wait_dma2 semaphore(%run_scoped3A : memref<!tpu.dma_semaphore, #tpu.memory_space<semaphore_mem>>) src(%dma_wait3A_374 : memref<40x128xf32, #tpu.memory_space<vmem_shared>>) dst(%dma_wait3A_372 : memref<40x128xf32, #tpu.memory_space<hbm>>)
        tpu.yield
      }) : () -> ()
    } else {
    }
    %add3A_320 = arith.constant 160 : i32
    %add3A_321 = arith.addi %arg1, %add3A_320 : i32
    %lt3A_322 = arith.constant 250 : i32
    %lt3A_323 = arith.cmpi slt, %add3A_321, %lt3A_322 : i32
    %convert_element_type3A_324 = arith.extui %lt3A_323 : i1 to i32
    %cond3A_325 = arith.constant 0 : i32
    %cond3A_326 = arith.cmpi ne, %convert_element_type3A_324, %cond3A_325 : i32
    scf.if %cond3A_326 {
      %mul3A_362 = arith.constant 40 : i32
      %mul3A_363 = arith.muli %add3A_321, %mul3A_362 : i32
      %multiple_of3A_364 = tpu.assume_multiple %mul3A_363, 40 : i32
      "tpu.region"() ({
        %run_scoped3A = tpu.sem_alloc : memref<!tpu.dma_semaphore, #tpu.memory_space<semaphore_mem>>
        %dma_start3A_365 = arith.constant 0 : i32
        %dma_start3A_366 = tpu.memref_slice %arg6[%arg0, %multiple_of3A_364, %dma_start3A_365] : memref<2x10000x128xf32, #tpu.memory_space<hbm>> -> memref<1x40x128xf32, #tpu.memory_space<hbm>>
        %dma_start3A_367 = tpu.memref_squeeze %dma_start3A_366 : memref<1x40x128xf32, #tpu.memory_space<hbm>> -> memref<40x128xf32, #tpu.memory_space<hbm>>
        %dma_start3A_368 = arith.constant 0 : i32
        %dma_start3A_369 = tpu.memref_slice %arg15[%multiple_of3A_364, %dma_start3A_368] : memref<10000x128xf32, #tpu.memory_space<vmem_shared>> -> memref<40x128xf32, #tpu.memory_space<vmem_shared>>
        tpu.enqueue_dma source(%dma_start3A_369 : memref<40x128xf32, #tpu.memory_space<vmem_shared>>) target(%dma_start3A_367 : memref<40x128xf32, #tpu.memory_space<hbm>>) target_semaphore(%run_scoped3A : memref<!tpu.dma_semaphore, #tpu.memory_space<semaphore_mem>>)
        %dma_wait3A_370 = arith.constant 0 : i32
        %dma_wait3A_371 = tpu.memref_slice %arg6[%arg0, %multiple_of3A_364, %dma_wait3A_370] : memref<2x10000x128xf32, #tpu.memory_space<hbm>> -> memref<1x40x128xf32, #tpu.memory_space<hbm>>
        %dma_wait3A_372 = tpu.memref_squeeze %dma_wait3A_371 : memref<1x40x128xf32, #tpu.memory_space<hbm>> -> memref<40x128xf32, #tpu.memory_space<hbm>>
        %dma_wait3A_373 = arith.constant 0 : i32
        %dma_wait3A_374 = tpu.memref_slice %arg15[%multiple_of3A_364, %dma_wait3A_373] : memref<10000x128xf32, #tpu.memory_space<vmem_shared>> -> memref<40x128xf32, #tpu.memory_space<vmem_shared>>
        tpu.wait_dma2 semaphore(%run_scoped3A : memref<!tpu.dma_semaphore, #tpu.memory_space<semaphore_mem>>) src(%dma_wait3A_374 : memref<40x128xf32, #tpu.memory_space<vmem_shared>>) dst(%dma_wait3A_372 : memref<40x128xf32, #tpu.memory_space<hbm>>)
        tpu.yield
      }) : () -> ()
    } else {
    }
    %add3A_327 = arith.constant 176 : i32
    %add3A_328 = arith.addi %arg1, %add3A_327 : i32
    %lt3A_329 = arith.constant 250 : i32
    %lt3A_330 = arith.cmpi slt, %add3A_328, %lt3A_329 : i32
    %convert_element_type3A_331 = arith.extui %lt3A_330 : i1 to i32
    %cond3A_332 = arith.constant 0 : i32
    %cond3A_333 = arith.cmpi ne, %convert_element_type3A_331, %cond3A_332 : i32
    scf.if %cond3A_333 {
      %mul3A_362 = arith.constant 40 : i32
      %mul3A_363 = arith.muli %add3A_328, %mul3A_362 : i32
      %multiple_of3A_364 = tpu.assume_multiple %mul3A_363, 40 : i32
      "tpu.region"() ({
        %run_scoped3A = tpu.sem_alloc : memref<!tpu.dma_semaphore, #tpu.memory_space<semaphore_mem>>
        %dma_start3A_365 = arith.constant 0 : i32
        %dma_start3A_366 = tpu.memref_slice %arg6[%arg0, %multiple_of3A_364, %dma_start3A_365] : memref<2x10000x128xf32, #tpu.memory_space<hbm>> -> memref<1x40x128xf32, #tpu.memory_space<hbm>>
        %dma_start3A_367 = tpu.memref_squeeze %dma_start3A_366 : memref<1x40x128xf32, #tpu.memory_space<hbm>> -> memref<40x128xf32, #tpu.memory_space<hbm>>
        %dma_start3A_368 = arith.constant 0 : i32
        %dma_start3A_369 = tpu.memref_slice %arg15[%multiple_of3A_364, %dma_start3A_368] : memref<10000x128xf32, #tpu.memory_space<vmem_shared>> -> memref<40x128xf32, #tpu.memory_space<vmem_shared>>
        tpu.enqueue_dma source(%dma_start3A_369 : memref<40x128xf32, #tpu.memory_space<vmem_shared>>) target(%dma_start3A_367 : memref<40x128xf32, #tpu.memory_space<hbm>>) target_semaphore(%run_scoped3A : memref<!tpu.dma_semaphore, #tpu.memory_space<semaphore_mem>>)
        %dma_wait3A_370 = arith.constant 0 : i32
        %dma_wait3A_371 = tpu.memref_slice %arg6[%arg0, %multiple_of3A_364, %dma_wait3A_370] : memref<2x10000x128xf32, #tpu.memory_space<hbm>> -> memref<1x40x128xf32, #tpu.memory_space<hbm>>
        %dma_wait3A_372 = tpu.memref_squeeze %dma_wait3A_371 : memref<1x40x128xf32, #tpu.memory_space<hbm>> -> memref<40x128xf32, #tpu.memory_space<hbm>>
        %dma_wait3A_373 = arith.constant 0 : i32
        %dma_wait3A_374 = tpu.memref_slice %arg15[%multiple_of3A_364, %dma_wait3A_373] : memref<10000x128xf32, #tpu.memory_space<vmem_shared>> -> memref<40x128xf32, #tpu.memory_space<vmem_shared>>
        tpu.wait_dma2 semaphore(%run_scoped3A : memref<!tpu.dma_semaphore, #tpu.memory_space<semaphore_mem>>) src(%dma_wait3A_374 : memref<40x128xf32, #tpu.memory_space<vmem_shared>>) dst(%dma_wait3A_372 : memref<40x128xf32, #tpu.memory_space<hbm>>)
        tpu.yield
      }) : () -> ()
    } else {
    }
    %add3A_334 = arith.constant 192 : i32
    %add3A_335 = arith.addi %arg1, %add3A_334 : i32
    %lt3A_336 = arith.constant 250 : i32
    %lt3A_337 = arith.cmpi slt, %add3A_335, %lt3A_336 : i32
    %convert_element_type3A_338 = arith.extui %lt3A_337 : i1 to i32
    %cond3A_339 = arith.constant 0 : i32
    %cond3A_340 = arith.cmpi ne, %convert_element_type3A_338, %cond3A_339 : i32
    scf.if %cond3A_340 {
      %mul3A_362 = arith.constant 40 : i32
      %mul3A_363 = arith.muli %add3A_335, %mul3A_362 : i32
      %multiple_of3A_364 = tpu.assume_multiple %mul3A_363, 40 : i32
      "tpu.region"() ({
        %run_scoped3A = tpu.sem_alloc : memref<!tpu.dma_semaphore, #tpu.memory_space<semaphore_mem>>
        %dma_start3A_365 = arith.constant 0 : i32
        %dma_start3A_366 = tpu.memref_slice %arg6[%arg0, %multiple_of3A_364, %dma_start3A_365] : memref<2x10000x128xf32, #tpu.memory_space<hbm>> -> memref<1x40x128xf32, #tpu.memory_space<hbm>>
        %dma_start3A_367 = tpu.memref_squeeze %dma_start3A_366 : memref<1x40x128xf32, #tpu.memory_space<hbm>> -> memref<40x128xf32, #tpu.memory_space<hbm>>
        %dma_start3A_368 = arith.constant 0 : i32
        %dma_start3A_369 = tpu.memref_slice %arg15[%multiple_of3A_364, %dma_start3A_368] : memref<10000x128xf32, #tpu.memory_space<vmem_shared>> -> memref<40x128xf32, #tpu.memory_space<vmem_shared>>
        tpu.enqueue_dma source(%dma_start3A_369 : memref<40x128xf32, #tpu.memory_space<vmem_shared>>) target(%dma_start3A_367 : memref<40x128xf32, #tpu.memory_space<hbm>>) target_semaphore(%run_scoped3A : memref<!tpu.dma_semaphore, #tpu.memory_space<semaphore_mem>>)
        %dma_wait3A_370 = arith.constant 0 : i32
        %dma_wait3A_371 = tpu.memref_slice %arg6[%arg0, %multiple_of3A_364, %dma_wait3A_370] : memref<2x10000x128xf32, #tpu.memory_space<hbm>> -> memref<1x40x128xf32, #tpu.memory_space<hbm>>
        %dma_wait3A_372 = tpu.memref_squeeze %dma_wait3A_371 : memref<1x40x128xf32, #tpu.memory_space<hbm>> -> memref<40x128xf32, #tpu.memory_space<hbm>>
        %dma_wait3A_373 = arith.constant 0 : i32
        %dma_wait3A_374 = tpu.memref_slice %arg15[%multiple_of3A_364, %dma_wait3A_373] : memref<10000x128xf32, #tpu.memory_space<vmem_shared>> -> memref<40x128xf32, #tpu.memory_space<vmem_shared>>
        tpu.wait_dma2 semaphore(%run_scoped3A : memref<!tpu.dma_semaphore, #tpu.memory_space<semaphore_mem>>) src(%dma_wait3A_374 : memref<40x128xf32, #tpu.memory_space<vmem_shared>>) dst(%dma_wait3A_372 : memref<40x128xf32, #tpu.memory_space<hbm>>)
        tpu.yield
      }) : () -> ()
    } else {
    }
    %add3A_341 = arith.constant 208 : i32
    %add3A_342 = arith.addi %arg1, %add3A_341 : i32
    %lt3A_343 = arith.constant 250 : i32
    %lt3A_344 = arith.cmpi slt, %add3A_342, %lt3A_343 : i32
    %convert_element_type3A_345 = arith.extui %lt3A_344 : i1 to i32
    %cond3A_346 = arith.constant 0 : i32
    %cond3A_347 = arith.cmpi ne, %convert_element_type3A_345, %cond3A_346 : i32
    scf.if %cond3A_347 {
      %mul3A_362 = arith.constant 40 : i32
      %mul3A_363 = arith.muli %add3A_342, %mul3A_362 : i32
      %multiple_of3A_364 = tpu.assume_multiple %mul3A_363, 40 : i32
      "tpu.region"() ({
        %run_scoped3A = tpu.sem_alloc : memref<!tpu.dma_semaphore, #tpu.memory_space<semaphore_mem>>
        %dma_start3A_365 = arith.constant 0 : i32
        %dma_start3A_366 = tpu.memref_slice %arg6[%arg0, %multiple_of3A_364, %dma_start3A_365] : memref<2x10000x128xf32, #tpu.memory_space<hbm>> -> memref<1x40x128xf32, #tpu.memory_space<hbm>>
        %dma_start3A_367 = tpu.memref_squeeze %dma_start3A_366 : memref<1x40x128xf32, #tpu.memory_space<hbm>> -> memref<40x128xf32, #tpu.memory_space<hbm>>
        %dma_start3A_368 = arith.constant 0 : i32
        %dma_start3A_369 = tpu.memref_slice %arg15[%multiple_of3A_364, %dma_start3A_368] : memref<10000x128xf32, #tpu.memory_space<vmem_shared>> -> memref<40x128xf32, #tpu.memory_space<vmem_shared>>
        tpu.enqueue_dma source(%dma_start3A_369 : memref<40x128xf32, #tpu.memory_space<vmem_shared>>) target(%dma_start3A_367 : memref<40x128xf32, #tpu.memory_space<hbm>>) target_semaphore(%run_scoped3A : memref<!tpu.dma_semaphore, #tpu.memory_space<semaphore_mem>>)
        %dma_wait3A_370 = arith.constant 0 : i32
        %dma_wait3A_371 = tpu.memref_slice %arg6[%arg0, %multiple_of3A_364, %dma_wait3A_370] : memref<2x10000x128xf32, #tpu.memory_space<hbm>> -> memref<1x40x128xf32, #tpu.memory_space<hbm>>
        %dma_wait3A_372 = tpu.memref_squeeze %dma_wait3A_371 : memref<1x40x128xf32, #tpu.memory_space<hbm>> -> memref<40x128xf32, #tpu.memory_space<hbm>>
        %dma_wait3A_373 = arith.constant 0 : i32
        %dma_wait3A_374 = tpu.memref_slice %arg15[%multiple_of3A_364, %dma_wait3A_373] : memref<10000x128xf32, #tpu.memory_space<vmem_shared>> -> memref<40x128xf32, #tpu.memory_space<vmem_shared>>
        tpu.wait_dma2 semaphore(%run_scoped3A : memref<!tpu.dma_semaphore, #tpu.memory_space<semaphore_mem>>) src(%dma_wait3A_374 : memref<40x128xf32, #tpu.memory_space<vmem_shared>>) dst(%dma_wait3A_372 : memref<40x128xf32, #tpu.memory_space<hbm>>)
        tpu.yield
      }) : () -> ()
    } else {
    }
    %add3A_348 = arith.constant 224 : i32
    %add3A_349 = arith.addi %arg1, %add3A_348 : i32
    %lt3A_350 = arith.constant 250 : i32
    %lt3A_351 = arith.cmpi slt, %add3A_349, %lt3A_350 : i32
    %convert_element_type3A_352 = arith.extui %lt3A_351 : i1 to i32
    %cond3A_353 = arith.constant 0 : i32
    %cond3A_354 = arith.cmpi ne, %convert_element_type3A_352, %cond3A_353 : i32
    scf.if %cond3A_354 {
      %mul3A_362 = arith.constant 40 : i32
      %mul3A_363 = arith.muli %add3A_349, %mul3A_362 : i32
      %multiple_of3A_364 = tpu.assume_multiple %mul3A_363, 40 : i32
      "tpu.region"() ({
        %run_scoped3A = tpu.sem_alloc : memref<!tpu.dma_semaphore, #tpu.memory_space<semaphore_mem>>
        %dma_start3A_365 = arith.constant 0 : i32
        %dma_start3A_366 = tpu.memref_slice %arg6[%arg0, %multiple_of3A_364, %dma_start3A_365] : memref<2x10000x128xf32, #tpu.memory_space<hbm>> -> memref<1x40x128xf32, #tpu.memory_space<hbm>>
        %dma_start3A_367 = tpu.memref_squeeze %dma_start3A_366 : memref<1x40x128xf32, #tpu.memory_space<hbm>> -> memref<40x128xf32, #tpu.memory_space<hbm>>
        %dma_start3A_368 = arith.constant 0 : i32
        %dma_start3A_369 = tpu.memref_slice %arg15[%multiple_of3A_364, %dma_start3A_368] : memref<10000x128xf32, #tpu.memory_space<vmem_shared>> -> memref<40x128xf32, #tpu.memory_space<vmem_shared>>
        tpu.enqueue_dma source(%dma_start3A_369 : memref<40x128xf32, #tpu.memory_space<vmem_shared>>) target(%dma_start3A_367 : memref<40x128xf32, #tpu.memory_space<hbm>>) target_semaphore(%run_scoped3A : memref<!tpu.dma_semaphore, #tpu.memory_space<semaphore_mem>>)
        %dma_wait3A_370 = arith.constant 0 : i32
        %dma_wait3A_371 = tpu.memref_slice %arg6[%arg0, %multiple_of3A_364, %dma_wait3A_370] : memref<2x10000x128xf32, #tpu.memory_space<hbm>> -> memref<1x40x128xf32, #tpu.memory_space<hbm>>
        %dma_wait3A_372 = tpu.memref_squeeze %dma_wait3A_371 : memref<1x40x128xf32, #tpu.memory_space<hbm>> -> memref<40x128xf32, #tpu.memory_space<hbm>>
        %dma_wait3A_373 = arith.constant 0 : i32
        %dma_wait3A_374 = tpu.memref_slice %arg15[%multiple_of3A_364, %dma_wait3A_373] : memref<10000x128xf32, #tpu.memory_space<vmem_shared>> -> memref<40x128xf32, #tpu.memory_space<vmem_shared>>
        tpu.wait_dma2 semaphore(%run_scoped3A : memref<!tpu.dma_semaphore, #tpu.memory_space<semaphore_mem>>) src(%dma_wait3A_374 : memref<40x128xf32, #tpu.memory_space<vmem_shared>>) dst(%dma_wait3A_372 : memref<40x128xf32, #tpu.memory_space<hbm>>)
        tpu.yield
      }) : () -> ()
    } else {
    }
    %add3A_355 = arith.constant 240 : i32
    %add3A_356 = arith.addi %arg1, %add3A_355 : i32
    %lt3A_357 = arith.constant 250 : i32
    %lt3A_358 = arith.cmpi slt, %add3A_356, %lt3A_357 : i32
    %convert_element_type3A_359 = arith.extui %lt3A_358 : i1 to i32
    %cond3A_360 = arith.constant 0 : i32
    %cond3A_361 = arith.cmpi ne, %convert_element_type3A_359, %cond3A_360 : i32
    scf.if %cond3A_361 {
      %mul3A_362 = arith.constant 40 : i32
      %mul3A_363 = arith.muli %add3A_356, %mul3A_362 : i32
      %multiple_of3A_364 = tpu.assume_multiple %mul3A_363, 40 : i32
      "tpu.region"() ({
        %run_scoped3A = tpu.sem_alloc : memref<!tpu.dma_semaphore, #tpu.memory_space<semaphore_mem>>
        %dma_start3A_365 = arith.constant 0 : i32
        %dma_start3A_366 = tpu.memref_slice %arg6[%arg0, %multiple_of3A_364, %dma_start3A_365] : memref<2x10000x128xf32, #tpu.memory_space<hbm>> -> memref<1x40x128xf32, #tpu.memory_space<hbm>>
        %dma_start3A_367 = tpu.memref_squeeze %dma_start3A_366 : memref<1x40x128xf32, #tpu.memory_space<hbm>> -> memref<40x128xf32, #tpu.memory_space<hbm>>
        %dma_start3A_368 = arith.constant 0 : i32
        %dma_start3A_369 = tpu.memref_slice %arg15[%multiple_of3A_364, %dma_start3A_368] : memref<10000x128xf32, #tpu.memory_space<vmem_shared>> -> memref<40x128xf32, #tpu.memory_space<vmem_shared>>
        tpu.enqueue_dma source(%dma_start3A_369 : memref<40x128xf32, #tpu.memory_space<vmem_shared>>) target(%dma_start3A_367 : memref<40x128xf32, #tpu.memory_space<hbm>>) target_semaphore(%run_scoped3A : memref<!tpu.dma_semaphore, #tpu.memory_space<semaphore_mem>>)
        %dma_wait3A_370 = arith.constant 0 : i32
        %dma_wait3A_371 = tpu.memref_slice %arg6[%arg0, %multiple_of3A_364, %dma_wait3A_370] : memref<2x10000x128xf32, #tpu.memory_space<hbm>> -> memref<1x40x128xf32, #tpu.memory_space<hbm>>
        %dma_wait3A_372 = tpu.memref_squeeze %dma_wait3A_371 : memref<1x40x128xf32, #tpu.memory_space<hbm>> -> memref<40x128xf32, #tpu.memory_space<hbm>>
        %dma_wait3A_373 = arith.constant 0 : i32
        %dma_wait3A_374 = tpu.memref_slice %arg15[%multiple_of3A_364, %dma_wait3A_373] : memref<10000x128xf32, #tpu.memory_space<vmem_shared>> -> memref<40x128xf32, #tpu.memory_space<vmem_shared>>
        tpu.wait_dma2 semaphore(%run_scoped3A : memref<!tpu.dma_semaphore, #tpu.memory_space<semaphore_mem>>) src(%dma_wait3A_374 : memref<40x128xf32, #tpu.memory_space<vmem_shared>>) dst(%dma_wait3A_372 : memref<40x128xf32, #tpu.memory_space<hbm>>)
        tpu.yield
      }) : () -> ()
    } else {
    }
    return
  }
}

#map = affine_map<(d0, d1) -> (0, 0)>
#map1 = affine_map<(d0, d1) -> (0)>
#map2 = affine_map<(d0, d1) -> (0, 0, 0)>
module attributes {stable_mosaic.version = 14 : i64} {
  func.func @_sc_body(%arg0: i32, %arg1: i32, %arg2: memref<10000x128xf32, #tpu.memory_space<hbm>>, %arg3: memref<160000x128xf32, #tpu.memory_space<hbm>>, %arg4: memref<320000xi32, #tpu.memory_space<hbm>>, %arg5: memref<320000xi32, #tpu.memory_space<hbm>>, %arg6: memref<2x10000x128xf32, #tpu.memory_space<hbm>>, %arg7: memref<40xi32, #tpu.memory_space<vmem>>, %arg8: memref<40xi32, #tpu.memory_space<vmem>>, %arg9: memref<40xi32, #tpu.memory_space<vmem>>, %arg10: memref<40xi32, #tpu.memory_space<vmem>>, %arg11: memref<40x128xf32, #tpu.memory_space<vmem>>, %arg12: memref<40x128xf32, #tpu.memory_space<vmem>>, %arg13: memref<40x128xf32, #tpu.memory_space<vmem>>, %arg14: memref<40x128xf32, #tpu.memory_space<vmem>>, %arg15: memref<10000x128xf32, #tpu.memory_space<vmem_shared>>, %arg16: memref<!tpu.dma_semaphore, #tpu.memory_space<semaphore_mem>>, %arg17: memref<!tpu.dma_semaphore, #tpu.memory_space<semaphore_mem>>, %arg18: memref<!tpu.dma_semaphore, #tpu.memory_space<semaphore_mem>>, %arg19: memref<!tpu.dma_semaphore, #tpu.memory_space<semaphore_mem>>, %arg20: memref<!tpu.dma_semaphore, #tpu.memory_space<semaphore_mem>>, %arg21: memref<!tpu.dma_semaphore, #tpu.memory_space<semaphore_mem>>, %arg22: memref<!tpu.dma_semaphore, #tpu.memory_space<semaphore_mem>>, %arg23: memref<!tpu.dma_semaphore, #tpu.memory_space<semaphore_mem>>, %arg24: memref<!tpu.dma_semaphore, #tpu.memory_space<semaphore_mem>>, %arg25: memref<!tpu.dma_semaphore, #tpu.memory_space<semaphore_mem>>) attributes {dimension_semantics = [#tpu.dimension_semantics<core_parallel>, #tpu.dimension_semantics<subcore_parallel>], iteration_bounds = array<i64: 2, 16>, scalar_prefetch = 0 : i64, scratch_operands = 19 : i64, tpu.core_type = #tpu.core_type<sc_vector_subcore>, window_params = [{transform_indices = #map}, {transform_indices = #map}, {transform_indices = #map1}, {transform_indices = #map1}, {transform_indices = #map2}]} {
    %mul3A = arith.constant 2 : i32
    %mul3A_0 = arith.muli %arg1, %mul3A : i32
    %add3A = arith.addi %mul3A_0, %arg0 : i32
    %mul3A_1 = arith.constant 5000 : i32
    %mul3A_2 = arith.muli %add3A, %mul3A_1 : i32
    %multiple_of3A = tpu.assume_multiple %mul3A_2, 5000 : i32
    %scan3A = arith.constant 0 : i32
    %scan3A_3 = arith.constant 0 : i32
    %scan3A_4 = arith.constant 40 : i32
    %scan3A_5 = arith.addi %scan3A_3, %scan3A_4 : i32
    %scan3A_6 = arith.constant 1 : i32
    %scan3A_7 = scf.for %scan3A_362 = %scan3A_3 to %scan3A_5 step %scan3A_6 iter_args(%scan3A_363 = %scan3A) -> (i32)  : i32 {
      %broadcast_in_dim3A = arith.constant 0.000000e+00 : f32
      %broadcast_in_dim3A_364 = vector.broadcast %broadcast_in_dim3A : f32 to vector<16xf32>
      %swap3A = arith.index_cast %scan3A_362 : i32 to index
      %swap3A_365 = arith.constant 0 : index
      %swap3A_366 = tpu.vector_load %arg11[%swap3A, %swap3A_365] {strides = array<i32>} : memref<40x128xf32, #tpu.memory_space<vmem>>, vector<1x16xf32>,
      %swap3A_367 = vector.shape_cast %swap3A_366 : vector<1x16xf32> to vector<16xf32>
      %swap3A_368 = vector.shape_cast %broadcast_in_dim3A_364 : vector<16xf32> to vector<1x16xf32>
      tpu.vector_store %arg11[%swap3A, %swap3A_365], %swap3A_368 {strides = array<i32>} : memref<40x128xf32, #tpu.memory_space<vmem>>, vector<1x16xf32>,
      %broadcast_in_dim3A_369 = arith.constant 0.000000e+00 : f32
      %broadcast_in_dim3A_370 = vector.broadcast %broadcast_in_dim3A_369 : f32 to vector<16xf32>
      %swap3A_371 = arith.index_cast %scan3A_362 : i32 to index
      %swap3A_372 = arith.constant 16 : index
      %swap3A_373 = tpu.vector_load %arg11[%swap3A_371, %swap3A_372] {strides = array<i32>} : memref<40x128xf32, #tpu.memory_space<vmem>>, vector<1x16xf32>,
      %swap3A_374 = vector.shape_cast %swap3A_373 : vector<1x16xf32> to vector<16xf32>
      %swap3A_375 = vector.shape_cast %broadcast_in_dim3A_370 : vector<16xf32> to vector<1x16xf32>
      tpu.vector_store %arg11[%swap3A_371, %swap3A_372], %swap3A_375 {strides = array<i32>} : memref<40x128xf32, #tpu.memory_space<vmem>>, vector<1x16xf32>,
      %broadcast_in_dim3A_376 = arith.constant 0.000000e+00 : f32
      %broadcast_in_dim3A_377 = vector.broadcast %broadcast_in_dim3A_376 : f32 to vector<16xf32>
      %swap3A_378 = arith.index_cast %scan3A_362 : i32 to index
      %swap3A_379 = arith.constant 32 : index
      %swap3A_380 = tpu.vector_load %arg11[%swap3A_378, %swap3A_379] {strides = array<i32>} : memref<40x128xf32, #tpu.memory_space<vmem>>, vector<1x16xf32>,
      %swap3A_381 = vector.shape_cast %swap3A_380 : vector<1x16xf32> to vector<16xf32>
      %swap3A_382 = vector.shape_cast %broadcast_in_dim3A_377 : vector<16xf32> to vector<1x16xf32>
      tpu.vector_store %arg11[%swap3A_378, %swap3A_379], %swap3A_382 {strides = array<i32>} : memref<40x128xf32, #tpu.memory_space<vmem>>, vector<1x16xf32>,
      %broadcast_in_dim3A_383 = arith.constant 0.000000e+00 : f32
      %broadcast_in_dim3A_384 = vector.broadcast %broadcast_in_dim3A_383 : f32 to vector<16xf32>
      %swap3A_385 = arith.index_cast %scan3A_362 : i32 to index
      %swap3A_386 = arith.constant 48 : index
      %swap3A_387 = tpu.vector_load %arg11[%swap3A_385, %swap3A_386] {strides = array<i32>} : memref<40x128xf32, #tpu.memory_space<vmem>>, vector<1x16xf32>,
      %swap3A_388 = vector.shape_cast %swap3A_387 : vector<1x16xf32> to vector<16xf32>
      %swap3A_389 = vector.shape_cast %broadcast_in_dim3A_384 : vector<16xf32> to vector<1x16xf32>
      tpu.vector_store %arg11[%swap3A_385, %swap3A_386], %swap3A_389 {strides = array<i32>} : memref<40x128xf32, #tpu.memory_space<vmem>>, vector<1x16xf32>,
      %broadcast_in_dim3A_390 = arith.constant 0.000000e+00 : f32
      %broadcast_in_dim3A_391 = vector.broadcast %broadcast_in_dim3A_390 : f32 to vector<16xf32>
      %swap3A_392 = arith.index_cast %scan3A_362 : i32 to index
      %swap3A_393 = arith.constant 64 : index
      %swap3A_394 = tpu.vector_load %arg11[%swap3A_392, %swap3A_393] {strides = array<i32>} : memref<40x128xf32, #tpu.memory_space<vmem>>, vector<1x16xf32>,
      %swap3A_395 = vector.shape_cast %swap3A_394 : vector<1x16xf32> to vector<16xf32>
      %swap3A_396 = vector.shape_cast %broadcast_in_dim3A_391 : vector<16xf32> to vector<1x16xf32>
      tpu.vector_store %arg11[%swap3A_392, %swap3A_393], %swap3A_396 {strides = array<i32>} : memref<40x128xf32, #tpu.memory_space<vmem>>, vector<1x16xf32>,
      %broadcast_in_dim3A_397 = arith.constant 0.000000e+00 : f32
      %broadcast_in_dim3A_398 = vector.broadcast %broadcast_in_dim3A_397 : f32 to vector<16xf32>
      %swap3A_399 = arith.index_cast %scan3A_362 : i32 to index
      %swap3A_400 = arith.constant 80 : index
      %swap3A_401 = tpu.vector_load %arg11[%swap3A_399, %swap3A_400] {strides = array<i32>} : memref<40x128xf32, #tpu.memory_space<vmem>>, vector<1x16xf32>,
      %swap3A_402 = vector.shape_cast %swap3A_401 : vector<1x16xf32> to vector<16xf32>
      %swap3A_403 = vector.shape_cast %broadcast_in_dim3A_398 : vector<16xf32> to vector<1x16xf32>
      tpu.vector_store %arg11[%swap3A_399, %swap3A_400], %swap3A_403 {strides = array<i32>} : memref<40x128xf32, #tpu.memory_space<vmem>>, vector<1x16xf32>,
      %broadcast_in_dim3A_404 = arith.constant 0.000000e+00 : f32
      %broadcast_in_dim3A_405 = vector.broadcast %broadcast_in_dim3A_404 : f32 to vector<16xf32>
      %swap3A_406 = arith.index_cast %scan3A_362 : i32 to index
      %swap3A_407 = arith.constant 96 : index
      %swap3A_408 = tpu.vector_load %arg11[%swap3A_406, %swap3A_407] {strides = array<i32>} : memref<40x128xf32, #tpu.memory_space<vmem>>, vector<1x16xf32>,
      %swap3A_409 = vector.shape_cast %swap3A_408 : vector<1x16xf32> to vector<16xf32>
      %swap3A_410 = vector.shape_cast %broadcast_in_dim3A_405 : vector<16xf32> to vector<1x16xf32>
      tpu.vector_store %arg11[%swap3A_406, %swap3A_407], %swap3A_410 {strides = array<i32>} : memref<40x128xf32, #tpu.memory_space<vmem>>, vector<1x16xf32>,
      %broadcast_in_dim3A_411 = arith.constant 0.000000e+00 : f32
      %broadcast_in_dim3A_412 = vector.broadcast %broadcast_in_dim3A_411 : f32 to vector<16xf32>
      %swap3A_413 = arith.index_cast %scan3A_362 : i32 to index
      %swap3A_414 = arith.constant 112 : index
      %swap3A_415 = tpu.vector_load %arg11[%swap3A_413, %swap3A_414] {strides = array<i32>} : memref<40x128xf32, #tpu.memory_space<vmem>>, vector<1x16xf32>,
      %swap3A_416 = vector.shape_cast %swap3A_415 : vector<1x16xf32> to vector<16xf32>
      %swap3A_417 = vector.shape_cast %broadcast_in_dim3A_412 : vector<16xf32> to vector<1x16xf32>
      tpu.vector_store %arg11[%swap3A_413, %swap3A_414], %swap3A_417 {strides = array<i32>} : memref<40x128xf32, #tpu.memory_space<vmem>>, vector<1x16xf32>,
      %scan3A_418 = arith.constant 0 : i32
      scf.yield %scan3A_418 : i32
    }
    %scan3A_8 = arith.constant 40 : i32
    %add3A_9 = arith.constant 0 : i32
    %add3A_10 = arith.addi %arg1, %add3A_9 : i32
    %lt3A = arith.constant 250 : i32
    %lt3A_11 = arith.cmpi slt, %add3A_10, %lt3A : i32
    %convert_element_type3A = arith.extui %lt3A_11 : i1 to i32
    %cond3A = arith.constant 0 : i32
    %cond3A_12 = arith.cmpi ne, %convert_element_type3A, %cond3A : i32
    scf.if %cond3A_12 {
      %mul3A_362 = arith.constant 40 : i32
      %mul3A_363 = arith.muli %add3A_10, %mul3A_362 : i32
      %multiple_of3A_364 = tpu.assume_multiple %mul3A_363, 40 : i32
      "tpu.region"() ({
        %run_scoped3A = tpu.sem_alloc : memref<!tpu.dma_semaphore, #tpu.memory_space<semaphore_mem>>
        %dma_start3A_365 = arith.constant 0 : i32
        %dma_start3A_366 = arith.constant 0 : i32
        %dma_start3A_367 = tpu.memref_slice %arg11[%dma_start3A_365, %dma_start3A_366] : memref<40x128xf32, #tpu.memory_space<vmem>> -> memref<40x128xf32, #tpu.memory_space<vmem>>
        %dma_start3A_368 = arith.constant 0 : i32
        %dma_start3A_369 = tpu.memref_slice %arg15[%multiple_of3A_364, %dma_start3A_368] : memref<10000x128xf32, #tpu.memory_space<vmem_shared>> -> memref<40x128xf32, #tpu.memory_space<vmem_shared>>
        %dma_start3A_370 = arith.constant 0 : i32
        %dma_start3A_371 = tpu.memref_slice %arg15[%multiple_of3A_364, %dma_start3A_370] : memref<10000x128xf32, #tpu.memory_space<vmem_shared>> -> memref<40x128xf32, #tpu.memory_space<vmem_shared>>
        %dma_start3A_372 = arith.constant 0 : i32
        %dma_start3A_373 = arith.constant 0 : i32
        %dma_start3A_374 = tpu.memref_slice %arg11[%dma_start3A_372, %dma_start3A_373] : memref<40x128xf32, #tpu.memory_space<vmem>> -> memref<40x128xf32, #tpu.memory_space<vmem>>
        tpu.enqueue_dma source(%dma_start3A_374 : memref<40x128xf32, #tpu.memory_space<vmem>>) target(%dma_start3A_371 : memref<40x128xf32, #tpu.memory_space<vmem_shared>>) target_semaphore(%run_scoped3A : memref<!tpu.dma_semaphore, #tpu.memory_space<semaphore_mem>>)
        %dma_wait3A_375 = arith.constant 0 : i32
        %dma_wait3A_376 = arith.constant 0 : i32
        %dma_wait3A_377 = tpu.memref_slice %arg11[%dma_wait3A_375, %dma_wait3A_376] : memref<40x128xf32, #tpu.memory_space<vmem>> -> memref<40x128xf32, #tpu.memory_space<vmem>>
        %dma_wait3A_378 = arith.constant 0 : i32
        %dma_wait3A_379 = tpu.memref_slice %arg15[%multiple_of3A_364, %dma_wait3A_378] : memref<10000x128xf32, #tpu.memory_space<vmem_shared>> -> memref<40x128xf32, #tpu.memory_space<vmem_shared>>
        %dma_wait3A_380 = arith.constant 0 : i32
        %dma_wait3A_381 = tpu.memref_slice %arg15[%multiple_of3A_364, %dma_wait3A_380] : memref<10000x128xf32, #tpu.memory_space<vmem_shared>> -> memref<40x128xf32, #tpu.memory_space<vmem_shared>>
        %dma_wait3A_382 = arith.constant 0 : i32
        %dma_wait3A_383 = arith.constant 0 : i32
        %dma_wait3A_384 = tpu.memref_slice %arg11[%dma_wait3A_382, %dma_wait3A_383] : memref<40x128xf32, #tpu.memory_space<vmem>> -> memref<40x128xf32, #tpu.memory_space<vmem>>
        tpu.wait_dma2 semaphore(%run_scoped3A : memref<!tpu.dma_semaphore, #tpu.memory_space<semaphore_mem>>) src(%dma_wait3A_384 : memref<40x128xf32, #tpu.memory_space<vmem>>) dst(%dma_wait3A_381 : memref<40x128xf32, #tpu.memory_space<vmem_shared>>)
        tpu.yield
      }) : () -> ()
    } else {
    }
    %add3A_13 = arith.constant 16 : i32
    %add3A_14 = arith.addi %arg1, %add3A_13 : i32
    %lt3A_15 = arith.constant 250 : i32
    %lt3A_16 = arith.cmpi slt, %add3A_14, %lt3A_15 : i32
    %convert_element_type3A_17 = arith.extui %lt3A_16 : i1 to i32
    %cond3A_18 = arith.constant 0 : i32
    %cond3A_19 = arith.cmpi ne, %convert_element_type3A_17, %cond3A_18 : i32
    scf.if %cond3A_19 {
      %mul3A_362 = arith.constant 40 : i32
      %mul3A_363 = arith.muli %add3A_14, %mul3A_362 : i32
      %multiple_of3A_364 = tpu.assume_multiple %mul3A_363, 40 : i32
      "tpu.region"() ({
        %run_scoped3A = tpu.sem_alloc : memref<!tpu.dma_semaphore, #tpu.memory_space<semaphore_mem>>
        %dma_start3A_365 = arith.constant 0 : i32
        %dma_start3A_366 = arith.constant 0 : i32
        %dma_start3A_367 = tpu.memref_slice %arg11[%dma_start3A_365, %dma_start3A_366] : memref<40x128xf32, #tpu.memory_space<vmem>> -> memref<40x128xf32, #tpu.memory_space<vmem>>
        %dma_start3A_368 = arith.constant 0 : i32
        %dma_start3A_369 = tpu.memref_slice %arg15[%multiple_of3A_364, %dma_start3A_368] : memref<10000x128xf32, #tpu.memory_space<vmem_shared>> -> memref<40x128xf32, #tpu.memory_space<vmem_shared>>
        %dma_start3A_370 = arith.constant 0 : i32
        %dma_start3A_371 = tpu.memref_slice %arg15[%multiple_of3A_364, %dma_start3A_370] : memref<10000x128xf32, #tpu.memory_space<vmem_shared>> -> memref<40x128xf32, #tpu.memory_space<vmem_shared>>
        %dma_start3A_372 = arith.constant 0 : i32
        %dma_start3A_373 = arith.constant 0 : i32
        %dma_start3A_374 = tpu.memref_slice %arg11[%dma_start3A_372, %dma_start3A_373] : memref<40x128xf32, #tpu.memory_space<vmem>> -> memref<40x128xf32, #tpu.memory_space<vmem>>
        tpu.enqueue_dma source(%dma_start3A_374 : memref<40x128xf32, #tpu.memory_space<vmem>>) target(%dma_start3A_371 : memref<40x128xf32, #tpu.memory_space<vmem_shared>>) target_semaphore(%run_scoped3A : memref<!tpu.dma_semaphore, #tpu.memory_space<semaphore_mem>>)
        %dma_wait3A_375 = arith.constant 0 : i32
        %dma_wait3A_376 = arith.constant 0 : i32
        %dma_wait3A_377 = tpu.memref_slice %arg11[%dma_wait3A_375, %dma_wait3A_376] : memref<40x128xf32, #tpu.memory_space<vmem>> -> memref<40x128xf32, #tpu.memory_space<vmem>>
        %dma_wait3A_378 = arith.constant 0 : i32
        %dma_wait3A_379 = tpu.memref_slice %arg15[%multiple_of3A_364, %dma_wait3A_378] : memref<10000x128xf32, #tpu.memory_space<vmem_shared>> -> memref<40x128xf32, #tpu.memory_space<vmem_shared>>
        %dma_wait3A_380 = arith.constant 0 : i32
        %dma_wait3A_381 = tpu.memref_slice %arg15[%multiple_of3A_364, %dma_wait3A_380] : memref<10000x128xf32, #tpu.memory_space<vmem_shared>> -> memref<40x128xf32, #tpu.memory_space<vmem_shared>>
        %dma_wait3A_382 = arith.constant 0 : i32
        %dma_wait3A_383 = arith.constant 0 : i32
        %dma_wait3A_384 = tpu.memref_slice %arg11[%dma_wait3A_382, %dma_wait3A_383] : memref<40x128xf32, #tpu.memory_space<vmem>> -> memref<40x128xf32, #tpu.memory_space<vmem>>
        tpu.wait_dma2 semaphore(%run_scoped3A : memref<!tpu.dma_semaphore, #tpu.memory_space<semaphore_mem>>) src(%dma_wait3A_384 : memref<40x128xf32, #tpu.memory_space<vmem>>) dst(%dma_wait3A_381 : memref<40x128xf32, #tpu.memory_space<vmem_shared>>)
        tpu.yield
      }) : () -> ()
    } else {
    }
    %add3A_20 = arith.constant 32 : i32
    %add3A_21 = arith.addi %arg1, %add3A_20 : i32
    %lt3A_22 = arith.constant 250 : i32
    %lt3A_23 = arith.cmpi slt, %add3A_21, %lt3A_22 : i32
    %convert_element_type3A_24 = arith.extui %lt3A_23 : i1 to i32
    %cond3A_25 = arith.constant 0 : i32
    %cond3A_26 = arith.cmpi ne, %convert_element_type3A_24, %cond3A_25 : i32
    scf.if %cond3A_26 {
      %mul3A_362 = arith.constant 40 : i32
      %mul3A_363 = arith.muli %add3A_21, %mul3A_362 : i32
      %multiple_of3A_364 = tpu.assume_multiple %mul3A_363, 40 : i32
      "tpu.region"() ({
        %run_scoped3A = tpu.sem_alloc : memref<!tpu.dma_semaphore, #tpu.memory_space<semaphore_mem>>
        %dma_start3A_365 = arith.constant 0 : i32
        %dma_start3A_366 = arith.constant 0 : i32
        %dma_start3A_367 = tpu.memref_slice %arg11[%dma_start3A_365, %dma_start3A_366] : memref<40x128xf32, #tpu.memory_space<vmem>> -> memref<40x128xf32, #tpu.memory_space<vmem>>
        %dma_start3A_368 = arith.constant 0 : i32
        %dma_start3A_369 = tpu.memref_slice %arg15[%multiple_of3A_364, %dma_start3A_368] : memref<10000x128xf32, #tpu.memory_space<vmem_shared>> -> memref<40x128xf32, #tpu.memory_space<vmem_shared>>
        %dma_start3A_370 = arith.constant 0 : i32
        %dma_start3A_371 = tpu.memref_slice %arg15[%multiple_of3A_364, %dma_start3A_370] : memref<10000x128xf32, #tpu.memory_space<vmem_shared>> -> memref<40x128xf32, #tpu.memory_space<vmem_shared>>
        %dma_start3A_372 = arith.constant 0 : i32
        %dma_start3A_373 = arith.constant 0 : i32
        %dma_start3A_374 = tpu.memref_slice %arg11[%dma_start3A_372, %dma_start3A_373] : memref<40x128xf32, #tpu.memory_space<vmem>> -> memref<40x128xf32, #tpu.memory_space<vmem>>
        tpu.enqueue_dma source(%dma_start3A_374 : memref<40x128xf32, #tpu.memory_space<vmem>>) target(%dma_start3A_371 : memref<40x128xf32, #tpu.memory_space<vmem_shared>>) target_semaphore(%run_scoped3A : memref<!tpu.dma_semaphore, #tpu.memory_space<semaphore_mem>>)
        %dma_wait3A_375 = arith.constant 0 : i32
        %dma_wait3A_376 = arith.constant 0 : i32
        %dma_wait3A_377 = tpu.memref_slice %arg11[%dma_wait3A_375, %dma_wait3A_376] : memref<40x128xf32, #tpu.memory_space<vmem>> -> memref<40x128xf32, #tpu.memory_space<vmem>>
        %dma_wait3A_378 = arith.constant 0 : i32
        %dma_wait3A_379 = tpu.memref_slice %arg15[%multiple_of3A_364, %dma_wait3A_378] : memref<10000x128xf32, #tpu.memory_space<vmem_shared>> -> memref<40x128xf32, #tpu.memory_space<vmem_shared>>
        %dma_wait3A_380 = arith.constant 0 : i32
        %dma_wait3A_381 = tpu.memref_slice %arg15[%multiple_of3A_364, %dma_wait3A_380] : memref<10000x128xf32, #tpu.memory_space<vmem_shared>> -> memref<40x128xf32, #tpu.memory_space<vmem_shared>>
        %dma_wait3A_382 = arith.constant 0 : i32
        %dma_wait3A_383 = arith.constant 0 : i32
        %dma_wait3A_384 = tpu.memref_slice %arg11[%dma_wait3A_382, %dma_wait3A_383] : memref<40x128xf32, #tpu.memory_space<vmem>> -> memref<40x128xf32, #tpu.memory_space<vmem>>
        tpu.wait_dma2 semaphore(%run_scoped3A : memref<!tpu.dma_semaphore, #tpu.memory_space<semaphore_mem>>) src(%dma_wait3A_384 : memref<40x128xf32, #tpu.memory_space<vmem>>) dst(%dma_wait3A_381 : memref<40x128xf32, #tpu.memory_space<vmem_shared>>)
        tpu.yield
      }) : () -> ()
    } else {
    }
    %add3A_27 = arith.constant 48 : i32
    %add3A_28 = arith.addi %arg1, %add3A_27 : i32
    %lt3A_29 = arith.constant 250 : i32
    %lt3A_30 = arith.cmpi slt, %add3A_28, %lt3A_29 : i32
    %convert_element_type3A_31 = arith.extui %lt3A_30 : i1 to i32
    %cond3A_32 = arith.constant 0 : i32
    %cond3A_33 = arith.cmpi ne, %convert_element_type3A_31, %cond3A_32 : i32
    scf.if %cond3A_33 {
      %mul3A_362 = arith.constant 40 : i32
      %mul3A_363 = arith.muli %add3A_28, %mul3A_362 : i32
      %multiple_of3A_364 = tpu.assume_multiple %mul3A_363, 40 : i32
      "tpu.region"() ({
        %run_scoped3A = tpu.sem_alloc : memref<!tpu.dma_semaphore, #tpu.memory_space<semaphore_mem>>
        %dma_start3A_365 = arith.constant 0 : i32
        %dma_start3A_366 = arith.constant 0 : i32
        %dma_start3A_367 = tpu.memref_slice %arg11[%dma_start3A_365, %dma_start3A_366] : memref<40x128xf32, #tpu.memory_space<vmem>> -> memref<40x128xf32, #tpu.memory_space<vmem>>
        %dma_start3A_368 = arith.constant 0 : i32
        %dma_start3A_369 = tpu.memref_slice %arg15[%multiple_of3A_364, %dma_start3A_368] : memref<10000x128xf32, #tpu.memory_space<vmem_shared>> -> memref<40x128xf32, #tpu.memory_space<vmem_shared>>
        %dma_start3A_370 = arith.constant 0 : i32
        %dma_start3A_371 = tpu.memref_slice %arg15[%multiple_of3A_364, %dma_start3A_370] : memref<10000x128xf32, #tpu.memory_space<vmem_shared>> -> memref<40x128xf32, #tpu.memory_space<vmem_shared>>
        %dma_start3A_372 = arith.constant 0 : i32
        %dma_start3A_373 = arith.constant 0 : i32
        %dma_start3A_374 = tpu.memref_slice %arg11[%dma_start3A_372, %dma_start3A_373] : memref<40x128xf32, #tpu.memory_space<vmem>> -> memref<40x128xf32, #tpu.memory_space<vmem>>
        tpu.enqueue_dma source(%dma_start3A_374 : memref<40x128xf32, #tpu.memory_space<vmem>>) target(%dma_start3A_371 : memref<40x128xf32, #tpu.memory_space<vmem_shared>>) target_semaphore(%run_scoped3A : memref<!tpu.dma_semaphore, #tpu.memory_space<semaphore_mem>>)
        %dma_wait3A_375 = arith.constant 0 : i32
        %dma_wait3A_376 = arith.constant 0 : i32
        %dma_wait3A_377 = tpu.memref_slice %arg11[%dma_wait3A_375, %dma_wait3A_376] : memref<40x128xf32, #tpu.memory_space<vmem>> -> memref<40x128xf32, #tpu.memory_space<vmem>>
        %dma_wait3A_378 = arith.constant 0 : i32
        %dma_wait3A_379 = tpu.memref_slice %arg15[%multiple_of3A_364, %dma_wait3A_378] : memref<10000x128xf32, #tpu.memory_space<vmem_shared>> -> memref<40x128xf32, #tpu.memory_space<vmem_shared>>
        %dma_wait3A_380 = arith.constant 0 : i32
        %dma_wait3A_381 = tpu.memref_slice %arg15[%multiple_of3A_364, %dma_wait3A_380] : memref<10000x128xf32, #tpu.memory_space<vmem_shared>> -> memref<40x128xf32, #tpu.memory_space<vmem_shared>>
        %dma_wait3A_382 = arith.constant 0 : i32
        %dma_wait3A_383 = arith.constant 0 : i32
        %dma_wait3A_384 = tpu.memref_slice %arg11[%dma_wait3A_382, %dma_wait3A_383] : memref<40x128xf32, #tpu.memory_space<vmem>> -> memref<40x128xf32, #tpu.memory_space<vmem>>
        tpu.wait_dma2 semaphore(%run_scoped3A : memref<!tpu.dma_semaphore, #tpu.memory_space<semaphore_mem>>) src(%dma_wait3A_384 : memref<40x128xf32, #tpu.memory_space<vmem>>) dst(%dma_wait3A_381 : memref<40x128xf32, #tpu.memory_space<vmem_shared>>)
        tpu.yield
      }) : () -> ()
    } else {
    }
    %add3A_34 = arith.constant 64 : i32
    %add3A_35 = arith.addi %arg1, %add3A_34 : i32
    %lt3A_36 = arith.constant 250 : i32
    %lt3A_37 = arith.cmpi slt, %add3A_35, %lt3A_36 : i32
    %convert_element_type3A_38 = arith.extui %lt3A_37 : i1 to i32
    %cond3A_39 = arith.constant 0 : i32
    %cond3A_40 = arith.cmpi ne, %convert_element_type3A_38, %cond3A_39 : i32
    scf.if %cond3A_40 {
      %mul3A_362 = arith.constant 40 : i32
      %mul3A_363 = arith.muli %add3A_35, %mul3A_362 : i32
      %multiple_of3A_364 = tpu.assume_multiple %mul3A_363, 40 : i32
      "tpu.region"() ({
        %run_scoped3A = tpu.sem_alloc : memref<!tpu.dma_semaphore, #tpu.memory_space<semaphore_mem>>
        %dma_start3A_365 = arith.constant 0 : i32
        %dma_start3A_366 = arith.constant 0 : i32
        %dma_start3A_367 = tpu.memref_slice %arg11[%dma_start3A_365, %dma_start3A_366] : memref<40x128xf32, #tpu.memory_space<vmem>> -> memref<40x128xf32, #tpu.memory_space<vmem>>
        %dma_start3A_368 = arith.constant 0 : i32
        %dma_start3A_369 = tpu.memref_slice %arg15[%multiple_of3A_364, %dma_start3A_368] : memref<10000x128xf32, #tpu.memory_space<vmem_shared>> -> memref<40x128xf32, #tpu.memory_space<vmem_shared>>
        %dma_start3A_370 = arith.constant 0 : i32
        %dma_start3A_371 = tpu.memref_slice %arg15[%multiple_of3A_364, %dma_start3A_370] : memref<10000x128xf32, #tpu.memory_space<vmem_shared>> -> memref<40x128xf32, #tpu.memory_space<vmem_shared>>
        %dma_start3A_372 = arith.constant 0 : i32
        %dma_start3A_373 = arith.constant 0 : i32
        %dma_start3A_374 = tpu.memref_slice %arg11[%dma_start3A_372, %dma_start3A_373] : memref<40x128xf32, #tpu.memory_space<vmem>> -> memref<40x128xf32, #tpu.memory_space<vmem>>
        tpu.enqueue_dma source(%dma_start3A_374 : memref<40x128xf32, #tpu.memory_space<vmem>>) target(%dma_start3A_371 : memref<40x128xf32, #tpu.memory_space<vmem_shared>>) target_semaphore(%run_scoped3A : memref<!tpu.dma_semaphore, #tpu.memory_space<semaphore_mem>>)
        %dma_wait3A_375 = arith.constant 0 : i32
        %dma_wait3A_376 = arith.constant 0 : i32
        %dma_wait3A_377 = tpu.memref_slice %arg11[%dma_wait3A_375, %dma_wait3A_376] : memref<40x128xf32, #tpu.memory_space<vmem>> -> memref<40x128xf32, #tpu.memory_space<vmem>>
        %dma_wait3A_378 = arith.constant 0 : i32
        %dma_wait3A_379 = tpu.memref_slice %arg15[%multiple_of3A_364, %dma_wait3A_378] : memref<10000x128xf32, #tpu.memory_space<vmem_shared>> -> memref<40x128xf32, #tpu.memory_space<vmem_shared>>
        %dma_wait3A_380 = arith.constant 0 : i32
        %dma_wait3A_381 = tpu.memref_slice %arg15[%multiple_of3A_364, %dma_wait3A_380] : memref<10000x128xf32, #tpu.memory_space<vmem_shared>> -> memref<40x128xf32, #tpu.memory_space<vmem_shared>>
        %dma_wait3A_382 = arith.constant 0 : i32
        %dma_wait3A_383 = arith.constant 0 : i32
        %dma_wait3A_384 = tpu.memref_slice %arg11[%dma_wait3A_382, %dma_wait3A_383] : memref<40x128xf32, #tpu.memory_space<vmem>> -> memref<40x128xf32, #tpu.memory_space<vmem>>
        tpu.wait_dma2 semaphore(%run_scoped3A : memref<!tpu.dma_semaphore, #tpu.memory_space<semaphore_mem>>) src(%dma_wait3A_384 : memref<40x128xf32, #tpu.memory_space<vmem>>) dst(%dma_wait3A_381 : memref<40x128xf32, #tpu.memory_space<vmem_shared>>)
        tpu.yield
      }) : () -> ()
    } else {
    }
    %add3A_41 = arith.constant 80 : i32
    %add3A_42 = arith.addi %arg1, %add3A_41 : i32
    %lt3A_43 = arith.constant 250 : i32
    %lt3A_44 = arith.cmpi slt, %add3A_42, %lt3A_43 : i32
    %convert_element_type3A_45 = arith.extui %lt3A_44 : i1 to i32
    %cond3A_46 = arith.constant 0 : i32
    %cond3A_47 = arith.cmpi ne, %convert_element_type3A_45, %cond3A_46 : i32
    scf.if %cond3A_47 {
      %mul3A_362 = arith.constant 40 : i32
      %mul3A_363 = arith.muli %add3A_42, %mul3A_362 : i32
      %multiple_of3A_364 = tpu.assume_multiple %mul3A_363, 40 : i32
      "tpu.region"() ({
        %run_scoped3A = tpu.sem_alloc : memref<!tpu.dma_semaphore, #tpu.memory_space<semaphore_mem>>
        %dma_start3A_365 = arith.constant 0 : i32
        %dma_start3A_366 = arith.constant 0 : i32
        %dma_start3A_367 = tpu.memref_slice %arg11[%dma_start3A_365, %dma_start3A_366] : memref<40x128xf32, #tpu.memory_space<vmem>> -> memref<40x128xf32, #tpu.memory_space<vmem>>
        %dma_start3A_368 = arith.constant 0 : i32
        %dma_start3A_369 = tpu.memref_slice %arg15[%multiple_of3A_364, %dma_start3A_368] : memref<10000x128xf32, #tpu.memory_space<vmem_shared>> -> memref<40x128xf32, #tpu.memory_space<vmem_shared>>
        %dma_start3A_370 = arith.constant 0 : i32
        %dma_start3A_371 = tpu.memref_slice %arg15[%multiple_of3A_364, %dma_start3A_370] : memref<10000x128xf32, #tpu.memory_space<vmem_shared>> -> memref<40x128xf32, #tpu.memory_space<vmem_shared>>
        %dma_start3A_372 = arith.constant 0 : i32
        %dma_start3A_373 = arith.constant 0 : i32
        %dma_start3A_374 = tpu.memref_slice %arg11[%dma_start3A_372, %dma_start3A_373] : memref<40x128xf32, #tpu.memory_space<vmem>> -> memref<40x128xf32, #tpu.memory_space<vmem>>
        tpu.enqueue_dma source(%dma_start3A_374 : memref<40x128xf32, #tpu.memory_space<vmem>>) target(%dma_start3A_371 : memref<40x128xf32, #tpu.memory_space<vmem_shared>>) target_semaphore(%run_scoped3A : memref<!tpu.dma_semaphore, #tpu.memory_space<semaphore_mem>>)
        %dma_wait3A_375 = arith.constant 0 : i32
        %dma_wait3A_376 = arith.constant 0 : i32
        %dma_wait3A_377 = tpu.memref_slice %arg11[%dma_wait3A_375, %dma_wait3A_376] : memref<40x128xf32, #tpu.memory_space<vmem>> -> memref<40x128xf32, #tpu.memory_space<vmem>>
        %dma_wait3A_378 = arith.constant 0 : i32
        %dma_wait3A_379 = tpu.memref_slice %arg15[%multiple_of3A_364, %dma_wait3A_378] : memref<10000x128xf32, #tpu.memory_space<vmem_shared>> -> memref<40x128xf32, #tpu.memory_space<vmem_shared>>
        %dma_wait3A_380 = arith.constant 0 : i32
        %dma_wait3A_381 = tpu.memref_slice %arg15[%multiple_of3A_364, %dma_wait3A_380] : memref<10000x128xf32, #tpu.memory_space<vmem_shared>> -> memref<40x128xf32, #tpu.memory_space<vmem_shared>>
        %dma_wait3A_382 = arith.constant 0 : i32
        %dma_wait3A_383 = arith.constant 0 : i32
        %dma_wait3A_384 = tpu.memref_slice %arg11[%dma_wait3A_382, %dma_wait3A_383] : memref<40x128xf32, #tpu.memory_space<vmem>> -> memref<40x128xf32, #tpu.memory_space<vmem>>
        tpu.wait_dma2 semaphore(%run_scoped3A : memref<!tpu.dma_semaphore, #tpu.memory_space<semaphore_mem>>) src(%dma_wait3A_384 : memref<40x128xf32, #tpu.memory_space<vmem>>) dst(%dma_wait3A_381 : memref<40x128xf32, #tpu.memory_space<vmem_shared>>)
        tpu.yield
      }) : () -> ()
    } else {
    }
    %add3A_48 = arith.constant 96 : i32
    %add3A_49 = arith.addi %arg1, %add3A_48 : i32
    %lt3A_50 = arith.constant 250 : i32
    %lt3A_51 = arith.cmpi slt, %add3A_49, %lt3A_50 : i32
    %convert_element_type3A_52 = arith.extui %lt3A_51 : i1 to i32
    %cond3A_53 = arith.constant 0 : i32
    %cond3A_54 = arith.cmpi ne, %convert_element_type3A_52, %cond3A_53 : i32
    scf.if %cond3A_54 {
      %mul3A_362 = arith.constant 40 : i32
      %mul3A_363 = arith.muli %add3A_49, %mul3A_362 : i32
      %multiple_of3A_364 = tpu.assume_multiple %mul3A_363, 40 : i32
      "tpu.region"() ({
        %run_scoped3A = tpu.sem_alloc : memref<!tpu.dma_semaphore, #tpu.memory_space<semaphore_mem>>
        %dma_start3A_365 = arith.constant 0 : i32
        %dma_start3A_366 = arith.constant 0 : i32
        %dma_start3A_367 = tpu.memref_slice %arg11[%dma_start3A_365, %dma_start3A_366] : memref<40x128xf32, #tpu.memory_space<vmem>> -> memref<40x128xf32, #tpu.memory_space<vmem>>
        %dma_start3A_368 = arith.constant 0 : i32
        %dma_start3A_369 = tpu.memref_slice %arg15[%multiple_of3A_364, %dma_start3A_368] : memref<10000x128xf32, #tpu.memory_space<vmem_shared>> -> memref<40x128xf32, #tpu.memory_space<vmem_shared>>
        %dma_start3A_370 = arith.constant 0 : i32
        %dma_start3A_371 = tpu.memref_slice %arg15[%multiple_of3A_364, %dma_start3A_370] : memref<10000x128xf32, #tpu.memory_space<vmem_shared>> -> memref<40x128xf32, #tpu.memory_space<vmem_shared>>
        %dma_start3A_372 = arith.constant 0 : i32
        %dma_start3A_373 = arith.constant 0 : i32
        %dma_start3A_374 = tpu.memref_slice %arg11[%dma_start3A_372, %dma_start3A_373] : memref<40x128xf32, #tpu.memory_space<vmem>> -> memref<40x128xf32, #tpu.memory_space<vmem>>
        tpu.enqueue_dma source(%dma_start3A_374 : memref<40x128xf32, #tpu.memory_space<vmem>>) target(%dma_start3A_371 : memref<40x128xf32, #tpu.memory_space<vmem_shared>>) target_semaphore(%run_scoped3A : memref<!tpu.dma_semaphore, #tpu.memory_space<semaphore_mem>>)
        %dma_wait3A_375 = arith.constant 0 : i32
        %dma_wait3A_376 = arith.constant 0 : i32
        %dma_wait3A_377 = tpu.memref_slice %arg11[%dma_wait3A_375, %dma_wait3A_376] : memref<40x128xf32, #tpu.memory_space<vmem>> -> memref<40x128xf32, #tpu.memory_space<vmem>>
        %dma_wait3A_378 = arith.constant 0 : i32
        %dma_wait3A_379 = tpu.memref_slice %arg15[%multiple_of3A_364, %dma_wait3A_378] : memref<10000x128xf32, #tpu.memory_space<vmem_shared>> -> memref<40x128xf32, #tpu.memory_space<vmem_shared>>
        %dma_wait3A_380 = arith.constant 0 : i32
        %dma_wait3A_381 = tpu.memref_slice %arg15[%multiple_of3A_364, %dma_wait3A_380] : memref<10000x128xf32, #tpu.memory_space<vmem_shared>> -> memref<40x128xf32, #tpu.memory_space<vmem_shared>>
        %dma_wait3A_382 = arith.constant 0 : i32
        %dma_wait3A_383 = arith.constant 0 : i32
        %dma_wait3A_384 = tpu.memref_slice %arg11[%dma_wait3A_382, %dma_wait3A_383] : memref<40x128xf32, #tpu.memory_space<vmem>> -> memref<40x128xf32, #tpu.memory_space<vmem>>
        tpu.wait_dma2 semaphore(%run_scoped3A : memref<!tpu.dma_semaphore, #tpu.memory_space<semaphore_mem>>) src(%dma_wait3A_384 : memref<40x128xf32, #tpu.memory_space<vmem>>) dst(%dma_wait3A_381 : memref<40x128xf32, #tpu.memory_space<vmem_shared>>)
        tpu.yield
      }) : () -> ()
    } else {
    }
    %add3A_55 = arith.constant 112 : i32
    %add3A_56 = arith.addi %arg1, %add3A_55 : i32
    %lt3A_57 = arith.constant 250 : i32
    %lt3A_58 = arith.cmpi slt, %add3A_56, %lt3A_57 : i32
    %convert_element_type3A_59 = arith.extui %lt3A_58 : i1 to i32
    %cond3A_60 = arith.constant 0 : i32
    %cond3A_61 = arith.cmpi ne, %convert_element_type3A_59, %cond3A_60 : i32
    scf.if %cond3A_61 {
      %mul3A_362 = arith.constant 40 : i32
      %mul3A_363 = arith.muli %add3A_56, %mul3A_362 : i32
      %multiple_of3A_364 = tpu.assume_multiple %mul3A_363, 40 : i32
      "tpu.region"() ({
        %run_scoped3A = tpu.sem_alloc : memref<!tpu.dma_semaphore, #tpu.memory_space<semaphore_mem>>
        %dma_start3A_365 = arith.constant 0 : i32
        %dma_start3A_366 = arith.constant 0 : i32
        %dma_start3A_367 = tpu.memref_slice %arg11[%dma_start3A_365, %dma_start3A_366] : memref<40x128xf32, #tpu.memory_space<vmem>> -> memref<40x128xf32, #tpu.memory_space<vmem>>
        %dma_start3A_368 = arith.constant 0 : i32
        %dma_start3A_369 = tpu.memref_slice %arg15[%multiple_of3A_364, %dma_start3A_368] : memref<10000x128xf32, #tpu.memory_space<vmem_shared>> -> memref<40x128xf32, #tpu.memory_space<vmem_shared>>
        %dma_start3A_370 = arith.constant 0 : i32
        %dma_start3A_371 = tpu.memref_slice %arg15[%multiple_of3A_364, %dma_start3A_370] : memref<10000x128xf32, #tpu.memory_space<vmem_shared>> -> memref<40x128xf32, #tpu.memory_space<vmem_shared>>
        %dma_start3A_372 = arith.constant 0 : i32
        %dma_start3A_373 = arith.constant 0 : i32
        %dma_start3A_374 = tpu.memref_slice %arg11[%dma_start3A_372, %dma_start3A_373] : memref<40x128xf32, #tpu.memory_space<vmem>> -> memref<40x128xf32, #tpu.memory_space<vmem>>
        tpu.enqueue_dma source(%dma_start3A_374 : memref<40x128xf32, #tpu.memory_space<vmem>>) target(%dma_start3A_371 : memref<40x128xf32, #tpu.memory_space<vmem_shared>>) target_semaphore(%run_scoped3A : memref<!tpu.dma_semaphore, #tpu.memory_space<semaphore_mem>>)
        %dma_wait3A_375 = arith.constant 0 : i32
        %dma_wait3A_376 = arith.constant 0 : i32
        %dma_wait3A_377 = tpu.memref_slice %arg11[%dma_wait3A_375, %dma_wait3A_376] : memref<40x128xf32, #tpu.memory_space<vmem>> -> memref<40x128xf32, #tpu.memory_space<vmem>>
        %dma_wait3A_378 = arith.constant 0 : i32
        %dma_wait3A_379 = tpu.memref_slice %arg15[%multiple_of3A_364, %dma_wait3A_378] : memref<10000x128xf32, #tpu.memory_space<vmem_shared>> -> memref<40x128xf32, #tpu.memory_space<vmem_shared>>
        %dma_wait3A_380 = arith.constant 0 : i32
        %dma_wait3A_381 = tpu.memref_slice %arg15[%multiple_of3A_364, %dma_wait3A_380] : memref<10000x128xf32, #tpu.memory_space<vmem_shared>> -> memref<40x128xf32, #tpu.memory_space<vmem_shared>>
        %dma_wait3A_382 = arith.constant 0 : i32
        %dma_wait3A_383 = arith.constant 0 : i32
        %dma_wait3A_384 = tpu.memref_slice %arg11[%dma_wait3A_382, %dma_wait3A_383] : memref<40x128xf32, #tpu.memory_space<vmem>> -> memref<40x128xf32, #tpu.memory_space<vmem>>
        tpu.wait_dma2 semaphore(%run_scoped3A : memref<!tpu.dma_semaphore, #tpu.memory_space<semaphore_mem>>) src(%dma_wait3A_384 : memref<40x128xf32, #tpu.memory_space<vmem>>) dst(%dma_wait3A_381 : memref<40x128xf32, #tpu.memory_space<vmem_shared>>)
        tpu.yield
      }) : () -> ()
    } else {
    }
    %add3A_62 = arith.constant 128 : i32
    %add3A_63 = arith.addi %arg1, %add3A_62 : i32
    %lt3A_64 = arith.constant 250 : i32
    %lt3A_65 = arith.cmpi slt, %add3A_63, %lt3A_64 : i32
    %convert_element_type3A_66 = arith.extui %lt3A_65 : i1 to i32
    %cond3A_67 = arith.constant 0 : i32
    %cond3A_68 = arith.cmpi ne, %convert_element_type3A_66, %cond3A_67 : i32
    scf.if %cond3A_68 {
      %mul3A_362 = arith.constant 40 : i32
      %mul3A_363 = arith.muli %add3A_63, %mul3A_362 : i32
      %multiple_of3A_364 = tpu.assume_multiple %mul3A_363, 40 : i32
      "tpu.region"() ({
        %run_scoped3A = tpu.sem_alloc : memref<!tpu.dma_semaphore, #tpu.memory_space<semaphore_mem>>
        %dma_start3A_365 = arith.constant 0 : i32
        %dma_start3A_366 = arith.constant 0 : i32
        %dma_start3A_367 = tpu.memref_slice %arg11[%dma_start3A_365, %dma_start3A_366] : memref<40x128xf32, #tpu.memory_space<vmem>> -> memref<40x128xf32, #tpu.memory_space<vmem>>
        %dma_start3A_368 = arith.constant 0 : i32
        %dma_start3A_369 = tpu.memref_slice %arg15[%multiple_of3A_364, %dma_start3A_368] : memref<10000x128xf32, #tpu.memory_space<vmem_shared>> -> memref<40x128xf32, #tpu.memory_space<vmem_shared>>
        %dma_start3A_370 = arith.constant 0 : i32
        %dma_start3A_371 = tpu.memref_slice %arg15[%multiple_of3A_364, %dma_start3A_370] : memref<10000x128xf32, #tpu.memory_space<vmem_shared>> -> memref<40x128xf32, #tpu.memory_space<vmem_shared>>
        %dma_start3A_372 = arith.constant 0 : i32
        %dma_start3A_373 = arith.constant 0 : i32
        %dma_start3A_374 = tpu.memref_slice %arg11[%dma_start3A_372, %dma_start3A_373] : memref<40x128xf32, #tpu.memory_space<vmem>> -> memref<40x128xf32, #tpu.memory_space<vmem>>
        tpu.enqueue_dma source(%dma_start3A_374 : memref<40x128xf32, #tpu.memory_space<vmem>>) target(%dma_start3A_371 : memref<40x128xf32, #tpu.memory_space<vmem_shared>>) target_semaphore(%run_scoped3A : memref<!tpu.dma_semaphore, #tpu.memory_space<semaphore_mem>>)
        %dma_wait3A_375 = arith.constant 0 : i32
        %dma_wait3A_376 = arith.constant 0 : i32
        %dma_wait3A_377 = tpu.memref_slice %arg11[%dma_wait3A_375, %dma_wait3A_376] : memref<40x128xf32, #tpu.memory_space<vmem>> -> memref<40x128xf32, #tpu.memory_space<vmem>>
        %dma_wait3A_378 = arith.constant 0 : i32
        %dma_wait3A_379 = tpu.memref_slice %arg15[%multiple_of3A_364, %dma_wait3A_378] : memref<10000x128xf32, #tpu.memory_space<vmem_shared>> -> memref<40x128xf32, #tpu.memory_space<vmem_shared>>
        %dma_wait3A_380 = arith.constant 0 : i32
        %dma_wait3A_381 = tpu.memref_slice %arg15[%multiple_of3A_364, %dma_wait3A_380] : memref<10000x128xf32, #tpu.memory_space<vmem_shared>> -> memref<40x128xf32, #tpu.memory_space<vmem_shared>>
        %dma_wait3A_382 = arith.constant 0 : i32
        %dma_wait3A_383 = arith.constant 0 : i32
        %dma_wait3A_384 = tpu.memref_slice %arg11[%dma_wait3A_382, %dma_wait3A_383] : memref<40x128xf32, #tpu.memory_space<vmem>> -> memref<40x128xf32, #tpu.memory_space<vmem>>
        tpu.wait_dma2 semaphore(%run_scoped3A : memref<!tpu.dma_semaphore, #tpu.memory_space<semaphore_mem>>) src(%dma_wait3A_384 : memref<40x128xf32, #tpu.memory_space<vmem>>) dst(%dma_wait3A_381 : memref<40x128xf32, #tpu.memory_space<vmem_shared>>)
        tpu.yield
      }) : () -> ()
    } else {
    }
    %add3A_69 = arith.constant 144 : i32
    %add3A_70 = arith.addi %arg1, %add3A_69 : i32
    %lt3A_71 = arith.constant 250 : i32
    %lt3A_72 = arith.cmpi slt, %add3A_70, %lt3A_71 : i32
    %convert_element_type3A_73 = arith.extui %lt3A_72 : i1 to i32
    %cond3A_74 = arith.constant 0 : i32
    %cond3A_75 = arith.cmpi ne, %convert_element_type3A_73, %cond3A_74 : i32
    scf.if %cond3A_75 {
      %mul3A_362 = arith.constant 40 : i32
      %mul3A_363 = arith.muli %add3A_70, %mul3A_362 : i32
      %multiple_of3A_364 = tpu.assume_multiple %mul3A_363, 40 : i32
      "tpu.region"() ({
        %run_scoped3A = tpu.sem_alloc : memref<!tpu.dma_semaphore, #tpu.memory_space<semaphore_mem>>
        %dma_start3A_365 = arith.constant 0 : i32
        %dma_start3A_366 = arith.constant 0 : i32
        %dma_start3A_367 = tpu.memref_slice %arg11[%dma_start3A_365, %dma_start3A_366] : memref<40x128xf32, #tpu.memory_space<vmem>> -> memref<40x128xf32, #tpu.memory_space<vmem>>
        %dma_start3A_368 = arith.constant 0 : i32
        %dma_start3A_369 = tpu.memref_slice %arg15[%multiple_of3A_364, %dma_start3A_368] : memref<10000x128xf32, #tpu.memory_space<vmem_shared>> -> memref<40x128xf32, #tpu.memory_space<vmem_shared>>
        %dma_start3A_370 = arith.constant 0 : i32
        %dma_start3A_371 = tpu.memref_slice %arg15[%multiple_of3A_364, %dma_start3A_370] : memref<10000x128xf32, #tpu.memory_space<vmem_shared>> -> memref<40x128xf32, #tpu.memory_space<vmem_shared>>
        %dma_start3A_372 = arith.constant 0 : i32
        %dma_start3A_373 = arith.constant 0 : i32
        %dma_start3A_374 = tpu.memref_slice %arg11[%dma_start3A_372, %dma_start3A_373] : memref<40x128xf32, #tpu.memory_space<vmem>> -> memref<40x128xf32, #tpu.memory_space<vmem>>
        tpu.enqueue_dma source(%dma_start3A_374 : memref<40x128xf32, #tpu.memory_space<vmem>>) target(%dma_start3A_371 : memref<40x128xf32, #tpu.memory_space<vmem_shared>>) target_semaphore(%run_scoped3A : memref<!tpu.dma_semaphore, #tpu.memory_space<semaphore_mem>>)
        %dma_wait3A_375 = arith.constant 0 : i32
        %dma_wait3A_376 = arith.constant 0 : i32
        %dma_wait3A_377 = tpu.memref_slice %arg11[%dma_wait3A_375, %dma_wait3A_376] : memref<40x128xf32, #tpu.memory_space<vmem>> -> memref<40x128xf32, #tpu.memory_space<vmem>>
        %dma_wait3A_378 = arith.constant 0 : i32
        %dma_wait3A_379 = tpu.memref_slice %arg15[%multiple_of3A_364, %dma_wait3A_378] : memref<10000x128xf32, #tpu.memory_space<vmem_shared>> -> memref<40x128xf32, #tpu.memory_space<vmem_shared>>
        %dma_wait3A_380 = arith.constant 0 : i32
        %dma_wait3A_381 = tpu.memref_slice %arg15[%multiple_of3A_364, %dma_wait3A_380] : memref<10000x128xf32, #tpu.memory_space<vmem_shared>> -> memref<40x128xf32, #tpu.memory_space<vmem_shared>>
        %dma_wait3A_382 = arith.constant 0 : i32
        %dma_wait3A_383 = arith.constant 0 : i32
        %dma_wait3A_384 = tpu.memref_slice %arg11[%dma_wait3A_382, %dma_wait3A_383] : memref<40x128xf32, #tpu.memory_space<vmem>> -> memref<40x128xf32, #tpu.memory_space<vmem>>
        tpu.wait_dma2 semaphore(%run_scoped3A : memref<!tpu.dma_semaphore, #tpu.memory_space<semaphore_mem>>) src(%dma_wait3A_384 : memref<40x128xf32, #tpu.memory_space<vmem>>) dst(%dma_wait3A_381 : memref<40x128xf32, #tpu.memory_space<vmem_shared>>)
        tpu.yield
      }) : () -> ()
    } else {
    }
    %add3A_76 = arith.constant 160 : i32
    %add3A_77 = arith.addi %arg1, %add3A_76 : i32
    %lt3A_78 = arith.constant 250 : i32
    %lt3A_79 = arith.cmpi slt, %add3A_77, %lt3A_78 : i32
    %convert_element_type3A_80 = arith.extui %lt3A_79 : i1 to i32
    %cond3A_81 = arith.constant 0 : i32
    %cond3A_82 = arith.cmpi ne, %convert_element_type3A_80, %cond3A_81 : i32
    scf.if %cond3A_82 {
      %mul3A_362 = arith.constant 40 : i32
      %mul3A_363 = arith.muli %add3A_77, %mul3A_362 : i32
      %multiple_of3A_364 = tpu.assume_multiple %mul3A_363, 40 : i32
      "tpu.region"() ({
        %run_scoped3A = tpu.sem_alloc : memref<!tpu.dma_semaphore, #tpu.memory_space<semaphore_mem>>
        %dma_start3A_365 = arith.constant 0 : i32
        %dma_start3A_366 = arith.constant 0 : i32
        %dma_start3A_367 = tpu.memref_slice %arg11[%dma_start3A_365, %dma_start3A_366] : memref<40x128xf32, #tpu.memory_space<vmem>> -> memref<40x128xf32, #tpu.memory_space<vmem>>
        %dma_start3A_368 = arith.constant 0 : i32
        %dma_start3A_369 = tpu.memref_slice %arg15[%multiple_of3A_364, %dma_start3A_368] : memref<10000x128xf32, #tpu.memory_space<vmem_shared>> -> memref<40x128xf32, #tpu.memory_space<vmem_shared>>
        %dma_start3A_370 = arith.constant 0 : i32
        %dma_start3A_371 = tpu.memref_slice %arg15[%multiple_of3A_364, %dma_start3A_370] : memref<10000x128xf32, #tpu.memory_space<vmem_shared>> -> memref<40x128xf32, #tpu.memory_space<vmem_shared>>
        %dma_start3A_372 = arith.constant 0 : i32
        %dma_start3A_373 = arith.constant 0 : i32
        %dma_start3A_374 = tpu.memref_slice %arg11[%dma_start3A_372, %dma_start3A_373] : memref<40x128xf32, #tpu.memory_space<vmem>> -> memref<40x128xf32, #tpu.memory_space<vmem>>
        tpu.enqueue_dma source(%dma_start3A_374 : memref<40x128xf32, #tpu.memory_space<vmem>>) target(%dma_start3A_371 : memref<40x128xf32, #tpu.memory_space<vmem_shared>>) target_semaphore(%run_scoped3A : memref<!tpu.dma_semaphore, #tpu.memory_space<semaphore_mem>>)
        %dma_wait3A_375 = arith.constant 0 : i32
        %dma_wait3A_376 = arith.constant 0 : i32
        %dma_wait3A_377 = tpu.memref_slice %arg11[%dma_wait3A_375, %dma_wait3A_376] : memref<40x128xf32, #tpu.memory_space<vmem>> -> memref<40x128xf32, #tpu.memory_space<vmem>>
        %dma_wait3A_378 = arith.constant 0 : i32
        %dma_wait3A_379 = tpu.memref_slice %arg15[%multiple_of3A_364, %dma_wait3A_378] : memref<10000x128xf32, #tpu.memory_space<vmem_shared>> -> memref<40x128xf32, #tpu.memory_space<vmem_shared>>
        %dma_wait3A_380 = arith.constant 0 : i32
        %dma_wait3A_381 = tpu.memref_slice %arg15[%multiple_of3A_364, %dma_wait3A_380] : memref<10000x128xf32, #tpu.memory_space<vmem_shared>> -> memref<40x128xf32, #tpu.memory_space<vmem_shared>>
        %dma_wait3A_382 = arith.constant 0 : i32
        %dma_wait3A_383 = arith.constant 0 : i32
        %dma_wait3A_384 = tpu.memref_slice %arg11[%dma_wait3A_382, %dma_wait3A_383] : memref<40x128xf32, #tpu.memory_space<vmem>> -> memref<40x128xf32, #tpu.memory_space<vmem>>
        tpu.wait_dma2 semaphore(%run_scoped3A : memref<!tpu.dma_semaphore, #tpu.memory_space<semaphore_mem>>) src(%dma_wait3A_384 : memref<40x128xf32, #tpu.memory_space<vmem>>) dst(%dma_wait3A_381 : memref<40x128xf32, #tpu.memory_space<vmem_shared>>)
        tpu.yield
      }) : () -> ()
    } else {
    }
    %add3A_83 = arith.constant 176 : i32
    %add3A_84 = arith.addi %arg1, %add3A_83 : i32
    %lt3A_85 = arith.constant 250 : i32
    %lt3A_86 = arith.cmpi slt, %add3A_84, %lt3A_85 : i32
    %convert_element_type3A_87 = arith.extui %lt3A_86 : i1 to i32
    %cond3A_88 = arith.constant 0 : i32
    %cond3A_89 = arith.cmpi ne, %convert_element_type3A_87, %cond3A_88 : i32
    scf.if %cond3A_89 {
      %mul3A_362 = arith.constant 40 : i32
      %mul3A_363 = arith.muli %add3A_84, %mul3A_362 : i32
      %multiple_of3A_364 = tpu.assume_multiple %mul3A_363, 40 : i32
      "tpu.region"() ({
        %run_scoped3A = tpu.sem_alloc : memref<!tpu.dma_semaphore, #tpu.memory_space<semaphore_mem>>
        %dma_start3A_365 = arith.constant 0 : i32
        %dma_start3A_366 = arith.constant 0 : i32
        %dma_start3A_367 = tpu.memref_slice %arg11[%dma_start3A_365, %dma_start3A_366] : memref<40x128xf32, #tpu.memory_space<vmem>> -> memref<40x128xf32, #tpu.memory_space<vmem>>
        %dma_start3A_368 = arith.constant 0 : i32
        %dma_start3A_369 = tpu.memref_slice %arg15[%multiple_of3A_364, %dma_start3A_368] : memref<10000x128xf32, #tpu.memory_space<vmem_shared>> -> memref<40x128xf32, #tpu.memory_space<vmem_shared>>
        %dma_start3A_370 = arith.constant 0 : i32
        %dma_start3A_371 = tpu.memref_slice %arg15[%multiple_of3A_364, %dma_start3A_370] : memref<10000x128xf32, #tpu.memory_space<vmem_shared>> -> memref<40x128xf32, #tpu.memory_space<vmem_shared>>
        %dma_start3A_372 = arith.constant 0 : i32
        %dma_start3A_373 = arith.constant 0 : i32
        %dma_start3A_374 = tpu.memref_slice %arg11[%dma_start3A_372, %dma_start3A_373] : memref<40x128xf32, #tpu.memory_space<vmem>> -> memref<40x128xf32, #tpu.memory_space<vmem>>
        tpu.enqueue_dma source(%dma_start3A_374 : memref<40x128xf32, #tpu.memory_space<vmem>>) target(%dma_start3A_371 : memref<40x128xf32, #tpu.memory_space<vmem_shared>>) target_semaphore(%run_scoped3A : memref<!tpu.dma_semaphore, #tpu.memory_space<semaphore_mem>>)
        %dma_wait3A_375 = arith.constant 0 : i32
        %dma_wait3A_376 = arith.constant 0 : i32
        %dma_wait3A_377 = tpu.memref_slice %arg11[%dma_wait3A_375, %dma_wait3A_376] : memref<40x128xf32, #tpu.memory_space<vmem>> -> memref<40x128xf32, #tpu.memory_space<vmem>>
        %dma_wait3A_378 = arith.constant 0 : i32
        %dma_wait3A_379 = tpu.memref_slice %arg15[%multiple_of3A_364, %dma_wait3A_378] : memref<10000x128xf32, #tpu.memory_space<vmem_shared>> -> memref<40x128xf32, #tpu.memory_space<vmem_shared>>
        %dma_wait3A_380 = arith.constant 0 : i32
        %dma_wait3A_381 = tpu.memref_slice %arg15[%multiple_of3A_364, %dma_wait3A_380] : memref<10000x128xf32, #tpu.memory_space<vmem_shared>> -> memref<40x128xf32, #tpu.memory_space<vmem_shared>>
        %dma_wait3A_382 = arith.constant 0 : i32
        %dma_wait3A_383 = arith.constant 0 : i32
        %dma_wait3A_384 = tpu.memref_slice %arg11[%dma_wait3A_382, %dma_wait3A_383] : memref<40x128xf32, #tpu.memory_space<vmem>> -> memref<40x128xf32, #tpu.memory_space<vmem>>
        tpu.wait_dma2 semaphore(%run_scoped3A : memref<!tpu.dma_semaphore, #tpu.memory_space<semaphore_mem>>) src(%dma_wait3A_384 : memref<40x128xf32, #tpu.memory_space<vmem>>) dst(%dma_wait3A_381 : memref<40x128xf32, #tpu.memory_space<vmem_shared>>)
        tpu.yield
      }) : () -> ()
    } else {
    }
    %add3A_90 = arith.constant 192 : i32
    %add3A_91 = arith.addi %arg1, %add3A_90 : i32
    %lt3A_92 = arith.constant 250 : i32
    %lt3A_93 = arith.cmpi slt, %add3A_91, %lt3A_92 : i32
    %convert_element_type3A_94 = arith.extui %lt3A_93 : i1 to i32
    %cond3A_95 = arith.constant 0 : i32
    %cond3A_96 = arith.cmpi ne, %convert_element_type3A_94, %cond3A_95 : i32
    scf.if %cond3A_96 {
      %mul3A_362 = arith.constant 40 : i32
      %mul3A_363 = arith.muli %add3A_91, %mul3A_362 : i32
      %multiple_of3A_364 = tpu.assume_multiple %mul3A_363, 40 : i32
      "tpu.region"() ({
        %run_scoped3A = tpu.sem_alloc : memref<!tpu.dma_semaphore, #tpu.memory_space<semaphore_mem>>
        %dma_start3A_365 = arith.constant 0 : i32
        %dma_start3A_366 = arith.constant 0 : i32
        %dma_start3A_367 = tpu.memref_slice %arg11[%dma_start3A_365, %dma_start3A_366] : memref<40x128xf32, #tpu.memory_space<vmem>> -> memref<40x128xf32, #tpu.memory_space<vmem>>
        %dma_start3A_368 = arith.constant 0 : i32
        %dma_start3A_369 = tpu.memref_slice %arg15[%multiple_of3A_364, %dma_start3A_368] : memref<10000x128xf32, #tpu.memory_space<vmem_shared>> -> memref<40x128xf32, #tpu.memory_space<vmem_shared>>
        %dma_start3A_370 = arith.constant 0 : i32
        %dma_start3A_371 = tpu.memref_slice %arg15[%multiple_of3A_364, %dma_start3A_370] : memref<10000x128xf32, #tpu.memory_space<vmem_shared>> -> memref<40x128xf32, #tpu.memory_space<vmem_shared>>
        %dma_start3A_372 = arith.constant 0 : i32
        %dma_start3A_373 = arith.constant 0 : i32
        %dma_start3A_374 = tpu.memref_slice %arg11[%dma_start3A_372, %dma_start3A_373] : memref<40x128xf32, #tpu.memory_space<vmem>> -> memref<40x128xf32, #tpu.memory_space<vmem>>
        tpu.enqueue_dma source(%dma_start3A_374 : memref<40x128xf32, #tpu.memory_space<vmem>>) target(%dma_start3A_371 : memref<40x128xf32, #tpu.memory_space<vmem_shared>>) target_semaphore(%run_scoped3A : memref<!tpu.dma_semaphore, #tpu.memory_space<semaphore_mem>>)
        %dma_wait3A_375 = arith.constant 0 : i32
        %dma_wait3A_376 = arith.constant 0 : i32
        %dma_wait3A_377 = tpu.memref_slice %arg11[%dma_wait3A_375, %dma_wait3A_376] : memref<40x128xf32, #tpu.memory_space<vmem>> -> memref<40x128xf32, #tpu.memory_space<vmem>>
        %dma_wait3A_378 = arith.constant 0 : i32
        %dma_wait3A_379 = tpu.memref_slice %arg15[%multiple_of3A_364, %dma_wait3A_378] : memref<10000x128xf32, #tpu.memory_space<vmem_shared>> -> memref<40x128xf32, #tpu.memory_space<vmem_shared>>
        %dma_wait3A_380 = arith.constant 0 : i32
        %dma_wait3A_381 = tpu.memref_slice %arg15[%multiple_of3A_364, %dma_wait3A_380] : memref<10000x128xf32, #tpu.memory_space<vmem_shared>> -> memref<40x128xf32, #tpu.memory_space<vmem_shared>>
        %dma_wait3A_382 = arith.constant 0 : i32
        %dma_wait3A_383 = arith.constant 0 : i32
        %dma_wait3A_384 = tpu.memref_slice %arg11[%dma_wait3A_382, %dma_wait3A_383] : memref<40x128xf32, #tpu.memory_space<vmem>> -> memref<40x128xf32, #tpu.memory_space<vmem>>
        tpu.wait_dma2 semaphore(%run_scoped3A : memref<!tpu.dma_semaphore, #tpu.memory_space<semaphore_mem>>) src(%dma_wait3A_384 : memref<40x128xf32, #tpu.memory_space<vmem>>) dst(%dma_wait3A_381 : memref<40x128xf32, #tpu.memory_space<vmem_shared>>)
        tpu.yield
      }) : () -> ()
    } else {
    }
    %add3A_97 = arith.constant 208 : i32
    %add3A_98 = arith.addi %arg1, %add3A_97 : i32
    %lt3A_99 = arith.constant 250 : i32
    %lt3A_100 = arith.cmpi slt, %add3A_98, %lt3A_99 : i32
    %convert_element_type3A_101 = arith.extui %lt3A_100 : i1 to i32
    %cond3A_102 = arith.constant 0 : i32
    %cond3A_103 = arith.cmpi ne, %convert_element_type3A_101, %cond3A_102 : i32
    scf.if %cond3A_103 {
      %mul3A_362 = arith.constant 40 : i32
      %mul3A_363 = arith.muli %add3A_98, %mul3A_362 : i32
      %multiple_of3A_364 = tpu.assume_multiple %mul3A_363, 40 : i32
      "tpu.region"() ({
        %run_scoped3A = tpu.sem_alloc : memref<!tpu.dma_semaphore, #tpu.memory_space<semaphore_mem>>
        %dma_start3A_365 = arith.constant 0 : i32
        %dma_start3A_366 = arith.constant 0 : i32
        %dma_start3A_367 = tpu.memref_slice %arg11[%dma_start3A_365, %dma_start3A_366] : memref<40x128xf32, #tpu.memory_space<vmem>> -> memref<40x128xf32, #tpu.memory_space<vmem>>
        %dma_start3A_368 = arith.constant 0 : i32
        %dma_start3A_369 = tpu.memref_slice %arg15[%multiple_of3A_364, %dma_start3A_368] : memref<10000x128xf32, #tpu.memory_space<vmem_shared>> -> memref<40x128xf32, #tpu.memory_space<vmem_shared>>
        %dma_start3A_370 = arith.constant 0 : i32
        %dma_start3A_371 = tpu.memref_slice %arg15[%multiple_of3A_364, %dma_start3A_370] : memref<10000x128xf32, #tpu.memory_space<vmem_shared>> -> memref<40x128xf32, #tpu.memory_space<vmem_shared>>
        %dma_start3A_372 = arith.constant 0 : i32
        %dma_start3A_373 = arith.constant 0 : i32
        %dma_start3A_374 = tpu.memref_slice %arg11[%dma_start3A_372, %dma_start3A_373] : memref<40x128xf32, #tpu.memory_space<vmem>> -> memref<40x128xf32, #tpu.memory_space<vmem>>
        tpu.enqueue_dma source(%dma_start3A_374 : memref<40x128xf32, #tpu.memory_space<vmem>>) target(%dma_start3A_371 : memref<40x128xf32, #tpu.memory_space<vmem_shared>>) target_semaphore(%run_scoped3A : memref<!tpu.dma_semaphore, #tpu.memory_space<semaphore_mem>>)
        %dma_wait3A_375 = arith.constant 0 : i32
        %dma_wait3A_376 = arith.constant 0 : i32
        %dma_wait3A_377 = tpu.memref_slice %arg11[%dma_wait3A_375, %dma_wait3A_376] : memref<40x128xf32, #tpu.memory_space<vmem>> -> memref<40x128xf32, #tpu.memory_space<vmem>>
        %dma_wait3A_378 = arith.constant 0 : i32
        %dma_wait3A_379 = tpu.memref_slice %arg15[%multiple_of3A_364, %dma_wait3A_378] : memref<10000x128xf32, #tpu.memory_space<vmem_shared>> -> memref<40x128xf32, #tpu.memory_space<vmem_shared>>
        %dma_wait3A_380 = arith.constant 0 : i32
        %dma_wait3A_381 = tpu.memref_slice %arg15[%multiple_of3A_364, %dma_wait3A_380] : memref<10000x128xf32, #tpu.memory_space<vmem_shared>> -> memref<40x128xf32, #tpu.memory_space<vmem_shared>>
        %dma_wait3A_382 = arith.constant 0 : i32
        %dma_wait3A_383 = arith.constant 0 : i32
        %dma_wait3A_384 = tpu.memref_slice %arg11[%dma_wait3A_382, %dma_wait3A_383] : memref<40x128xf32, #tpu.memory_space<vmem>> -> memref<40x128xf32, #tpu.memory_space<vmem>>
        tpu.wait_dma2 semaphore(%run_scoped3A : memref<!tpu.dma_semaphore, #tpu.memory_space<semaphore_mem>>) src(%dma_wait3A_384 : memref<40x128xf32, #tpu.memory_space<vmem>>) dst(%dma_wait3A_381 : memref<40x128xf32, #tpu.memory_space<vmem_shared>>)
        tpu.yield
      }) : () -> ()
    } else {
    }
    %add3A_104 = arith.constant 224 : i32
    %add3A_105 = arith.addi %arg1, %add3A_104 : i32
    %lt3A_106 = arith.constant 250 : i32
    %lt3A_107 = arith.cmpi slt, %add3A_105, %lt3A_106 : i32
    %convert_element_type3A_108 = arith.extui %lt3A_107 : i1 to i32
    %cond3A_109 = arith.constant 0 : i32
    %cond3A_110 = arith.cmpi ne, %convert_element_type3A_108, %cond3A_109 : i32
    scf.if %cond3A_110 {
      %mul3A_362 = arith.constant 40 : i32
      %mul3A_363 = arith.muli %add3A_105, %mul3A_362 : i32
      %multiple_of3A_364 = tpu.assume_multiple %mul3A_363, 40 : i32
      "tpu.region"() ({
        %run_scoped3A = tpu.sem_alloc : memref<!tpu.dma_semaphore, #tpu.memory_space<semaphore_mem>>
        %dma_start3A_365 = arith.constant 0 : i32
        %dma_start3A_366 = arith.constant 0 : i32
        %dma_start3A_367 = tpu.memref_slice %arg11[%dma_start3A_365, %dma_start3A_366] : memref<40x128xf32, #tpu.memory_space<vmem>> -> memref<40x128xf32, #tpu.memory_space<vmem>>
        %dma_start3A_368 = arith.constant 0 : i32
        %dma_start3A_369 = tpu.memref_slice %arg15[%multiple_of3A_364, %dma_start3A_368] : memref<10000x128xf32, #tpu.memory_space<vmem_shared>> -> memref<40x128xf32, #tpu.memory_space<vmem_shared>>
        %dma_start3A_370 = arith.constant 0 : i32
        %dma_start3A_371 = tpu.memref_slice %arg15[%multiple_of3A_364, %dma_start3A_370] : memref<10000x128xf32, #tpu.memory_space<vmem_shared>> -> memref<40x128xf32, #tpu.memory_space<vmem_shared>>
        %dma_start3A_372 = arith.constant 0 : i32
        %dma_start3A_373 = arith.constant 0 : i32
        %dma_start3A_374 = tpu.memref_slice %arg11[%dma_start3A_372, %dma_start3A_373] : memref<40x128xf32, #tpu.memory_space<vmem>> -> memref<40x128xf32, #tpu.memory_space<vmem>>
        tpu.enqueue_dma source(%dma_start3A_374 : memref<40x128xf32, #tpu.memory_space<vmem>>) target(%dma_start3A_371 : memref<40x128xf32, #tpu.memory_space<vmem_shared>>) target_semaphore(%run_scoped3A : memref<!tpu.dma_semaphore, #tpu.memory_space<semaphore_mem>>)
        %dma_wait3A_375 = arith.constant 0 : i32
        %dma_wait3A_376 = arith.constant 0 : i32
        %dma_wait3A_377 = tpu.memref_slice %arg11[%dma_wait3A_375, %dma_wait3A_376] : memref<40x128xf32, #tpu.memory_space<vmem>> -> memref<40x128xf32, #tpu.memory_space<vmem>>
        %dma_wait3A_378 = arith.constant 0 : i32
        %dma_wait3A_379 = tpu.memref_slice %arg15[%multiple_of3A_364, %dma_wait3A_378] : memref<10000x128xf32, #tpu.memory_space<vmem_shared>> -> memref<40x128xf32, #tpu.memory_space<vmem_shared>>
        %dma_wait3A_380 = arith.constant 0 : i32
        %dma_wait3A_381 = tpu.memref_slice %arg15[%multiple_of3A_364, %dma_wait3A_380] : memref<10000x128xf32, #tpu.memory_space<vmem_shared>> -> memref<40x128xf32, #tpu.memory_space<vmem_shared>>
        %dma_wait3A_382 = arith.constant 0 : i32
        %dma_wait3A_383 = arith.constant 0 : i32
        %dma_wait3A_384 = tpu.memref_slice %arg11[%dma_wait3A_382, %dma_wait3A_383] : memref<40x128xf32, #tpu.memory_space<vmem>> -> memref<40x128xf32, #tpu.memory_space<vmem>>
        tpu.wait_dma2 semaphore(%run_scoped3A : memref<!tpu.dma_semaphore, #tpu.memory_space<semaphore_mem>>) src(%dma_wait3A_384 : memref<40x128xf32, #tpu.memory_space<vmem>>) dst(%dma_wait3A_381 : memref<40x128xf32, #tpu.memory_space<vmem_shared>>)
        tpu.yield
      }) : () -> ()
    } else {
    }
    %add3A_111 = arith.constant 240 : i32
    %add3A_112 = arith.addi %arg1, %add3A_111 : i32
    %lt3A_113 = arith.constant 250 : i32
    %lt3A_114 = arith.cmpi slt, %add3A_112, %lt3A_113 : i32
    %convert_element_type3A_115 = arith.extui %lt3A_114 : i1 to i32
    %cond3A_116 = arith.constant 0 : i32
    %cond3A_117 = arith.cmpi ne, %convert_element_type3A_115, %cond3A_116 : i32
    scf.if %cond3A_117 {
      %mul3A_362 = arith.constant 40 : i32
      %mul3A_363 = arith.muli %add3A_112, %mul3A_362 : i32
      %multiple_of3A_364 = tpu.assume_multiple %mul3A_363, 40 : i32
      "tpu.region"() ({
        %run_scoped3A = tpu.sem_alloc : memref<!tpu.dma_semaphore, #tpu.memory_space<semaphore_mem>>
        %dma_start3A_365 = arith.constant 0 : i32
        %dma_start3A_366 = arith.constant 0 : i32
        %dma_start3A_367 = tpu.memref_slice %arg11[%dma_start3A_365, %dma_start3A_366] : memref<40x128xf32, #tpu.memory_space<vmem>> -> memref<40x128xf32, #tpu.memory_space<vmem>>
        %dma_start3A_368 = arith.constant 0 : i32
        %dma_start3A_369 = tpu.memref_slice %arg15[%multiple_of3A_364, %dma_start3A_368] : memref<10000x128xf32, #tpu.memory_space<vmem_shared>> -> memref<40x128xf32, #tpu.memory_space<vmem_shared>>
        %dma_start3A_370 = arith.constant 0 : i32
        %dma_start3A_371 = tpu.memref_slice %arg15[%multiple_of3A_364, %dma_start3A_370] : memref<10000x128xf32, #tpu.memory_space<vmem_shared>> -> memref<40x128xf32, #tpu.memory_space<vmem_shared>>
        %dma_start3A_372 = arith.constant 0 : i32
        %dma_start3A_373 = arith.constant 0 : i32
        %dma_start3A_374 = tpu.memref_slice %arg11[%dma_start3A_372, %dma_start3A_373] : memref<40x128xf32, #tpu.memory_space<vmem>> -> memref<40x128xf32, #tpu.memory_space<vmem>>
        tpu.enqueue_dma source(%dma_start3A_374 : memref<40x128xf32, #tpu.memory_space<vmem>>) target(%dma_start3A_371 : memref<40x128xf32, #tpu.memory_space<vmem_shared>>) target_semaphore(%run_scoped3A : memref<!tpu.dma_semaphore, #tpu.memory_space<semaphore_mem>>)
        %dma_wait3A_375 = arith.constant 0 : i32
        %dma_wait3A_376 = arith.constant 0 : i32
        %dma_wait3A_377 = tpu.memref_slice %arg11[%dma_wait3A_375, %dma_wait3A_376] : memref<40x128xf32, #tpu.memory_space<vmem>> -> memref<40x128xf32, #tpu.memory_space<vmem>>
        %dma_wait3A_378 = arith.constant 0 : i32
        %dma_wait3A_379 = tpu.memref_slice %arg15[%multiple_of3A_364, %dma_wait3A_378] : memref<10000x128xf32, #tpu.memory_space<vmem_shared>> -> memref<40x128xf32, #tpu.memory_space<vmem_shared>>
        %dma_wait3A_380 = arith.constant 0 : i32
        %dma_wait3A_381 = tpu.memref_slice %arg15[%multiple_of3A_364, %dma_wait3A_380] : memref<10000x128xf32, #tpu.memory_space<vmem_shared>> -> memref<40x128xf32, #tpu.memory_space<vmem_shared>>
        %dma_wait3A_382 = arith.constant 0 : i32
        %dma_wait3A_383 = arith.constant 0 : i32
        %dma_wait3A_384 = tpu.memref_slice %arg11[%dma_wait3A_382, %dma_wait3A_383] : memref<40x128xf32, #tpu.memory_space<vmem>> -> memref<40x128xf32, #tpu.memory_space<vmem>>
        tpu.wait_dma2 semaphore(%run_scoped3A : memref<!tpu.dma_semaphore, #tpu.memory_space<semaphore_mem>>) src(%dma_wait3A_384 : memref<40x128xf32, #tpu.memory_space<vmem>>) dst(%dma_wait3A_381 : memref<40x128xf32, #tpu.memory_space<vmem_shared>>)
        tpu.yield
      }) : () -> ()
    } else {
    }
    %barrier3A = arith.constant 0 : index
    tpu.barrier barrier_id(%barrier3A)
    %add3A_118 = arith.constant 0 : i32
    %add3A_119 = arith.addi %multiple_of3A, %add3A_118 : i32
    %multiple_of3A_120 = tpu.assume_multiple %add3A_119, 40 : i32
    %add3A_121 = arith.constant 0 : i32
    %add3A_122 = arith.addi %multiple_of3A_120, %add3A_121 : i32
    %dma_start3A = tpu.memref_slice %arg4[%add3A_122] : memref<320000xi32, #tpu.memory_space<hbm>> -> memref<40xi32, #tpu.memory_space<hbm>>
    %dma_start3A_123 = tpu.memref_slice %arg4[%add3A_122] : memref<320000xi32, #tpu.memory_space<hbm>> -> memref<40xi32, #tpu.memory_space<hbm>>
    tpu.enqueue_dma source(%dma_start3A_123 : memref<40xi32, #tpu.memory_space<hbm>>) target(%arg7 : memref<40xi32, #tpu.memory_space<vmem>>) target_semaphore(%arg16 : memref<!tpu.dma_semaphore, #tpu.memory_space<semaphore_mem>>)
    %add3A_124 = arith.constant 0 : i32
    %add3A_125 = arith.addi %multiple_of3A_120, %add3A_124 : i32
    %dma_start3A_126 = tpu.memref_slice %arg5[%add3A_125] : memref<320000xi32, #tpu.memory_space<hbm>> -> memref<40xi32, #tpu.memory_space<hbm>>
    %dma_start3A_127 = tpu.memref_slice %arg5[%add3A_125] : memref<320000xi32, #tpu.memory_space<hbm>> -> memref<40xi32, #tpu.memory_space<hbm>>
    tpu.enqueue_dma source(%dma_start3A_127 : memref<40xi32, #tpu.memory_space<hbm>>) target(%arg9 : memref<40xi32, #tpu.memory_space<vmem>>) target_semaphore(%arg18 : memref<!tpu.dma_semaphore, #tpu.memory_space<semaphore_mem>>)
    %dma_start3A_128 = arith.constant 0 : i32
    %dma_start3A_129 = tpu.memref_slice %arg3[%multiple_of3A_120, %dma_start3A_128] : memref<160000x128xf32, #tpu.memory_space<hbm>> -> memref<40x128xf32, #tpu.memory_space<hbm>>
    %dma_start3A_130 = arith.constant 0 : i32
    %dma_start3A_131 = tpu.memref_slice %arg3[%multiple_of3A_120, %dma_start3A_130] : memref<160000x128xf32, #tpu.memory_space<hbm>> -> memref<40x128xf32, #tpu.memory_space<hbm>>
    tpu.enqueue_dma source(%dma_start3A_131 : memref<40x128xf32, #tpu.memory_space<hbm>>) target(%arg13 : memref<40x128xf32, #tpu.memory_space<vmem>>) target_semaphore(%arg22 : memref<!tpu.dma_semaphore, #tpu.memory_space<semaphore_mem>>)
    %add3A_132 = arith.constant 40 : i32
    %add3A_133 = arith.addi %multiple_of3A, %add3A_132 : i32
    %multiple_of3A_134 = tpu.assume_multiple %add3A_133, 40 : i32
    %add3A_135 = arith.constant 0 : i32
    %add3A_136 = arith.addi %multiple_of3A_134, %add3A_135 : i32
    %dma_start3A_137 = tpu.memref_slice %arg4[%add3A_136] : memref<320000xi32, #tpu.memory_space<hbm>> -> memref<40xi32, #tpu.memory_space<hbm>>
    %dma_start3A_138 = tpu.memref_slice %arg4[%add3A_136] : memref<320000xi32, #tpu.memory_space<hbm>> -> memref<40xi32, #tpu.memory_space<hbm>>
    tpu.enqueue_dma source(%dma_start3A_138 : memref<40xi32, #tpu.memory_space<hbm>>) target(%arg8 : memref<40xi32, #tpu.memory_space<vmem>>) target_semaphore(%arg17 : memref<!tpu.dma_semaphore, #tpu.memory_space<semaphore_mem>>)
    %add3A_139 = arith.constant 0 : i32
    %add3A_140 = arith.addi %multiple_of3A_134, %add3A_139 : i32
    %dma_start3A_141 = tpu.memref_slice %arg5[%add3A_140] : memref<320000xi32, #tpu.memory_space<hbm>> -> memref<40xi32, #tpu.memory_space<hbm>>
    %dma_start3A_142 = tpu.memref_slice %arg5[%add3A_140] : memref<320000xi32, #tpu.memory_space<hbm>> -> memref<40xi32, #tpu.memory_space<hbm>>
    tpu.enqueue_dma source(%dma_start3A_142 : memref<40xi32, #tpu.memory_space<hbm>>) target(%arg10 : memref<40xi32, #tpu.memory_space<vmem>>) target_semaphore(%arg19 : memref<!tpu.dma_semaphore, #tpu.memory_space<semaphore_mem>>)
    %dma_start3A_143 = arith.constant 0 : i32
    %dma_start3A_144 = tpu.memref_slice %arg3[%multiple_of3A_134, %dma_start3A_143] : memref<160000x128xf32, #tpu.memory_space<hbm>> -> memref<40x128xf32, #tpu.memory_space<hbm>>
    %dma_start3A_145 = arith.constant 0 : i32
    %dma_start3A_146 = tpu.memref_slice %arg3[%multiple_of3A_134, %dma_start3A_145] : memref<160000x128xf32, #tpu.memory_space<hbm>> -> memref<40x128xf32, #tpu.memory_space<hbm>>
    tpu.enqueue_dma source(%dma_start3A_146 : memref<40x128xf32, #tpu.memory_space<hbm>>) target(%arg14 : memref<40x128xf32, #tpu.memory_space<vmem>>) target_semaphore(%arg23 : memref<!tpu.dma_semaphore, #tpu.memory_space<semaphore_mem>>)
    %dma_wait3A = tpu.memref_slice %arg4[%add3A_122] : memref<320000xi32, #tpu.memory_space<hbm>> -> memref<40xi32, #tpu.memory_space<hbm>>
    %dma_wait3A_147 = tpu.memref_slice %arg4[%add3A_122] : memref<320000xi32, #tpu.memory_space<hbm>> -> memref<40xi32, #tpu.memory_space<hbm>>
    tpu.wait_dma2 semaphore(%arg16 : memref<!tpu.dma_semaphore, #tpu.memory_space<semaphore_mem>>) src(%dma_wait3A_147 : memref<40xi32, #tpu.memory_space<hbm>>) dst(%arg7 : memref<40xi32, #tpu.memory_space<vmem>>)
    %dma_start3A_148 = arith.constant 0 : i32
    %dma_start3A_149 = arith.constant 0 : i32
    %dma_start3A_150 = tpu.memref_slice %arg2[%dma_start3A_148, %dma_start3A_149] : memref<10000x128xf32, #tpu.memory_space<hbm>> -> memref<10000x128xf32, #tpu.memory_space<hbm>>
    tpu.enqueue_indirect_dma source(%dma_start3A_150 : memref<10000x128xf32, #tpu.memory_space<hbm>>) target(%arg11 : memref<40x128xf32, #tpu.memory_space<vmem>>) offsets(%arg7 : memref<40xi32, #tpu.memory_space<vmem>>) semaphore(%arg20 : memref<!tpu.dma_semaphore, #tpu.memory_space<semaphore_mem>>)
    %dma_wait3A_151 = tpu.memref_slice %arg4[%add3A_136] : memref<320000xi32, #tpu.memory_space<hbm>> -> memref<40xi32, #tpu.memory_space<hbm>>
    %dma_wait3A_152 = tpu.memref_slice %arg4[%add3A_136] : memref<320000xi32, #tpu.memory_space<hbm>> -> memref<40xi32, #tpu.memory_space<hbm>>
    tpu.wait_dma2 semaphore(%arg17 : memref<!tpu.dma_semaphore, #tpu.memory_space<semaphore_mem>>) src(%dma_wait3A_152 : memref<40xi32, #tpu.memory_space<hbm>>) dst(%arg8 : memref<40xi32, #tpu.memory_space<vmem>>)
    %dma_start3A_153 = arith.constant 0 : i32
    %dma_start3A_154 = arith.constant 0 : i32
    %dma_start3A_155 = tpu.memref_slice %arg2[%dma_start3A_153, %dma_start3A_154] : memref<10000x128xf32, #tpu.memory_space<hbm>> -> memref<10000x128xf32, #tpu.memory_space<hbm>>
    tpu.enqueue_indirect_dma source(%dma_start3A_155 : memref<10000x128xf32, #tpu.memory_space<hbm>>) target(%arg12 : memref<40x128xf32, #tpu.memory_space<vmem>>) offsets(%arg8 : memref<40xi32, #tpu.memory_space<vmem>>) semaphore(%arg21 : memref<!tpu.dma_semaphore, #tpu.memory_space<semaphore_mem>>)
    %dma_wait3A_156 = arith.constant 0 : i32
    %dma_wait3A_157 = arith.constant 0 : i32
    %dma_wait3A_158 = tpu.memref_slice %arg2[%dma_wait3A_156, %dma_wait3A_157] : memref<10000x128xf32, #tpu.memory_space<hbm>> -> memref<10000x128xf32, #tpu.memory_space<hbm>>
    tpu.wait_indirect_dma semaphore(%arg20 : memref<!tpu.dma_semaphore, #tpu.memory_space<semaphore_mem>>) src(%dma_wait3A_158 : memref<10000x128xf32, #tpu.memory_space<hbm>>) dst(%arg11 : memref<40x128xf32, #tpu.memory_space<vmem>>)
    %dma_wait3A_159 = arith.constant 0 : i32
    %dma_wait3A_160 = tpu.memref_slice %arg3[%multiple_of3A_120, %dma_wait3A_159] : memref<160000x128xf32, #tpu.memory_space<hbm>> -> memref<40x128xf32, #tpu.memory_space<hbm>>
    %dma_wait3A_161 = arith.constant 0 : i32
    %dma_wait3A_162 = tpu.memref_slice %arg3[%multiple_of3A_120, %dma_wait3A_161] : memref<160000x128xf32, #tpu.memory_space<hbm>> -> memref<40x128xf32, #tpu.memory_space<hbm>>
    tpu.wait_dma2 semaphore(%arg22 : memref<!tpu.dma_semaphore, #tpu.memory_space<semaphore_mem>>) src(%dma_wait3A_162 : memref<40x128xf32, #tpu.memory_space<hbm>>) dst(%arg13 : memref<40x128xf32, #tpu.memory_space<vmem>>)
    %scan3A_163 = arith.constant 0 : i32
    %scan3A_164 = arith.constant 0 : i32
    %scan3A_165 = arith.constant 40 : i32
    %scan3A_166 = arith.addi %scan3A_164, %scan3A_165 : i32
    %scan3A_167 = arith.constant 1 : i32
    %scan3A_168 = scf.for %scan3A_362 = %scan3A_164 to %scan3A_166 step %scan3A_167 iter_args(%scan3A_363 = %scan3A_163) -> (i32)  : i32 {
      %get3A = arith.index_cast %scan3A_362 : i32 to index
      %get3A_364 = arith.constant 0 : index
      %get3A_365 = tpu.vector_load %arg11[%get3A, %get3A_364] {strides = array<i32>} : memref<40x128xf32, #tpu.memory_space<vmem>>, vector<1x16xf32>,
      %get3A_366 = vector.shape_cast %get3A_365 : vector<1x16xf32> to vector<16xf32>
      %get3A_367 = arith.index_cast %scan3A_362 : i32 to index
      %get3A_368 = arith.constant 0 : index
      %get3A_369 = tpu.vector_load %arg13[%get3A_367, %get3A_368] {strides = array<i32>} : memref<40x128xf32, #tpu.memory_space<vmem>>, vector<1x16xf32>,
      %get3A_370 = vector.shape_cast %get3A_369 : vector<1x16xf32> to vector<16xf32>
      %mul3A_371 = arith.mulf %get3A_366, %get3A_370 : vector<16xf32>
      %swap3A = arith.index_cast %scan3A_362 : i32 to index
      %swap3A_372 = arith.constant 0 : index
      %swap3A_373 = tpu.vector_load %arg11[%swap3A, %swap3A_372] {strides = array<i32>} : memref<40x128xf32, #tpu.memory_space<vmem>>, vector<1x16xf32>,
      %swap3A_374 = vector.shape_cast %swap3A_373 : vector<1x16xf32> to vector<16xf32>
      %swap3A_375 = vector.shape_cast %mul3A_371 : vector<16xf32> to vector<1x16xf32>
      tpu.vector_store %arg11[%swap3A, %swap3A_372], %swap3A_375 {strides = array<i32>} : memref<40x128xf32, #tpu.memory_space<vmem>>, vector<1x16xf32>,
      %get3A_376 = arith.index_cast %scan3A_362 : i32 to index
      %get3A_377 = arith.constant 16 : index
      %get3A_378 = tpu.vector_load %arg11[%get3A_376, %get3A_377] {strides = array<i32>} : memref<40x128xf32, #tpu.memory_space<vmem>>, vector<1x16xf32>,
      %get3A_379 = vector.shape_cast %get3A_378 : vector<1x16xf32> to vector<16xf32>
      %get3A_380 = arith.index_cast %scan3A_362 : i32 to index
      %get3A_381 = arith.constant 16 : index
      %get3A_382 = tpu.vector_load %arg13[%get3A_380, %get3A_381] {strides = array<i32>} : memref<40x128xf32, #tpu.memory_space<vmem>>, vector<1x16xf32>,
      %get3A_383 = vector.shape_cast %get3A_382 : vector<1x16xf32> to vector<16xf32>
      %mul3A_384 = arith.mulf %get3A_379, %get3A_383 : vector<16xf32>
      %swap3A_385 = arith.index_cast %scan3A_362 : i32 to index
      %swap3A_386 = arith.constant 16 : index
      %swap3A_387 = tpu.vector_load %arg11[%swap3A_385, %swap3A_386] {strides = array<i32>} : memref<40x128xf32, #tpu.memory_space<vmem>>, vector<1x16xf32>,
      %swap3A_388 = vector.shape_cast %swap3A_387 : vector<1x16xf32> to vector<16xf32>
      %swap3A_389 = vector.shape_cast %mul3A_384 : vector<16xf32> to vector<1x16xf32>
      tpu.vector_store %arg11[%swap3A_385, %swap3A_386], %swap3A_389 {strides = array<i32>} : memref<40x128xf32, #tpu.memory_space<vmem>>, vector<1x16xf32>,
      %get3A_390 = arith.index_cast %scan3A_362 : i32 to index
      %get3A_391 = arith.constant 32 : index
      %get3A_392 = tpu.vector_load %arg11[%get3A_390, %get3A_391] {strides = array<i32>} : memref<40x128xf32, #tpu.memory_space<vmem>>, vector<1x16xf32>,
      %get3A_393 = vector.shape_cast %get3A_392 : vector<1x16xf32> to vector<16xf32>
      %get3A_394 = arith.index_cast %scan3A_362 : i32 to index
      %get3A_395 = arith.constant 32 : index
      %get3A_396 = tpu.vector_load %arg13[%get3A_394, %get3A_395] {strides = array<i32>} : memref<40x128xf32, #tpu.memory_space<vmem>>, vector<1x16xf32>,
      %get3A_397 = vector.shape_cast %get3A_396 : vector<1x16xf32> to vector<16xf32>
      %mul3A_398 = arith.mulf %get3A_393, %get3A_397 : vector<16xf32>
      %swap3A_399 = arith.index_cast %scan3A_362 : i32 to index
      %swap3A_400 = arith.constant 32 : index
      %swap3A_401 = tpu.vector_load %arg11[%swap3A_399, %swap3A_400] {strides = array<i32>} : memref<40x128xf32, #tpu.memory_space<vmem>>, vector<1x16xf32>,
      %swap3A_402 = vector.shape_cast %swap3A_401 : vector<1x16xf32> to vector<16xf32>
      %swap3A_403 = vector.shape_cast %mul3A_398 : vector<16xf32> to vector<1x16xf32>
      tpu.vector_store %arg11[%swap3A_399, %swap3A_400], %swap3A_403 {strides = array<i32>} : memref<40x128xf32, #tpu.memory_space<vmem>>, vector<1x16xf32>,
      %get3A_404 = arith.index_cast %scan3A_362 : i32 to index
      %get3A_405 = arith.constant 48 : index
      %get3A_406 = tpu.vector_load %arg11[%get3A_404, %get3A_405] {strides = array<i32>} : memref<40x128xf32, #tpu.memory_space<vmem>>, vector<1x16xf32>,
      %get3A_407 = vector.shape_cast %get3A_406 : vector<1x16xf32> to vector<16xf32>
      %get3A_408 = arith.index_cast %scan3A_362 : i32 to index
      %get3A_409 = arith.constant 48 : index
      %get3A_410 = tpu.vector_load %arg13[%get3A_408, %get3A_409] {strides = array<i32>} : memref<40x128xf32, #tpu.memory_space<vmem>>, vector<1x16xf32>,
      %get3A_411 = vector.shape_cast %get3A_410 : vector<1x16xf32> to vector<16xf32>
      %mul3A_412 = arith.mulf %get3A_407, %get3A_411 : vector<16xf32>
      %swap3A_413 = arith.index_cast %scan3A_362 : i32 to index
      %swap3A_414 = arith.constant 48 : index
      %swap3A_415 = tpu.vector_load %arg11[%swap3A_413, %swap3A_414] {strides = array<i32>} : memref<40x128xf32, #tpu.memory_space<vmem>>, vector<1x16xf32>,
      %swap3A_416 = vector.shape_cast %swap3A_415 : vector<1x16xf32> to vector<16xf32>
      %swap3A_417 = vector.shape_cast %mul3A_412 : vector<16xf32> to vector<1x16xf32>
      tpu.vector_store %arg11[%swap3A_413, %swap3A_414], %swap3A_417 {strides = array<i32>} : memref<40x128xf32, #tpu.memory_space<vmem>>, vector<1x16xf32>,
      %get3A_418 = arith.index_cast %scan3A_362 : i32 to index
      %get3A_419 = arith.constant 64 : index
      %get3A_420 = tpu.vector_load %arg11[%get3A_418, %get3A_419] {strides = array<i32>} : memref<40x128xf32, #tpu.memory_space<vmem>>, vector<1x16xf32>,
      %get3A_421 = vector.shape_cast %get3A_420 : vector<1x16xf32> to vector<16xf32>
      %get3A_422 = arith.index_cast %scan3A_362 : i32 to index
      %get3A_423 = arith.constant 64 : index
      %get3A_424 = tpu.vector_load %arg13[%get3A_422, %get3A_423] {strides = array<i32>} : memref<40x128xf32, #tpu.memory_space<vmem>>, vector<1x16xf32>,
      %get3A_425 = vector.shape_cast %get3A_424 : vector<1x16xf32> to vector<16xf32>
      %mul3A_426 = arith.mulf %get3A_421, %get3A_425 : vector<16xf32>
      %swap3A_427 = arith.index_cast %scan3A_362 : i32 to index
      %swap3A_428 = arith.constant 64 : index
      %swap3A_429 = tpu.vector_load %arg11[%swap3A_427, %swap3A_428] {strides = array<i32>} : memref<40x128xf32, #tpu.memory_space<vmem>>, vector<1x16xf32>,
      %swap3A_430 = vector.shape_cast %swap3A_429 : vector<1x16xf32> to vector<16xf32>
      %swap3A_431 = vector.shape_cast %mul3A_426 : vector<16xf32> to vector<1x16xf32>
      tpu.vector_store %arg11[%swap3A_427, %swap3A_428], %swap3A_431 {strides = array<i32>} : memref<40x128xf32, #tpu.memory_space<vmem>>, vector<1x16xf32>,
      %get3A_432 = arith.index_cast %scan3A_362 : i32 to index
      %get3A_433 = arith.constant 80 : index
      %get3A_434 = tpu.vector_load %arg11[%get3A_432, %get3A_433] {strides = array<i32>} : memref<40x128xf32, #tpu.memory_space<vmem>>, vector<1x16xf32>,
      %get3A_435 = vector.shape_cast %get3A_434 : vector<1x16xf32> to vector<16xf32>
      %get3A_436 = arith.index_cast %scan3A_362 : i32 to index
      %get3A_437 = arith.constant 80 : index
      %get3A_438 = tpu.vector_load %arg13[%get3A_436, %get3A_437] {strides = array<i32>} : memref<40x128xf32, #tpu.memory_space<vmem>>, vector<1x16xf32>,
      %get3A_439 = vector.shape_cast %get3A_438 : vector<1x16xf32> to vector<16xf32>
      %mul3A_440 = arith.mulf %get3A_435, %get3A_439 : vector<16xf32>
      %swap3A_441 = arith.index_cast %scan3A_362 : i32 to index
      %swap3A_442 = arith.constant 80 : index
      %swap3A_443 = tpu.vector_load %arg11[%swap3A_441, %swap3A_442] {strides = array<i32>} : memref<40x128xf32, #tpu.memory_space<vmem>>, vector<1x16xf32>,
      %swap3A_444 = vector.shape_cast %swap3A_443 : vector<1x16xf32> to vector<16xf32>
      %swap3A_445 = vector.shape_cast %mul3A_440 : vector<16xf32> to vector<1x16xf32>
      tpu.vector_store %arg11[%swap3A_441, %swap3A_442], %swap3A_445 {strides = array<i32>} : memref<40x128xf32, #tpu.memory_space<vmem>>, vector<1x16xf32>,
      %get3A_446 = arith.index_cast %scan3A_362 : i32 to index
      %get3A_447 = arith.constant 96 : index
      %get3A_448 = tpu.vector_load %arg11[%get3A_446, %get3A_447] {strides = array<i32>} : memref<40x128xf32, #tpu.memory_space<vmem>>, vector<1x16xf32>,
      %get3A_449 = vector.shape_cast %get3A_448 : vector<1x16xf32> to vector<16xf32>
      %get3A_450 = arith.index_cast %scan3A_362 : i32 to index
      %get3A_451 = arith.constant 96 : index
      %get3A_452 = tpu.vector_load %arg13[%get3A_450, %get3A_451] {strides = array<i32>} : memref<40x128xf32, #tpu.memory_space<vmem>>, vector<1x16xf32>,
      %get3A_453 = vector.shape_cast %get3A_452 : vector<1x16xf32> to vector<16xf32>
      %mul3A_454 = arith.mulf %get3A_449, %get3A_453 : vector<16xf32>
      %swap3A_455 = arith.index_cast %scan3A_362 : i32 to index
      %swap3A_456 = arith.constant 96 : index
      %swap3A_457 = tpu.vector_load %arg11[%swap3A_455, %swap3A_456] {strides = array<i32>} : memref<40x128xf32, #tpu.memory_space<vmem>>, vector<1x16xf32>,
      %swap3A_458 = vector.shape_cast %swap3A_457 : vector<1x16xf32> to vector<16xf32>
      %swap3A_459 = vector.shape_cast %mul3A_454 : vector<16xf32> to vector<1x16xf32>
      tpu.vector_store %arg11[%swap3A_455, %swap3A_456], %swap3A_459 {strides = array<i32>} : memref<40x128xf32, #tpu.memory_space<vmem>>, vector<1x16xf32>,
      %get3A_460 = arith.index_cast %scan3A_362 : i32 to index
      %get3A_461 = arith.constant 112 : index
      %get3A_462 = tpu.vector_load %arg11[%get3A_460, %get3A_461] {strides = array<i32>} : memref<40x128xf32, #tpu.memory_space<vmem>>, vector<1x16xf32>,
      %get3A_463 = vector.shape_cast %get3A_462 : vector<1x16xf32> to vector<16xf32>
      %get3A_464 = arith.index_cast %scan3A_362 : i32 to index
      %get3A_465 = arith.constant 112 : index
      %get3A_466 = tpu.vector_load %arg13[%get3A_464, %get3A_465] {strides = array<i32>} : memref<40x128xf32, #tpu.memory_space<vmem>>, vector<1x16xf32>,
      %get3A_467 = vector.shape_cast %get3A_466 : vector<1x16xf32> to vector<16xf32>
      %mul3A_468 = arith.mulf %get3A_463, %get3A_467 : vector<16xf32>
      %swap3A_469 = arith.index_cast %scan3A_362 : i32 to index
      %swap3A_470 = arith.constant 112 : index
      %swap3A_471 = tpu.vector_load %arg11[%swap3A_469, %swap3A_470] {strides = array<i32>} : memref<40x128xf32, #tpu.memory_space<vmem>>, vector<1x16xf32>,
      %swap3A_472 = vector.shape_cast %swap3A_471 : vector<1x16xf32> to vector<16xf32>
      %swap3A_473 = vector.shape_cast %mul3A_468 : vector<16xf32> to vector<1x16xf32>
      tpu.vector_store %arg11[%swap3A_469, %swap3A_470], %swap3A_473 {strides = array<i32>} : memref<40x128xf32, #tpu.memory_space<vmem>>, vector<1x16xf32>,
      %scan3A_474 = arith.constant 0 : i32
      scf.yield %scan3A_474 : i32
    }
    %scan3A_169 = arith.constant 40 : i32
    %dma_wait3A_170 = tpu.memref_slice %arg5[%add3A_125] : memref<320000xi32, #tpu.memory_space<hbm>> -> memref<40xi32, #tpu.memory_space<hbm>>
    %dma_wait3A_171 = tpu.memref_slice %arg5[%add3A_125] : memref<320000xi32, #tpu.memory_space<hbm>> -> memref<40xi32, #tpu.memory_space<hbm>>
    tpu.wait_dma2 semaphore(%arg18 : memref<!tpu.dma_semaphore, #tpu.memory_space<semaphore_mem>>) src(%dma_wait3A_171 : memref<40xi32, #tpu.memory_space<hbm>>) dst(%arg9 : memref<40xi32, #tpu.memory_space<vmem>>)
    %dma_start3A_172 = arith.constant 0 : i32
    %dma_start3A_173 = arith.constant 0 : i32
    %dma_start3A_174 = tpu.memref_slice %arg15[%dma_start3A_172, %dma_start3A_173] : memref<10000x128xf32, #tpu.memory_space<vmem_shared>> -> memref<10000x128xf32, #tpu.memory_space<vmem_shared>>
    tpu.enqueue_indirect_dma source(%arg11 : memref<40x128xf32, #tpu.memory_space<vmem>>) target(%dma_start3A_174 : memref<10000x128xf32, #tpu.memory_space<vmem_shared>>) offsets(%arg9 : memref<40xi32, #tpu.memory_space<vmem>>) semaphore(%arg24 : memref<!tpu.dma_semaphore, #tpu.memory_space<semaphore_mem>>) {add = true}
    %dma_wait3A_175 = arith.constant 0 : i32
    %dma_wait3A_176 = arith.constant 0 : i32
    %dma_wait3A_177 = tpu.memref_slice %arg2[%dma_wait3A_175, %dma_wait3A_176] : memref<10000x128xf32, #tpu.memory_space<hbm>> -> memref<10000x128xf32, #tpu.memory_space<hbm>>
    tpu.wait_indirect_dma semaphore(%arg21 : memref<!tpu.dma_semaphore, #tpu.memory_space<semaphore_mem>>) src(%dma_wait3A_177 : memref<10000x128xf32, #tpu.memory_space<hbm>>) dst(%arg12 : memref<40x128xf32, #tpu.memory_space<vmem>>)
    %dma_wait3A_178 = arith.constant 0 : i32
    %dma_wait3A_179 = tpu.memref_slice %arg3[%multiple_of3A_134, %dma_wait3A_178] : memref<160000x128xf32, #tpu.memory_space<hbm>> -> memref<40x128xf32, #tpu.memory_space<hbm>>
    %dma_wait3A_180 = arith.constant 0 : i32
    %dma_wait3A_181 = tpu.memref_slice %arg3[%multiple_of3A_134, %dma_wait3A_180] : memref<160000x128xf32, #tpu.memory_space<hbm>> -> memref<40x128xf32, #tpu.memory_space<hbm>>
    tpu.wait_dma2 semaphore(%arg23 : memref<!tpu.dma_semaphore, #tpu.memory_space<semaphore_mem>>) src(%dma_wait3A_181 : memref<40x128xf32, #tpu.memory_space<hbm>>) dst(%arg14 : memref<40x128xf32, #tpu.memory_space<vmem>>)
    %scan3A_182 = arith.constant 0 : i32
    %scan3A_183 = arith.constant 0 : i32
    %scan3A_184 = arith.constant 40 : i32
    %scan3A_185 = arith.addi %scan3A_183, %scan3A_184 : i32
    %scan3A_186 = arith.constant 1 : i32
    %scan3A_187 = scf.for %scan3A_362 = %scan3A_183 to %scan3A_185 step %scan3A_186 iter_args(%scan3A_363 = %scan3A_182) -> (i32)  : i32 {
      %get3A = arith.index_cast %scan3A_362 : i32 to index
      %get3A_364 = arith.constant 0 : index
      %get3A_365 = tpu.vector_load %arg12[%get3A, %get3A_364] {strides = array<i32>} : memref<40x128xf32, #tpu.memory_space<vmem>>, vector<1x16xf32>,
      %get3A_366 = vector.shape_cast %get3A_365 : vector<1x16xf32> to vector<16xf32>
      %get3A_367 = arith.index_cast %scan3A_362 : i32 to index
      %get3A_368 = arith.constant 0 : index
      %get3A_369 = tpu.vector_load %arg14[%get3A_367, %get3A_368] {strides = array<i32>} : memref<40x128xf32, #tpu.memory_space<vmem>>, vector<1x16xf32>,
      %get3A_370 = vector.shape_cast %get3A_369 : vector<1x16xf32> to vector<16xf32>
      %mul3A_371 = arith.mulf %get3A_366, %get3A_370 : vector<16xf32>
      %swap3A = arith.index_cast %scan3A_362 : i32 to index
      %swap3A_372 = arith.constant 0 : index
      %swap3A_373 = tpu.vector_load %arg12[%swap3A, %swap3A_372] {strides = array<i32>} : memref<40x128xf32, #tpu.memory_space<vmem>>, vector<1x16xf32>,
      %swap3A_374 = vector.shape_cast %swap3A_373 : vector<1x16xf32> to vector<16xf32>
      %swap3A_375 = vector.shape_cast %mul3A_371 : vector<16xf32> to vector<1x16xf32>
      tpu.vector_store %arg12[%swap3A, %swap3A_372], %swap3A_375 {strides = array<i32>} : memref<40x128xf32, #tpu.memory_space<vmem>>, vector<1x16xf32>,
      %get3A_376 = arith.index_cast %scan3A_362 : i32 to index
      %get3A_377 = arith.constant 16 : index
      %get3A_378 = tpu.vector_load %arg12[%get3A_376, %get3A_377] {strides = array<i32>} : memref<40x128xf32, #tpu.memory_space<vmem>>, vector<1x16xf32>,
      %get3A_379 = vector.shape_cast %get3A_378 : vector<1x16xf32> to vector<16xf32>
      %get3A_380 = arith.index_cast %scan3A_362 : i32 to index
      %get3A_381 = arith.constant 16 : index
      %get3A_382 = tpu.vector_load %arg14[%get3A_380, %get3A_381] {strides = array<i32>} : memref<40x128xf32, #tpu.memory_space<vmem>>, vector<1x16xf32>,
      %get3A_383 = vector.shape_cast %get3A_382 : vector<1x16xf32> to vector<16xf32>
      %mul3A_384 = arith.mulf %get3A_379, %get3A_383 : vector<16xf32>
      %swap3A_385 = arith.index_cast %scan3A_362 : i32 to index
      %swap3A_386 = arith.constant 16 : index
      %swap3A_387 = tpu.vector_load %arg12[%swap3A_385, %swap3A_386] {strides = array<i32>} : memref<40x128xf32, #tpu.memory_space<vmem>>, vector<1x16xf32>,
      %swap3A_388 = vector.shape_cast %swap3A_387 : vector<1x16xf32> to vector<16xf32>
      %swap3A_389 = vector.shape_cast %mul3A_384 : vector<16xf32> to vector<1x16xf32>
      tpu.vector_store %arg12[%swap3A_385, %swap3A_386], %swap3A_389 {strides = array<i32>} : memref<40x128xf32, #tpu.memory_space<vmem>>, vector<1x16xf32>,
      %get3A_390 = arith.index_cast %scan3A_362 : i32 to index
      %get3A_391 = arith.constant 32 : index
      %get3A_392 = tpu.vector_load %arg12[%get3A_390, %get3A_391] {strides = array<i32>} : memref<40x128xf32, #tpu.memory_space<vmem>>, vector<1x16xf32>,
      %get3A_393 = vector.shape_cast %get3A_392 : vector<1x16xf32> to vector<16xf32>
      %get3A_394 = arith.index_cast %scan3A_362 : i32 to index
      %get3A_395 = arith.constant 32 : index
      %get3A_396 = tpu.vector_load %arg14[%get3A_394, %get3A_395] {strides = array<i32>} : memref<40x128xf32, #tpu.memory_space<vmem>>, vector<1x16xf32>,
      %get3A_397 = vector.shape_cast %get3A_396 : vector<1x16xf32> to vector<16xf32>
      %mul3A_398 = arith.mulf %get3A_393, %get3A_397 : vector<16xf32>
      %swap3A_399 = arith.index_cast %scan3A_362 : i32 to index
      %swap3A_400 = arith.constant 32 : index
      %swap3A_401 = tpu.vector_load %arg12[%swap3A_399, %swap3A_400] {strides = array<i32>} : memref<40x128xf32, #tpu.memory_space<vmem>>, vector<1x16xf32>,
      %swap3A_402 = vector.shape_cast %swap3A_401 : vector<1x16xf32> to vector<16xf32>
      %swap3A_403 = vector.shape_cast %mul3A_398 : vector<16xf32> to vector<1x16xf32>
      tpu.vector_store %arg12[%swap3A_399, %swap3A_400], %swap3A_403 {strides = array<i32>} : memref<40x128xf32, #tpu.memory_space<vmem>>, vector<1x16xf32>,
      %get3A_404 = arith.index_cast %scan3A_362 : i32 to index
      %get3A_405 = arith.constant 48 : index
      %get3A_406 = tpu.vector_load %arg12[%get3A_404, %get3A_405] {strides = array<i32>} : memref<40x128xf32, #tpu.memory_space<vmem>>, vector<1x16xf32>,
      %get3A_407 = vector.shape_cast %get3A_406 : vector<1x16xf32> to vector<16xf32>
      %get3A_408 = arith.index_cast %scan3A_362 : i32 to index
      %get3A_409 = arith.constant 48 : index
      %get3A_410 = tpu.vector_load %arg14[%get3A_408, %get3A_409] {strides = array<i32>} : memref<40x128xf32, #tpu.memory_space<vmem>>, vector<1x16xf32>,
      %get3A_411 = vector.shape_cast %get3A_410 : vector<1x16xf32> to vector<16xf32>
      %mul3A_412 = arith.mulf %get3A_407, %get3A_411 : vector<16xf32>
      %swap3A_413 = arith.index_cast %scan3A_362 : i32 to index
      %swap3A_414 = arith.constant 48 : index
      %swap3A_415 = tpu.vector_load %arg12[%swap3A_413, %swap3A_414] {strides = array<i32>} : memref<40x128xf32, #tpu.memory_space<vmem>>, vector<1x16xf32>,
      %swap3A_416 = vector.shape_cast %swap3A_415 : vector<1x16xf32> to vector<16xf32>
      %swap3A_417 = vector.shape_cast %mul3A_412 : vector<16xf32> to vector<1x16xf32>
      tpu.vector_store %arg12[%swap3A_413, %swap3A_414], %swap3A_417 {strides = array<i32>} : memref<40x128xf32, #tpu.memory_space<vmem>>, vector<1x16xf32>,
      %get3A_418 = arith.index_cast %scan3A_362 : i32 to index
      %get3A_419 = arith.constant 64 : index
      %get3A_420 = tpu.vector_load %arg12[%get3A_418, %get3A_419] {strides = array<i32>} : memref<40x128xf32, #tpu.memory_space<vmem>>, vector<1x16xf32>,
      %get3A_421 = vector.shape_cast %get3A_420 : vector<1x16xf32> to vector<16xf32>
      %get3A_422 = arith.index_cast %scan3A_362 : i32 to index
      %get3A_423 = arith.constant 64 : index
      %get3A_424 = tpu.vector_load %arg14[%get3A_422, %get3A_423] {strides = array<i32>} : memref<40x128xf32, #tpu.memory_space<vmem>>, vector<1x16xf32>,
      %get3A_425 = vector.shape_cast %get3A_424 : vector<1x16xf32> to vector<16xf32>
      %mul3A_426 = arith.mulf %get3A_421, %get3A_425 : vector<16xf32>
      %swap3A_427 = arith.index_cast %scan3A_362 : i32 to index
      %swap3A_428 = arith.constant 64 : index
      %swap3A_429 = tpu.vector_load %arg12[%swap3A_427, %swap3A_428] {strides = array<i32>} : memref<40x128xf32, #tpu.memory_space<vmem>>, vector<1x16xf32>,
      %swap3A_430 = vector.shape_cast %swap3A_429 : vector<1x16xf32> to vector<16xf32>
      %swap3A_431 = vector.shape_cast %mul3A_426 : vector<16xf32> to vector<1x16xf32>
      tpu.vector_store %arg12[%swap3A_427, %swap3A_428], %swap3A_431 {strides = array<i32>} : memref<40x128xf32, #tpu.memory_space<vmem>>, vector<1x16xf32>,
      %get3A_432 = arith.index_cast %scan3A_362 : i32 to index
      %get3A_433 = arith.constant 80 : index
      %get3A_434 = tpu.vector_load %arg12[%get3A_432, %get3A_433] {strides = array<i32>} : memref<40x128xf32, #tpu.memory_space<vmem>>, vector<1x16xf32>,
      %get3A_435 = vector.shape_cast %get3A_434 : vector<1x16xf32> to vector<16xf32>
      %get3A_436 = arith.index_cast %scan3A_362 : i32 to index
      %get3A_437 = arith.constant 80 : index
      %get3A_438 = tpu.vector_load %arg14[%get3A_436, %get3A_437] {strides = array<i32>} : memref<40x128xf32, #tpu.memory_space<vmem>>, vector<1x16xf32>,
      %get3A_439 = vector.shape_cast %get3A_438 : vector<1x16xf32> to vector<16xf32>
      %mul3A_440 = arith.mulf %get3A_435, %get3A_439 : vector<16xf32>
      %swap3A_441 = arith.index_cast %scan3A_362 : i32 to index
      %swap3A_442 = arith.constant 80 : index
      %swap3A_443 = tpu.vector_load %arg12[%swap3A_441, %swap3A_442] {strides = array<i32>} : memref<40x128xf32, #tpu.memory_space<vmem>>, vector<1x16xf32>,
      %swap3A_444 = vector.shape_cast %swap3A_443 : vector<1x16xf32> to vector<16xf32>
      %swap3A_445 = vector.shape_cast %mul3A_440 : vector<16xf32> to vector<1x16xf32>
      tpu.vector_store %arg12[%swap3A_441, %swap3A_442], %swap3A_445 {strides = array<i32>} : memref<40x128xf32, #tpu.memory_space<vmem>>, vector<1x16xf32>,
      %get3A_446 = arith.index_cast %scan3A_362 : i32 to index
      %get3A_447 = arith.constant 96 : index
      %get3A_448 = tpu.vector_load %arg12[%get3A_446, %get3A_447] {strides = array<i32>} : memref<40x128xf32, #tpu.memory_space<vmem>>, vector<1x16xf32>,
      %get3A_449 = vector.shape_cast %get3A_448 : vector<1x16xf32> to vector<16xf32>
      %get3A_450 = arith.index_cast %scan3A_362 : i32 to index
      %get3A_451 = arith.constant 96 : index
      %get3A_452 = tpu.vector_load %arg14[%get3A_450, %get3A_451] {strides = array<i32>} : memref<40x128xf32, #tpu.memory_space<vmem>>, vector<1x16xf32>,
      %get3A_453 = vector.shape_cast %get3A_452 : vector<1x16xf32> to vector<16xf32>
      %mul3A_454 = arith.mulf %get3A_449, %get3A_453 : vector<16xf32>
      %swap3A_455 = arith.index_cast %scan3A_362 : i32 to index
      %swap3A_456 = arith.constant 96 : index
      %swap3A_457 = tpu.vector_load %arg12[%swap3A_455, %swap3A_456] {strides = array<i32>} : memref<40x128xf32, #tpu.memory_space<vmem>>, vector<1x16xf32>,
      %swap3A_458 = vector.shape_cast %swap3A_457 : vector<1x16xf32> to vector<16xf32>
      %swap3A_459 = vector.shape_cast %mul3A_454 : vector<16xf32> to vector<1x16xf32>
      tpu.vector_store %arg12[%swap3A_455, %swap3A_456], %swap3A_459 {strides = array<i32>} : memref<40x128xf32, #tpu.memory_space<vmem>>, vector<1x16xf32>,
      %get3A_460 = arith.index_cast %scan3A_362 : i32 to index
      %get3A_461 = arith.constant 112 : index
      %get3A_462 = tpu.vector_load %arg12[%get3A_460, %get3A_461] {strides = array<i32>} : memref<40x128xf32, #tpu.memory_space<vmem>>, vector<1x16xf32>,
      %get3A_463 = vector.shape_cast %get3A_462 : vector<1x16xf32> to vector<16xf32>
      %get3A_464 = arith.index_cast %scan3A_362 : i32 to index
      %get3A_465 = arith.constant 112 : index
      %get3A_466 = tpu.vector_load %arg14[%get3A_464, %get3A_465] {strides = array<i32>} : memref<40x128xf32, #tpu.memory_space<vmem>>, vector<1x16xf32>,
      %get3A_467 = vector.shape_cast %get3A_466 : vector<1x16xf32> to vector<16xf32>
      %mul3A_468 = arith.mulf %get3A_463, %get3A_467 : vector<16xf32>
      %swap3A_469 = arith.index_cast %scan3A_362 : i32 to index
      %swap3A_470 = arith.constant 112 : index
      %swap3A_471 = tpu.vector_load %arg12[%swap3A_469, %swap3A_470] {strides = array<i32>} : memref<40x128xf32, #tpu.memory_space<vmem>>, vector<1x16xf32>,
      %swap3A_472 = vector.shape_cast %swap3A_471 : vector<1x16xf32> to vector<16xf32>
      %swap3A_473 = vector.shape_cast %mul3A_468 : vector<16xf32> to vector<1x16xf32>
      tpu.vector_store %arg12[%swap3A_469, %swap3A_470], %swap3A_473 {strides = array<i32>} : memref<40x128xf32, #tpu.memory_space<vmem>>, vector<1x16xf32>,
      %scan3A_474 = arith.constant 0 : i32
      scf.yield %scan3A_474 : i32
    }
    %scan3A_188 = arith.constant 40 : i32
    %dma_wait3A_189 = tpu.memref_slice %arg5[%add3A_140] : memref<320000xi32, #tpu.memory_space<hbm>> -> memref<40xi32, #tpu.memory_space<hbm>>
    %dma_wait3A_190 = tpu.memref_slice %arg5[%add3A_140] : memref<320000xi32, #tpu.memory_space<hbm>> -> memref<40xi32, #tpu.memory_space<hbm>>
    tpu.wait_dma2 semaphore(%arg19 : memref<!tpu.dma_semaphore, #tpu.memory_space<semaphore_mem>>) src(%dma_wait3A_190 : memref<40xi32, #tpu.memory_space<hbm>>) dst(%arg10 : memref<40xi32, #tpu.memory_space<vmem>>)
    %dma_start3A_191 = arith.constant 0 : i32
    %dma_start3A_192 = arith.constant 0 : i32
    %dma_start3A_193 = tpu.memref_slice %arg15[%dma_start3A_191, %dma_start3A_192] : memref<10000x128xf32, #tpu.memory_space<vmem_shared>> -> memref<10000x128xf32, #tpu.memory_space<vmem_shared>>
    tpu.enqueue_indirect_dma source(%arg12 : memref<40x128xf32, #tpu.memory_space<vmem>>) target(%dma_start3A_193 : memref<10000x128xf32, #tpu.memory_space<vmem_shared>>) offsets(%arg10 : memref<40xi32, #tpu.memory_space<vmem>>) semaphore(%arg25 : memref<!tpu.dma_semaphore, #tpu.memory_space<semaphore_mem>>) {add = true}
    %scan3A_194 = arith.constant 0 : i32
    %scan3A_195 = arith.constant 1 : i32
    %scan3A_196 = arith.constant 61 : i32
    %scan3A_197 = arith.addi %scan3A_195, %scan3A_196 : i32
    %scan3A_198 = arith.constant 1 : i32
    %scan3A_199 = scf.for %scan3A_362 = %scan3A_195 to %scan3A_197 step %scan3A_198 iter_args(%scan3A_363 = %scan3A_194) -> (i32)  : i32 {
      %mul3A_364 = arith.constant 2 : i32
      %mul3A_365 = arith.muli %scan3A_362, %mul3A_364 : i32
      %dma_wait3A_366 = arith.constant 0 : i32
      %dma_wait3A_367 = arith.constant 0 : i32
      %dma_wait3A_368 = tpu.memref_slice %arg15[%dma_wait3A_366, %dma_wait3A_367] : memref<10000x128xf32, #tpu.memory_space<vmem_shared>> -> memref<10000x128xf32, #tpu.memory_space<vmem_shared>>
      tpu.wait_indirect_dma semaphore(%arg24 : memref<!tpu.dma_semaphore, #tpu.memory_space<semaphore_mem>>) src(%arg11 : memref<40x128xf32, #tpu.memory_space<vmem>>) dst(%dma_wait3A_368 : memref<10000x128xf32, #tpu.memory_space<vmem_shared>>)
      %dma_wait3A_369 = arith.constant 0 : i32
      %dma_wait3A_370 = arith.constant 0 : i32
      %dma_wait3A_371 = tpu.memref_slice %arg15[%dma_wait3A_369, %dma_wait3A_370] : memref<10000x128xf32, #tpu.memory_space<vmem_shared>> -> memref<10000x128xf32, #tpu.memory_space<vmem_shared>>
      tpu.wait_indirect_dma semaphore(%arg25 : memref<!tpu.dma_semaphore, #tpu.memory_space<semaphore_mem>>) src(%arg12 : memref<40x128xf32, #tpu.memory_space<vmem>>) dst(%dma_wait3A_371 : memref<10000x128xf32, #tpu.memory_space<vmem_shared>>)
      %add3A_372 = arith.constant 0 : i32
      %add3A_373 = arith.addi %mul3A_365, %add3A_372 : i32
      %mul3A_374 = arith.constant 40 : i32
      %mul3A_375 = arith.muli %add3A_373, %mul3A_374 : i32
      %add3A_376 = arith.addi %multiple_of3A, %mul3A_375 : i32
      %multiple_of3A_377 = tpu.assume_multiple %add3A_376, 40 : i32
      %add3A_378 = arith.constant 0 : i32
      %add3A_379 = arith.addi %multiple_of3A_377, %add3A_378 : i32
      %dma_start3A_380 = tpu.memref_slice %arg4[%add3A_379] : memref<320000xi32, #tpu.memory_space<hbm>> -> memref<40xi32, #tpu.memory_space<hbm>>
      %dma_start3A_381 = tpu.memref_slice %arg4[%add3A_379] : memref<320000xi32, #tpu.memory_space<hbm>> -> memref<40xi32, #tpu.memory_space<hbm>>
      tpu.enqueue_dma source(%dma_start3A_381 : memref<40xi32, #tpu.memory_space<hbm>>) target(%arg7 : memref<40xi32, #tpu.memory_space<vmem>>) target_semaphore(%arg16 : memref<!tpu.dma_semaphore, #tpu.memory_space<semaphore_mem>>)
      %add3A_382 = arith.constant 0 : i32
      %add3A_383 = arith.addi %multiple_of3A_377, %add3A_382 : i32
      %dma_start3A_384 = tpu.memref_slice %arg5[%add3A_383] : memref<320000xi32, #tpu.memory_space<hbm>> -> memref<40xi32, #tpu.memory_space<hbm>>
      %dma_start3A_385 = tpu.memref_slice %arg5[%add3A_383] : memref<320000xi32, #tpu.memory_space<hbm>> -> memref<40xi32, #tpu.memory_space<hbm>>
      tpu.enqueue_dma source(%dma_start3A_385 : memref<40xi32, #tpu.memory_space<hbm>>) target(%arg9 : memref<40xi32, #tpu.memory_space<vmem>>) target_semaphore(%arg18 : memref<!tpu.dma_semaphore, #tpu.memory_space<semaphore_mem>>)
      %dma_start3A_386 = arith.constant 0 : i32
      %dma_start3A_387 = tpu.memref_slice %arg3[%multiple_of3A_377, %dma_start3A_386] : memref<160000x128xf32, #tpu.memory_space<hbm>> -> memref<40x128xf32, #tpu.memory_space<hbm>>
      %dma_start3A_388 = arith.constant 0 : i32
      %dma_start3A_389 = tpu.memref_slice %arg3[%multiple_of3A_377, %dma_start3A_388] : memref<160000x128xf32, #tpu.memory_space<hbm>> -> memref<40x128xf32, #tpu.memory_space<hbm>>
      tpu.enqueue_dma source(%dma_start3A_389 : memref<40x128xf32, #tpu.memory_space<hbm>>) target(%arg13 : memref<40x128xf32, #tpu.memory_space<vmem>>) target_semaphore(%arg22 : memref<!tpu.dma_semaphore, #tpu.memory_space<semaphore_mem>>)
      %add3A_390 = arith.constant 1 : i32
      %add3A_391 = arith.addi %mul3A_365, %add3A_390 : i32
      %mul3A_392 = arith.constant 40 : i32
      %mul3A_393 = arith.muli %add3A_391, %mul3A_392 : i32
      %add3A_394 = arith.addi %multiple_of3A, %mul3A_393 : i32
      %multiple_of3A_395 = tpu.assume_multiple %add3A_394, 40 : i32
      %add3A_396 = arith.constant 0 : i32
      %add3A_397 = arith.addi %multiple_of3A_395, %add3A_396 : i32
      %dma_start3A_398 = tpu.memref_slice %arg4[%add3A_397] : memref<320000xi32, #tpu.memory_space<hbm>> -> memref<40xi32, #tpu.memory_space<hbm>>
      %dma_start3A_399 = tpu.memref_slice %arg4[%add3A_397] : memref<320000xi32, #tpu.memory_space<hbm>> -> memref<40xi32, #tpu.memory_space<hbm>>
      tpu.enqueue_dma source(%dma_start3A_399 : memref<40xi32, #tpu.memory_space<hbm>>) target(%arg8 : memref<40xi32, #tpu.memory_space<vmem>>) target_semaphore(%arg17 : memref<!tpu.dma_semaphore, #tpu.memory_space<semaphore_mem>>)
      %add3A_400 = arith.constant 0 : i32
      %add3A_401 = arith.addi %multiple_of3A_395, %add3A_400 : i32
      %dma_start3A_402 = tpu.memref_slice %arg5[%add3A_401] : memref<320000xi32, #tpu.memory_space<hbm>> -> memref<40xi32, #tpu.memory_space<hbm>>
      %dma_start3A_403 = tpu.memref_slice %arg5[%add3A_401] : memref<320000xi32, #tpu.memory_space<hbm>> -> memref<40xi32, #tpu.memory_space<hbm>>
      tpu.enqueue_dma source(%dma_start3A_403 : memref<40xi32, #tpu.memory_space<hbm>>) target(%arg10 : memref<40xi32, #tpu.memory_space<vmem>>) target_semaphore(%arg19 : memref<!tpu.dma_semaphore, #tpu.memory_space<semaphore_mem>>)
      %dma_start3A_404 = arith.constant 0 : i32
      %dma_start3A_405 = tpu.memref_slice %arg3[%multiple_of3A_395, %dma_start3A_404] : memref<160000x128xf32, #tpu.memory_space<hbm>> -> memref<40x128xf32, #tpu.memory_space<hbm>>
      %dma_start3A_406 = arith.constant 0 : i32
      %dma_start3A_407 = tpu.memref_slice %arg3[%multiple_of3A_395, %dma_start3A_406] : memref<160000x128xf32, #tpu.memory_space<hbm>> -> memref<40x128xf32, #tpu.memory_space<hbm>>
      tpu.enqueue_dma source(%dma_start3A_407 : memref<40x128xf32, #tpu.memory_space<hbm>>) target(%arg14 : memref<40x128xf32, #tpu.memory_space<vmem>>) target_semaphore(%arg23 : memref<!tpu.dma_semaphore, #tpu.memory_space<semaphore_mem>>)
      %dma_wait3A_408 = tpu.memref_slice %arg4[%add3A_379] : memref<320000xi32, #tpu.memory_space<hbm>> -> memref<40xi32, #tpu.memory_space<hbm>>
      %dma_wait3A_409 = tpu.memref_slice %arg4[%add3A_379] : memref<320000xi32, #tpu.memory_space<hbm>> -> memref<40xi32, #tpu.memory_space<hbm>>
      tpu.wait_dma2 semaphore(%arg16 : memref<!tpu.dma_semaphore, #tpu.memory_space<semaphore_mem>>) src(%dma_wait3A_409 : memref<40xi32, #tpu.memory_space<hbm>>) dst(%arg7 : memref<40xi32, #tpu.memory_space<vmem>>)
      %dma_start3A_410 = arith.constant 0 : i32
      %dma_start3A_411 = arith.constant 0 : i32
      %dma_start3A_412 = tpu.memref_slice %arg2[%dma_start3A_410, %dma_start3A_411] : memref<10000x128xf32, #tpu.memory_space<hbm>> -> memref<10000x128xf32, #tpu.memory_space<hbm>>
      tpu.enqueue_indirect_dma source(%dma_start3A_412 : memref<10000x128xf32, #tpu.memory_space<hbm>>) target(%arg11 : memref<40x128xf32, #tpu.memory_space<vmem>>) offsets(%arg7 : memref<40xi32, #tpu.memory_space<vmem>>) semaphore(%arg20 : memref<!tpu.dma_semaphore, #tpu.memory_space<semaphore_mem>>)
      %dma_wait3A_413 = tpu.memref_slice %arg4[%add3A_397] : memref<320000xi32, #tpu.memory_space<hbm>> -> memref<40xi32, #tpu.memory_space<hbm>>
      %dma_wait3A_414 = tpu.memref_slice %arg4[%add3A_397] : memref<320000xi32, #tpu.memory_space<hbm>> -> memref<40xi32, #tpu.memory_space<hbm>>
      tpu.wait_dma2 semaphore(%arg17 : memref<!tpu.dma_semaphore, #tpu.memory_space<semaphore_mem>>) src(%dma_wait3A_414 : memref<40xi32, #tpu.memory_space<hbm>>) dst(%arg8 : memref<40xi32, #tpu.memory_space<vmem>>)
      %dma_start3A_415 = arith.constant 0 : i32
      %dma_start3A_416 = arith.constant 0 : i32
      %dma_start3A_417 = tpu.memref_slice %arg2[%dma_start3A_415, %dma_start3A_416] : memref<10000x128xf32, #tpu.memory_space<hbm>> -> memref<10000x128xf32, #tpu.memory_space<hbm>>
      tpu.enqueue_indirect_dma source(%dma_start3A_417 : memref<10000x128xf32, #tpu.memory_space<hbm>>) target(%arg12 : memref<40x128xf32, #tpu.memory_space<vmem>>) offsets(%arg8 : memref<40xi32, #tpu.memory_space<vmem>>) semaphore(%arg21 : memref<!tpu.dma_semaphore, #tpu.memory_space<semaphore_mem>>)
      %dma_wait3A_418 = arith.constant 0 : i32
      %dma_wait3A_419 = arith.constant 0 : i32
      %dma_wait3A_420 = tpu.memref_slice %arg2[%dma_wait3A_418, %dma_wait3A_419] : memref<10000x128xf32, #tpu.memory_space<hbm>> -> memref<10000x128xf32, #tpu.memory_space<hbm>>
      tpu.wait_indirect_dma semaphore(%arg20 : memref<!tpu.dma_semaphore, #tpu.memory_space<semaphore_mem>>) src(%dma_wait3A_420 : memref<10000x128xf32, #tpu.memory_space<hbm>>) dst(%arg11 : memref<40x128xf32, #tpu.memory_space<vmem>>)
      %dma_wait3A_421 = arith.constant 0 : i32
      %dma_wait3A_422 = tpu.memref_slice %arg3[%multiple_of3A_377, %dma_wait3A_421] : memref<160000x128xf32, #tpu.memory_space<hbm>> -> memref<40x128xf32, #tpu.memory_space<hbm>>
      %dma_wait3A_423 = arith.constant 0 : i32
      %dma_wait3A_424 = tpu.memref_slice %arg3[%multiple_of3A_377, %dma_wait3A_423] : memref<160000x128xf32, #tpu.memory_space<hbm>> -> memref<40x128xf32, #tpu.memory_space<hbm>>
      tpu.wait_dma2 semaphore(%arg22 : memref<!tpu.dma_semaphore, #tpu.memory_space<semaphore_mem>>) src(%dma_wait3A_424 : memref<40x128xf32, #tpu.memory_space<hbm>>) dst(%arg13 : memref<40x128xf32, #tpu.memory_space<vmem>>)
      %scan3A_425 = arith.constant 0 : i32
      %scan3A_426 = arith.constant 0 : i32
      %scan3A_427 = arith.constant 40 : i32
      %scan3A_428 = arith.addi %scan3A_426, %scan3A_427 : i32
      %scan3A_429 = arith.constant 1 : i32
      %scan3A_430 = scf.for %scan3A_457 = %scan3A_426 to %scan3A_428 step %scan3A_429 iter_args(%scan3A_458 = %scan3A_425) -> (i32)  : i32 {
        %get3A = arith.index_cast %scan3A_457 : i32 to index
        %get3A_459 = arith.constant 0 : index
        %get3A_460 = tpu.vector_load %arg11[%get3A, %get3A_459] {strides = array<i32>} : memref<40x128xf32, #tpu.memory_space<vmem>>, vector<1x16xf32>,
        %get3A_461 = vector.shape_cast %get3A_460 : vector<1x16xf32> to vector<16xf32>
        %get3A_462 = arith.index_cast %scan3A_457 : i32 to index
        %get3A_463 = arith.constant 0 : index
        %get3A_464 = tpu.vector_load %arg13[%get3A_462, %get3A_463] {strides = array<i32>} : memref<40x128xf32, #tpu.memory_space<vmem>>, vector<1x16xf32>,
        %get3A_465 = vector.shape_cast %get3A_464 : vector<1x16xf32> to vector<16xf32>
        %mul3A_466 = arith.mulf %get3A_461, %get3A_465 : vector<16xf32>
        %swap3A = arith.index_cast %scan3A_457 : i32 to index
        %swap3A_467 = arith.constant 0 : index
        %swap3A_468 = tpu.vector_load %arg11[%swap3A, %swap3A_467] {strides = array<i32>} : memref<40x128xf32, #tpu.memory_space<vmem>>, vector<1x16xf32>,
        %swap3A_469 = vector.shape_cast %swap3A_468 : vector<1x16xf32> to vector<16xf32>
        %swap3A_470 = vector.shape_cast %mul3A_466 : vector<16xf32> to vector<1x16xf32>
        tpu.vector_store %arg11[%swap3A, %swap3A_467], %swap3A_470 {strides = array<i32>} : memref<40x128xf32, #tpu.memory_space<vmem>>, vector<1x16xf32>,
        %get3A_471 = arith.index_cast %scan3A_457 : i32 to index
        %get3A_472 = arith.constant 16 : index
        %get3A_473 = tpu.vector_load %arg11[%get3A_471, %get3A_472] {strides = array<i32>} : memref<40x128xf32, #tpu.memory_space<vmem>>, vector<1x16xf32>,
        %get3A_474 = vector.shape_cast %get3A_473 : vector<1x16xf32> to vector<16xf32>
        %get3A_475 = arith.index_cast %scan3A_457 : i32 to index
        %get3A_476 = arith.constant 16 : index
        %get3A_477 = tpu.vector_load %arg13[%get3A_475, %get3A_476] {strides = array<i32>} : memref<40x128xf32, #tpu.memory_space<vmem>>, vector<1x16xf32>,
        %get3A_478 = vector.shape_cast %get3A_477 : vector<1x16xf32> to vector<16xf32>
        %mul3A_479 = arith.mulf %get3A_474, %get3A_478 : vector<16xf32>
        %swap3A_480 = arith.index_cast %scan3A_457 : i32 to index
        %swap3A_481 = arith.constant 16 : index
        %swap3A_482 = tpu.vector_load %arg11[%swap3A_480, %swap3A_481] {strides = array<i32>} : memref<40x128xf32, #tpu.memory_space<vmem>>, vector<1x16xf32>,
        %swap3A_483 = vector.shape_cast %swap3A_482 : vector<1x16xf32> to vector<16xf32>
        %swap3A_484 = vector.shape_cast %mul3A_479 : vector<16xf32> to vector<1x16xf32>
        tpu.vector_store %arg11[%swap3A_480, %swap3A_481], %swap3A_484 {strides = array<i32>} : memref<40x128xf32, #tpu.memory_space<vmem>>, vector<1x16xf32>,
        %get3A_485 = arith.index_cast %scan3A_457 : i32 to index
        %get3A_486 = arith.constant 32 : index
        %get3A_487 = tpu.vector_load %arg11[%get3A_485, %get3A_486] {strides = array<i32>} : memref<40x128xf32, #tpu.memory_space<vmem>>, vector<1x16xf32>,
        %get3A_488 = vector.shape_cast %get3A_487 : vector<1x16xf32> to vector<16xf32>
        %get3A_489 = arith.index_cast %scan3A_457 : i32 to index
        %get3A_490 = arith.constant 32 : index
        %get3A_491 = tpu.vector_load %arg13[%get3A_489, %get3A_490] {strides = array<i32>} : memref<40x128xf32, #tpu.memory_space<vmem>>, vector<1x16xf32>,
        %get3A_492 = vector.shape_cast %get3A_491 : vector<1x16xf32> to vector<16xf32>
        %mul3A_493 = arith.mulf %get3A_488, %get3A_492 : vector<16xf32>
        %swap3A_494 = arith.index_cast %scan3A_457 : i32 to index
        %swap3A_495 = arith.constant 32 : index
        %swap3A_496 = tpu.vector_load %arg11[%swap3A_494, %swap3A_495] {strides = array<i32>} : memref<40x128xf32, #tpu.memory_space<vmem>>, vector<1x16xf32>,
        %swap3A_497 = vector.shape_cast %swap3A_496 : vector<1x16xf32> to vector<16xf32>
        %swap3A_498 = vector.shape_cast %mul3A_493 : vector<16xf32> to vector<1x16xf32>
        tpu.vector_store %arg11[%swap3A_494, %swap3A_495], %swap3A_498 {strides = array<i32>} : memref<40x128xf32, #tpu.memory_space<vmem>>, vector<1x16xf32>,
        %get3A_499 = arith.index_cast %scan3A_457 : i32 to index
        %get3A_500 = arith.constant 48 : index
        %get3A_501 = tpu.vector_load %arg11[%get3A_499, %get3A_500] {strides = array<i32>} : memref<40x128xf32, #tpu.memory_space<vmem>>, vector<1x16xf32>,
        %get3A_502 = vector.shape_cast %get3A_501 : vector<1x16xf32> to vector<16xf32>
        %get3A_503 = arith.index_cast %scan3A_457 : i32 to index
        %get3A_504 = arith.constant 48 : index
        %get3A_505 = tpu.vector_load %arg13[%get3A_503, %get3A_504] {strides = array<i32>} : memref<40x128xf32, #tpu.memory_space<vmem>>, vector<1x16xf32>,
        %get3A_506 = vector.shape_cast %get3A_505 : vector<1x16xf32> to vector<16xf32>
        %mul3A_507 = arith.mulf %get3A_502, %get3A_506 : vector<16xf32>
        %swap3A_508 = arith.index_cast %scan3A_457 : i32 to index
        %swap3A_509 = arith.constant 48 : index
        %swap3A_510 = tpu.vector_load %arg11[%swap3A_508, %swap3A_509] {strides = array<i32>} : memref<40x128xf32, #tpu.memory_space<vmem>>, vector<1x16xf32>,
        %swap3A_511 = vector.shape_cast %swap3A_510 : vector<1x16xf32> to vector<16xf32>
        %swap3A_512 = vector.shape_cast %mul3A_507 : vector<16xf32> to vector<1x16xf32>
        tpu.vector_store %arg11[%swap3A_508, %swap3A_509], %swap3A_512 {strides = array<i32>} : memref<40x128xf32, #tpu.memory_space<vmem>>, vector<1x16xf32>,
        %get3A_513 = arith.index_cast %scan3A_457 : i32 to index
        %get3A_514 = arith.constant 64 : index
        %get3A_515 = tpu.vector_load %arg11[%get3A_513, %get3A_514] {strides = array<i32>} : memref<40x128xf32, #tpu.memory_space<vmem>>, vector<1x16xf32>,
        %get3A_516 = vector.shape_cast %get3A_515 : vector<1x16xf32> to vector<16xf32>
        %get3A_517 = arith.index_cast %scan3A_457 : i32 to index
        %get3A_518 = arith.constant 64 : index
        %get3A_519 = tpu.vector_load %arg13[%get3A_517, %get3A_518] {strides = array<i32>} : memref<40x128xf32, #tpu.memory_space<vmem>>, vector<1x16xf32>,
        %get3A_520 = vector.shape_cast %get3A_519 : vector<1x16xf32> to vector<16xf32>
        %mul3A_521 = arith.mulf %get3A_516, %get3A_520 : vector<16xf32>
        %swap3A_522 = arith.index_cast %scan3A_457 : i32 to index
        %swap3A_523 = arith.constant 64 : index
        %swap3A_524 = tpu.vector_load %arg11[%swap3A_522, %swap3A_523] {strides = array<i32>} : memref<40x128xf32, #tpu.memory_space<vmem>>, vector<1x16xf32>,
        %swap3A_525 = vector.shape_cast %swap3A_524 : vector<1x16xf32> to vector<16xf32>
        %swap3A_526 = vector.shape_cast %mul3A_521 : vector<16xf32> to vector<1x16xf32>
        tpu.vector_store %arg11[%swap3A_522, %swap3A_523], %swap3A_526 {strides = array<i32>} : memref<40x128xf32, #tpu.memory_space<vmem>>, vector<1x16xf32>,
        %get3A_527 = arith.index_cast %scan3A_457 : i32 to index
        %get3A_528 = arith.constant 80 : index
        %get3A_529 = tpu.vector_load %arg11[%get3A_527, %get3A_528] {strides = array<i32>} : memref<40x128xf32, #tpu.memory_space<vmem>>, vector<1x16xf32>,
        %get3A_530 = vector.shape_cast %get3A_529 : vector<1x16xf32> to vector<16xf32>
        %get3A_531 = arith.index_cast %scan3A_457 : i32 to index
        %get3A_532 = arith.constant 80 : index
        %get3A_533 = tpu.vector_load %arg13[%get3A_531, %get3A_532] {strides = array<i32>} : memref<40x128xf32, #tpu.memory_space<vmem>>, vector<1x16xf32>,
        %get3A_534 = vector.shape_cast %get3A_533 : vector<1x16xf32> to vector<16xf32>
        %mul3A_535 = arith.mulf %get3A_530, %get3A_534 : vector<16xf32>
        %swap3A_536 = arith.index_cast %scan3A_457 : i32 to index
        %swap3A_537 = arith.constant 80 : index
        %swap3A_538 = tpu.vector_load %arg11[%swap3A_536, %swap3A_537] {strides = array<i32>} : memref<40x128xf32, #tpu.memory_space<vmem>>, vector<1x16xf32>,
        %swap3A_539 = vector.shape_cast %swap3A_538 : vector<1x16xf32> to vector<16xf32>
        %swap3A_540 = vector.shape_cast %mul3A_535 : vector<16xf32> to vector<1x16xf32>
        tpu.vector_store %arg11[%swap3A_536, %swap3A_537], %swap3A_540 {strides = array<i32>} : memref<40x128xf32, #tpu.memory_space<vmem>>, vector<1x16xf32>,
        %get3A_541 = arith.index_cast %scan3A_457 : i32 to index
        %get3A_542 = arith.constant 96 : index
        %get3A_543 = tpu.vector_load %arg11[%get3A_541, %get3A_542] {strides = array<i32>} : memref<40x128xf32, #tpu.memory_space<vmem>>, vector<1x16xf32>,
        %get3A_544 = vector.shape_cast %get3A_543 : vector<1x16xf32> to vector<16xf32>
        %get3A_545 = arith.index_cast %scan3A_457 : i32 to index
        %get3A_546 = arith.constant 96 : index
        %get3A_547 = tpu.vector_load %arg13[%get3A_545, %get3A_546] {strides = array<i32>} : memref<40x128xf32, #tpu.memory_space<vmem>>, vector<1x16xf32>,
        %get3A_548 = vector.shape_cast %get3A_547 : vector<1x16xf32> to vector<16xf32>
        %mul3A_549 = arith.mulf %get3A_544, %get3A_548 : vector<16xf32>
        %swap3A_550 = arith.index_cast %scan3A_457 : i32 to index
        %swap3A_551 = arith.constant 96 : index
        %swap3A_552 = tpu.vector_load %arg11[%swap3A_550, %swap3A_551] {strides = array<i32>} : memref<40x128xf32, #tpu.memory_space<vmem>>, vector<1x16xf32>,
        %swap3A_553 = vector.shape_cast %swap3A_552 : vector<1x16xf32> to vector<16xf32>
        %swap3A_554 = vector.shape_cast %mul3A_549 : vector<16xf32> to vector<1x16xf32>
        tpu.vector_store %arg11[%swap3A_550, %swap3A_551], %swap3A_554 {strides = array<i32>} : memref<40x128xf32, #tpu.memory_space<vmem>>, vector<1x16xf32>,
        %get3A_555 = arith.index_cast %scan3A_457 : i32 to index
        %get3A_556 = arith.constant 112 : index
        %get3A_557 = tpu.vector_load %arg11[%get3A_555, %get3A_556] {strides = array<i32>} : memref<40x128xf32, #tpu.memory_space<vmem>>, vector<1x16xf32>,
        %get3A_558 = vector.shape_cast %get3A_557 : vector<1x16xf32> to vector<16xf32>
        %get3A_559 = arith.index_cast %scan3A_457 : i32 to index
        %get3A_560 = arith.constant 112 : index
        %get3A_561 = tpu.vector_load %arg13[%get3A_559, %get3A_560] {strides = array<i32>} : memref<40x128xf32, #tpu.memory_space<vmem>>, vector<1x16xf32>,
        %get3A_562 = vector.shape_cast %get3A_561 : vector<1x16xf32> to vector<16xf32>
        %mul3A_563 = arith.mulf %get3A_558, %get3A_562 : vector<16xf32>
        %swap3A_564 = arith.index_cast %scan3A_457 : i32 to index
        %swap3A_565 = arith.constant 112 : index
        %swap3A_566 = tpu.vector_load %arg11[%swap3A_564, %swap3A_565] {strides = array<i32>} : memref<40x128xf32, #tpu.memory_space<vmem>>, vector<1x16xf32>,
        %swap3A_567 = vector.shape_cast %swap3A_566 : vector<1x16xf32> to vector<16xf32>
        %swap3A_568 = vector.shape_cast %mul3A_563 : vector<16xf32> to vector<1x16xf32>
        tpu.vector_store %arg11[%swap3A_564, %swap3A_565], %swap3A_568 {strides = array<i32>} : memref<40x128xf32, #tpu.memory_space<vmem>>, vector<1x16xf32>,
        %scan3A_569 = arith.constant 0 : i32
        scf.yield %scan3A_569 : i32
      }
      %scan3A_431 = arith.constant 40 : i32
      %dma_wait3A_432 = tpu.memref_slice %arg5[%add3A_383] : memref<320000xi32, #tpu.memory_space<hbm>> -> memref<40xi32, #tpu.memory_space<hbm>>
      %dma_wait3A_433 = tpu.memref_slice %arg5[%add3A_383] : memref<320000xi32, #tpu.memory_space<hbm>> -> memref<40xi32, #tpu.memory_space<hbm>>
      tpu.wait_dma2 semaphore(%arg18 : memref<!tpu.dma_semaphore, #tpu.memory_space<semaphore_mem>>) src(%dma_wait3A_433 : memref<40xi32, #tpu.memory_space<hbm>>) dst(%arg9 : memref<40xi32, #tpu.memory_space<vmem>>)
      %dma_start3A_434 = arith.constant 0 : i32
      %dma_start3A_435 = arith.constant 0 : i32
      %dma_start3A_436 = tpu.memref_slice %arg15[%dma_start3A_434, %dma_start3A_435] : memref<10000x128xf32, #tpu.memory_space<vmem_shared>> -> memref<10000x128xf32, #tpu.memory_space<vmem_shared>>
      tpu.enqueue_indirect_dma source(%arg11 : memref<40x128xf32, #tpu.memory_space<vmem>>) target(%dma_start3A_436 : memref<10000x128xf32, #tpu.memory_space<vmem_shared>>) offsets(%arg9 : memref<40xi32, #tpu.memory_space<vmem>>) semaphore(%arg24 : memref<!tpu.dma_semaphore, #tpu.memory_space<semaphore_mem>>) {add = true}
      %dma_wait3A_437 = arith.constant 0 : i32
      %dma_wait3A_438 = arith.constant 0 : i32
      %dma_wait3A_439 = tpu.memref_slice %arg2[%dma_wait3A_437, %dma_wait3A_438] : memref<10000x128xf32, #tpu.memory_space<hbm>> -> memref<10000x128xf32, #tpu.memory_space<hbm>>
      tpu.wait_indirect_dma semaphore(%arg21 : memref<!tpu.dma_semaphore, #tpu.memory_space<semaphore_mem>>) src(%dma_wait3A_439 : memref<10000x128xf32, #tpu.memory_space<hbm>>) dst(%arg12 : memref<40x128xf32, #tpu.memory_space<vmem>>)
      %dma_wait3A_440 = arith.constant 0 : i32
      %dma_wait3A_441 = tpu.memref_slice %arg3[%multiple_of3A_395, %dma_wait3A_440] : memref<160000x128xf32, #tpu.memory_space<hbm>> -> memref<40x128xf32, #tpu.memory_space<hbm>>
      %dma_wait3A_442 = arith.constant 0 : i32
      %dma_wait3A_443 = tpu.memref_slice %arg3[%multiple_of3A_395, %dma_wait3A_442] : memref<160000x128xf32, #tpu.memory_space<hbm>> -> memref<40x128xf32, #tpu.memory_space<hbm>>
      tpu.wait_dma2 semaphore(%arg23 : memref<!tpu.dma_semaphore, #tpu.memory_space<semaphore_mem>>) src(%dma_wait3A_443 : memref<40x128xf32, #tpu.memory_space<hbm>>) dst(%arg14 : memref<40x128xf32, #tpu.memory_space<vmem>>)
      %scan3A_444 = arith.constant 0 : i32
      %scan3A_445 = arith.constant 0 : i32
      %scan3A_446 = arith.constant 40 : i32
      %scan3A_447 = arith.addi %scan3A_445, %scan3A_446 : i32
      %scan3A_448 = arith.constant 1 : i32
      %scan3A_449 = scf.for %scan3A_457 = %scan3A_445 to %scan3A_447 step %scan3A_448 iter_args(%scan3A_458 = %scan3A_444) -> (i32)  : i32 {
        %get3A = arith.index_cast %scan3A_457 : i32 to index
        %get3A_459 = arith.constant 0 : index
        %get3A_460 = tpu.vector_load %arg12[%get3A, %get3A_459] {strides = array<i32>} : memref<40x128xf32, #tpu.memory_space<vmem>>, vector<1x16xf32>,
        %get3A_461 = vector.shape_cast %get3A_460 : vector<1x16xf32> to vector<16xf32>
        %get3A_462 = arith.index_cast %scan3A_457 : i32 to index
        %get3A_463 = arith.constant 0 : index
        %get3A_464 = tpu.vector_load %arg14[%get3A_462, %get3A_463] {strides = array<i32>} : memref<40x128xf32, #tpu.memory_space<vmem>>, vector<1x16xf32>,
        %get3A_465 = vector.shape_cast %get3A_464 : vector<1x16xf32> to vector<16xf32>
        %mul3A_466 = arith.mulf %get3A_461, %get3A_465 : vector<16xf32>
        %swap3A = arith.index_cast %scan3A_457 : i32 to index
        %swap3A_467 = arith.constant 0 : index
        %swap3A_468 = tpu.vector_load %arg12[%swap3A, %swap3A_467] {strides = array<i32>} : memref<40x128xf32, #tpu.memory_space<vmem>>, vector<1x16xf32>,
        %swap3A_469 = vector.shape_cast %swap3A_468 : vector<1x16xf32> to vector<16xf32>
        %swap3A_470 = vector.shape_cast %mul3A_466 : vector<16xf32> to vector<1x16xf32>
        tpu.vector_store %arg12[%swap3A, %swap3A_467], %swap3A_470 {strides = array<i32>} : memref<40x128xf32, #tpu.memory_space<vmem>>, vector<1x16xf32>,
        %get3A_471 = arith.index_cast %scan3A_457 : i32 to index
        %get3A_472 = arith.constant 16 : index
        %get3A_473 = tpu.vector_load %arg12[%get3A_471, %get3A_472] {strides = array<i32>} : memref<40x128xf32, #tpu.memory_space<vmem>>, vector<1x16xf32>,
        %get3A_474 = vector.shape_cast %get3A_473 : vector<1x16xf32> to vector<16xf32>
        %get3A_475 = arith.index_cast %scan3A_457 : i32 to index
        %get3A_476 = arith.constant 16 : index
        %get3A_477 = tpu.vector_load %arg14[%get3A_475, %get3A_476] {strides = array<i32>} : memref<40x128xf32, #tpu.memory_space<vmem>>, vector<1x16xf32>,
        %get3A_478 = vector.shape_cast %get3A_477 : vector<1x16xf32> to vector<16xf32>
        %mul3A_479 = arith.mulf %get3A_474, %get3A_478 : vector<16xf32>
        %swap3A_480 = arith.index_cast %scan3A_457 : i32 to index
        %swap3A_481 = arith.constant 16 : index
        %swap3A_482 = tpu.vector_load %arg12[%swap3A_480, %swap3A_481] {strides = array<i32>} : memref<40x128xf32, #tpu.memory_space<vmem>>, vector<1x16xf32>,
        %swap3A_483 = vector.shape_cast %swap3A_482 : vector<1x16xf32> to vector<16xf32>
        %swap3A_484 = vector.shape_cast %mul3A_479 : vector<16xf32> to vector<1x16xf32>
        tpu.vector_store %arg12[%swap3A_480, %swap3A_481], %swap3A_484 {strides = array<i32>} : memref<40x128xf32, #tpu.memory_space<vmem>>, vector<1x16xf32>,
        %get3A_485 = arith.index_cast %scan3A_457 : i32 to index
        %get3A_486 = arith.constant 32 : index
        %get3A_487 = tpu.vector_load %arg12[%get3A_485, %get3A_486] {strides = array<i32>} : memref<40x128xf32, #tpu.memory_space<vmem>>, vector<1x16xf32>,
        %get3A_488 = vector.shape_cast %get3A_487 : vector<1x16xf32> to vector<16xf32>
        %get3A_489 = arith.index_cast %scan3A_457 : i32 to index
        %get3A_490 = arith.constant 32 : index
        %get3A_491 = tpu.vector_load %arg14[%get3A_489, %get3A_490] {strides = array<i32>} : memref<40x128xf32, #tpu.memory_space<vmem>>, vector<1x16xf32>,
        %get3A_492 = vector.shape_cast %get3A_491 : vector<1x16xf32> to vector<16xf32>
        %mul3A_493 = arith.mulf %get3A_488, %get3A_492 : vector<16xf32>
        %swap3A_494 = arith.index_cast %scan3A_457 : i32 to index
        %swap3A_495 = arith.constant 32 : index
        %swap3A_496 = tpu.vector_load %arg12[%swap3A_494, %swap3A_495] {strides = array<i32>} : memref<40x128xf32, #tpu.memory_space<vmem>>, vector<1x16xf32>,
        %swap3A_497 = vector.shape_cast %swap3A_496 : vector<1x16xf32> to vector<16xf32>
        %swap3A_498 = vector.shape_cast %mul3A_493 : vector<16xf32> to vector<1x16xf32>
        tpu.vector_store %arg12[%swap3A_494, %swap3A_495], %swap3A_498 {strides = array<i32>} : memref<40x128xf32, #tpu.memory_space<vmem>>, vector<1x16xf32>,
        %get3A_499 = arith.index_cast %scan3A_457 : i32 to index
        %get3A_500 = arith.constant 48 : index
        %get3A_501 = tpu.vector_load %arg12[%get3A_499, %get3A_500] {strides = array<i32>} : memref<40x128xf32, #tpu.memory_space<vmem>>, vector<1x16xf32>,
        %get3A_502 = vector.shape_cast %get3A_501 : vector<1x16xf32> to vector<16xf32>
        %get3A_503 = arith.index_cast %scan3A_457 : i32 to index
        %get3A_504 = arith.constant 48 : index
        %get3A_505 = tpu.vector_load %arg14[%get3A_503, %get3A_504] {strides = array<i32>} : memref<40x128xf32, #tpu.memory_space<vmem>>, vector<1x16xf32>,
        %get3A_506 = vector.shape_cast %get3A_505 : vector<1x16xf32> to vector<16xf32>
        %mul3A_507 = arith.mulf %get3A_502, %get3A_506 : vector<16xf32>
        %swap3A_508 = arith.index_cast %scan3A_457 : i32 to index
        %swap3A_509 = arith.constant 48 : index
        %swap3A_510 = tpu.vector_load %arg12[%swap3A_508, %swap3A_509] {strides = array<i32>} : memref<40x128xf32, #tpu.memory_space<vmem>>, vector<1x16xf32>,
        %swap3A_511 = vector.shape_cast %swap3A_510 : vector<1x16xf32> to vector<16xf32>
        %swap3A_512 = vector.shape_cast %mul3A_507 : vector<16xf32> to vector<1x16xf32>
        tpu.vector_store %arg12[%swap3A_508, %swap3A_509], %swap3A_512 {strides = array<i32>} : memref<40x128xf32, #tpu.memory_space<vmem>>, vector<1x16xf32>,
        %get3A_513 = arith.index_cast %scan3A_457 : i32 to index
        %get3A_514 = arith.constant 64 : index
        %get3A_515 = tpu.vector_load %arg12[%get3A_513, %get3A_514] {strides = array<i32>} : memref<40x128xf32, #tpu.memory_space<vmem>>, vector<1x16xf32>,
        %get3A_516 = vector.shape_cast %get3A_515 : vector<1x16xf32> to vector<16xf32>
        %get3A_517 = arith.index_cast %scan3A_457 : i32 to index
        %get3A_518 = arith.constant 64 : index
        %get3A_519 = tpu.vector_load %arg14[%get3A_517, %get3A_518] {strides = array<i32>} : memref<40x128xf32, #tpu.memory_space<vmem>>, vector<1x16xf32>,
        %get3A_520 = vector.shape_cast %get3A_519 : vector<1x16xf32> to vector<16xf32>
        %mul3A_521 = arith.mulf %get3A_516, %get3A_520 : vector<16xf32>
        %swap3A_522 = arith.index_cast %scan3A_457 : i32 to index
        %swap3A_523 = arith.constant 64 : index
        %swap3A_524 = tpu.vector_load %arg12[%swap3A_522, %swap3A_523] {strides = array<i32>} : memref<40x128xf32, #tpu.memory_space<vmem>>, vector<1x16xf32>,
        %swap3A_525 = vector.shape_cast %swap3A_524 : vector<1x16xf32> to vector<16xf32>
        %swap3A_526 = vector.shape_cast %mul3A_521 : vector<16xf32> to vector<1x16xf32>
        tpu.vector_store %arg12[%swap3A_522, %swap3A_523], %swap3A_526 {strides = array<i32>} : memref<40x128xf32, #tpu.memory_space<vmem>>, vector<1x16xf32>,
        %get3A_527 = arith.index_cast %scan3A_457 : i32 to index
        %get3A_528 = arith.constant 80 : index
        %get3A_529 = tpu.vector_load %arg12[%get3A_527, %get3A_528] {strides = array<i32>} : memref<40x128xf32, #tpu.memory_space<vmem>>, vector<1x16xf32>,
        %get3A_530 = vector.shape_cast %get3A_529 : vector<1x16xf32> to vector<16xf32>
        %get3A_531 = arith.index_cast %scan3A_457 : i32 to index
        %get3A_532 = arith.constant 80 : index
        %get3A_533 = tpu.vector_load %arg14[%get3A_531, %get3A_532] {strides = array<i32>} : memref<40x128xf32, #tpu.memory_space<vmem>>, vector<1x16xf32>,
        %get3A_534 = vector.shape_cast %get3A_533 : vector<1x16xf32> to vector<16xf32>
        %mul3A_535 = arith.mulf %get3A_530, %get3A_534 : vector<16xf32>
        %swap3A_536 = arith.index_cast %scan3A_457 : i32 to index
        %swap3A_537 = arith.constant 80 : index
        %swap3A_538 = tpu.vector_load %arg12[%swap3A_536, %swap3A_537] {strides = array<i32>} : memref<40x128xf32, #tpu.memory_space<vmem>>, vector<1x16xf32>,
        %swap3A_539 = vector.shape_cast %swap3A_538 : vector<1x16xf32> to vector<16xf32>
        %swap3A_540 = vector.shape_cast %mul3A_535 : vector<16xf32> to vector<1x16xf32>
        tpu.vector_store %arg12[%swap3A_536, %swap3A_537], %swap3A_540 {strides = array<i32>} : memref<40x128xf32, #tpu.memory_space<vmem>>, vector<1x16xf32>,
        %get3A_541 = arith.index_cast %scan3A_457 : i32 to index
        %get3A_542 = arith.constant 96 : index
        %get3A_543 = tpu.vector_load %arg12[%get3A_541, %get3A_542] {strides = array<i32>} : memref<40x128xf32, #tpu.memory_space<vmem>>, vector<1x16xf32>,
        %get3A_544 = vector.shape_cast %get3A_543 : vector<1x16xf32> to vector<16xf32>
        %get3A_545 = arith.index_cast %scan3A_457 : i32 to index
        %get3A_546 = arith.constant 96 : index
        %get3A_547 = tpu.vector_load %arg14[%get3A_545, %get3A_546] {strides = array<i32>} : memref<40x128xf32, #tpu.memory_space<vmem>>, vector<1x16xf32>,
        %get3A_548 = vector.shape_cast %get3A_547 : vector<1x16xf32> to vector<16xf32>
        %mul3A_549 = arith.mulf %get3A_544, %get3A_548 : vector<16xf32>
        %swap3A_550 = arith.index_cast %scan3A_457 : i32 to index
        %swap3A_551 = arith.constant 96 : index
        %swap3A_552 = tpu.vector_load %arg12[%swap3A_550, %swap3A_551] {strides = array<i32>} : memref<40x128xf32, #tpu.memory_space<vmem>>, vector<1x16xf32>,
        %swap3A_553 = vector.shape_cast %swap3A_552 : vector<1x16xf32> to vector<16xf32>
        %swap3A_554 = vector.shape_cast %mul3A_549 : vector<16xf32> to vector<1x16xf32>
        tpu.vector_store %arg12[%swap3A_550, %swap3A_551], %swap3A_554 {strides = array<i32>} : memref<40x128xf32, #tpu.memory_space<vmem>>, vector<1x16xf32>,
        %get3A_555 = arith.index_cast %scan3A_457 : i32 to index
        %get3A_556 = arith.constant 112 : index
        %get3A_557 = tpu.vector_load %arg12[%get3A_555, %get3A_556] {strides = array<i32>} : memref<40x128xf32, #tpu.memory_space<vmem>>, vector<1x16xf32>,
        %get3A_558 = vector.shape_cast %get3A_557 : vector<1x16xf32> to vector<16xf32>
        %get3A_559 = arith.index_cast %scan3A_457 : i32 to index
        %get3A_560 = arith.constant 112 : index
        %get3A_561 = tpu.vector_load %arg14[%get3A_559, %get3A_560] {strides = array<i32>} : memref<40x128xf32, #tpu.memory_space<vmem>>, vector<1x16xf32>,
        %get3A_562 = vector.shape_cast %get3A_561 : vector<1x16xf32> to vector<16xf32>
        %mul3A_563 = arith.mulf %get3A_558, %get3A_562 : vector<16xf32>
        %swap3A_564 = arith.index_cast %scan3A_457 : i32 to index
        %swap3A_565 = arith.constant 112 : index
        %swap3A_566 = tpu.vector_load %arg12[%swap3A_564, %swap3A_565] {strides = array<i32>} : memref<40x128xf32, #tpu.memory_space<vmem>>, vector<1x16xf32>,
        %swap3A_567 = vector.shape_cast %swap3A_566 : vector<1x16xf32> to vector<16xf32>
        %swap3A_568 = vector.shape_cast %mul3A_563 : vector<16xf32> to vector<1x16xf32>
        tpu.vector_store %arg12[%swap3A_564, %swap3A_565], %swap3A_568 {strides = array<i32>} : memref<40x128xf32, #tpu.memory_space<vmem>>, vector<1x16xf32>,
        %scan3A_569 = arith.constant 0 : i32
        scf.yield %scan3A_569 : i32
      }
      %scan3A_450 = arith.constant 40 : i32
      %dma_wait3A_451 = tpu.memref_slice %arg5[%add3A_401] : memref<320000xi32, #tpu.memory_space<hbm>> -> memref<40xi32, #tpu.memory_space<hbm>>
      %dma_wait3A_452 = tpu.memref_slice %arg5[%add3A_401] : memref<320000xi32, #tpu.memory_space<hbm>> -> memref<40xi32, #tpu.memory_space<hbm>>
      tpu.wait_dma2 semaphore(%arg19 : memref<!tpu.dma_semaphore, #tpu.memory_space<semaphore_mem>>) src(%dma_wait3A_452 : memref<40xi32, #tpu.memory_space<hbm>>) dst(%arg10 : memref<40xi32, #tpu.memory_space<vmem>>)
      %dma_start3A_453 = arith.constant 0 : i32
      %dma_start3A_454 = arith.constant 0 : i32
      %dma_start3A_455 = tpu.memref_slice %arg15[%dma_start3A_453, %dma_start3A_454] : memref<10000x128xf32, #tpu.memory_space<vmem_shared>> -> memref<10000x128xf32, #tpu.memory_space<vmem_shared>>
      tpu.enqueue_indirect_dma source(%arg12 : memref<40x128xf32, #tpu.memory_space<vmem>>) target(%dma_start3A_455 : memref<10000x128xf32, #tpu.memory_space<vmem_shared>>) offsets(%arg10 : memref<40xi32, #tpu.memory_space<vmem>>) semaphore(%arg25 : memref<!tpu.dma_semaphore, #tpu.memory_space<semaphore_mem>>) {add = true}
      %scan3A_456 = arith.constant 0 : i32
      scf.yield %scan3A_456 : i32
    }
    %scan3A_200 = arith.constant 61 : i32
    %dma_wait3A_201 = arith.constant 0 : i32
    %dma_wait3A_202 = arith.constant 0 : i32
    %dma_wait3A_203 = tpu.memref_slice %arg15[%dma_wait3A_201, %dma_wait3A_202] : memref<10000x128xf32, #tpu.memory_space<vmem_shared>> -> memref<10000x128xf32, #tpu.memory_space<vmem_shared>>
    tpu.wait_indirect_dma semaphore(%arg24 : memref<!tpu.dma_semaphore, #tpu.memory_space<semaphore_mem>>) src(%arg11 : memref<40x128xf32, #tpu.memory_space<vmem>>) dst(%dma_wait3A_203 : memref<10000x128xf32, #tpu.memory_space<vmem_shared>>)
    %add3A_204 = arith.constant 4960 : i32
    %add3A_205 = arith.addi %multiple_of3A, %add3A_204 : i32
    %multiple_of3A_206 = tpu.assume_multiple %add3A_205, 40 : i32
    %add3A_207 = arith.constant 0 : i32
    %add3A_208 = arith.addi %multiple_of3A_206, %add3A_207 : i32
    %dma_start3A_209 = tpu.memref_slice %arg4[%add3A_208] : memref<320000xi32, #tpu.memory_space<hbm>> -> memref<40xi32, #tpu.memory_space<hbm>>
    %dma_start3A_210 = tpu.memref_slice %arg4[%add3A_208] : memref<320000xi32, #tpu.memory_space<hbm>> -> memref<40xi32, #tpu.memory_space<hbm>>
    tpu.enqueue_dma source(%dma_start3A_210 : memref<40xi32, #tpu.memory_space<hbm>>) target(%arg7 : memref<40xi32, #tpu.memory_space<vmem>>) target_semaphore(%arg16 : memref<!tpu.dma_semaphore, #tpu.memory_space<semaphore_mem>>)
    %add3A_211 = arith.constant 0 : i32
    %add3A_212 = arith.addi %multiple_of3A_206, %add3A_211 : i32
    %dma_start3A_213 = tpu.memref_slice %arg5[%add3A_212] : memref<320000xi32, #tpu.memory_space<hbm>> -> memref<40xi32, #tpu.memory_space<hbm>>
    %dma_start3A_214 = tpu.memref_slice %arg5[%add3A_212] : memref<320000xi32, #tpu.memory_space<hbm>> -> memref<40xi32, #tpu.memory_space<hbm>>
    tpu.enqueue_dma source(%dma_start3A_214 : memref<40xi32, #tpu.memory_space<hbm>>) target(%arg9 : memref<40xi32, #tpu.memory_space<vmem>>) target_semaphore(%arg18 : memref<!tpu.dma_semaphore, #tpu.memory_space<semaphore_mem>>)
    %dma_start3A_215 = arith.constant 0 : i32
    %dma_start3A_216 = tpu.memref_slice %arg3[%multiple_of3A_206, %dma_start3A_215] : memref<160000x128xf32, #tpu.memory_space<hbm>> -> memref<40x128xf32, #tpu.memory_space<hbm>>
    %dma_start3A_217 = arith.constant 0 : i32
    %dma_start3A_218 = tpu.memref_slice %arg3[%multiple_of3A_206, %dma_start3A_217] : memref<160000x128xf32, #tpu.memory_space<hbm>> -> memref<40x128xf32, #tpu.memory_space<hbm>>
    tpu.enqueue_dma source(%dma_start3A_218 : memref<40x128xf32, #tpu.memory_space<hbm>>) target(%arg13 : memref<40x128xf32, #tpu.memory_space<vmem>>) target_semaphore(%arg22 : memref<!tpu.dma_semaphore, #tpu.memory_space<semaphore_mem>>)
    %dma_wait3A_219 = tpu.memref_slice %arg4[%add3A_208] : memref<320000xi32, #tpu.memory_space<hbm>> -> memref<40xi32, #tpu.memory_space<hbm>>
    %dma_wait3A_220 = tpu.memref_slice %arg4[%add3A_208] : memref<320000xi32, #tpu.memory_space<hbm>> -> memref<40xi32, #tpu.memory_space<hbm>>
    tpu.wait_dma2 semaphore(%arg16 : memref<!tpu.dma_semaphore, #tpu.memory_space<semaphore_mem>>) src(%dma_wait3A_220 : memref<40xi32, #tpu.memory_space<hbm>>) dst(%arg7 : memref<40xi32, #tpu.memory_space<vmem>>)
    %dma_start3A_221 = arith.constant 0 : i32
    %dma_start3A_222 = arith.constant 0 : i32
    %dma_start3A_223 = tpu.memref_slice %arg2[%dma_start3A_221, %dma_start3A_222] : memref<10000x128xf32, #tpu.memory_space<hbm>> -> memref<10000x128xf32, #tpu.memory_space<hbm>>
    tpu.enqueue_indirect_dma source(%dma_start3A_223 : memref<10000x128xf32, #tpu.memory_space<hbm>>) target(%arg11 : memref<40x128xf32, #tpu.memory_space<vmem>>) offsets(%arg7 : memref<40xi32, #tpu.memory_space<vmem>>) semaphore(%arg20 : memref<!tpu.dma_semaphore, #tpu.memory_space<semaphore_mem>>)
    %dma_wait3A_224 = arith.constant 0 : i32
    %dma_wait3A_225 = arith.constant 0 : i32
    %dma_wait3A_226 = tpu.memref_slice %arg2[%dma_wait3A_224, %dma_wait3A_225] : memref<10000x128xf32, #tpu.memory_space<hbm>> -> memref<10000x128xf32, #tpu.memory_space<hbm>>
    tpu.wait_indirect_dma semaphore(%arg20 : memref<!tpu.dma_semaphore, #tpu.memory_space<semaphore_mem>>) src(%dma_wait3A_226 : memref<10000x128xf32, #tpu.memory_space<hbm>>) dst(%arg11 : memref<40x128xf32, #tpu.memory_space<vmem>>)
    %dma_wait3A_227 = arith.constant 0 : i32
    %dma_wait3A_228 = tpu.memref_slice %arg3[%multiple_of3A_206, %dma_wait3A_227] : memref<160000x128xf32, #tpu.memory_space<hbm>> -> memref<40x128xf32, #tpu.memory_space<hbm>>
    %dma_wait3A_229 = arith.constant 0 : i32
    %dma_wait3A_230 = tpu.memref_slice %arg3[%multiple_of3A_206, %dma_wait3A_229] : memref<160000x128xf32, #tpu.memory_space<hbm>> -> memref<40x128xf32, #tpu.memory_space<hbm>>
    tpu.wait_dma2 semaphore(%arg22 : memref<!tpu.dma_semaphore, #tpu.memory_space<semaphore_mem>>) src(%dma_wait3A_230 : memref<40x128xf32, #tpu.memory_space<hbm>>) dst(%arg13 : memref<40x128xf32, #tpu.memory_space<vmem>>)
    %scan3A_231 = arith.constant 0 : i32
    %scan3A_232 = arith.constant 0 : i32
    %scan3A_233 = arith.constant 40 : i32
    %scan3A_234 = arith.addi %scan3A_232, %scan3A_233 : i32
    %scan3A_235 = arith.constant 1 : i32
    %scan3A_236 = scf.for %scan3A_362 = %scan3A_232 to %scan3A_234 step %scan3A_235 iter_args(%scan3A_363 = %scan3A_231) -> (i32)  : i32 {
      %get3A = arith.index_cast %scan3A_362 : i32 to index
      %get3A_364 = arith.constant 0 : index
      %get3A_365 = tpu.vector_load %arg11[%get3A, %get3A_364] {strides = array<i32>} : memref<40x128xf32, #tpu.memory_space<vmem>>, vector<1x16xf32>,
      %get3A_366 = vector.shape_cast %get3A_365 : vector<1x16xf32> to vector<16xf32>
      %get3A_367 = arith.index_cast %scan3A_362 : i32 to index
      %get3A_368 = arith.constant 0 : index
      %get3A_369 = tpu.vector_load %arg13[%get3A_367, %get3A_368] {strides = array<i32>} : memref<40x128xf32, #tpu.memory_space<vmem>>, vector<1x16xf32>,
      %get3A_370 = vector.shape_cast %get3A_369 : vector<1x16xf32> to vector<16xf32>
      %mul3A_371 = arith.mulf %get3A_366, %get3A_370 : vector<16xf32>
      %swap3A = arith.index_cast %scan3A_362 : i32 to index
      %swap3A_372 = arith.constant 0 : index
      %swap3A_373 = tpu.vector_load %arg11[%swap3A, %swap3A_372] {strides = array<i32>} : memref<40x128xf32, #tpu.memory_space<vmem>>, vector<1x16xf32>,
      %swap3A_374 = vector.shape_cast %swap3A_373 : vector<1x16xf32> to vector<16xf32>
      %swap3A_375 = vector.shape_cast %mul3A_371 : vector<16xf32> to vector<1x16xf32>
      tpu.vector_store %arg11[%swap3A, %swap3A_372], %swap3A_375 {strides = array<i32>} : memref<40x128xf32, #tpu.memory_space<vmem>>, vector<1x16xf32>,
      %get3A_376 = arith.index_cast %scan3A_362 : i32 to index
      %get3A_377 = arith.constant 16 : index
      %get3A_378 = tpu.vector_load %arg11[%get3A_376, %get3A_377] {strides = array<i32>} : memref<40x128xf32, #tpu.memory_space<vmem>>, vector<1x16xf32>,
      %get3A_379 = vector.shape_cast %get3A_378 : vector<1x16xf32> to vector<16xf32>
      %get3A_380 = arith.index_cast %scan3A_362 : i32 to index
      %get3A_381 = arith.constant 16 : index
      %get3A_382 = tpu.vector_load %arg13[%get3A_380, %get3A_381] {strides = array<i32>} : memref<40x128xf32, #tpu.memory_space<vmem>>, vector<1x16xf32>,
      %get3A_383 = vector.shape_cast %get3A_382 : vector<1x16xf32> to vector<16xf32>
      %mul3A_384 = arith.mulf %get3A_379, %get3A_383 : vector<16xf32>
      %swap3A_385 = arith.index_cast %scan3A_362 : i32 to index
      %swap3A_386 = arith.constant 16 : index
      %swap3A_387 = tpu.vector_load %arg11[%swap3A_385, %swap3A_386] {strides = array<i32>} : memref<40x128xf32, #tpu.memory_space<vmem>>, vector<1x16xf32>,
      %swap3A_388 = vector.shape_cast %swap3A_387 : vector<1x16xf32> to vector<16xf32>
      %swap3A_389 = vector.shape_cast %mul3A_384 : vector<16xf32> to vector<1x16xf32>
      tpu.vector_store %arg11[%swap3A_385, %swap3A_386], %swap3A_389 {strides = array<i32>} : memref<40x128xf32, #tpu.memory_space<vmem>>, vector<1x16xf32>,
      %get3A_390 = arith.index_cast %scan3A_362 : i32 to index
      %get3A_391 = arith.constant 32 : index
      %get3A_392 = tpu.vector_load %arg11[%get3A_390, %get3A_391] {strides = array<i32>} : memref<40x128xf32, #tpu.memory_space<vmem>>, vector<1x16xf32>,
      %get3A_393 = vector.shape_cast %get3A_392 : vector<1x16xf32> to vector<16xf32>
      %get3A_394 = arith.index_cast %scan3A_362 : i32 to index
      %get3A_395 = arith.constant 32 : index
      %get3A_396 = tpu.vector_load %arg13[%get3A_394, %get3A_395] {strides = array<i32>} : memref<40x128xf32, #tpu.memory_space<vmem>>, vector<1x16xf32>,
      %get3A_397 = vector.shape_cast %get3A_396 : vector<1x16xf32> to vector<16xf32>
      %mul3A_398 = arith.mulf %get3A_393, %get3A_397 : vector<16xf32>
      %swap3A_399 = arith.index_cast %scan3A_362 : i32 to index
      %swap3A_400 = arith.constant 32 : index
      %swap3A_401 = tpu.vector_load %arg11[%swap3A_399, %swap3A_400] {strides = array<i32>} : memref<40x128xf32, #tpu.memory_space<vmem>>, vector<1x16xf32>,
      %swap3A_402 = vector.shape_cast %swap3A_401 : vector<1x16xf32> to vector<16xf32>
      %swap3A_403 = vector.shape_cast %mul3A_398 : vector<16xf32> to vector<1x16xf32>
      tpu.vector_store %arg11[%swap3A_399, %swap3A_400], %swap3A_403 {strides = array<i32>} : memref<40x128xf32, #tpu.memory_space<vmem>>, vector<1x16xf32>,
      %get3A_404 = arith.index_cast %scan3A_362 : i32 to index
      %get3A_405 = arith.constant 48 : index
      %get3A_406 = tpu.vector_load %arg11[%get3A_404, %get3A_405] {strides = array<i32>} : memref<40x128xf32, #tpu.memory_space<vmem>>, vector<1x16xf32>,
      %get3A_407 = vector.shape_cast %get3A_406 : vector<1x16xf32> to vector<16xf32>
      %get3A_408 = arith.index_cast %scan3A_362 : i32 to index
      %get3A_409 = arith.constant 48 : index
      %get3A_410 = tpu.vector_load %arg13[%get3A_408, %get3A_409] {strides = array<i32>} : memref<40x128xf32, #tpu.memory_space<vmem>>, vector<1x16xf32>,
      %get3A_411 = vector.shape_cast %get3A_410 : vector<1x16xf32> to vector<16xf32>
      %mul3A_412 = arith.mulf %get3A_407, %get3A_411 : vector<16xf32>
      %swap3A_413 = arith.index_cast %scan3A_362 : i32 to index
      %swap3A_414 = arith.constant 48 : index
      %swap3A_415 = tpu.vector_load %arg11[%swap3A_413, %swap3A_414] {strides = array<i32>} : memref<40x128xf32, #tpu.memory_space<vmem>>, vector<1x16xf32>,
      %swap3A_416 = vector.shape_cast %swap3A_415 : vector<1x16xf32> to vector<16xf32>
      %swap3A_417 = vector.shape_cast %mul3A_412 : vector<16xf32> to vector<1x16xf32>
      tpu.vector_store %arg11[%swap3A_413, %swap3A_414], %swap3A_417 {strides = array<i32>} : memref<40x128xf32, #tpu.memory_space<vmem>>, vector<1x16xf32>,
      %get3A_418 = arith.index_cast %scan3A_362 : i32 to index
      %get3A_419 = arith.constant 64 : index
      %get3A_420 = tpu.vector_load %arg11[%get3A_418, %get3A_419] {strides = array<i32>} : memref<40x128xf32, #tpu.memory_space<vmem>>, vector<1x16xf32>,
      %get3A_421 = vector.shape_cast %get3A_420 : vector<1x16xf32> to vector<16xf32>
      %get3A_422 = arith.index_cast %scan3A_362 : i32 to index
      %get3A_423 = arith.constant 64 : index
      %get3A_424 = tpu.vector_load %arg13[%get3A_422, %get3A_423] {strides = array<i32>} : memref<40x128xf32, #tpu.memory_space<vmem>>, vector<1x16xf32>,
      %get3A_425 = vector.shape_cast %get3A_424 : vector<1x16xf32> to vector<16xf32>
      %mul3A_426 = arith.mulf %get3A_421, %get3A_425 : vector<16xf32>
      %swap3A_427 = arith.index_cast %scan3A_362 : i32 to index
      %swap3A_428 = arith.constant 64 : index
      %swap3A_429 = tpu.vector_load %arg11[%swap3A_427, %swap3A_428] {strides = array<i32>} : memref<40x128xf32, #tpu.memory_space<vmem>>, vector<1x16xf32>,
      %swap3A_430 = vector.shape_cast %swap3A_429 : vector<1x16xf32> to vector<16xf32>
      %swap3A_431 = vector.shape_cast %mul3A_426 : vector<16xf32> to vector<1x16xf32>
      tpu.vector_store %arg11[%swap3A_427, %swap3A_428], %swap3A_431 {strides = array<i32>} : memref<40x128xf32, #tpu.memory_space<vmem>>, vector<1x16xf32>,
      %get3A_432 = arith.index_cast %scan3A_362 : i32 to index
      %get3A_433 = arith.constant 80 : index
      %get3A_434 = tpu.vector_load %arg11[%get3A_432, %get3A_433] {strides = array<i32>} : memref<40x128xf32, #tpu.memory_space<vmem>>, vector<1x16xf32>,
      %get3A_435 = vector.shape_cast %get3A_434 : vector<1x16xf32> to vector<16xf32>
      %get3A_436 = arith.index_cast %scan3A_362 : i32 to index
      %get3A_437 = arith.constant 80 : index
      %get3A_438 = tpu.vector_load %arg13[%get3A_436, %get3A_437] {strides = array<i32>} : memref<40x128xf32, #tpu.memory_space<vmem>>, vector<1x16xf32>,
      %get3A_439 = vector.shape_cast %get3A_438 : vector<1x16xf32> to vector<16xf32>
      %mul3A_440 = arith.mulf %get3A_435, %get3A_439 : vector<16xf32>
      %swap3A_441 = arith.index_cast %scan3A_362 : i32 to index
      %swap3A_442 = arith.constant 80 : index
      %swap3A_443 = tpu.vector_load %arg11[%swap3A_441, %swap3A_442] {strides = array<i32>} : memref<40x128xf32, #tpu.memory_space<vmem>>, vector<1x16xf32>,
      %swap3A_444 = vector.shape_cast %swap3A_443 : vector<1x16xf32> to vector<16xf32>
      %swap3A_445 = vector.shape_cast %mul3A_440 : vector<16xf32> to vector<1x16xf32>
      tpu.vector_store %arg11[%swap3A_441, %swap3A_442], %swap3A_445 {strides = array<i32>} : memref<40x128xf32, #tpu.memory_space<vmem>>, vector<1x16xf32>,
      %get3A_446 = arith.index_cast %scan3A_362 : i32 to index
      %get3A_447 = arith.constant 96 : index
      %get3A_448 = tpu.vector_load %arg11[%get3A_446, %get3A_447] {strides = array<i32>} : memref<40x128xf32, #tpu.memory_space<vmem>>, vector<1x16xf32>,
      %get3A_449 = vector.shape_cast %get3A_448 : vector<1x16xf32> to vector<16xf32>
      %get3A_450 = arith.index_cast %scan3A_362 : i32 to index
      %get3A_451 = arith.constant 96 : index
      %get3A_452 = tpu.vector_load %arg13[%get3A_450, %get3A_451] {strides = array<i32>} : memref<40x128xf32, #tpu.memory_space<vmem>>, vector<1x16xf32>,
      %get3A_453 = vector.shape_cast %get3A_452 : vector<1x16xf32> to vector<16xf32>
      %mul3A_454 = arith.mulf %get3A_449, %get3A_453 : vector<16xf32>
      %swap3A_455 = arith.index_cast %scan3A_362 : i32 to index
      %swap3A_456 = arith.constant 96 : index
      %swap3A_457 = tpu.vector_load %arg11[%swap3A_455, %swap3A_456] {strides = array<i32>} : memref<40x128xf32, #tpu.memory_space<vmem>>, vector<1x16xf32>,
      %swap3A_458 = vector.shape_cast %swap3A_457 : vector<1x16xf32> to vector<16xf32>
      %swap3A_459 = vector.shape_cast %mul3A_454 : vector<16xf32> to vector<1x16xf32>
      tpu.vector_store %arg11[%swap3A_455, %swap3A_456], %swap3A_459 {strides = array<i32>} : memref<40x128xf32, #tpu.memory_space<vmem>>, vector<1x16xf32>,
      %get3A_460 = arith.index_cast %scan3A_362 : i32 to index
      %get3A_461 = arith.constant 112 : index
      %get3A_462 = tpu.vector_load %arg11[%get3A_460, %get3A_461] {strides = array<i32>} : memref<40x128xf32, #tpu.memory_space<vmem>>, vector<1x16xf32>,
      %get3A_463 = vector.shape_cast %get3A_462 : vector<1x16xf32> to vector<16xf32>
      %get3A_464 = arith.index_cast %scan3A_362 : i32 to index
      %get3A_465 = arith.constant 112 : index
      %get3A_466 = tpu.vector_load %arg13[%get3A_464, %get3A_465] {strides = array<i32>} : memref<40x128xf32, #tpu.memory_space<vmem>>, vector<1x16xf32>,
      %get3A_467 = vector.shape_cast %get3A_466 : vector<1x16xf32> to vector<16xf32>
      %mul3A_468 = arith.mulf %get3A_463, %get3A_467 : vector<16xf32>
      %swap3A_469 = arith.index_cast %scan3A_362 : i32 to index
      %swap3A_470 = arith.constant 112 : index
      %swap3A_471 = tpu.vector_load %arg11[%swap3A_469, %swap3A_470] {strides = array<i32>} : memref<40x128xf32, #tpu.memory_space<vmem>>, vector<1x16xf32>,
      %swap3A_472 = vector.shape_cast %swap3A_471 : vector<1x16xf32> to vector<16xf32>
      %swap3A_473 = vector.shape_cast %mul3A_468 : vector<16xf32> to vector<1x16xf32>
      tpu.vector_store %arg11[%swap3A_469, %swap3A_470], %swap3A_473 {strides = array<i32>} : memref<40x128xf32, #tpu.memory_space<vmem>>, vector<1x16xf32>,
      %scan3A_474 = arith.constant 0 : i32
      scf.yield %scan3A_474 : i32
    }
    %scan3A_237 = arith.constant 40 : i32
    %dma_wait3A_238 = tpu.memref_slice %arg5[%add3A_212] : memref<320000xi32, #tpu.memory_space<hbm>> -> memref<40xi32, #tpu.memory_space<hbm>>
    %dma_wait3A_239 = tpu.memref_slice %arg5[%add3A_212] : memref<320000xi32, #tpu.memory_space<hbm>> -> memref<40xi32, #tpu.memory_space<hbm>>
    tpu.wait_dma2 semaphore(%arg18 : memref<!tpu.dma_semaphore, #tpu.memory_space<semaphore_mem>>) src(%dma_wait3A_239 : memref<40xi32, #tpu.memory_space<hbm>>) dst(%arg9 : memref<40xi32, #tpu.memory_space<vmem>>)
    %dma_start3A_240 = arith.constant 0 : i32
    %dma_start3A_241 = arith.constant 0 : i32
    %dma_start3A_242 = tpu.memref_slice %arg15[%dma_start3A_240, %dma_start3A_241] : memref<10000x128xf32, #tpu.memory_space<vmem_shared>> -> memref<10000x128xf32, #tpu.memory_space<vmem_shared>>
    tpu.enqueue_indirect_dma source(%arg11 : memref<40x128xf32, #tpu.memory_space<vmem>>) target(%dma_start3A_242 : memref<10000x128xf32, #tpu.memory_space<vmem_shared>>) offsets(%arg9 : memref<40xi32, #tpu.memory_space<vmem>>) semaphore(%arg24 : memref<!tpu.dma_semaphore, #tpu.memory_space<semaphore_mem>>) {add = true}
    %dma_wait3A_243 = arith.constant 0 : i32
    %dma_wait3A_244 = arith.constant 0 : i32
    %dma_wait3A_245 = tpu.memref_slice %arg15[%dma_wait3A_243, %dma_wait3A_244] : memref<10000x128xf32, #tpu.memory_space<vmem_shared>> -> memref<10000x128xf32, #tpu.memory_space<vmem_shared>>
    tpu.wait_indirect_dma semaphore(%arg24 : memref<!tpu.dma_semaphore, #tpu.memory_space<semaphore_mem>>) src(%arg11 : memref<40x128xf32, #tpu.memory_space<vmem>>) dst(%dma_wait3A_245 : memref<10000x128xf32, #tpu.memory_space<vmem_shared>>)
    %dma_wait3A_246 = arith.constant 0 : i32
    %dma_wait3A_247 = arith.constant 0 : i32
    %dma_wait3A_248 = tpu.memref_slice %arg15[%dma_wait3A_246, %dma_wait3A_247] : memref<10000x128xf32, #tpu.memory_space<vmem_shared>> -> memref<10000x128xf32, #tpu.memory_space<vmem_shared>>
    tpu.wait_indirect_dma semaphore(%arg25 : memref<!tpu.dma_semaphore, #tpu.memory_space<semaphore_mem>>) src(%arg12 : memref<40x128xf32, #tpu.memory_space<vmem>>) dst(%dma_wait3A_248 : memref<10000x128xf32, #tpu.memory_space<vmem_shared>>)
    %barrier3A_249 = arith.constant 0 : index
    tpu.barrier barrier_id(%barrier3A_249)
    %add3A_250 = arith.constant 0 : i32
    %add3A_251 = arith.addi %arg1, %add3A_250 : i32
    %lt3A_252 = arith.constant 250 : i32
    %lt3A_253 = arith.cmpi slt, %add3A_251, %lt3A_252 : i32
    %convert_element_type3A_254 = arith.extui %lt3A_253 : i1 to i32
    %cond3A_255 = arith.constant 0 : i32
    %cond3A_256 = arith.cmpi ne, %convert_element_type3A_254, %cond3A_255 : i32
    scf.if %cond3A_256 {
      %mul3A_362 = arith.constant 40 : i32
      %mul3A_363 = arith.muli %add3A_251, %mul3A_362 : i32
      %multiple_of3A_364 = tpu.assume_multiple %mul3A_363, 40 : i32
      "tpu.region"() ({
        %run_scoped3A = tpu.sem_alloc : memref<!tpu.dma_semaphore, #tpu.memory_space<semaphore_mem>>
        %dma_start3A_365 = arith.constant 0 : i32
        %dma_start3A_366 = tpu.memref_slice %arg6[%arg0, %multiple_of3A_364, %dma_start3A_365] : memref<2x10000x128xf32, #tpu.memory_space<hbm>> -> memref<1x40x128xf32, #tpu.memory_space<hbm>>
        %dma_start3A_367 = tpu.memref_squeeze %dma_start3A_366 : memref<1x40x128xf32, #tpu.memory_space<hbm>> -> memref<40x128xf32, #tpu.memory_space<hbm>>
        %dma_start3A_368 = arith.constant 0 : i32
        %dma_start3A_369 = tpu.memref_slice %arg15[%multiple_of3A_364, %dma_start3A_368] : memref<10000x128xf32, #tpu.memory_space<vmem_shared>> -> memref<40x128xf32, #tpu.memory_space<vmem_shared>>
        tpu.enqueue_dma source(%dma_start3A_369 : memref<40x128xf32, #tpu.memory_space<vmem_shared>>) target(%dma_start3A_367 : memref<40x128xf32, #tpu.memory_space<hbm>>) target_semaphore(%run_scoped3A : memref<!tpu.dma_semaphore, #tpu.memory_space<semaphore_mem>>)
        %dma_wait3A_370 = arith.constant 0 : i32
        %dma_wait3A_371 = tpu.memref_slice %arg6[%arg0, %multiple_of3A_364, %dma_wait3A_370] : memref<2x10000x128xf32, #tpu.memory_space<hbm>> -> memref<1x40x128xf32, #tpu.memory_space<hbm>>
        %dma_wait3A_372 = tpu.memref_squeeze %dma_wait3A_371 : memref<1x40x128xf32, #tpu.memory_space<hbm>> -> memref<40x128xf32, #tpu.memory_space<hbm>>
        %dma_wait3A_373 = arith.constant 0 : i32
        %dma_wait3A_374 = tpu.memref_slice %arg15[%multiple_of3A_364, %dma_wait3A_373] : memref<10000x128xf32, #tpu.memory_space<vmem_shared>> -> memref<40x128xf32, #tpu.memory_space<vmem_shared>>
        tpu.wait_dma2 semaphore(%run_scoped3A : memref<!tpu.dma_semaphore, #tpu.memory_space<semaphore_mem>>) src(%dma_wait3A_374 : memref<40x128xf32, #tpu.memory_space<vmem_shared>>) dst(%dma_wait3A_372 : memref<40x128xf32, #tpu.memory_space<hbm>>)
        tpu.yield
      }) : () -> ()
    } else {
    }
    %add3A_257 = arith.constant 16 : i32
    %add3A_258 = arith.addi %arg1, %add3A_257 : i32
    %lt3A_259 = arith.constant 250 : i32
    %lt3A_260 = arith.cmpi slt, %add3A_258, %lt3A_259 : i32
    %convert_element_type3A_261 = arith.extui %lt3A_260 : i1 to i32
    %cond3A_262 = arith.constant 0 : i32
    %cond3A_263 = arith.cmpi ne, %convert_element_type3A_261, %cond3A_262 : i32
    scf.if %cond3A_263 {
      %mul3A_362 = arith.constant 40 : i32
      %mul3A_363 = arith.muli %add3A_258, %mul3A_362 : i32
      %multiple_of3A_364 = tpu.assume_multiple %mul3A_363, 40 : i32
      "tpu.region"() ({
        %run_scoped3A = tpu.sem_alloc : memref<!tpu.dma_semaphore, #tpu.memory_space<semaphore_mem>>
        %dma_start3A_365 = arith.constant 0 : i32
        %dma_start3A_366 = tpu.memref_slice %arg6[%arg0, %multiple_of3A_364, %dma_start3A_365] : memref<2x10000x128xf32, #tpu.memory_space<hbm>> -> memref<1x40x128xf32, #tpu.memory_space<hbm>>
        %dma_start3A_367 = tpu.memref_squeeze %dma_start3A_366 : memref<1x40x128xf32, #tpu.memory_space<hbm>> -> memref<40x128xf32, #tpu.memory_space<hbm>>
        %dma_start3A_368 = arith.constant 0 : i32
        %dma_start3A_369 = tpu.memref_slice %arg15[%multiple_of3A_364, %dma_start3A_368] : memref<10000x128xf32, #tpu.memory_space<vmem_shared>> -> memref<40x128xf32, #tpu.memory_space<vmem_shared>>
        tpu.enqueue_dma source(%dma_start3A_369 : memref<40x128xf32, #tpu.memory_space<vmem_shared>>) target(%dma_start3A_367 : memref<40x128xf32, #tpu.memory_space<hbm>>) target_semaphore(%run_scoped3A : memref<!tpu.dma_semaphore, #tpu.memory_space<semaphore_mem>>)
        %dma_wait3A_370 = arith.constant 0 : i32
        %dma_wait3A_371 = tpu.memref_slice %arg6[%arg0, %multiple_of3A_364, %dma_wait3A_370] : memref<2x10000x128xf32, #tpu.memory_space<hbm>> -> memref<1x40x128xf32, #tpu.memory_space<hbm>>
        %dma_wait3A_372 = tpu.memref_squeeze %dma_wait3A_371 : memref<1x40x128xf32, #tpu.memory_space<hbm>> -> memref<40x128xf32, #tpu.memory_space<hbm>>
        %dma_wait3A_373 = arith.constant 0 : i32
        %dma_wait3A_374 = tpu.memref_slice %arg15[%multiple_of3A_364, %dma_wait3A_373] : memref<10000x128xf32, #tpu.memory_space<vmem_shared>> -> memref<40x128xf32, #tpu.memory_space<vmem_shared>>
        tpu.wait_dma2 semaphore(%run_scoped3A : memref<!tpu.dma_semaphore, #tpu.memory_space<semaphore_mem>>) src(%dma_wait3A_374 : memref<40x128xf32, #tpu.memory_space<vmem_shared>>) dst(%dma_wait3A_372 : memref<40x128xf32, #tpu.memory_space<hbm>>)
        tpu.yield
      }) : () -> ()
    } else {
    }
    %add3A_264 = arith.constant 32 : i32
    %add3A_265 = arith.addi %arg1, %add3A_264 : i32
    %lt3A_266 = arith.constant 250 : i32
    %lt3A_267 = arith.cmpi slt, %add3A_265, %lt3A_266 : i32
    %convert_element_type3A_268 = arith.extui %lt3A_267 : i1 to i32
    %cond3A_269 = arith.constant 0 : i32
    %cond3A_270 = arith.cmpi ne, %convert_element_type3A_268, %cond3A_269 : i32
    scf.if %cond3A_270 {
      %mul3A_362 = arith.constant 40 : i32
      %mul3A_363 = arith.muli %add3A_265, %mul3A_362 : i32
      %multiple_of3A_364 = tpu.assume_multiple %mul3A_363, 40 : i32
      "tpu.region"() ({
        %run_scoped3A = tpu.sem_alloc : memref<!tpu.dma_semaphore, #tpu.memory_space<semaphore_mem>>
        %dma_start3A_365 = arith.constant 0 : i32
        %dma_start3A_366 = tpu.memref_slice %arg6[%arg0, %multiple_of3A_364, %dma_start3A_365] : memref<2x10000x128xf32, #tpu.memory_space<hbm>> -> memref<1x40x128xf32, #tpu.memory_space<hbm>>
        %dma_start3A_367 = tpu.memref_squeeze %dma_start3A_366 : memref<1x40x128xf32, #tpu.memory_space<hbm>> -> memref<40x128xf32, #tpu.memory_space<hbm>>
        %dma_start3A_368 = arith.constant 0 : i32
        %dma_start3A_369 = tpu.memref_slice %arg15[%multiple_of3A_364, %dma_start3A_368] : memref<10000x128xf32, #tpu.memory_space<vmem_shared>> -> memref<40x128xf32, #tpu.memory_space<vmem_shared>>
        tpu.enqueue_dma source(%dma_start3A_369 : memref<40x128xf32, #tpu.memory_space<vmem_shared>>) target(%dma_start3A_367 : memref<40x128xf32, #tpu.memory_space<hbm>>) target_semaphore(%run_scoped3A : memref<!tpu.dma_semaphore, #tpu.memory_space<semaphore_mem>>)
        %dma_wait3A_370 = arith.constant 0 : i32
        %dma_wait3A_371 = tpu.memref_slice %arg6[%arg0, %multiple_of3A_364, %dma_wait3A_370] : memref<2x10000x128xf32, #tpu.memory_space<hbm>> -> memref<1x40x128xf32, #tpu.memory_space<hbm>>
        %dma_wait3A_372 = tpu.memref_squeeze %dma_wait3A_371 : memref<1x40x128xf32, #tpu.memory_space<hbm>> -> memref<40x128xf32, #tpu.memory_space<hbm>>
        %dma_wait3A_373 = arith.constant 0 : i32
        %dma_wait3A_374 = tpu.memref_slice %arg15[%multiple_of3A_364, %dma_wait3A_373] : memref<10000x128xf32, #tpu.memory_space<vmem_shared>> -> memref<40x128xf32, #tpu.memory_space<vmem_shared>>
        tpu.wait_dma2 semaphore(%run_scoped3A : memref<!tpu.dma_semaphore, #tpu.memory_space<semaphore_mem>>) src(%dma_wait3A_374 : memref<40x128xf32, #tpu.memory_space<vmem_shared>>) dst(%dma_wait3A_372 : memref<40x128xf32, #tpu.memory_space<hbm>>)
        tpu.yield
      }) : () -> ()
    } else {
    }
    %add3A_271 = arith.constant 48 : i32
    %add3A_272 = arith.addi %arg1, %add3A_271 : i32
    %lt3A_273 = arith.constant 250 : i32
    %lt3A_274 = arith.cmpi slt, %add3A_272, %lt3A_273 : i32
    %convert_element_type3A_275 = arith.extui %lt3A_274 : i1 to i32
    %cond3A_276 = arith.constant 0 : i32
    %cond3A_277 = arith.cmpi ne, %convert_element_type3A_275, %cond3A_276 : i32
    scf.if %cond3A_277 {
      %mul3A_362 = arith.constant 40 : i32
      %mul3A_363 = arith.muli %add3A_272, %mul3A_362 : i32
      %multiple_of3A_364 = tpu.assume_multiple %mul3A_363, 40 : i32
      "tpu.region"() ({
        %run_scoped3A = tpu.sem_alloc : memref<!tpu.dma_semaphore, #tpu.memory_space<semaphore_mem>>
        %dma_start3A_365 = arith.constant 0 : i32
        %dma_start3A_366 = tpu.memref_slice %arg6[%arg0, %multiple_of3A_364, %dma_start3A_365] : memref<2x10000x128xf32, #tpu.memory_space<hbm>> -> memref<1x40x128xf32, #tpu.memory_space<hbm>>
        %dma_start3A_367 = tpu.memref_squeeze %dma_start3A_366 : memref<1x40x128xf32, #tpu.memory_space<hbm>> -> memref<40x128xf32, #tpu.memory_space<hbm>>
        %dma_start3A_368 = arith.constant 0 : i32
        %dma_start3A_369 = tpu.memref_slice %arg15[%multiple_of3A_364, %dma_start3A_368] : memref<10000x128xf32, #tpu.memory_space<vmem_shared>> -> memref<40x128xf32, #tpu.memory_space<vmem_shared>>
        tpu.enqueue_dma source(%dma_start3A_369 : memref<40x128xf32, #tpu.memory_space<vmem_shared>>) target(%dma_start3A_367 : memref<40x128xf32, #tpu.memory_space<hbm>>) target_semaphore(%run_scoped3A : memref<!tpu.dma_semaphore, #tpu.memory_space<semaphore_mem>>)
        %dma_wait3A_370 = arith.constant 0 : i32
        %dma_wait3A_371 = tpu.memref_slice %arg6[%arg0, %multiple_of3A_364, %dma_wait3A_370] : memref<2x10000x128xf32, #tpu.memory_space<hbm>> -> memref<1x40x128xf32, #tpu.memory_space<hbm>>
        %dma_wait3A_372 = tpu.memref_squeeze %dma_wait3A_371 : memref<1x40x128xf32, #tpu.memory_space<hbm>> -> memref<40x128xf32, #tpu.memory_space<hbm>>
        %dma_wait3A_373 = arith.constant 0 : i32
        %dma_wait3A_374 = tpu.memref_slice %arg15[%multiple_of3A_364, %dma_wait3A_373] : memref<10000x128xf32, #tpu.memory_space<vmem_shared>> -> memref<40x128xf32, #tpu.memory_space<vmem_shared>>
        tpu.wait_dma2 semaphore(%run_scoped3A : memref<!tpu.dma_semaphore, #tpu.memory_space<semaphore_mem>>) src(%dma_wait3A_374 : memref<40x128xf32, #tpu.memory_space<vmem_shared>>) dst(%dma_wait3A_372 : memref<40x128xf32, #tpu.memory_space<hbm>>)
        tpu.yield
      }) : () -> ()
    } else {
    }
    %add3A_278 = arith.constant 64 : i32
    %add3A_279 = arith.addi %arg1, %add3A_278 : i32
    %lt3A_280 = arith.constant 250 : i32
    %lt3A_281 = arith.cmpi slt, %add3A_279, %lt3A_280 : i32
    %convert_element_type3A_282 = arith.extui %lt3A_281 : i1 to i32
    %cond3A_283 = arith.constant 0 : i32
    %cond3A_284 = arith.cmpi ne, %convert_element_type3A_282, %cond3A_283 : i32
    scf.if %cond3A_284 {
      %mul3A_362 = arith.constant 40 : i32
      %mul3A_363 = arith.muli %add3A_279, %mul3A_362 : i32
      %multiple_of3A_364 = tpu.assume_multiple %mul3A_363, 40 : i32
      "tpu.region"() ({
        %run_scoped3A = tpu.sem_alloc : memref<!tpu.dma_semaphore, #tpu.memory_space<semaphore_mem>>
        %dma_start3A_365 = arith.constant 0 : i32
        %dma_start3A_366 = tpu.memref_slice %arg6[%arg0, %multiple_of3A_364, %dma_start3A_365] : memref<2x10000x128xf32, #tpu.memory_space<hbm>> -> memref<1x40x128xf32, #tpu.memory_space<hbm>>
        %dma_start3A_367 = tpu.memref_squeeze %dma_start3A_366 : memref<1x40x128xf32, #tpu.memory_space<hbm>> -> memref<40x128xf32, #tpu.memory_space<hbm>>
        %dma_start3A_368 = arith.constant 0 : i32
        %dma_start3A_369 = tpu.memref_slice %arg15[%multiple_of3A_364, %dma_start3A_368] : memref<10000x128xf32, #tpu.memory_space<vmem_shared>> -> memref<40x128xf32, #tpu.memory_space<vmem_shared>>
        tpu.enqueue_dma source(%dma_start3A_369 : memref<40x128xf32, #tpu.memory_space<vmem_shared>>) target(%dma_start3A_367 : memref<40x128xf32, #tpu.memory_space<hbm>>) target_semaphore(%run_scoped3A : memref<!tpu.dma_semaphore, #tpu.memory_space<semaphore_mem>>)
        %dma_wait3A_370 = arith.constant 0 : i32
        %dma_wait3A_371 = tpu.memref_slice %arg6[%arg0, %multiple_of3A_364, %dma_wait3A_370] : memref<2x10000x128xf32, #tpu.memory_space<hbm>> -> memref<1x40x128xf32, #tpu.memory_space<hbm>>
        %dma_wait3A_372 = tpu.memref_squeeze %dma_wait3A_371 : memref<1x40x128xf32, #tpu.memory_space<hbm>> -> memref<40x128xf32, #tpu.memory_space<hbm>>
        %dma_wait3A_373 = arith.constant 0 : i32
        %dma_wait3A_374 = tpu.memref_slice %arg15[%multiple_of3A_364, %dma_wait3A_373] : memref<10000x128xf32, #tpu.memory_space<vmem_shared>> -> memref<40x128xf32, #tpu.memory_space<vmem_shared>>
        tpu.wait_dma2 semaphore(%run_scoped3A : memref<!tpu.dma_semaphore, #tpu.memory_space<semaphore_mem>>) src(%dma_wait3A_374 : memref<40x128xf32, #tpu.memory_space<vmem_shared>>) dst(%dma_wait3A_372 : memref<40x128xf32, #tpu.memory_space<hbm>>)
        tpu.yield
      }) : () -> ()
    } else {
    }
    %add3A_285 = arith.constant 80 : i32
    %add3A_286 = arith.addi %arg1, %add3A_285 : i32
    %lt3A_287 = arith.constant 250 : i32
    %lt3A_288 = arith.cmpi slt, %add3A_286, %lt3A_287 : i32
    %convert_element_type3A_289 = arith.extui %lt3A_288 : i1 to i32
    %cond3A_290 = arith.constant 0 : i32
    %cond3A_291 = arith.cmpi ne, %convert_element_type3A_289, %cond3A_290 : i32
    scf.if %cond3A_291 {
      %mul3A_362 = arith.constant 40 : i32
      %mul3A_363 = arith.muli %add3A_286, %mul3A_362 : i32
      %multiple_of3A_364 = tpu.assume_multiple %mul3A_363, 40 : i32
      "tpu.region"() ({
        %run_scoped3A = tpu.sem_alloc : memref<!tpu.dma_semaphore, #tpu.memory_space<semaphore_mem>>
        %dma_start3A_365 = arith.constant 0 : i32
        %dma_start3A_366 = tpu.memref_slice %arg6[%arg0, %multiple_of3A_364, %dma_start3A_365] : memref<2x10000x128xf32, #tpu.memory_space<hbm>> -> memref<1x40x128xf32, #tpu.memory_space<hbm>>
        %dma_start3A_367 = tpu.memref_squeeze %dma_start3A_366 : memref<1x40x128xf32, #tpu.memory_space<hbm>> -> memref<40x128xf32, #tpu.memory_space<hbm>>
        %dma_start3A_368 = arith.constant 0 : i32
        %dma_start3A_369 = tpu.memref_slice %arg15[%multiple_of3A_364, %dma_start3A_368] : memref<10000x128xf32, #tpu.memory_space<vmem_shared>> -> memref<40x128xf32, #tpu.memory_space<vmem_shared>>
        tpu.enqueue_dma source(%dma_start3A_369 : memref<40x128xf32, #tpu.memory_space<vmem_shared>>) target(%dma_start3A_367 : memref<40x128xf32, #tpu.memory_space<hbm>>) target_semaphore(%run_scoped3A : memref<!tpu.dma_semaphore, #tpu.memory_space<semaphore_mem>>)
        %dma_wait3A_370 = arith.constant 0 : i32
        %dma_wait3A_371 = tpu.memref_slice %arg6[%arg0, %multiple_of3A_364, %dma_wait3A_370] : memref<2x10000x128xf32, #tpu.memory_space<hbm>> -> memref<1x40x128xf32, #tpu.memory_space<hbm>>
        %dma_wait3A_372 = tpu.memref_squeeze %dma_wait3A_371 : memref<1x40x128xf32, #tpu.memory_space<hbm>> -> memref<40x128xf32, #tpu.memory_space<hbm>>
        %dma_wait3A_373 = arith.constant 0 : i32
        %dma_wait3A_374 = tpu.memref_slice %arg15[%multiple_of3A_364, %dma_wait3A_373] : memref<10000x128xf32, #tpu.memory_space<vmem_shared>> -> memref<40x128xf32, #tpu.memory_space<vmem_shared>>
        tpu.wait_dma2 semaphore(%run_scoped3A : memref<!tpu.dma_semaphore, #tpu.memory_space<semaphore_mem>>) src(%dma_wait3A_374 : memref<40x128xf32, #tpu.memory_space<vmem_shared>>) dst(%dma_wait3A_372 : memref<40x128xf32, #tpu.memory_space<hbm>>)
        tpu.yield
      }) : () -> ()
    } else {
    }
    %add3A_292 = arith.constant 96 : i32
    %add3A_293 = arith.addi %arg1, %add3A_292 : i32
    %lt3A_294 = arith.constant 250 : i32
    %lt3A_295 = arith.cmpi slt, %add3A_293, %lt3A_294 : i32
    %convert_element_type3A_296 = arith.extui %lt3A_295 : i1 to i32
    %cond3A_297 = arith.constant 0 : i32
    %cond3A_298 = arith.cmpi ne, %convert_element_type3A_296, %cond3A_297 : i32
    scf.if %cond3A_298 {
      %mul3A_362 = arith.constant 40 : i32
      %mul3A_363 = arith.muli %add3A_293, %mul3A_362 : i32
      %multiple_of3A_364 = tpu.assume_multiple %mul3A_363, 40 : i32
      "tpu.region"() ({
        %run_scoped3A = tpu.sem_alloc : memref<!tpu.dma_semaphore, #tpu.memory_space<semaphore_mem>>
        %dma_start3A_365 = arith.constant 0 : i32
        %dma_start3A_366 = tpu.memref_slice %arg6[%arg0, %multiple_of3A_364, %dma_start3A_365] : memref<2x10000x128xf32, #tpu.memory_space<hbm>> -> memref<1x40x128xf32, #tpu.memory_space<hbm>>
        %dma_start3A_367 = tpu.memref_squeeze %dma_start3A_366 : memref<1x40x128xf32, #tpu.memory_space<hbm>> -> memref<40x128xf32, #tpu.memory_space<hbm>>
        %dma_start3A_368 = arith.constant 0 : i32
        %dma_start3A_369 = tpu.memref_slice %arg15[%multiple_of3A_364, %dma_start3A_368] : memref<10000x128xf32, #tpu.memory_space<vmem_shared>> -> memref<40x128xf32, #tpu.memory_space<vmem_shared>>
        tpu.enqueue_dma source(%dma_start3A_369 : memref<40x128xf32, #tpu.memory_space<vmem_shared>>) target(%dma_start3A_367 : memref<40x128xf32, #tpu.memory_space<hbm>>) target_semaphore(%run_scoped3A : memref<!tpu.dma_semaphore, #tpu.memory_space<semaphore_mem>>)
        %dma_wait3A_370 = arith.constant 0 : i32
        %dma_wait3A_371 = tpu.memref_slice %arg6[%arg0, %multiple_of3A_364, %dma_wait3A_370] : memref<2x10000x128xf32, #tpu.memory_space<hbm>> -> memref<1x40x128xf32, #tpu.memory_space<hbm>>
        %dma_wait3A_372 = tpu.memref_squeeze %dma_wait3A_371 : memref<1x40x128xf32, #tpu.memory_space<hbm>> -> memref<40x128xf32, #tpu.memory_space<hbm>>
        %dma_wait3A_373 = arith.constant 0 : i32
        %dma_wait3A_374 = tpu.memref_slice %arg15[%multiple_of3A_364, %dma_wait3A_373] : memref<10000x128xf32, #tpu.memory_space<vmem_shared>> -> memref<40x128xf32, #tpu.memory_space<vmem_shared>>
        tpu.wait_dma2 semaphore(%run_scoped3A : memref<!tpu.dma_semaphore, #tpu.memory_space<semaphore_mem>>) src(%dma_wait3A_374 : memref<40x128xf32, #tpu.memory_space<vmem_shared>>) dst(%dma_wait3A_372 : memref<40x128xf32, #tpu.memory_space<hbm>>)
        tpu.yield
      }) : () -> ()
    } else {
    }
    %add3A_299 = arith.constant 112 : i32
    %add3A_300 = arith.addi %arg1, %add3A_299 : i32
    %lt3A_301 = arith.constant 250 : i32
    %lt3A_302 = arith.cmpi slt, %add3A_300, %lt3A_301 : i32
    %convert_element_type3A_303 = arith.extui %lt3A_302 : i1 to i32
    %cond3A_304 = arith.constant 0 : i32
    %cond3A_305 = arith.cmpi ne, %convert_element_type3A_303, %cond3A_304 : i32
    scf.if %cond3A_305 {
      %mul3A_362 = arith.constant 40 : i32
      %mul3A_363 = arith.muli %add3A_300, %mul3A_362 : i32
      %multiple_of3A_364 = tpu.assume_multiple %mul3A_363, 40 : i32
      "tpu.region"() ({
        %run_scoped3A = tpu.sem_alloc : memref<!tpu.dma_semaphore, #tpu.memory_space<semaphore_mem>>
        %dma_start3A_365 = arith.constant 0 : i32
        %dma_start3A_366 = tpu.memref_slice %arg6[%arg0, %multiple_of3A_364, %dma_start3A_365] : memref<2x10000x128xf32, #tpu.memory_space<hbm>> -> memref<1x40x128xf32, #tpu.memory_space<hbm>>
        %dma_start3A_367 = tpu.memref_squeeze %dma_start3A_366 : memref<1x40x128xf32, #tpu.memory_space<hbm>> -> memref<40x128xf32, #tpu.memory_space<hbm>>
        %dma_start3A_368 = arith.constant 0 : i32
        %dma_start3A_369 = tpu.memref_slice %arg15[%multiple_of3A_364, %dma_start3A_368] : memref<10000x128xf32, #tpu.memory_space<vmem_shared>> -> memref<40x128xf32, #tpu.memory_space<vmem_shared>>
        tpu.enqueue_dma source(%dma_start3A_369 : memref<40x128xf32, #tpu.memory_space<vmem_shared>>) target(%dma_start3A_367 : memref<40x128xf32, #tpu.memory_space<hbm>>) target_semaphore(%run_scoped3A : memref<!tpu.dma_semaphore, #tpu.memory_space<semaphore_mem>>)
        %dma_wait3A_370 = arith.constant 0 : i32
        %dma_wait3A_371 = tpu.memref_slice %arg6[%arg0, %multiple_of3A_364, %dma_wait3A_370] : memref<2x10000x128xf32, #tpu.memory_space<hbm>> -> memref<1x40x128xf32, #tpu.memory_space<hbm>>
        %dma_wait3A_372 = tpu.memref_squeeze %dma_wait3A_371 : memref<1x40x128xf32, #tpu.memory_space<hbm>> -> memref<40x128xf32, #tpu.memory_space<hbm>>
        %dma_wait3A_373 = arith.constant 0 : i32
        %dma_wait3A_374 = tpu.memref_slice %arg15[%multiple_of3A_364, %dma_wait3A_373] : memref<10000x128xf32, #tpu.memory_space<vmem_shared>> -> memref<40x128xf32, #tpu.memory_space<vmem_shared>>
        tpu.wait_dma2 semaphore(%run_scoped3A : memref<!tpu.dma_semaphore, #tpu.memory_space<semaphore_mem>>) src(%dma_wait3A_374 : memref<40x128xf32, #tpu.memory_space<vmem_shared>>) dst(%dma_wait3A_372 : memref<40x128xf32, #tpu.memory_space<hbm>>)
        tpu.yield
      }) : () -> ()
    } else {
    }
    %add3A_306 = arith.constant 128 : i32
    %add3A_307 = arith.addi %arg1, %add3A_306 : i32
    %lt3A_308 = arith.constant 250 : i32
    %lt3A_309 = arith.cmpi slt, %add3A_307, %lt3A_308 : i32
    %convert_element_type3A_310 = arith.extui %lt3A_309 : i1 to i32
    %cond3A_311 = arith.constant 0 : i32
    %cond3A_312 = arith.cmpi ne, %convert_element_type3A_310, %cond3A_311 : i32
    scf.if %cond3A_312 {
      %mul3A_362 = arith.constant 40 : i32
      %mul3A_363 = arith.muli %add3A_307, %mul3A_362 : i32
      %multiple_of3A_364 = tpu.assume_multiple %mul3A_363, 40 : i32
      "tpu.region"() ({
        %run_scoped3A = tpu.sem_alloc : memref<!tpu.dma_semaphore, #tpu.memory_space<semaphore_mem>>
        %dma_start3A_365 = arith.constant 0 : i32
        %dma_start3A_366 = tpu.memref_slice %arg6[%arg0, %multiple_of3A_364, %dma_start3A_365] : memref<2x10000x128xf32, #tpu.memory_space<hbm>> -> memref<1x40x128xf32, #tpu.memory_space<hbm>>
        %dma_start3A_367 = tpu.memref_squeeze %dma_start3A_366 : memref<1x40x128xf32, #tpu.memory_space<hbm>> -> memref<40x128xf32, #tpu.memory_space<hbm>>
        %dma_start3A_368 = arith.constant 0 : i32
        %dma_start3A_369 = tpu.memref_slice %arg15[%multiple_of3A_364, %dma_start3A_368] : memref<10000x128xf32, #tpu.memory_space<vmem_shared>> -> memref<40x128xf32, #tpu.memory_space<vmem_shared>>
        tpu.enqueue_dma source(%dma_start3A_369 : memref<40x128xf32, #tpu.memory_space<vmem_shared>>) target(%dma_start3A_367 : memref<40x128xf32, #tpu.memory_space<hbm>>) target_semaphore(%run_scoped3A : memref<!tpu.dma_semaphore, #tpu.memory_space<semaphore_mem>>)
        %dma_wait3A_370 = arith.constant 0 : i32
        %dma_wait3A_371 = tpu.memref_slice %arg6[%arg0, %multiple_of3A_364, %dma_wait3A_370] : memref<2x10000x128xf32, #tpu.memory_space<hbm>> -> memref<1x40x128xf32, #tpu.memory_space<hbm>>
        %dma_wait3A_372 = tpu.memref_squeeze %dma_wait3A_371 : memref<1x40x128xf32, #tpu.memory_space<hbm>> -> memref<40x128xf32, #tpu.memory_space<hbm>>
        %dma_wait3A_373 = arith.constant 0 : i32
        %dma_wait3A_374 = tpu.memref_slice %arg15[%multiple_of3A_364, %dma_wait3A_373] : memref<10000x128xf32, #tpu.memory_space<vmem_shared>> -> memref<40x128xf32, #tpu.memory_space<vmem_shared>>
        tpu.wait_dma2 semaphore(%run_scoped3A : memref<!tpu.dma_semaphore, #tpu.memory_space<semaphore_mem>>) src(%dma_wait3A_374 : memref<40x128xf32, #tpu.memory_space<vmem_shared>>) dst(%dma_wait3A_372 : memref<40x128xf32, #tpu.memory_space<hbm>>)
        tpu.yield
      }) : () -> ()
    } else {
    }
    %add3A_313 = arith.constant 144 : i32
    %add3A_314 = arith.addi %arg1, %add3A_313 : i32
    %lt3A_315 = arith.constant 250 : i32
    %lt3A_316 = arith.cmpi slt, %add3A_314, %lt3A_315 : i32
    %convert_element_type3A_317 = arith.extui %lt3A_316 : i1 to i32
    %cond3A_318 = arith.constant 0 : i32
    %cond3A_319 = arith.cmpi ne, %convert_element_type3A_317, %cond3A_318 : i32
    scf.if %cond3A_319 {
      %mul3A_362 = arith.constant 40 : i32
      %mul3A_363 = arith.muli %add3A_314, %mul3A_362 : i32
      %multiple_of3A_364 = tpu.assume_multiple %mul3A_363, 40 : i32
      "tpu.region"() ({
        %run_scoped3A = tpu.sem_alloc : memref<!tpu.dma_semaphore, #tpu.memory_space<semaphore_mem>>
        %dma_start3A_365 = arith.constant 0 : i32
        %dma_start3A_366 = tpu.memref_slice %arg6[%arg0, %multiple_of3A_364, %dma_start3A_365] : memref<2x10000x128xf32, #tpu.memory_space<hbm>> -> memref<1x40x128xf32, #tpu.memory_space<hbm>>
        %dma_start3A_367 = tpu.memref_squeeze %dma_start3A_366 : memref<1x40x128xf32, #tpu.memory_space<hbm>> -> memref<40x128xf32, #tpu.memory_space<hbm>>
        %dma_start3A_368 = arith.constant 0 : i32
        %dma_start3A_369 = tpu.memref_slice %arg15[%multiple_of3A_364, %dma_start3A_368] : memref<10000x128xf32, #tpu.memory_space<vmem_shared>> -> memref<40x128xf32, #tpu.memory_space<vmem_shared>>
        tpu.enqueue_dma source(%dma_start3A_369 : memref<40x128xf32, #tpu.memory_space<vmem_shared>>) target(%dma_start3A_367 : memref<40x128xf32, #tpu.memory_space<hbm>>) target_semaphore(%run_scoped3A : memref<!tpu.dma_semaphore, #tpu.memory_space<semaphore_mem>>)
        %dma_wait3A_370 = arith.constant 0 : i32
        %dma_wait3A_371 = tpu.memref_slice %arg6[%arg0, %multiple_of3A_364, %dma_wait3A_370] : memref<2x10000x128xf32, #tpu.memory_space<hbm>> -> memref<1x40x128xf32, #tpu.memory_space<hbm>>
        %dma_wait3A_372 = tpu.memref_squeeze %dma_wait3A_371 : memref<1x40x128xf32, #tpu.memory_space<hbm>> -> memref<40x128xf32, #tpu.memory_space<hbm>>
        %dma_wait3A_373 = arith.constant 0 : i32
        %dma_wait3A_374 = tpu.memref_slice %arg15[%multiple_of3A_364, %dma_wait3A_373] : memref<10000x128xf32, #tpu.memory_space<vmem_shared>> -> memref<40x128xf32, #tpu.memory_space<vmem_shared>>
        tpu.wait_dma2 semaphore(%run_scoped3A : memref<!tpu.dma_semaphore, #tpu.memory_space<semaphore_mem>>) src(%dma_wait3A_374 : memref<40x128xf32, #tpu.memory_space<vmem_shared>>) dst(%dma_wait3A_372 : memref<40x128xf32, #tpu.memory_space<hbm>>)
        tpu.yield
      }) : () -> ()
    } else {
    }
    %add3A_320 = arith.constant 160 : i32
    %add3A_321 = arith.addi %arg1, %add3A_320 : i32
    %lt3A_322 = arith.constant 250 : i32
    %lt3A_323 = arith.cmpi slt, %add3A_321, %lt3A_322 : i32
    %convert_element_type3A_324 = arith.extui %lt3A_323 : i1 to i32
    %cond3A_325 = arith.constant 0 : i32
    %cond3A_326 = arith.cmpi ne, %convert_element_type3A_324, %cond3A_325 : i32
    scf.if %cond3A_326 {
      %mul3A_362 = arith.constant 40 : i32
      %mul3A_363 = arith.muli %add3A_321, %mul3A_362 : i32
      %multiple_of3A_364 = tpu.assume_multiple %mul3A_363, 40 : i32
      "tpu.region"() ({
        %run_scoped3A = tpu.sem_alloc : memref<!tpu.dma_semaphore, #tpu.memory_space<semaphore_mem>>
        %dma_start3A_365 = arith.constant 0 : i32
        %dma_start3A_366 = tpu.memref_slice %arg6[%arg0, %multiple_of3A_364, %dma_start3A_365] : memref<2x10000x128xf32, #tpu.memory_space<hbm>> -> memref<1x40x128xf32, #tpu.memory_space<hbm>>
        %dma_start3A_367 = tpu.memref_squeeze %dma_start3A_366 : memref<1x40x128xf32, #tpu.memory_space<hbm>> -> memref<40x128xf32, #tpu.memory_space<hbm>>
        %dma_start3A_368 = arith.constant 0 : i32
        %dma_start3A_369 = tpu.memref_slice %arg15[%multiple_of3A_364, %dma_start3A_368] : memref<10000x128xf32, #tpu.memory_space<vmem_shared>> -> memref<40x128xf32, #tpu.memory_space<vmem_shared>>
        tpu.enqueue_dma source(%dma_start3A_369 : memref<40x128xf32, #tpu.memory_space<vmem_shared>>) target(%dma_start3A_367 : memref<40x128xf32, #tpu.memory_space<hbm>>) target_semaphore(%run_scoped3A : memref<!tpu.dma_semaphore, #tpu.memory_space<semaphore_mem>>)
        %dma_wait3A_370 = arith.constant 0 : i32
        %dma_wait3A_371 = tpu.memref_slice %arg6[%arg0, %multiple_of3A_364, %dma_wait3A_370] : memref<2x10000x128xf32, #tpu.memory_space<hbm>> -> memref<1x40x128xf32, #tpu.memory_space<hbm>>
        %dma_wait3A_372 = tpu.memref_squeeze %dma_wait3A_371 : memref<1x40x128xf32, #tpu.memory_space<hbm>> -> memref<40x128xf32, #tpu.memory_space<hbm>>
        %dma_wait3A_373 = arith.constant 0 : i32
        %dma_wait3A_374 = tpu.memref_slice %arg15[%multiple_of3A_364, %dma_wait3A_373] : memref<10000x128xf32, #tpu.memory_space<vmem_shared>> -> memref<40x128xf32, #tpu.memory_space<vmem_shared>>
        tpu.wait_dma2 semaphore(%run_scoped3A : memref<!tpu.dma_semaphore, #tpu.memory_space<semaphore_mem>>) src(%dma_wait3A_374 : memref<40x128xf32, #tpu.memory_space<vmem_shared>>) dst(%dma_wait3A_372 : memref<40x128xf32, #tpu.memory_space<hbm>>)
        tpu.yield
      }) : () -> ()
    } else {
    }
    %add3A_327 = arith.constant 176 : i32
    %add3A_328 = arith.addi %arg1, %add3A_327 : i32
    %lt3A_329 = arith.constant 250 : i32
    %lt3A_330 = arith.cmpi slt, %add3A_328, %lt3A_329 : i32
    %convert_element_type3A_331 = arith.extui %lt3A_330 : i1 to i32
    %cond3A_332 = arith.constant 0 : i32
    %cond3A_333 = arith.cmpi ne, %convert_element_type3A_331, %cond3A_332 : i32
    scf.if %cond3A_333 {
      %mul3A_362 = arith.constant 40 : i32
      %mul3A_363 = arith.muli %add3A_328, %mul3A_362 : i32
      %multiple_of3A_364 = tpu.assume_multiple %mul3A_363, 40 : i32
      "tpu.region"() ({
        %run_scoped3A = tpu.sem_alloc : memref<!tpu.dma_semaphore, #tpu.memory_space<semaphore_mem>>
        %dma_start3A_365 = arith.constant 0 : i32
        %dma_start3A_366 = tpu.memref_slice %arg6[%arg0, %multiple_of3A_364, %dma_start3A_365] : memref<2x10000x128xf32, #tpu.memory_space<hbm>> -> memref<1x40x128xf32, #tpu.memory_space<hbm>>
        %dma_start3A_367 = tpu.memref_squeeze %dma_start3A_366 : memref<1x40x128xf32, #tpu.memory_space<hbm>> -> memref<40x128xf32, #tpu.memory_space<hbm>>
        %dma_start3A_368 = arith.constant 0 : i32
        %dma_start3A_369 = tpu.memref_slice %arg15[%multiple_of3A_364, %dma_start3A_368] : memref<10000x128xf32, #tpu.memory_space<vmem_shared>> -> memref<40x128xf32, #tpu.memory_space<vmem_shared>>
        tpu.enqueue_dma source(%dma_start3A_369 : memref<40x128xf32, #tpu.memory_space<vmem_shared>>) target(%dma_start3A_367 : memref<40x128xf32, #tpu.memory_space<hbm>>) target_semaphore(%run_scoped3A : memref<!tpu.dma_semaphore, #tpu.memory_space<semaphore_mem>>)
        %dma_wait3A_370 = arith.constant 0 : i32
        %dma_wait3A_371 = tpu.memref_slice %arg6[%arg0, %multiple_of3A_364, %dma_wait3A_370] : memref<2x10000x128xf32, #tpu.memory_space<hbm>> -> memref<1x40x128xf32, #tpu.memory_space<hbm>>
        %dma_wait3A_372 = tpu.memref_squeeze %dma_wait3A_371 : memref<1x40x128xf32, #tpu.memory_space<hbm>> -> memref<40x128xf32, #tpu.memory_space<hbm>>
        %dma_wait3A_373 = arith.constant 0 : i32
        %dma_wait3A_374 = tpu.memref_slice %arg15[%multiple_of3A_364, %dma_wait3A_373] : memref<10000x128xf32, #tpu.memory_space<vmem_shared>> -> memref<40x128xf32, #tpu.memory_space<vmem_shared>>
        tpu.wait_dma2 semaphore(%run_scoped3A : memref<!tpu.dma_semaphore, #tpu.memory_space<semaphore_mem>>) src(%dma_wait3A_374 : memref<40x128xf32, #tpu.memory_space<vmem_shared>>) dst(%dma_wait3A_372 : memref<40x128xf32, #tpu.memory_space<hbm>>)
        tpu.yield
      }) : () -> ()
    } else {
    }
    %add3A_334 = arith.constant 192 : i32
    %add3A_335 = arith.addi %arg1, %add3A_334 : i32
    %lt3A_336 = arith.constant 250 : i32
    %lt3A_337 = arith.cmpi slt, %add3A_335, %lt3A_336 : i32
    %convert_element_type3A_338 = arith.extui %lt3A_337 : i1 to i32
    %cond3A_339 = arith.constant 0 : i32
    %cond3A_340 = arith.cmpi ne, %convert_element_type3A_338, %cond3A_339 : i32
    scf.if %cond3A_340 {
      %mul3A_362 = arith.constant 40 : i32
      %mul3A_363 = arith.muli %add3A_335, %mul3A_362 : i32
      %multiple_of3A_364 = tpu.assume_multiple %mul3A_363, 40 : i32
      "tpu.region"() ({
        %run_scoped3A = tpu.sem_alloc : memref<!tpu.dma_semaphore, #tpu.memory_space<semaphore_mem>>
        %dma_start3A_365 = arith.constant 0 : i32
        %dma_start3A_366 = tpu.memref_slice %arg6[%arg0, %multiple_of3A_364, %dma_start3A_365] : memref<2x10000x128xf32, #tpu.memory_space<hbm>> -> memref<1x40x128xf32, #tpu.memory_space<hbm>>
        %dma_start3A_367 = tpu.memref_squeeze %dma_start3A_366 : memref<1x40x128xf32, #tpu.memory_space<hbm>> -> memref<40x128xf32, #tpu.memory_space<hbm>>
        %dma_start3A_368 = arith.constant 0 : i32
        %dma_start3A_369 = tpu.memref_slice %arg15[%multiple_of3A_364, %dma_start3A_368] : memref<10000x128xf32, #tpu.memory_space<vmem_shared>> -> memref<40x128xf32, #tpu.memory_space<vmem_shared>>
        tpu.enqueue_dma source(%dma_start3A_369 : memref<40x128xf32, #tpu.memory_space<vmem_shared>>) target(%dma_start3A_367 : memref<40x128xf32, #tpu.memory_space<hbm>>) target_semaphore(%run_scoped3A : memref<!tpu.dma_semaphore, #tpu.memory_space<semaphore_mem>>)
        %dma_wait3A_370 = arith.constant 0 : i32
        %dma_wait3A_371 = tpu.memref_slice %arg6[%arg0, %multiple_of3A_364, %dma_wait3A_370] : memref<2x10000x128xf32, #tpu.memory_space<hbm>> -> memref<1x40x128xf32, #tpu.memory_space<hbm>>
        %dma_wait3A_372 = tpu.memref_squeeze %dma_wait3A_371 : memref<1x40x128xf32, #tpu.memory_space<hbm>> -> memref<40x128xf32, #tpu.memory_space<hbm>>
        %dma_wait3A_373 = arith.constant 0 : i32
        %dma_wait3A_374 = tpu.memref_slice %arg15[%multiple_of3A_364, %dma_wait3A_373] : memref<10000x128xf32, #tpu.memory_space<vmem_shared>> -> memref<40x128xf32, #tpu.memory_space<vmem_shared>>
        tpu.wait_dma2 semaphore(%run_scoped3A : memref<!tpu.dma_semaphore, #tpu.memory_space<semaphore_mem>>) src(%dma_wait3A_374 : memref<40x128xf32, #tpu.memory_space<vmem_shared>>) dst(%dma_wait3A_372 : memref<40x128xf32, #tpu.memory_space<hbm>>)
        tpu.yield
      }) : () -> ()
    } else {
    }
    %add3A_341 = arith.constant 208 : i32
    %add3A_342 = arith.addi %arg1, %add3A_341 : i32
    %lt3A_343 = arith.constant 250 : i32
    %lt3A_344 = arith.cmpi slt, %add3A_342, %lt3A_343 : i32
    %convert_element_type3A_345 = arith.extui %lt3A_344 : i1 to i32
    %cond3A_346 = arith.constant 0 : i32
    %cond3A_347 = arith.cmpi ne, %convert_element_type3A_345, %cond3A_346 : i32
    scf.if %cond3A_347 {
      %mul3A_362 = arith.constant 40 : i32
      %mul3A_363 = arith.muli %add3A_342, %mul3A_362 : i32
      %multiple_of3A_364 = tpu.assume_multiple %mul3A_363, 40 : i32
      "tpu.region"() ({
        %run_scoped3A = tpu.sem_alloc : memref<!tpu.dma_semaphore, #tpu.memory_space<semaphore_mem>>
        %dma_start3A_365 = arith.constant 0 : i32
        %dma_start3A_366 = tpu.memref_slice %arg6[%arg0, %multiple_of3A_364, %dma_start3A_365] : memref<2x10000x128xf32, #tpu.memory_space<hbm>> -> memref<1x40x128xf32, #tpu.memory_space<hbm>>
        %dma_start3A_367 = tpu.memref_squeeze %dma_start3A_366 : memref<1x40x128xf32, #tpu.memory_space<hbm>> -> memref<40x128xf32, #tpu.memory_space<hbm>>
        %dma_start3A_368 = arith.constant 0 : i32
        %dma_start3A_369 = tpu.memref_slice %arg15[%multiple_of3A_364, %dma_start3A_368] : memref<10000x128xf32, #tpu.memory_space<vmem_shared>> -> memref<40x128xf32, #tpu.memory_space<vmem_shared>>
        tpu.enqueue_dma source(%dma_start3A_369 : memref<40x128xf32, #tpu.memory_space<vmem_shared>>) target(%dma_start3A_367 : memref<40x128xf32, #tpu.memory_space<hbm>>) target_semaphore(%run_scoped3A : memref<!tpu.dma_semaphore, #tpu.memory_space<semaphore_mem>>)
        %dma_wait3A_370 = arith.constant 0 : i32
        %dma_wait3A_371 = tpu.memref_slice %arg6[%arg0, %multiple_of3A_364, %dma_wait3A_370] : memref<2x10000x128xf32, #tpu.memory_space<hbm>> -> memref<1x40x128xf32, #tpu.memory_space<hbm>>
        %dma_wait3A_372 = tpu.memref_squeeze %dma_wait3A_371 : memref<1x40x128xf32, #tpu.memory_space<hbm>> -> memref<40x128xf32, #tpu.memory_space<hbm>>
        %dma_wait3A_373 = arith.constant 0 : i32
        %dma_wait3A_374 = tpu.memref_slice %arg15[%multiple_of3A_364, %dma_wait3A_373] : memref<10000x128xf32, #tpu.memory_space<vmem_shared>> -> memref<40x128xf32, #tpu.memory_space<vmem_shared>>
        tpu.wait_dma2 semaphore(%run_scoped3A : memref<!tpu.dma_semaphore, #tpu.memory_space<semaphore_mem>>) src(%dma_wait3A_374 : memref<40x128xf32, #tpu.memory_space<vmem_shared>>) dst(%dma_wait3A_372 : memref<40x128xf32, #tpu.memory_space<hbm>>)
        tpu.yield
      }) : () -> ()
    } else {
    }
    %add3A_348 = arith.constant 224 : i32
    %add3A_349 = arith.addi %arg1, %add3A_348 : i32
    %lt3A_350 = arith.constant 250 : i32
    %lt3A_351 = arith.cmpi slt, %add3A_349, %lt3A_350 : i32
    %convert_element_type3A_352 = arith.extui %lt3A_351 : i1 to i32
    %cond3A_353 = arith.constant 0 : i32
    %cond3A_354 = arith.cmpi ne, %convert_element_type3A_352, %cond3A_353 : i32
    scf.if %cond3A_354 {
      %mul3A_362 = arith.constant 40 : i32
      %mul3A_363 = arith.muli %add3A_349, %mul3A_362 : i32
      %multiple_of3A_364 = tpu.assume_multiple %mul3A_363, 40 : i32
      "tpu.region"() ({
        %run_scoped3A = tpu.sem_alloc : memref<!tpu.dma_semaphore, #tpu.memory_space<semaphore_mem>>
        %dma_start3A_365 = arith.constant 0 : i32
        %dma_start3A_366 = tpu.memref_slice %arg6[%arg0, %multiple_of3A_364, %dma_start3A_365] : memref<2x10000x128xf32, #tpu.memory_space<hbm>> -> memref<1x40x128xf32, #tpu.memory_space<hbm>>
        %dma_start3A_367 = tpu.memref_squeeze %dma_start3A_366 : memref<1x40x128xf32, #tpu.memory_space<hbm>> -> memref<40x128xf32, #tpu.memory_space<hbm>>
        %dma_start3A_368 = arith.constant 0 : i32
        %dma_start3A_369 = tpu.memref_slice %arg15[%multiple_of3A_364, %dma_start3A_368] : memref<10000x128xf32, #tpu.memory_space<vmem_shared>> -> memref<40x128xf32, #tpu.memory_space<vmem_shared>>
        tpu.enqueue_dma source(%dma_start3A_369 : memref<40x128xf32, #tpu.memory_space<vmem_shared>>) target(%dma_start3A_367 : memref<40x128xf32, #tpu.memory_space<hbm>>) target_semaphore(%run_scoped3A : memref<!tpu.dma_semaphore, #tpu.memory_space<semaphore_mem>>)
        %dma_wait3A_370 = arith.constant 0 : i32
        %dma_wait3A_371 = tpu.memref_slice %arg6[%arg0, %multiple_of3A_364, %dma_wait3A_370] : memref<2x10000x128xf32, #tpu.memory_space<hbm>> -> memref<1x40x128xf32, #tpu.memory_space<hbm>>
        %dma_wait3A_372 = tpu.memref_squeeze %dma_wait3A_371 : memref<1x40x128xf32, #tpu.memory_space<hbm>> -> memref<40x128xf32, #tpu.memory_space<hbm>>
        %dma_wait3A_373 = arith.constant 0 : i32
        %dma_wait3A_374 = tpu.memref_slice %arg15[%multiple_of3A_364, %dma_wait3A_373] : memref<10000x128xf32, #tpu.memory_space<vmem_shared>> -> memref<40x128xf32, #tpu.memory_space<vmem_shared>>
        tpu.wait_dma2 semaphore(%run_scoped3A : memref<!tpu.dma_semaphore, #tpu.memory_space<semaphore_mem>>) src(%dma_wait3A_374 : memref<40x128xf32, #tpu.memory_space<vmem_shared>>) dst(%dma_wait3A_372 : memref<40x128xf32, #tpu.memory_space<hbm>>)
        tpu.yield
      }) : () -> ()
    } else {
    }
    %add3A_355 = arith.constant 240 : i32
    %add3A_356 = arith.addi %arg1, %add3A_355 : i32
    %lt3A_357 = arith.constant 250 : i32
    %lt3A_358 = arith.cmpi slt, %add3A_356, %lt3A_357 : i32
    %convert_element_type3A_359 = arith.extui %lt3A_358 : i1 to i32
    %cond3A_360 = arith.constant 0 : i32
    %cond3A_361 = arith.cmpi ne, %convert_element_type3A_359, %cond3A_360 : i32
    scf.if %cond3A_361 {
      %mul3A_362 = arith.constant 40 : i32
      %mul3A_363 = arith.muli %add3A_356, %mul3A_362 : i32
      %multiple_of3A_364 = tpu.assume_multiple %mul3A_363, 40 : i32
      "tpu.region"() ({
        %run_scoped3A = tpu.sem_alloc : memref<!tpu.dma_semaphore, #tpu.memory_space<semaphore_mem>>
        %dma_start3A_365 = arith.constant 0 : i32
        %dma_start3A_366 = tpu.memref_slice %arg6[%arg0, %multiple_of3A_364, %dma_start3A_365] : memref<2x10000x128xf32, #tpu.memory_space<hbm>> -> memref<1x40x128xf32, #tpu.memory_space<hbm>>
        %dma_start3A_367 = tpu.memref_squeeze %dma_start3A_366 : memref<1x40x128xf32, #tpu.memory_space<hbm>> -> memref<40x128xf32, #tpu.memory_space<hbm>>
        %dma_start3A_368 = arith.constant 0 : i32
        %dma_start3A_369 = tpu.memref_slice %arg15[%multiple_of3A_364, %dma_start3A_368] : memref<10000x128xf32, #tpu.memory_space<vmem_shared>> -> memref<40x128xf32, #tpu.memory_space<vmem_shared>>
        tpu.enqueue_dma source(%dma_start3A_369 : memref<40x128xf32, #tpu.memory_space<vmem_shared>>) target(%dma_start3A_367 : memref<40x128xf32, #tpu.memory_space<hbm>>) target_semaphore(%run_scoped3A : memref<!tpu.dma_semaphore, #tpu.memory_space<semaphore_mem>>)
        %dma_wait3A_370 = arith.constant 0 : i32
        %dma_wait3A_371 = tpu.memref_slice %arg6[%arg0, %multiple_of3A_364, %dma_wait3A_370] : memref<2x10000x128xf32, #tpu.memory_space<hbm>> -> memref<1x40x128xf32, #tpu.memory_space<hbm>>
        %dma_wait3A_372 = tpu.memref_squeeze %dma_wait3A_371 : memref<1x40x128xf32, #tpu.memory_space<hbm>> -> memref<40x128xf32, #tpu.memory_space<hbm>>
        %dma_wait3A_373 = arith.constant 0 : i32
        %dma_wait3A_374 = tpu.memref_slice %arg15[%multiple_of3A_364, %dma_wait3A_373] : memref<10000x128xf32, #tpu.memory_space<vmem_shared>> -> memref<40x128xf32, #tpu.memory_space<vmem_shared>>
        tpu.wait_dma2 semaphore(%run_scoped3A : memref<!tpu.dma_semaphore, #tpu.memory_space<semaphore_mem>>) src(%dma_wait3A_374 : memref<40x128xf32, #tpu.memory_space<vmem_shared>>) dst(%dma_wait3A_372 : memref<40x128xf32, #tpu.memory_space<hbm>>)
        tpu.yield
      }) : () -> ()
    } else {
    }
    return
  }
}

module attributes {stable_mosaic.version = 14 : i64} {
  func.func @_out_body(%arg0: i32, %arg1: memref<2x2000x128xf32, #tpu.memory_space<vmem>>, %arg2: memref<2x2000x128xf32, #tpu.memory_space<vmem>>, %arg3: memref<128x128xf32, #tpu.memory_space<vmem>>, %arg4: memref<1x128xf32, #tpu.memory_space<vmem>>, %arg5: memref<128x128xf32, #tpu.memory_space<vmem>>, %arg6: memref<1x128xf32, #tpu.memory_space<vmem>>, %arg7: memref<2000x128xf32, #tpu.memory_space<vmem>>) attributes {dimension_semantics = [#tpu.dimension_semantics<arbitrary>], iteration_bounds = array<i64: 5>, scalar_prefetch = 0 : i64, scratch_operands = 0 : i64, tpu.core_type = #tpu.core_type<tc>, window_params = [{transform_indices = @transform_0, window_bounds = array<i64: 2, 2000, 128>}, {transform_indices = @transform_1, window_bounds = array<i64: 2, 2000, 128>}, {pipeline_mode = #tpu.pipeline_mode<synchronous>, transform_indices = @transform_2, window_bounds = array<i64: 128, 128>}, {pipeline_mode = #tpu.pipeline_mode<synchronous>, transform_indices = @transform_3, window_bounds = array<i64: 1, 128>}, {pipeline_mode = #tpu.pipeline_mode<synchronous>, transform_indices = @transform_4, window_bounds = array<i64: 128, 128>}, {pipeline_mode = #tpu.pipeline_mode<synchronous>, transform_indices = @transform_5, window_bounds = array<i64: 1, 128>}, {transform_indices = @transform_6, window_bounds = array<i64: 2000, 128>}]} {
    %get3A = arith.constant 0 : index
    %get3A_0 = arith.constant 0 : index
    %get3A_1 = arith.constant 0 : index
    %get3A_2 = vector.load %arg1[%get3A, %get3A_0, %get3A_1] : memref<2x2000x128xf32, #tpu.memory_space<vmem>>, vector<1x2000x128xf32>
    %get3A_3 = vector.shape_cast %get3A_2 : vector<1x2000x128xf32> to vector<2000x128xf32>
    %get3A_4 = arith.constant 1 : index
    %get3A_5 = arith.constant 0 : index
    %get3A_6 = arith.constant 0 : index
    %get3A_7 = vector.load %arg1[%get3A_4, %get3A_5, %get3A_6] : memref<2x2000x128xf32, #tpu.memory_space<vmem>>, vector<1x2000x128xf32>
    %get3A_8 = vector.shape_cast %get3A_7 : vector<1x2000x128xf32> to vector<2000x128xf32>
    %add3A = arith.addf %get3A_3, %get3A_8 : vector<2000x128xf32>
    %get3A_9 = arith.constant 0 : index
    %get3A_10 = arith.constant 0 : index
    %get3A_11 = arith.constant 0 : index
    %get3A_12 = vector.load %arg2[%get3A_9, %get3A_10, %get3A_11] : memref<2x2000x128xf32, #tpu.memory_space<vmem>>, vector<1x2000x128xf32>
    %get3A_13 = vector.shape_cast %get3A_12 : vector<1x2000x128xf32> to vector<2000x128xf32>
    %get3A_14 = arith.constant 1 : index
    %get3A_15 = arith.constant 0 : index
    %get3A_16 = arith.constant 0 : index
    %get3A_17 = vector.load %arg2[%get3A_14, %get3A_15, %get3A_16] : memref<2x2000x128xf32, #tpu.memory_space<vmem>>, vector<1x2000x128xf32>
    %get3A_18 = vector.shape_cast %get3A_17 : vector<1x2000x128xf32> to vector<2000x128xf32>
    %add3A_19 = arith.addf %get3A_13, %get3A_18 : vector<2000x128xf32>
    %add3A_20 = arith.addf %add3A, %add3A_19 : vector<2000x128xf32>
    %get3A_21 = arith.constant 0 : index
    %get3A_22 = arith.constant 0 : index
    %get3A_23 = vector.load %arg3[%get3A_21, %get3A_22] : memref<128x128xf32, #tpu.memory_space<vmem>>, vector<128x128xf32>
    %dot_general3A = arith.constant dense<0.000000e+00> : vector<2000x128xf32>
    %dot_general3A_24 = tpu.matmul %add3A_20, %get3A_23, %dot_general3A {dimension_numbers = #tpu.dot_dimension_numbers<[1], [0], [0], [1], [0, 0, 1, 1], [], []>, transpose_lhs_hint = false} : vector<2000x128xf32>, vector<128x128xf32>, vector<2000x128xf32> -> vector<2000x128xf32>
    %get3A_25 = arith.constant 0 : index
    %get3A_26 = arith.constant 0 : index
    %get3A_27 = vector.load %arg4[%get3A_25, %get3A_26] : memref<1x128xf32, #tpu.memory_space<vmem>>, vector<1x128xf32>
    %add3A_28 = vector.broadcast %get3A_27 : vector<1x128xf32> to vector<2000x128xf32>
    %add3A_29 = arith.addf %dot_general3A_24, %add3A_28 : vector<2000x128xf32>
    %max3A = arith.constant 0.000000e+00 : f32
    %max3A_30 = vector.broadcast %max3A : f32 to vector<2000x128xf32>
    %max3A_31 = arith.maximumf %add3A_29, %max3A_30 : vector<2000x128xf32>
    %abs3A = math.absf %add3A_29 : vector<2000x128xf32>
    %neg3A = arith.constant 0.000000e+00 : f32
    %neg3A_32 = vector.broadcast %neg3A : f32 to vector<2000x128xf32>
    %neg3A_33 = arith.subf %neg3A_32, %abs3A : vector<2000x128xf32>
    %exp3A = math.exp %neg3A_33 : vector<2000x128xf32>
    %log1p3A = math.log1p %exp3A : vector<2000x128xf32>
    %add3A_34 = arith.addf %max3A_31, %log1p3A : vector<2000x128xf32>
    %sub3A = arith.constant 0.693147182 : f32
    %sub3A_35 = vector.broadcast %sub3A : f32 to vector<2000x128xf32>
    %sub3A_36 = arith.subf %add3A_34, %sub3A_35 : vector<2000x128xf32>
    %get3A_37 = arith.constant 0 : index
    %get3A_38 = arith.constant 0 : index
    %get3A_39 = vector.load %arg5[%get3A_37, %get3A_38] : memref<128x128xf32, #tpu.memory_space<vmem>>, vector<128x128xf32>
    %dot_general3A_40 = arith.constant dense<0.000000e+00> : vector<2000x128xf32>
    %dot_general3A_41 = tpu.matmul %sub3A_36, %get3A_39, %dot_general3A_40 {dimension_numbers = #tpu.dot_dimension_numbers<[1], [0], [0], [1], [0, 0, 1, 1], [], []>, transpose_lhs_hint = false} : vector<2000x128xf32>, vector<128x128xf32>, vector<2000x128xf32> -> vector<2000x128xf32>
    %get3A_42 = arith.constant 0 : index
    %get3A_43 = arith.constant 0 : index
    %get3A_44 = vector.load %arg6[%get3A_42, %get3A_43] : memref<1x128xf32, #tpu.memory_space<vmem>>, vector<1x128xf32>
    %add3A_45 = vector.broadcast %get3A_44 : vector<1x128xf32> to vector<2000x128xf32>
    %add3A_46 = arith.addf %dot_general3A_41, %add3A_45 : vector<2000x128xf32>
    %swap3A = arith.constant 0 : index
    %swap3A_47 = arith.constant 0 : index
    %swap3A_48 = vector.load %arg7[%swap3A, %swap3A_47] : memref<2000x128xf32, #tpu.memory_space<vmem>>, vector<2000x128xf32>
    tpu.vector_store %arg7[%swap3A, %swap3A_47], %add3A_46 {strides = array<i32>} : memref<2000x128xf32, #tpu.memory_space<vmem>>, vector<2000x128xf32>,
    return
  }
  func.func @transform_0(%arg0: i32) -> (i32, i32, i32) {
    %c0_i32 = arith.constant 0 : i32
    %c0_i32_0 = arith.constant 0 : i32
    %c0_i32_1 = arith.constant 0 : i32
    return %c0_i32, %arg0, %c0_i32_0 : i32, i32, i32
  }
  func.func @transform_1(%arg0: i32) -> (i32, i32, i32) {
    %c0_i32 = arith.constant 0 : i32
    %c0_i32_0 = arith.constant 0 : i32
    %c0_i32_1 = arith.constant 0 : i32
    return %c0_i32, %arg0, %c0_i32_0 : i32, i32, i32
  }
  func.func @transform_2(%arg0: i32) -> (i32, i32) {
    %c0_i32 = arith.constant 0 : i32
    %c0_i32_0 = arith.constant 0 : i32
    %c0_i32_1 = arith.constant 0 : i32
    return %c0_i32, %c0_i32_0 : i32, i32
  }
  func.func @transform_3(%arg0: i32) -> (i32, i32) {
    %c0_i32 = arith.constant 0 : i32
    %c0_i32_0 = arith.constant 0 : i32
    %c0_i32_1 = arith.constant 0 : i32
    return %c0_i32, %c0_i32_0 : i32, i32
  }
  func.func @transform_4(%arg0: i32) -> (i32, i32) {
    %c0_i32 = arith.constant 0 : i32
    %c0_i32_0 = arith.constant 0 : i32
    %c0_i32_1 = arith.constant 0 : i32
    return %c0_i32, %c0_i32_0 : i32, i32
  }
  func.func @transform_5(%arg0: i32) -> (i32, i32) {
    %c0_i32 = arith.constant 0 : i32
    %c0_i32_0 = arith.constant 0 : i32
    %c0_i32_1 = arith.constant 0 : i32
    return %c0_i32, %c0_i32_0 : i32, i32
  }
  func.func @transform_6(%arg0: i32) -> (i32, i32) {
    %c0_i32 = arith.constant 0 : i32
    %c0_i32_0 = arith.constant 0 : i32
    return %arg0, %c0_i32 : i32, i32
  }
}

module attributes {stable_mosaic.version = 14 : i64} {
  func.func @_wij_body(%arg0: i32, %arg1: memref<20x3200xf32, #tpu.memory_space<vmem>>, %arg2: memref<2500x128xf32, #tpu.memory_space<vmem>>, %arg3: memref<20x128xf32, #tpu.memory_space<vmem>>, %arg4: memref<1x128xf32, #tpu.memory_space<vmem>>, %arg5: memref<128x128xf32, #tpu.memory_space<vmem>>, %arg6: memref<1x128xf32, #tpu.memory_space<vmem>>, %arg7: memref<3200x128xf32, #tpu.memory_space<vmem>>) attributes {dimension_semantics = [#tpu.dimension_semantics<arbitrary>], iteration_bounds = array<i64: 50>, scalar_prefetch = 0 : i64, scratch_operands = 0 : i64, tpu.core_type = #tpu.core_type<tc>, window_params = [{transform_indices = @transform_0, window_bounds = array<i64: 20, 3200>}, {pipeline_mode = #tpu.pipeline_mode<synchronous>, transform_indices = @transform_1, window_bounds = array<i64: 2500, 128>}, {pipeline_mode = #tpu.pipeline_mode<synchronous>, transform_indices = @transform_2, window_bounds = array<i64: 20, 128>}, {pipeline_mode = #tpu.pipeline_mode<synchronous>, transform_indices = @transform_3, window_bounds = array<i64: 1, 128>}, {pipeline_mode = #tpu.pipeline_mode<synchronous>, transform_indices = @transform_4, window_bounds = array<i64: 128, 128>}, {pipeline_mode = #tpu.pipeline_mode<synchronous>, transform_indices = @transform_5, window_bounds = array<i64: 1, 128>}, {transform_indices = @transform_6, window_bounds = array<i64: 3200, 128>}]} {
    %get3A = arith.constant 0 : index
    %get3A_0 = arith.constant 0 : index
    %get3A_1 = vector.load %arg1[%get3A, %get3A_0] : memref<20x3200xf32, #tpu.memory_space<vmem>>, vector<20x3200xf32>
    %get3A_2 = arith.constant 0 : index
    %get3A_3 = arith.constant 0 : index
    %get3A_4 = vector.load %arg3[%get3A_2, %get3A_3] : memref<20x128xf32, #tpu.memory_space<vmem>>, vector<20x128xf32>
    %dot_general3A = arith.constant dense<0.000000e+00> : vector<3200x128xf32>
    %dot_general3A_5 = tpu.matmul %get3A_1, %get3A_4, %dot_general3A {dimension_numbers = #tpu.dot_dimension_numbers<[0], [0], [1], [1], [0, 1, 1, 1], [], []>, transpose_lhs_hint = false} : vector<20x3200xf32>, vector<20x128xf32>, vector<3200x128xf32> -> vector<3200x128xf32>
    %get3A_6 = arith.constant 0 : index
    %get3A_7 = arith.constant 0 : index
    %get3A_8 = vector.load %arg4[%get3A_6, %get3A_7] : memref<1x128xf32, #tpu.memory_space<vmem>>, vector<1x128xf32>
    %add3A = vector.broadcast %get3A_8 : vector<1x128xf32> to vector<3200x128xf32>
    %add3A_9 = arith.addf %dot_general3A_5, %add3A : vector<3200x128xf32>
    %max3A = arith.constant 0.000000e+00 : f32
    %max3A_10 = vector.broadcast %max3A : f32 to vector<3200x128xf32>
    %max3A_11 = arith.maximumf %add3A_9, %max3A_10 : vector<3200x128xf32>
    %abs3A = math.absf %add3A_9 : vector<3200x128xf32>
    %neg3A = arith.constant 0.000000e+00 : f32
    %neg3A_12 = vector.broadcast %neg3A : f32 to vector<3200x128xf32>
    %neg3A_13 = arith.subf %neg3A_12, %abs3A : vector<3200x128xf32>
    %exp3A = math.exp %neg3A_13 : vector<3200x128xf32>
    %log1p3A = math.log1p %exp3A : vector<3200x128xf32>
    %add3A_14 = arith.addf %max3A_11, %log1p3A : vector<3200x128xf32>
    %sub3A = arith.constant 0.693147182 : f32
    %sub3A_15 = vector.broadcast %sub3A : f32 to vector<3200x128xf32>
    %sub3A_16 = arith.subf %add3A_14, %sub3A_15 : vector<3200x128xf32>
    %get3A_17 = arith.constant 0 : index
    %get3A_18 = arith.constant 0 : index
    %get3A_19 = vector.load %arg5[%get3A_17, %get3A_18] : memref<128x128xf32, #tpu.memory_space<vmem>>, vector<128x128xf32>
    %dot_general3A_20 = arith.constant dense<0.000000e+00> : vector<3200x128xf32>
    %dot_general3A_21 = tpu.matmul %sub3A_16, %get3A_19, %dot_general3A_20 {dimension_numbers = #tpu.dot_dimension_numbers<[1], [0], [0], [1], [0, 0, 1, 1], [], []>, transpose_lhs_hint = false} : vector<3200x128xf32>, vector<128x128xf32>, vector<3200x128xf32> -> vector<3200x128xf32>
    %get3A_22 = arith.constant 0 : index
    %get3A_23 = arith.constant 0 : index
    %get3A_24 = vector.load %arg6[%get3A_22, %get3A_23] : memref<1x128xf32, #tpu.memory_space<vmem>>, vector<1x128xf32>
    %add3A_25 = vector.broadcast %get3A_24 : vector<1x128xf32> to vector<3200x128xf32>
    %add3A_26 = arith.addf %dot_general3A_21, %add3A_25 : vector<3200x128xf32>
    %add3A_27 = arith.constant 0 : i32
    %add3A_28 = arith.addi %add3A_27, %arg0 : i32
    %mul3A = arith.constant 25 : i32
    %mul3A_29 = arith.muli %add3A_28, %mul3A : i32
    %get3A_30 = arith.index_cast %mul3A_29 : i32 to index
    %get3A_31 = arith.constant 0 : index
    %get3A_32 = vector.load %arg2[%get3A_30, %get3A_31] : memref<2500x128xf32, #tpu.memory_space<vmem>>, vector<25x128xf32>
    %reshape3A = vector.shape_cast %add3A_26 : vector<3200x128xf32> to vector<25x128x128xf32>
    %broadcast_in_dim3A = vector.shape_cast %get3A_32 : vector<25x128xf32> to vector<25x128x1xf32>
    %broadcast_in_dim3A_33 = vector.broadcast %broadcast_in_dim3A : vector<25x128x1xf32> to vector<25x128x128xf32>
    %mul3A_34 = arith.mulf %reshape3A, %broadcast_in_dim3A_33 : vector<25x128x128xf32>
    %reshape3A_35 = vector.shape_cast %mul3A_34 : vector<25x128x128xf32> to vector<3200x128xf32>
    %swap3A = arith.constant 0 : index
    %swap3A_36 = arith.constant 0 : index
    %swap3A_37 = vector.load %arg7[%swap3A, %swap3A_36] : memref<3200x128xf32, #tpu.memory_space<vmem>>, vector<3200x128xf32>
    tpu.vector_store %arg7[%swap3A, %swap3A_36], %reshape3A_35 {strides = array<i32>} : memref<3200x128xf32, #tpu.memory_space<vmem>>, vector<3200x128xf32>,
    return
  }
  func.func @transform_0(%arg0: i32) -> (i32, i32) {
    %add3A = arith.constant 0 : i32
    %add3A_0 = arith.addi %add3A, %arg0 : i32
    %c0_i32 = arith.constant 0 : i32
    %c0_i32_1 = arith.constant 0 : i32
    return %c0_i32, %add3A_0 : i32, i32
  }
  func.func @transform_1(%arg0: i32) -> (i32, i32) {
    %c0_i32 = arith.constant 0 : i32
    %c0_i32_0 = arith.constant 0 : i32
    %c0_i32_1 = arith.constant 0 : i32
    return %c0_i32, %c0_i32_0 : i32, i32
  }
  func.func @transform_2(%arg0: i32) -> (i32, i32) {
    %c0_i32 = arith.constant 0 : i32
    %c0_i32_0 = arith.constant 0 : i32
    %c0_i32_1 = arith.constant 0 : i32
    return %c0_i32, %c0_i32_0 : i32, i32
  }
  func.func @transform_3(%arg0: i32) -> (i32, i32) {
    %c0_i32 = arith.constant 0 : i32
    %c0_i32_0 = arith.constant 0 : i32
    %c0_i32_1 = arith.constant 0 : i32
    return %c0_i32, %c0_i32_0 : i32, i32
  }
  func.func @transform_4(%arg0: i32) -> (i32, i32) {
    %c0_i32 = arith.constant 0 : i32
    %c0_i32_0 = arith.constant 0 : i32
    %c0_i32_1 = arith.constant 0 : i32
    return %c0_i32, %c0_i32_0 : i32, i32
  }
  func.func @transform_5(%arg0: i32) -> (i32, i32) {
    %c0_i32 = arith.constant 0 : i32
    %c0_i32_0 = arith.constant 0 : i32
    %c0_i32_1 = arith.constant 0 : i32
    return %c0_i32, %c0_i32_0 : i32, i32
  }
  func.func @transform_6(%arg0: i32) -> (i32, i32) {
    %c0_i32 = arith.constant 0 : i32
    %c0_i32_0 = arith.constant 0 : i32
    return %arg0, %c0_i32 : i32, i32
  }
}

module attributes {stable_mosaic.version = 14 : i64} {
  func.func @_h_body(%arg0: i32, %arg1: memref<2000x128xf32, #tpu.memory_space<vmem>>, %arg2: memref<128x128xf32, #tpu.memory_space<vmem>>, %arg3: memref<1x128xf32, #tpu.memory_space<vmem>>, %arg4: memref<2000x128xf32, #tpu.memory_space<vmem>>) attributes {dimension_semantics = [#tpu.dimension_semantics<arbitrary>], iteration_bounds = array<i64: 5>, scalar_prefetch = 0 : i64, scratch_operands = 0 : i64, tpu.core_type = #tpu.core_type<tc>, window_params = [{transform_indices = @transform_0, window_bounds = array<i64: 2000, 128>}, {pipeline_mode = #tpu.pipeline_mode<synchronous>, transform_indices = @transform_1, window_bounds = array<i64: 128, 128>}, {pipeline_mode = #tpu.pipeline_mode<synchronous>, transform_indices = @transform_2, window_bounds = array<i64: 1, 128>}, {transform_indices = @transform_3, window_bounds = array<i64: 2000, 128>}]} {
    %get3A = arith.constant 0 : index
    %get3A_0 = arith.constant 0 : index
    %get3A_1 = vector.load %arg1[%get3A, %get3A_0] : memref<2000x128xf32, #tpu.memory_space<vmem>>, vector<2000x128xf32>
    %get3A_2 = arith.constant 0 : index
    %get3A_3 = arith.constant 0 : index
    %get3A_4 = vector.load %arg2[%get3A_2, %get3A_3] : memref<128x128xf32, #tpu.memory_space<vmem>>, vector<128x128xf32>
    %dot_general3A = arith.constant dense<0.000000e+00> : vector<2000x128xf32>
    %dot_general3A_5 = tpu.matmul %get3A_1, %get3A_4, %dot_general3A {dimension_numbers = #tpu.dot_dimension_numbers<[1], [0], [0], [1], [0, 0, 1, 1], [], []>, transpose_lhs_hint = false} : vector<2000x128xf32>, vector<128x128xf32>, vector<2000x128xf32> -> vector<2000x128xf32>
    %get3A_6 = arith.constant 0 : index
    %get3A_7 = arith.constant 0 : index
    %get3A_8 = vector.load %arg3[%get3A_6, %get3A_7] : memref<1x128xf32, #tpu.memory_space<vmem>>, vector<1x128xf32>
    %add3A = vector.broadcast %get3A_8 : vector<1x128xf32> to vector<2000x128xf32>
    %add3A_9 = arith.addf %dot_general3A_5, %add3A : vector<2000x128xf32>
    %swap3A = arith.constant 0 : index
    %swap3A_10 = arith.constant 0 : index
    %swap3A_11 = vector.load %arg4[%swap3A, %swap3A_10] : memref<2000x128xf32, #tpu.memory_space<vmem>>, vector<2000x128xf32>
    tpu.vector_store %arg4[%swap3A, %swap3A_10], %add3A_9 {strides = array<i32>} : memref<2000x128xf32, #tpu.memory_space<vmem>>, vector<2000x128xf32>,
    return
  }
  func.func @transform_0(%arg0: i32) -> (i32, i32) {
    %c0_i32 = arith.constant 0 : i32
    %c0_i32_0 = arith.constant 0 : i32
    return %arg0, %c0_i32 : i32, i32
  }
  func.func @transform_1(%arg0: i32) -> (i32, i32) {
    %c0_i32 = arith.constant 0 : i32
    %c0_i32_0 = arith.constant 0 : i32
    %c0_i32_1 = arith.constant 0 : i32
    return %c0_i32, %c0_i32_0 : i32, i32
  }
  func.func @transform_2(%arg0: i32) -> (i32, i32) {
    %c0_i32 = arith.constant 0 : i32
    %c0_i32_0 = arith.constant 0 : i32
    %c0_i32_1 = arith.constant 0 : i32
    return %c0_i32, %c0_i32_0 : i32, i32
  }
  func.func @transform_3(%arg0: i32) -> (i32, i32) {
    %c0_i32 = arith.constant 0 : i32
    %c0_i32_0 = arith.constant 0 : i32
    return %arg0, %c0_i32 : i32, i32
  }
}

module attributes {stable_mosaic.version = 14 : i64} {
  func.func @_wij_body(%arg0: i32, %arg1: memref<20x3200xf32, #tpu.memory_space<vmem>>, %arg2: memref<2500x128xf32, #tpu.memory_space<vmem>>, %arg3: memref<20x128xf32, #tpu.memory_space<vmem>>, %arg4: memref<1x128xf32, #tpu.memory_space<vmem>>, %arg5: memref<128x128xf32, #tpu.memory_space<vmem>>, %arg6: memref<1x128xf32, #tpu.memory_space<vmem>>, %arg7: memref<3200x128xf32, #tpu.memory_space<vmem>>) attributes {dimension_semantics = [#tpu.dimension_semantics<arbitrary>], iteration_bounds = array<i64: 50>, scalar_prefetch = 0 : i64, scratch_operands = 0 : i64, tpu.core_type = #tpu.core_type<tc>, window_params = [{transform_indices = @transform_0, window_bounds = array<i64: 20, 3200>}, {pipeline_mode = #tpu.pipeline_mode<synchronous>, transform_indices = @transform_1, window_bounds = array<i64: 2500, 128>}, {pipeline_mode = #tpu.pipeline_mode<synchronous>, transform_indices = @transform_2, window_bounds = array<i64: 20, 128>}, {pipeline_mode = #tpu.pipeline_mode<synchronous>, transform_indices = @transform_3, window_bounds = array<i64: 1, 128>}, {pipeline_mode = #tpu.pipeline_mode<synchronous>, transform_indices = @transform_4, window_bounds = array<i64: 128, 128>}, {pipeline_mode = #tpu.pipeline_mode<synchronous>, transform_indices = @transform_5, window_bounds = array<i64: 1, 128>}, {transform_indices = @transform_6, window_bounds = array<i64: 3200, 128>}]} {
    %get3A = arith.constant 0 : index
    %get3A_0 = arith.constant 0 : index
    %get3A_1 = vector.load %arg1[%get3A, %get3A_0] : memref<20x3200xf32, #tpu.memory_space<vmem>>, vector<20x3200xf32>
    %get3A_2 = arith.constant 0 : index
    %get3A_3 = arith.constant 0 : index
    %get3A_4 = vector.load %arg3[%get3A_2, %get3A_3] : memref<20x128xf32, #tpu.memory_space<vmem>>, vector<20x128xf32>
    %dot_general3A = arith.constant dense<0.000000e+00> : vector<3200x128xf32>
    %dot_general3A_5 = tpu.matmul %get3A_1, %get3A_4, %dot_general3A {dimension_numbers = #tpu.dot_dimension_numbers<[0], [0], [1], [1], [0, 1, 1, 1], [], []>, transpose_lhs_hint = false} : vector<20x3200xf32>, vector<20x128xf32>, vector<3200x128xf32> -> vector<3200x128xf32>
    %get3A_6 = arith.constant 0 : index
    %get3A_7 = arith.constant 0 : index
    %get3A_8 = vector.load %arg4[%get3A_6, %get3A_7] : memref<1x128xf32, #tpu.memory_space<vmem>>, vector<1x128xf32>
    %add3A = vector.broadcast %get3A_8 : vector<1x128xf32> to vector<3200x128xf32>
    %add3A_9 = arith.addf %dot_general3A_5, %add3A : vector<3200x128xf32>
    %max3A = arith.constant 0.000000e+00 : f32
    %max3A_10 = vector.broadcast %max3A : f32 to vector<3200x128xf32>
    %max3A_11 = arith.maximumf %add3A_9, %max3A_10 : vector<3200x128xf32>
    %abs3A = math.absf %add3A_9 : vector<3200x128xf32>
    %neg3A = arith.constant 0.000000e+00 : f32
    %neg3A_12 = vector.broadcast %neg3A : f32 to vector<3200x128xf32>
    %neg3A_13 = arith.subf %neg3A_12, %abs3A : vector<3200x128xf32>
    %exp3A = math.exp %neg3A_13 : vector<3200x128xf32>
    %log1p3A = math.log1p %exp3A : vector<3200x128xf32>
    %add3A_14 = arith.addf %max3A_11, %log1p3A : vector<3200x128xf32>
    %sub3A = arith.constant 0.693147182 : f32
    %sub3A_15 = vector.broadcast %sub3A : f32 to vector<3200x128xf32>
    %sub3A_16 = arith.subf %add3A_14, %sub3A_15 : vector<3200x128xf32>
    %get3A_17 = arith.constant 0 : index
    %get3A_18 = arith.constant 0 : index
    %get3A_19 = vector.load %arg5[%get3A_17, %get3A_18] : memref<128x128xf32, #tpu.memory_space<vmem>>, vector<128x128xf32>
    %dot_general3A_20 = arith.constant dense<0.000000e+00> : vector<3200x128xf32>
    %dot_general3A_21 = tpu.matmul %sub3A_16, %get3A_19, %dot_general3A_20 {dimension_numbers = #tpu.dot_dimension_numbers<[1], [0], [0], [1], [0, 0, 1, 1], [], []>, transpose_lhs_hint = false} : vector<3200x128xf32>, vector<128x128xf32>, vector<3200x128xf32> -> vector<3200x128xf32>
    %get3A_22 = arith.constant 0 : index
    %get3A_23 = arith.constant 0 : index
    %get3A_24 = vector.load %arg6[%get3A_22, %get3A_23] : memref<1x128xf32, #tpu.memory_space<vmem>>, vector<1x128xf32>
    %add3A_25 = vector.broadcast %get3A_24 : vector<1x128xf32> to vector<3200x128xf32>
    %add3A_26 = arith.addf %dot_general3A_21, %add3A_25 : vector<3200x128xf32>
    %add3A_27 = arith.constant 50 : i32
    %add3A_28 = arith.addi %add3A_27, %arg0 : i32
    %mul3A = arith.constant 25 : i32
    %mul3A_29 = arith.muli %add3A_28, %mul3A : i32
    %get3A_30 = arith.index_cast %mul3A_29 : i32 to index
    %get3A_31 = arith.constant 0 : index
    %get3A_32 = vector.load %arg2[%get3A_30, %get3A_31] : memref<2500x128xf32, #tpu.memory_space<vmem>>, vector<25x128xf32>
    %reshape3A = vector.shape_cast %add3A_26 : vector<3200x128xf32> to vector<25x128x128xf32>
    %broadcast_in_dim3A = vector.shape_cast %get3A_32 : vector<25x128xf32> to vector<25x128x1xf32>
    %broadcast_in_dim3A_33 = vector.broadcast %broadcast_in_dim3A : vector<25x128x1xf32> to vector<25x128x128xf32>
    %mul3A_34 = arith.mulf %reshape3A, %broadcast_in_dim3A_33 : vector<25x128x128xf32>
    %reshape3A_35 = vector.shape_cast %mul3A_34 : vector<25x128x128xf32> to vector<3200x128xf32>
    %swap3A = arith.constant 0 : index
    %swap3A_36 = arith.constant 0 : index
    %swap3A_37 = vector.load %arg7[%swap3A, %swap3A_36] : memref<3200x128xf32, #tpu.memory_space<vmem>>, vector<3200x128xf32>
    tpu.vector_store %arg7[%swap3A, %swap3A_36], %reshape3A_35 {strides = array<i32>} : memref<3200x128xf32, #tpu.memory_space<vmem>>, vector<3200x128xf32>,
    return
  }
  func.func @transform_0(%arg0: i32) -> (i32, i32) {
    %add3A = arith.constant 50 : i32
    %add3A_0 = arith.addi %add3A, %arg0 : i32
    %c0_i32 = arith.constant 0 : i32
    %c0_i32_1 = arith.constant 0 : i32
    return %c0_i32, %add3A_0 : i32, i32
  }
  func.func @transform_1(%arg0: i32) -> (i32, i32) {
    %c0_i32 = arith.constant 0 : i32
    %c0_i32_0 = arith.constant 0 : i32
    %c0_i32_1 = arith.constant 0 : i32
    return %c0_i32, %c0_i32_0 : i32, i32
  }
  func.func @transform_2(%arg0: i32) -> (i32, i32) {
    %c0_i32 = arith.constant 0 : i32
    %c0_i32_0 = arith.constant 0 : i32
    %c0_i32_1 = arith.constant 0 : i32
    return %c0_i32, %c0_i32_0 : i32, i32
  }
  func.func @transform_3(%arg0: i32) -> (i32, i32) {
    %c0_i32 = arith.constant 0 : i32
    %c0_i32_0 = arith.constant 0 : i32
    %c0_i32_1 = arith.constant 0 : i32
    return %c0_i32, %c0_i32_0 : i32, i32
  }
  func.func @transform_4(%arg0: i32) -> (i32, i32) {
    %c0_i32 = arith.constant 0 : i32
    %c0_i32_0 = arith.constant 0 : i32
    %c0_i32_1 = arith.constant 0 : i32
    return %c0_i32, %c0_i32_0 : i32, i32
  }
  func.func @transform_5(%arg0: i32) -> (i32, i32) {
    %c0_i32 = arith.constant 0 : i32
    %c0_i32_0 = arith.constant 0 : i32
    %c0_i32_1 = arith.constant 0 : i32
    return %c0_i32, %c0_i32_0 : i32, i32
  }
  func.func @transform_6(%arg0: i32) -> (i32, i32) {
    %c0_i32 = arith.constant 0 : i32
    %c0_i32_0 = arith.constant 0 : i32
    return %arg0, %c0_i32 : i32, i32
  }
}

</mosaic_0001>

<sc_bundles>
// kernel: kernel.11.cloned.1.call-start
scs
__scs_entry_jumppad:
0x0: {  	(pc) =	sbr.rel $0x88, $3  }
0x1: {  	(tag) =	ssettag $0x0;
	lr =	simm.s32 $0x1  }
0x2: {  	[smem:$0x3F92] =	sst lr;
	_ =	strace $0xD0000000  }
0x3: {  	_ = 	snop  }
0x4: {  	_ = 	snop  }
0x5: {  	_ = 	snop  }
0x6: {  	_ = 	snop  }
0x7: {  	_ = 	snop  }
__scs_overlays_trampoline_lowered:
0x8: {  	[smem:$0x3FA1] =	sst s0  }
0x9: {  	[smem:$0x3FA2] =	sst s1  }
0xa: {  	[smem:$0x3FA3] =	sst s2  }
0xb: {  	[smem:$0x3FA4] =	sst s3  }
0xc: {  	[smem:$0x3FA5] =	sst s4  }
0xd: {  	[smem:$0x3FA6] =	sst s5  }
0xe: {  	[smem:$0x3FA7] =	sst s6  }
0xf: {  	[smem:$0x3FA8] =	sst s7  }
0x10: {  	[smem:$0x3FA9] =	sst s8  }
0x11: {  	[smem:$0x3FAA] =	sst s9;
	s0 =	simm.s32 @!p0 $0x0  }
0x12: {  	s1 =	sld [smem:$0x3F90];
	s0 =	simm.s32 @p0 $0x1  }
0x13: {  	[smem:$0x3FAB] =	sst s0;
	s0 =	simm.s32 @!p1 $0x0  }
0x14: {  	s2 =	sld [smem:$0x3F8F];
	s0 =	simm.s32 @p1 $0x1  }
0x15: {  	[smem:$0x3FAC] =	sst s0;
	s0 =	simm.s32 @!p2 $0x0  }
0x16: {  	s3 =	sld [smem:$0x3FDB];
	s0 =	simm.s32 @p2 $0x1  }
0x17: {  	s4 =	simm.s32 $0x1BF5;
	[smem:$0x3FAE] =	sst s0  }
0x18: {  	s0 =	sld [smem:$0x3F91];
	_ =	swait.ge [sflag:s4], $0x0  }
0x19: {  	s7 =	sld [smem:$0x3F92]  }
0x1a: {  	s8 =	sadd.s32 $0xFFFFE003, lr  }
0x1b: {  	s9 =	sadd.s32 $0xFFFFFEF7, lr;
	s5 =	simm.s32 $0xFFFFFFFF;
	p2 =	slt.u32 s8, $0xFFFFF086  }
0x1c: {  	p1 =	slt.u32 s9, $0xF7A;
	s5 =	simm.s32 @!p2 $0x0  }
0x1d: {  	s5 =	simm.s32 @p1 $0x1;
	p0 =	seq.s32 s7, s2  }
0x1e: {  	s7 =	smul.u32 @!p0 $0xF7A, s2;
	p2 =	seq.s32 @!p0 s5, $0x0  }
0x1f: {  	s9 =	smul.u32 $0xF7A, s1;
	s8 =	simm.s32 @!p0 $0x1BF5;
	p2 =	por !p2, p0  }
0x20: {  	[sflag:s8] =	ssyncset.s32 @!p0 $0xFFFFF086;
	s6 =	sadd.s32 @!p0 s3, s7;
	s7 =	simm.s32 @!p0 $0x108  }
0x21: {  	s3 =	sadd.s32 s3, s9;
	s6 =	sadd.s32 @!p0 $0x88, s6;
	s7 =	simm.s32 @p2 $0x1082  }
0x22: {  	[simem:s7], [sflag:s8] =	dma.local @!p0 [hbm:s6], $0xF7A  }
0x23: {  	s9 =	sor.u32 $0xD0000000, s2;
	s6 =	simm.s32 $0x108;
	_ =	swait.ge @!p0 [sflag:s8], $0x0  }
0x24: {  	s3 =	sadd.s32 $0x88, s3;
	s6 =	simm.s32 @!p1 $0x1082;
	[sflag:s4] =	ssyncset.s32 $0xFFFFF086  }
0x25: {  	[simem:s6], [sflag:s4] =	dma.local [hbm:s3], $0xF7A  }
0x26: {  	[smem:$0x3F92] =	sst s1;
	(tag) =	ssettag s2;
	_ =	strace s9  }
0x27: {  	s1 =	sld [smem:$0x3FA2]  }
0x28: {  	s2 =	sld [smem:$0x3FA3]  }
0x29: {  	s4 =	sld [smem:$0x3FA5]  }
0x2a: {  	p0 =	seq.s32 s5, $0x0;
	s5 =	sld [smem:$0x3FA6]  }
0x2b: {  	s6 =	sld [smem:$0x3FA7]  }
0x2c: {  	s7 =	sld [smem:$0x3FA8]  }
0x2d: {  	s3 =	simm.s32 $0x108;
	s8 =	sld [smem:$0x3FA9]  }
0x2e: {  	s3 =	simm.s32 @!p0 $0x1082;
	s9 =	sld [smem:$0x3FAA]  }
0x2f: {  	lr =	sadd.s32 s0, s3;
	s0 =	sld [smem:$0x3FA1]  }
0x30: {  	s3 =	sld [smem:$0x3FA4]  }
0x31: {  	[smem:$0x3FAD] =	sst s10  }
0x32: {  	s10 =	sld [smem:$0x3FAB];
	_ =	sdelay $0x3  }
0x33: {  	p0 =	seq.s32 s10, $0x1;
	s10 =	sld [smem:$0x3FAD];
	_ =	sdelay $0x3  }
0x34: {  	[smem:$0x3FAD] =	sst s10  }
0x35: {  	s10 =	sld [smem:$0x3FAC];
	_ =	sdelay $0x3  }
0x36: {  	p1 =	seq.s32 s10, $0x1;
	s10 =	sld [smem:$0x3FAD];
	_ =	sdelay $0x3  }
0x37: {  	[smem:$0x3FAD] =	sst s10  }
0x38: {  	s10 =	sld [smem:$0x3FAE]  }
0x39: {  	_ = 	snop;
	(pc) =	sbr.ind lr, $3  }
0x3a: {  	_ = 	snop  }
0x3b: {  	_ = 	snop  }
0x3c: {  	p2 =	seq.s32 s10, $0x1;
	s10 =	sld [smem:$0x3FAD]  }
0x3d: {  	_ =	shalt  }
0x3e: {  	_ =	shalt  }
0x3f: {  	_ =	shalt  }
0x40: {  	_ =	shalt  }
0x41: {  	_ =	shalt  }
0x42: {  	_ =	shalt  }
0x43: {  	_ =	shalt  }
0x44: {  	_ =	shalt  }
0x45: {  	_ =	shalt  }
0x46: {  	_ =	shalt  }
0x47: {  	_ =	shalt  }
0x48: {  	_ =	shalt  }
0x49: {  	_ =	shalt  }
0x4a: {  	_ =	shalt  }
0x4b: {  	_ =	shalt  }
0x4c: {  	_ =	shalt  }
0x4d: {  	_ =	shalt  }
0x4e: {  	_ =	shalt  }
0x4f: {  	_ =	shalt  }
0x50: {  	_ =	shalt  }
0x51: {  	_ =	shalt  }
0x52: {  	_ =	shalt  }
0x53: {  	_ =	shalt  }
0x54: {  	_ =	shalt  }
0x55: {  	_ =	shalt  }
0x56: {  	_ =	shalt  }
0x57: {  	_ =	shalt  }
0x58: {  	_ =	shalt  }
0x59: {  	_ =	shalt  }
0x5a: {  	_ =	shalt  }
0x5b: {  	_ =	shalt  }
0x5c: {  	_ =	shalt  }
0x5d: {  	_ =	shalt  }
0x5e: {  	_ =	shalt  }
0x5f: {  	_ =	shalt  }
0x60: {  	_ =	shalt  }
0x61: {  	_ =	shalt  }
0x62: {  	_ =	shalt  }
0x63: {  	_ =	shalt  }
0x64: {  	_ =	shalt  }
0x65: {  	_ =	shalt  }
0x66: {  	_ =	shalt  }
0x67: {  	_ =	shalt  }
0x68: {  	_ =	shalt  }
0x69: {  	_ =	shalt  }
0x6a: {  	_ =	shalt  }
0x6b: {  	_ =	shalt  }
0x6c: {  	_ =	shalt  }
0x6d: {  	_ =	shalt  }
0x6e: {  	_ =	shalt  }
0x6f: {  	_ =	shalt  }
0x70: {  	_ =	shalt  }
0x71: {  	_ =	shalt  }
0x72: {  	_ =	shalt  }
0x73: {  	_ =	shalt  }
0x74: {  	_ =	shalt  }
0x75: {  	_ =	shalt  }
0x76: {  	_ =	shalt  }
0x77: {  	_ =	shalt  }
0x78: {  	_ =	shalt  }
0x79: {  	_ =	shalt  }
0x7a: {  	_ =	shalt  }
0x7b: {  	_ =	shalt  }
0x7c: {  	_ =	shalt  }
0x7d: {  	_ =	shalt  }
0x7e: {  	_ =	shalt  }
0x7f: {  	_ =	shalt  }
0x80: {  	_ =	shalt  }
0x81: {  	_ =	shalt  }
0x82: {  	_ =	shalt  }
0x83: {  	_ =	shalt  }
0x84: {  	_ =	shalt  }
0x85: {  	_ =	shalt  }
0x86: {  	_ =	shalt  }
0x87: {  	_ =	shalt  }
.Lfunc_end0:
.L_simem_size_0:
called_computation.1_lowered:
.L_overlay_start_0:
0x88: {  	s2 =	sld [smem:$0x3FD9]  }
0x89: {  	s3 =	sld [smem:$0x3FFE];
	_ =	sdelay $0x1  }
0x8a: {  	s1 =	srdreg.scid  }
0x8b: {  	s0 =	sand.u32 $0x1, s1  }
0x8c: {  	s17 =	sshll.u32 s0, $0xA;
	s2 =	sadd.s32 s3, s2  }
0x8d: {  	s2 =	sadd.s32 s2, s17  }
0x8e: {  	[smem:$0x3FB9] =	sst s2  }
0x8f: {  	_ = 	snop  }
0x90: {  	s2 =	sld [smem:$0x3FC7]  }
0x91: {  	s18 =	sld [smem:$0x3FC6]  }
0x92: {  	s4 =	sld [smem:$0x3FD0];
	(tm) =	ssettm $0x1  }
0x93: {  	s5 =	sld [smem:$0x3FFB];
	_ =	sdelay $0x3  }
0x94: {  	_ =	strace s5  }
0x95: {  	s5 =	sld [smem:$0x3FFC];
	_ =	sdelay $0x3  }
0x96: {  	_ =	strace s5  }
0x97: {  	s5 =	sld [smem:$0x3FFD];
	_ =	sdelay $0x3  }
0x98: {  	_ =	strace s5  }
0x99: {  	_ =	strace $0x8FFFFFFF  }
0x9a: {  	s19 =	sld [smem:$0x3FDB];
	_ =	sdelay $0x1  }
0x9b: {  	s6 =	simm.s32 $_scs_section_size  }
0x9c: {  	s7 =	simm.s32 $_size__tile_overlayer_lowered;
	s8 =	simm.s32 $_tile_overlayer_lowered  }
0x9d: {  	s22 =	simm.s32 $0x1BFF;
	s21 =	sshll.u32 s8, $0x1;
	s5 =	sadd.s32 s6, s19  }
0x9e: {  	s9 =	simm.s32 $0x0;
	s20 =	sshll.u32 s7, $0x1;
	s7 =	sadd.s32 s21, s5  }
0x9f: {  	[timem:s9], [sflag:s22] =	dma.local [hbm:s7], s20  }
0xa0: {  	_ =	swait.ge [sflag:s22], s20  }
0xa1: {  	s6 =	ssub.s32 $0x0, s20;
	[sflag:s22] =	ssyncset.done $0x0  }
0xa2: {  	[sflag:s22] =	ssyncadd.s32 s6;
	_ =	sdelay $0x1  }
0xa3: {  	s23 =	simm.s32 $0x1B8B  }
0xa4: {  	_ =	swait.ge [sflag:s23], $0x1  }
0xa5: {  	[sflag:s23] =	ssyncset.done $0x0  }
0xa6: {  	s25 =	simm.s32 $0x1B8E;
	s24 =	sld [smem:$0x3FFE];
	[sflag:s23] =	ssyncadd.s32 $0xFFFFFFFF  }
0xa7: {  	s26 =	simm.s32 $execute0_lowered;
	[smem:$0x3FD2] =	sst s25  }
0xa8: {  	s7 =	sshll.u32 s26, $0x1;
	_ =	strace $0x80000046;
	[dreg:$0x1] =	wrdreg $0xFFFFFFFF  }
0xa9: {  	s28 =	simm.s32 $_size_execute0_lowered;
	s5 =	sadd.s32 s5, s7;
	[dreg:$0x0] =	wrdreg $0x0  }
0xaa: {  	s7 =	sshll.u32 s28, $0x1;
	[dreg:$0x2] =	wrdreg s5  }
0xab: {  	[dreg:$0x3] =	wrdreg s7  }
0xac: {  	[dreg:$0x4] =	wrdreg $0xC0  }
0xad: {  	_ =	task [dreg:s9], $0x5FFFF  }
0xae: {  	[dreg:$0x1] =	wrdreg $0xFFFFFFFF  }
0xaf: {  	[dreg:$0x0] =	wrdreg $0x60  }
0xb0: {  	[dreg:$0x2] =	wrdreg s4  }
0xb1: {  	[dreg:$0x3] =	wrdreg s24  }
0xb2: {  	[dreg:$0x4] =	wrdreg s18  }
0xb3: {  	[dreg:$0x5] =	wrdreg s2  }
0xb4: {  	[dreg:$0x6] =	wrdreg $0x52000  }
0xb5: {  	[dreg:$0x7] =	wrdreg $0xA  }
0xb6: {  	_ =	task.clear_ibuf [dreg:s9], $0x8FFFF;
	_ =	strace $0x90000046  }
0xb7: {  	s29 =	simm.s32 $0xA;
	_ =	strace $0x80000048  }
0xb8: {  	_ =	swait.ge [sflag:s29], $0x1  }
0xb9: {  	[sflag:s29] =	ssyncadd.s32 $0xFFFFFFFF  }
0xba: {  	_ =	strace $0x90000048  }
0xbb: {  	_ =	sfence  }
0xbc: {  	s30 =	sld [smem:$0x0];
	_ =	sdelay $0x2  }
0xbd: {  	s31 =	sshll.u32 s1, $0xD;
	s1 =	sshrl.u32 s1, $0x2  }
0xbe: {  	s3 =	sand.u32 $0x4000, s31;
	s1 =	sadd.s32 s1, s30  }
0xbf: {  	s0 =	sor.u32 s3, s0;
	s1 =	sshll.u32 s1, $0x11  }
0xc0: {  	s0 =	sor.u32 s1, s0  }
0xc1: {  	s0 =	sadd.s32 $0x8F2B, s0  }
0xc2: {  	[sflag:s0] =	ssyncadd.remote.s32 $0x1  }
0xc3: {  	_ =	sfence.sel $0xFFFF  }
0xc4: {  	[dreg:$0x0] =	wrdreg $0xFFFFFFFF;
	(pc) =	sbr.abs _section_cstart, $3  }
0xc5: {  	[dreg:$0x1] =	wrdreg $0xFFFFFFFF  }
0xc6: {  	_ =	task.clear_ibuf [dreg:s9], $0x2FFFF;
	_ =	strace $0x9FFFFFFF  }
0xc7: {  	(tm) =	ssettm $0x7FFFFFFF  }
tec
execute0_lowered:
.L_overlay_start_1:
0x0: {  	(tag) =	ssettag $0x1  }
0x1: {  	s0 =	srdreg.scid;
	s1 =	simm.s32 $0x0  }
0x2: {  	[dreg:$0x6] =	wrdreg s1;
	s26 =	sand.u32 $0x1, s0  }
0x3: {  	s2 =	simm.s32 $0x0;
	s1 =	stileid.u32;
	s13 =	smul.u32 $0x138800, s26  }
0x4: {  	[smem:$0x7FF] =	sst s2;
	s16 =	sor.u32 $0x10, s1;
	s12 =	smul.u32 $0x1400, s1  }
0x5: {  	s0 =	ssub.s32 $0x2, s26;
	s18 =	sor.u32 $0x20, s1;
	s14 =	smul.u32 $0x1400, s16  }
0x6: {  	s9 =	sor.u32 $0x30, s1;
	s4 =	sshll.u32 s1, $0x1;
	s15 =	smul.u32 $0x1400, s18  }
0x7: {  	s10 =	sor.u32 $0x40, s1;
	s11 =	sor.u32 $0x50, s1;
	s17 =	smul.u32 $0x1400, s9  }
0x8: {  	s8 =	sor.u32 $0x60, s1;
	s7 =	sor.u32 $0x70, s1;
	s19 =	smul.u32 $0x1400, s10  }
0x9: {  	s6 =	sor.u32 $0x90, s1;
	p0 =	sgt.u32 s1, $0x9;
	s20 =	smul.u32 $0x1400, s11  }
0xa: {  	s3 =	sshrl.u32 s0, $0x1;
	s5 =	sor.u32 s26, s4;
	s21 =	smul.u32 $0x1400, s8  }
0xb: {  	s4 =	sor.u32 $0x80, s1;
	[smem:$0x7E8] =	sst s6;
	s22 =	smul.u32 $0x1400, s7  }
0xc: {  	s6 =	smul.u32 $0x1400, s6;
	s0 =	ssub.s32 s0, s3;
	[smem:$0x7EC] =	sst s5  }
0xd: {  	[smem:$0x7E7] =	sst s4;
	s5 =	sor.u32 $0xB0, s1;
	s23 =	sadd.s32 s12, s13  }
0xe: {  	s25 =	smul.u32 $0x1400, s4;
	s12 =	sor.u32 $0xC0, s1;
	[smem:$0x7F9] =	sst s0  }
0xf: {  	s0 =	sor.u32 $0xA0, s1;
	[smem:$0x7EA] =	sst s5;
	s24 =	sadd.s32 s13, s14  }
0x10: {  	s26 =	sadd.s32 s13, s15;
	s28 =	sadd.s32 s13, s17;
	s30 =	smul.u32 $0x1400, s5  }
0x11: {  	s19 =	sadd.s32 s13, s19;
	s20 =	sadd.s32 s13, s20;
	s31 =	smul.u32 $0x1400, s12  }
0x12: {  	s21 =	sadd.s32 s13, s21;
	s14 =	sor.u32 $0xD0, s1;
	s29 =	smul.u32 $0x1400, s0  }
0x13: {  	s22 =	sadd.s32 s13, s22;
	s15 =	sor.u32 $0xE0, s1;
	s2 =	smul.u32 $0x1400, s14  }
0x14: {  	s4 =	sadd.s32 s13, s6;
	s17 =	sor.u32 $0xF0, s1;
	s5 =	smul.u32 $0x1400, s15  }
0x15: {  	[smem:$0x7E9] =	sst s0;
	s25 =	sadd.s32 s13, s25;
	s6 =	smul.u32 $0x1400, s17  }
0x16: {  	s0 =	rddreg [dreg:$0x1];
	s30 =	sadd.s32 s13, s30;
	s31 =	sadd.s32 s13, s31  }
0x17: {  	s29 =	sadd.s32 s13, s29;
	s3 =	sadd.s32 s13, s2;
	s2 =	sadd.s32 s13, s5  }
0x18: {  	s5 =	sadd.s32 s13, s6;
	s13 =	sshrl.u32 s23, $0x3;
	s23 =	sadd.s32 $0x273600, s0  }
0x19: {  	s6 =	smul.u32 $0x5000, s16;
	s16 =	sshrl.u32 s24, $0x3;
	s13 =	sadd.s32 s23, s13  }
0x1a: {  	s0 =	sshrl.u32 s19, $0x3;
	s16 =	sadd.s32 s23, s16;
	[dreg:$0x7] =	wrdreg s13  }
0x1b: {  	s4 =	sshrl.u32 s4, $0x3;
	s19 =	sadd.s32 s23, s0;
	[dreg:$0x8] =	wrdreg s16  }
0x1c: {  	s20 =	sshrl.u32 s20, $0x3;
	s4 =	sadd.s32 s23, s4;
	[dreg:$0xb] =	wrdreg s19  }
0x1d: {  	s24 =	smul.u32 $0x5000, s18;
	s18 =	sshrl.u32 s26, $0x3;
	[dreg:$0x10] =	wrdreg s4  }
0x1e: {  	s26 =	sshrl.u32 s28, $0x3;
	s13 =	sadd.s32 s23, s18;
	s18 =	rddreg [dreg:$0x3]  }
0x1f: {  	s0 =	sshrl.u32 s22, $0x3;
	s16 =	sadd.s32 s23, s26;
	[dreg:$0x9] =	wrdreg s13  }
0x20: {  	s3 =	sshrl.u32 s3, $0x3;
	s19 =	sadd.s32 s23, s0;
	[dreg:$0xa] =	wrdreg s16  }
0x21: {  	s2 =	sshrl.u32 s2, $0x3;
	s3 =	sadd.s32 s23, s3;
	[dreg:$0xe] =	wrdreg s19  }
0x22: {  	s28 =	simm.s32 $0x1600;
	s2 =	sadd.s32 s23, s2;
	[dreg:$0x14] =	wrdreg s3  }
0x23: {  	s26 =	sshrl.u32 s21, $0x3;
	s21 =	sshrl.u32 s29, $0x3;
	[dreg:$0x15] =	wrdreg s2  }
0x24: {  	s13 =	sadd.s32 s23, s20;
	s22 =	sadd.s32 s23, s21;
	s21 =	rddreg [dreg:$0x4]  }
0x25: {  	s24 =	sshrl.u32 s24, $0x2;
	s16 =	sadd.s32 s23, s26;
	[dreg:$0xc] =	wrdreg s13  }
0x26: {  	s29 =	simm.s32 $0x5;
	s20 =	sshrl.u32 s25, $0x3;
	[dreg:$0xd] =	wrdreg s16  }
0x27: {  	s25 =	sshrl.u32 s30, $0x3;
	s3 =	sshrl.u32 s5, $0x3;
	[dreg:$0x11] =	wrdreg s22  }
0x28: {  	s5 =	smul.u32 $0x5000, s9;
	s13 =	sadd.s32 s23, s20;
	s16 =	rddreg [dreg:$0x2]  }
0x29: {  	s26 =	sshrl.u32 s31, $0x3;
	s19 =	smul.u32 $0x5000, s10;
	[dreg:$0xf] =	wrdreg s13  }
0x2a: {  	s30 =	simm.s32 $0x7;
	s4 =	sadd.s32 s23, s25;
	s13 =	rddreg [dreg:$0x0]  }
0x2b: {  	s0 =	sadd.s32 s23, s26;
	s20 =	sshrl.u32 s6, $0x2;
	[dreg:$0x12] =	wrdreg s4  }
0x2c: {  	s22 =	smul.u32 $0x5000, s11;
	[dreg:$0x13] =	wrdreg s0;
	s0 =	sadd.s32 s23, s3  }
0x2d: {  	s25 =	smul.u32 $0x5000, s8;
	s8 =	sadd.s32 s24, s21;
	[dreg:$0x16] =	wrdreg s0  }
0x2e: {  	s0 =	sshrl.u32 s5, $0x2;
	_ =	strace $0x80000047;
	[dreg:$0x19] =	wrdreg s8  }
0x2f: {  	s26 =	smul.u32 $0x5000, s7;
	s0 =	sadd.s32 s0, s21;
	s9 =	rddreg [dreg:$0x1]  }
0x30: {  	s4 =	smul.u32 $0x5000, s1;
	s6 =	sshrl.u32 s19, $0x2;
	[dreg:$0x1a] =	wrdreg s0  }
0x31: {  	s10 =	sshrl.u32 s22, $0x2;
	s22 =	sshrl.u32 s26, $0x2;
	s7 =	sld [smem:$0x7E7]  }
0x32: {  	s26 =	smul.u32 $0x5000, s12;
	s2 =	sshrl.u32 s4, $0x2;
	s11 =	sld [smem:$0x7E8]  }
0x33: {  	s0 =	sadd.s32 s6, s21;
	s24 =	sld [smem:$0x7EA];
	s23 =	sadd.s32 $0x2600, s9  }
0x34: {  	s9 =	sadd.s32 s2, s21;
	[dreg:$0x1b] =	wrdreg s0;
	s3 =	smul.u32 $0x5000, s7  }
0x35: {  	s2 =	sadd.s32 s20, s21;
	s20 =	sld [smem:$0x7E9];
	s4 =	smul.u32 $0x5000, s11  }
0x36: {  	s0 =	sadd.s32 s10, s21;
	[dreg:$0x18] =	wrdreg s2;
	s2 =	smul.u32 $0x5000, s24  }
0x37: {  	s19 =	sshrl.u32 s25, $0x2;
	[dreg:$0x1c] =	wrdreg s0;
	s7 =	smul.u32 $0x5000, s14  }
0x38: {  	s0 =	sadd.s32 s19, s21;
	s19 =	sld [smem:$0x7EC];
	s11 =	smul.u32 $0x5000, s15  }
0x39: {  	s31 =	simm.s32 $0x3;
	[dreg:$0x17] =	wrdreg s9;
	s15 =	smul.u32 $0x5000, s17  }
0x3a: {  	[dreg:$0x1d] =	wrdreg s0;
	s0 =	sadd.s32 s22, s21;
	s5 =	smul.u32 $0x5000, s20  }
0x3b: {  	[dreg:$0x1e] =	wrdreg s0;
	s25 =	sshrl.u32 s3, $0x2;
	s6 =	sshrl.u32 s4, $0x2  }
0x3c: {  	s12 =	sshrl.u32 s2, $0x2;
	s3 =	sshrl.u32 s26, $0x2;
	s17 =	sshrl.u32 s7, $0x2  }
0x3d: {  	s4 =	smul.u32 $0x1388, s19;
	s24 =	sshrl.u32 s11, $0x2;
	s0 =	sadd.s32 s25, s21  }
0x3e: {  	s2 =	sshrl.u32 s15, $0x2;
	s20 =	sadd.s32 s3, s21;
	[dreg:$0x1f] =	wrdreg s0  }
0x3f: {  	s14 =	sadd.s32 s6, s21;
	s22 =	sadd.s32 s17, s21;
	[smem:$0x7EE] =	sst s20  }
0x40: {  	s10 =	sshrl.u32 s5, $0x2;
	s26 =	sadd.s32 s2, s21;
	[smem:$0x7EF] =	sst s22  }
0x41: {  	s6 =	smul.u32 $0x13880, s19;
	s3 =	simm.s32 $0x9;
	[smem:$0x7F1] =	sst s26  }
0x42: {  	s5 =	simm.s32 $0xA;
	s0 =	sadd.s32 s10, s21;
	[smem:$0x7FD] =	sst s14  }
0x43: {  	s25 =	sshrl.u32 s4, $0x3;
	[smem:$0x7EB] =	sst s0;
	s0 =	sadd.s32 s12, s21  }
0x44: {  	s2 =	sadd.s32 $0x4E20, s25;
	s22 =	sadd.s32 $0x508C, s25;
	s25 =	sld [smem:$0x7F9]  }
0x45: {  	s10 =	sadd.s32 $0x27128, s4;
	s15 =	sadd.s32 s23, s6;
	[smem:$0x7ED] =	sst s0  }
0x46: {  	s11 =	sshrl.u32 s10, $0x3;
	s0 =	sadd.s32 s24, s21;
	[smem:$0x7FB] =	sst s15  }
0x47: {  	s12 =	sadd.s32 $0x28, s4;
	s7 =	sadd.s32 s16, s2;
	[smem:$0x7F0] =	sst s0  }
0x48: {  	s10 =	simm.s32 $0x2A00;
	s17 =	sadd.s32 s16, s11;
	[smem:$0x7F2] =	sst s7  }
0x49: {  	s19 =	sshll.u32 s12, $0x4;
	s24 =	sadd.s32 s16, s22;
	[smem:$0x7F4] =	sst s17  }
0x4a: {  	s26 =	sadd.s32 $0x13600, s15;
	s15 =	simm.s32 $0x180;
	[smem:$0x7F7] =	sst s24  }
0x4b: {  	s0 =	sadd.s32 s18, s2;
	s20 =	sadd.s32 s23, s19;
	[smem:$0x7FC] =	sst s26  }
0x4c: {  	s19 =	simm.s32 $0x200;
	s24 =	simm.s32 $0x1;
	s26 =	simm.s32 $0x2  }
0x4d: {  	s17 =	simm.s32 $0x6;
	s2 =	simm.s32 $0x4;
	[smem:$0x7F3] =	sst s0  }
0x4e: {  	s0 =	sadd.s32 s18, s11;
	[smem:$0x7F6] =	sst s20;
	s20 =	simm.s32 $0xB  }
0x4f: {  	s11 =	simm.s32 $0x80;
	[smem:$0x7F5] =	sst s0;
	s0 =	sadd.s32 s18, s22  }
0x50: {  	s22 =	simm.s32 $0x100;
	[smem:$0x7F8] =	sst s0;
	s0 =	smax.u32 s25, $0x1  }
0x51: {  	v0 =	vimm.f32 $0.0e+00;
	s25 =	simm.s32 $0x28;
	[smem:$0x7FA] =	sst s0;
	s0 =	simm.s32 $0x8  }
.LBB2_1:
0x52: {  	s6 =	simm.s32 $0x0;
	s7 =	simm.s32 $0x200  }
.LBB2_2:
0x53: {  	p1 =	sne.s32 s7, $0x4E00;
	[tilespmem:s6+$0x270] =	vst v0  }
0x54: {  	[tilespmem:s6+$0x200] =	vst v0  }
0x55: {  	[tilespmem:s6+$0x210] =	vst v0  }
.Ltmp0:
0x56: {  	[tilespmem:s6+$0x220] =	vst v0;
	(pc) =	sbr.rel @p1 .LBB2_2-.Ltmp0, $4  }
0x57: {  	[tilespmem:s6+$0x230] =	vst v0  }
0x58: {  	[tilespmem:s6+$0x240] =	vst v0  }
0x59: {  	[tilespmem:s6+$0x250] =	vst v0  }
0x5a: {  	[tilespmem:s6+$0x260] =	vst v0;
	s6 =	sshra.s32 s7, $0x2;
	s7 =	sadd.s32 $0x200, s7  }
0x5b: {  	[tilespmem:s6+$0x270] =	vst v0  }
0x5c: {  	[tilespmem:s6+$0x200] =	vst v0  }
0x5d: {  	[tilespmem:s6+$0x210] =	vst v0  }
0x5e: {  	[tilespmem:s6+$0x220] =	vst v0  }
0x5f: {  	[tilespmem:s6+$0x230] =	vst v0  }
0x60: {  	[tilespmem:s6+$0x240] =	vst v0  }
0x61: {  	[tilespmem:s6+$0x250] =	vst v0  }
0x62: {  	[tilespmem:s6+$0x260] =	vst v0  }
0x63: {  	[spmem:s9] =	stream.linear.scatter [tilespmem:s19], [sflag:$0xB], $0x1400, $0x38;
	[tilespmem:$0x18A80] =	vst v63  }
0x64: {  	_ =	swait.ge [sflag:s20], $0x1400  }
0x65: {  	[sflag:s20] =	ssyncset.done $0x0  }
0x66: {  	s1 =	rddreg [dreg:$0x18];
	[sflag:s20] =	ssyncadd.s32 $0xFFFFEC00  }
0x67: {  	[spmem:s1] =	stream.linear.scatter [tilespmem:s19], [sflag:$0xB], $0x1400, $0x38;
	[tilespmem:$0x18A80] =	vst v63  }
0x68: {  	_ =	swait.ge [sflag:s20], $0x1400  }
0x69: {  	[sflag:s20] =	ssyncset.done $0x0  }
0x6a: {  	[sflag:s20] =	ssyncadd.s32 $0xFFFFEC00  }
0x6b: {  	[spmem:s8] =	stream.linear.scatter [tilespmem:s19], [sflag:$0xB], $0x1400, $0x38;
	[tilespmem:$0x18A80] =	vst v63  }
0x6c: {  	_ =	swait.ge [sflag:s20], $0x1400  }
0x6d: {  	[sflag:s20] =	ssyncset.done $0x0  }
0x6e: {  	s7 =	rddreg [dreg:$0x1a];
	[sflag:s20] =	ssyncadd.s32 $0xFFFFEC00  }
0x6f: {  	[spmem:s7] =	stream.linear.scatter [tilespmem:s19], [sflag:$0xB], $0x1400, $0x38;
	[tilespmem:$0x18A80] =	vst v63  }
0x70: {  	_ =	swait.ge [sflag:s20], $0x1400  }
0x71: {  	[sflag:s20] =	ssyncset.done $0x0  }
0x72: {  	s8 =	rddreg [dreg:$0x1b];
	[sflag:s20] =	ssyncadd.s32 $0xFFFFEC00  }
0x73: {  	[spmem:s8] =	stream.linear.scatter [tilespmem:s19], [sflag:$0xB], $0x1400, $0x38;
	[tilespmem:$0x18A80] =	vst v63  }
0x74: {  	_ =	swait.ge [sflag:s20], $0x1400  }
0x75: {  	[sflag:s20] =	ssyncset.done $0x0  }
0x76: {  	s9 =	rddreg [dreg:$0x1c];
	[sflag:s20] =	ssyncadd.s32 $0xFFFFEC00  }
0x77: {  	[spmem:s9] =	stream.linear.scatter [tilespmem:s19], [sflag:$0xB], $0x1400, $0x38;
	[tilespmem:$0x18A80] =	vst v63  }
0x78: {  	_ =	swait.ge [sflag:s20], $0x1400  }
0x79: {  	[sflag:s20] =	ssyncset.done $0x0  }
0x7a: {  	s6 =	rddreg [dreg:$0x1d];
	[sflag:s20] =	ssyncadd.s32 $0xFFFFEC00  }
0x7b: {  	[spmem:s6] =	stream.linear.scatter [tilespmem:s19], [sflag:$0xB], $0x1400, $0x38;
	[tilespmem:$0x18A80] =	vst v63  }
0x7c: {  	_ =	swait.ge [sflag:s20], $0x1400  }
0x7d: {  	[sflag:s20] =	ssyncset.done $0x0  }
0x7e: {  	s7 =	rddreg [dreg:$0x1e];
	[sflag:s20] =	ssyncadd.s32 $0xFFFFEC00  }
0x7f: {  	[spmem:s7] =	stream.linear.scatter [tilespmem:s19], [sflag:$0xB], $0x1400, $0x38;
	[tilespmem:$0x18A80] =	vst v63  }
0x80: {  	_ =	swait.ge [sflag:s20], $0x1400  }
0x81: {  	[sflag:s20] =	ssyncset.done $0x0  }
0x82: {  	s8 =	rddreg [dreg:$0x1f];
	[sflag:s20] =	ssyncadd.s32 $0xFFFFEC00  }
0x83: {  	[spmem:s8] =	stream.linear.scatter [tilespmem:s19], [sflag:$0xB], $0x1400, $0x38;
	[tilespmem:$0x18A80] =	vst v63  }
0x84: {  	_ =	swait.ge [sflag:s20], $0x1400  }
0x85: {  	[sflag:s20] =	ssyncset.done $0x0  }
0x86: {  	[sflag:s20] =	ssyncadd.s32 $0xFFFFEC00  }
0x87: {  	[spmem:s14] =	stream.linear.scatter [tilespmem:s19], [sflag:$0xB], $0x1400, $0x38;
	[tilespmem:$0x18A80] =	vst v63  }
0x88: {  	_ =	swait.ge [sflag:s20], $0x1400  }
0x89: {  	s9 =	sld [smem:$0x7EB]  }
0x8a: {  	[sflag:s20] =	ssyncset.done $0x0  }
0x8b: {  	[sflag:s20] =	ssyncadd.s32 $0xFFFFEC00  }
0x8c: {  	[spmem:s9] =	stream.linear.scatter [tilespmem:s19], [sflag:$0xB], $0x1400, $0x38;
	[tilespmem:$0x18A80] =	vst v63  }
0x8d: {  	_ =	swait.ge [sflag:s20], $0x1400  }
0x8e: {  	s14 =	sld [smem:$0x7ED]  }
0x8f: {  	[sflag:s20] =	ssyncset.done $0x0  }
0x90: {  	[sflag:s20] =	ssyncadd.s32 $0xFFFFEC00  }
0x91: {  	[spmem:s14] =	stream.linear.scatter [tilespmem:s19], [sflag:$0xB], $0x1400, $0x38;
	[tilespmem:$0x18A80] =	vst v63  }
0x92: {  	_ =	swait.ge [sflag:s20], $0x1400  }
0x93: {  	s6 =	sld [smem:$0x7EE]  }
0x94: {  	[sflag:s20] =	ssyncset.done $0x0  }
0x95: {  	[sflag:s20] =	ssyncadd.s32 $0xFFFFEC00  }
0x96: {  	[spmem:s6] =	stream.linear.scatter [tilespmem:s19], [sflag:$0xB], $0x1400, $0x38;
	[tilespmem:$0x18A80] =	vst v63  }
0x97: {  	_ =	swait.ge [sflag:s20], $0x1400  }
0x98: {  	s7 =	sld [smem:$0x7EF]  }
0x99: {  	[sflag:s20] =	ssyncset.done $0x0  }
0x9a: {  	[sflag:s20] =	ssyncadd.s32 $0xFFFFEC00  }
0x9b: {  	[spmem:s7] =	stream.linear.scatter [tilespmem:s19], [sflag:$0xB], $0x1400, $0x38;
	[tilespmem:$0x18A80] =	vst v63  }
0x9c: {  	_ =	swait.ge [sflag:s20], $0x1400  }
0x9d: {  	s8 =	sld [smem:$0x7F0]  }
0x9e: {  	[sflag:s20] =	ssyncset.done $0x0  }
0x9f: {  	[sflag:s20] =	ssyncadd.s32 $0xFFFFEC00  }
0xa0: {  	[spmem:s8] =	stream.linear.scatter [tilespmem:s19], [sflag:$0xB], $0x1400, $0x38;
	[tilespmem:$0x18A80] =	vst v63  }
0xa1: {  	_ =	swait.ge [sflag:s20], $0x1400  }
0xa2: {  	s1 =	sld [smem:$0x7F1]  }
0xa3: {  	[sflag:s20] =	ssyncset.done $0x0  }
0xa4: {  	s6 =	simm.s32 @!p0 $0x200;
	[sflag:s20] =	ssyncadd.s32 $0xFFFFEC00  }
0xa5: {  	[spmem:s1] =	stream.linear.scatter @!p0 [tilespmem:s6], [sflag:$0xB], $0x1400, $0x38;
	[tilespmem:$0x18A80] =	vst v63  }
0xa6: {  	s6 =	simm.s32 @!p0 $0xB  }
0xa7: {  	_ =	swait.ge @!p0 [sflag:s6], $0x1400  }
0xa8: {  	[sflag:s6] =	ssyncset.done @!p0 $0x0  }
0xa9: {  	[sflag:s6] =	ssyncadd.s32 @!p0 $0xFFFFEC00  }
0xaa: {  	[bflag:$0x0] =	sbarrier.arrive $0xFFFF  }
0xab: {  	s9 =	sld [smem:$0x7F2];
	_ =	sdelay $0x1  }
0xac: {  	s6 =	simm.s32 $0x0;
	s14 =	sld [smem:$0x7F3]  }
0xad: {  	[tilespmem:s6], [sflag:$0x1] =	stream.linear.gather [hbm4b:s9+s6], $0x28, $0x38;
	[tilespmem:$0x18A80] =	vst v63  }
0xae: {  	s7 =	sld [smem:$0x7FB]  }
0xaf: {  	[tilespmem:s22], [sflag:$0x3] =	stream.linear.gather [hbm4b:s14+s6], $0x28, $0x38;
	[tilespmem:$0x18A80] =	vst v63  }
0xb0: {  	s8 =	sld [smem:$0x7F4]  }
0xb1: {  	[tilespmem:s10], [sflag:$0x7] =	stream.linear.gather [hbm4b:s7+s6], $0x1400, $0x38;
	[tilespmem:$0x18A80] =	vst v63  }
0xb2: {  	s9 =	sld [smem:$0x7F5]  }
0xb3: {  	[tilespmem:s11], [sflag:$0x2] =	stream.linear.gather [hbm4b:s8+s6], $0x28, $0x38;
	[tilespmem:$0x18A80] =	vst v63  }
0xb4: {  	s14 =	sld [smem:$0x7F6]  }
0xb5: {  	[tilespmem:s15], [sflag:$0x4] =	stream.linear.gather [hbm4b:s9+s6], $0x28, $0x38;
	[tilespmem:$0x18A80] =	vst v63  }
0xb6: {  	s7 =	simm.s32 $0x3E00  }
0xb7: {  	[tilespmem:s7], [sflag:$0x8] =	stream.linear.gather [hbm4b:s14+s6], $0x1400, $0x38;
	[tilespmem:$0x18A80] =	vst v63  }
0xb8: {  	_ =	swait.ge [sflag:s24], $0x28  }
0xb9: {  	[sflag:s24] =	ssyncset.done $0x0  }
0xba: {  	[sflag:s24] =	ssyncadd.s32 $0xFFFFFFD8  }
0xbb: {  	[tilespmem:s19], [sflag:$0x5] =	stream.indirect.gather [hbm4b:s13+s25], $0x80, s6, s25, $0xb8;
	[tilespmem:$0x18A80] =	vst v63  }
0xbc: {  	_ =	swait.ge [sflag:s26], $0x28  }
0xbd: {  	[sflag:s26] =	ssyncset.done $0x0  }
0xbe: {  	[sflag:s26] =	ssyncadd.s32 $0xFFFFFFD8  }
0xbf: {  	[tilespmem:s28], [sflag:$0x6] =	stream.indirect.gather [hbm4b:s13+s25], $0x80, s11, s25, $0xb8;
	[tilespmem:$0x18A80] =	vst v63  }
0xc0: {  	_ =	swait.ge [sflag:s29], $0x1400  }
0xc1: {  	[sflag:s29] =	ssyncset.done $0x0  }
0xc2: {  	[sflag:s29] =	ssyncadd.s32 $0xFFFFEC00  }
0xc3: {  	_ =	swait.ge [sflag:s30], $0x1400  }
0xc4: {  	[sflag:s30] =	ssyncset.done $0x0  }
0xc5: {  	s6 =	simm.s32 $0x0;
	[sflag:s30] =	ssyncadd.s32 $0xFFFFEC00  }
0xc6: {  	v8 =	vld [tilespmem:s6+$0x2A00]  }
0xc7: {  	v12 =	vld [tilespmem:s6+$0x2A10]  }
0xc8: {  	v6 =	vld [tilespmem:s6+$0x2A20]  }
0xc9: {  	v5 =	vld [tilespmem:s6+$0x2A30]  }
0xca: {  	v4 =	vld [tilespmem:s6+$0x2A40]  }
0xcb: {  	v3 =	vld [tilespmem:s6+$0x2A50]  }
0xcc: {  	v2 =	vld [tilespmem:s6+$0x2A60]  }
0xcd: {  	v1 =	vld [tilespmem:s6+$0x2A70]  }
0xce: {  	v13 =	vld [tilespmem:s6+$0x200]  }
0xcf: {  	v14 =	vld [tilespmem:s6+$0x210]  }
0xd0: {  	v11 =	vld [tilespmem:s6+$0x220]  }
0xd1: {  	v10 =	vld [tilespmem:s6+$0x230]  }
0xd2: {  	v9 =	vld [tilespmem:s6+$0x240]  }
0xd3: {  	v7 =	vld [tilespmem:s6+$0x250];
	v13 =	vmul.f32 v8, v13  }
0xd4: {  	s7 =	simm.s32 $0x200;
	v12 =	vmul.f32 v12, v14;
	v8 =	vld [tilespmem:s6+$0x260]  }
.LBB2_4:
0xd5: {  	s8 =	sshra.s32 s7, $0x2;
	p1 =	sne.s32 s7, $0x4E00;
	[tilespmem:s6+$0x200] =	vst v13;
	v6 =	vmul.f32 v6, v11;
	v11 =	vld [tilespmem:s6+$0x270]  }
0xd6: {  	v13 =	vld [tilespmem:s8+$0x2A00];
	[tilespmem:s6+$0x210] =	vst v12;
	v5 =	vmul.f32 v5, v10  }
0xd7: {  	v12 =	vld [tilespmem:s8+$0x2A10];
	[tilespmem:s6+$0x220] =	vst v6;
	v4 =	vmul.f32 v4, v9  }
0xd8: {  	v6 =	vld [tilespmem:s8+$0x2A20];
	[tilespmem:s6+$0x230] =	vst v5;
	v3 =	vmul.f32 v3, v7  }
0xd9: {  	v5 =	vld [tilespmem:s8+$0x2A30];
	[tilespmem:s6+$0x240] =	vst v4;
	v2 =	vmul.f32 v2, v8  }
0xda: {  	v4 =	vld [tilespmem:s8+$0x2A40];
	[tilespmem:s6+$0x250] =	vst v3;
	v1 =	vmul.f32 v1, v11  }
0xdb: {  	v3 =	vld [tilespmem:s8+$0x2A50];
	[tilespmem:s6+$0x260] =	vst v2  }
0xdc: {  	v2 =	vld [tilespmem:s8+$0x2A60];
	[tilespmem:s6+$0x270] =	vst v1;
	s6 =	smov.u32 s8  }
0xdd: {  	v1 =	vld [tilespmem:s6+$0x2A70]  }
0xde: {  	v7 =	vld [tilespmem:s6+$0x200]  }
0xdf: {  	v8 =	vld [tilespmem:s6+$0x210]  }
.Ltmp1:
0xe0: {  	v11 =	vld [tilespmem:s6+$0x220];
	(pc) =	sbr.rel @p1 .LBB2_4-.Ltmp1, $4  }
0xe1: {  	v10 =	vld [tilespmem:s6+$0x230]  }
0xe2: {  	v9 =	vld [tilespmem:s6+$0x240]  }
0xe3: {  	v13 =	vmul.f32 v13, v7;
	v7 =	vld [tilespmem:s6+$0x250]  }
0xe4: {  	s7 =	sadd.s32 $0x200, s7;
	v12 =	vmul.f32 v12, v8;
	v8 =	vld [tilespmem:s6+$0x260]  }
0xe5: {  	[tilespmem:s6+$0x200] =	vst v13;
	v6 =	vmul.f32 v6, v11;
	v11 =	vld [tilespmem:s6+$0x270]  }
0xe6: {  	[tilespmem:s6+$0x210] =	vst v12;
	v5 =	vmul.f32 v5, v10  }
0xe7: {  	[tilespmem:s6+$0x220] =	vst v6;
	v4 =	vmul.f32 v4, v9  }
0xe8: {  	[tilespmem:s6+$0x230] =	vst v5;
	v3 =	vmul.f32 v3, v7  }
0xe9: {  	[tilespmem:s6+$0x240] =	vst v4;
	v2 =	vmul.f32 v2, v8  }
0xea: {  	[tilespmem:s6+$0x250] =	vst v3;
	v1 =	vmul.f32 v1, v11  }
0xeb: {  	[tilespmem:s6+$0x260] =	vst v2  }
0xec: {  	[tilespmem:s6+$0x270] =	vst v1  }
0xed: {  	_ =	swait.ge [sflag:s31], $0x28  }
0xee: {  	[sflag:s31] =	ssyncset.done $0x0  }
0xef: {  	[sflag:s31] =	ssyncadd.s32 $0xFFFFFFD8  }
0xf0: {  	[spmem:s21] =	stream.indirect.scatter.add.f32 [tilespmem:s19], [sflag:$0x9], $0x80, s22, s25, $0xb8;
	[tilespmem:$0x18A80] =	vst v63  }
0xf1: {  	_ =	swait.ge [sflag:s17], $0x1400  }
0xf2: {  	[sflag:s17] =	ssyncset.done $0x0  }
0xf3: {  	[sflag:s17] =	ssyncadd.s32 $0xFFFFEC00  }
0xf4: {  	_ =	swait.ge [sflag:s0], $0x1400  }
0xf5: {  	[sflag:s0] =	ssyncset.done $0x0  }
0xf6: {  	s6 =	simm.s32 $0x0;
	[sflag:s0] =	ssyncadd.s32 $0xFFFFEC00  }
0xf7: {  	v8 =	vld [tilespmem:s6+$0x3E00]  }
0xf8: {  	v12 =	vld [tilespmem:s6+$0x3E10]  }
0xf9: {  	v6 =	vld [tilespmem:s6+$0x3E20]  }
0xfa: {  	v5 =	vld [tilespmem:s6+$0x3E30]  }
0xfb: {  	v4 =	vld [tilespmem:s6+$0x3E40]  }
0xfc: {  	v3 =	vld [tilespmem:s6+$0x3E50]  }
0xfd: {  	v2 =	vld [tilespmem:s6+$0x3E60]  }
0xfe: {  	v1 =	vld [tilespmem:s6+$0x3E70]  }
0xff: {  	v13 =	vld [tilespmem:s6+$0x1600]  }
0x100: {  	v14 =	vld [tilespmem:s6+$0x1610]  }
0x101: {  	v11 =	vld [tilespmem:s6+$0x1620]  }
0x102: {  	v10 =	vld [tilespmem:s6+$0x1630]  }
0x103: {  	v9 =	vld [tilespmem:s6+$0x1640]  }
0x104: {  	v7 =	vld [tilespmem:s6+$0x1650];
	v13 =	vmul.f32 v8, v13  }
0x105: {  	s7 =	simm.s32 $0x200;
	v12 =	vmul.f32 v12, v14;
	v8 =	vld [tilespmem:s6+$0x1660]  }
.LBB2_6:
0x106: {  	s8 =	sshra.s32 s7, $0x2;
	p1 =	sne.s32 s7, $0x4E00;
	[tilespmem:s6+$0x1600] =	vst v13;
	v6 =	vmul.f32 v6, v11;
	v11 =	vld [tilespmem:s6+$0x1670]  }
0x107: {  	v13 =	vld [tilespmem:s8+$0x3E00];
	[tilespmem:s6+$0x1610] =	vst v12;
	v5 =	vmul.f32 v5, v10  }
0x108: {  	v12 =	vld [tilespmem:s8+$0x3E10];
	[tilespmem:s6+$0x1620] =	vst v6;
	v4 =	vmul.f32 v4, v9  }
0x109: {  	v6 =	vld [tilespmem:s8+$0x3E20];
	[tilespmem:s6+$0x1630] =	vst v5;
	v3 =	vmul.f32 v3, v7  }
0x10a: {  	v5 =	vld [tilespmem:s8+$0x3E30];
	[tilespmem:s6+$0x1640] =	vst v4;
	v2 =	vmul.f32 v2, v8  }
0x10b: {  	v4 =	vld [tilespmem:s8+$0x3E40];
	[tilespmem:s6+$0x1650] =	vst v3;
	v1 =	vmul.f32 v1, v11  }
0x10c: {  	v3 =	vld [tilespmem:s8+$0x3E50];
	[tilespmem:s6+$0x1660] =	vst v2  }
0x10d: {  	v2 =	vld [tilespmem:s8+$0x3E60];
	[tilespmem:s6+$0x1670] =	vst v1;
	s6 =	smov.u32 s8  }
0x10e: {  	v1 =	vld [tilespmem:s6+$0x3E70]  }
0x10f: {  	v7 =	vld [tilespmem:s6+$0x1600]  }
0x110: {  	v8 =	vld [tilespmem:s6+$0x1610]  }
.Ltmp2:
0x111: {  	v11 =	vld [tilespmem:s6+$0x1620];
	(pc) =	sbr.rel @p1 .LBB2_6-.Ltmp2, $4  }
0x112: {  	v10 =	vld [tilespmem:s6+$0x1630]  }
0x113: {  	v9 =	vld [tilespmem:s6+$0x1640]  }
0x114: {  	v13 =	vmul.f32 v13, v7;
	v7 =	vld [tilespmem:s6+$0x1650]  }
0x115: {  	s7 =	sadd.s32 $0x200, s7;
	v12 =	vmul.f32 v12, v8;
	v8 =	vld [tilespmem:s6+$0x1660]  }
0x116: {  	[tilespmem:s6+$0x1600] =	vst v13;
	v6 =	vmul.f32 v6, v11;
	v63 =	vld [tilespmem:s6+$0x1670]  }
0x117: {  	[tilespmem:s6+$0x1610] =	vst v12;
	v5 =	vmul.f32 v5, v10  }
0x118: {  	[tilespmem:s6+$0x1620] =	vst v6;
	v4 =	vmul.f32 v4, v9  }
0x119: {  	[tilespmem:s6+$0x1630] =	vst v5;
	v3 =	vmul.f32 v3, v7  }
0x11a: {  	[tilespmem:s6+$0x1640] =	vst v4;
	v2 =	vmul.f32 v2, v8  }
0x11b: {  	[tilespmem:s6+$0x1650] =	vst v3;
	v1 =	vmul.f32 v1, v63  }
0x11c: {  	[tilespmem:s6+$0x1660] =	vst v2  }
0x11d: {  	[tilespmem:s6+$0x1670] =	vst v1  }
0x11e: {  	_ =	swait.ge [sflag:s2], $0x28  }
0x11f: {  	[sflag:s2] =	ssyncset.done $0x0  }
0x120: {  	s6 =	simm.s32 $0x1;
	[sflag:s2] =	ssyncadd.s32 $0xFFFFFFD8  }
0x121: {  	[spmem:s21] =	stream.indirect.scatter.add.f32 [tilespmem:s28], [sflag:$0xA], $0x80, s15, s25, $0xb8;
	[tilespmem:$0x18A80] =	vst v63  }
.LBB2_8:
0x122: {  	_ =	swait.ge [sflag:s3], $0x1400;
	s7 =	smul.u32 $0x50, s6  }
0x123: {  	[sflag:s3] =	ssyncset.done $0x0  }
0x124: {  	[sflag:s3] =	ssyncadd.s32 $0xFFFFEC00;
	s8 =	sadd.s32 s4, s7  }
0x125: {  	_ =	swait.ge [sflag:s5], $0x1400;
	s9 =	sshrl.u32 s8, $0x3  }
0x126: {  	[sflag:s5] =	ssyncset.done $0x0;
	s9 =	sadd.s32 $0x4E20, s9  }
0x127: {  	s14 =	simm.s32 $0x0;
	[sflag:s5] =	ssyncadd.s32 $0xFFFFEC00;
	s1 =	sadd.s32 s16, s9  }
0x128: {  	[tilespmem:s14], [sflag:$0x1] =	stream.linear.gather [hbm4b:s1+s14], $0x28, $0x38;
	[tilespmem:$0x18A80] =	vst v63  }
0x129: {  	s8 =	sshll.u32 s8, $0x4;
	s9 =	sadd.s32 s18, s9  }
0x12a: {  	[tilespmem:s22], [sflag:$0x3] =	stream.linear.gather [hbm4b:s9+s14], $0x28, $0x38;
	[tilespmem:$0x18A80] =	vst v63  }
0x12b: {  	s1 =	sadd.s32 s23, s8  }
0x12c: {  	[tilespmem:s10], [sflag:$0x7] =	stream.linear.gather [hbm4b:s1+s14], $0x1400, $0x38;
	[tilespmem:$0x18A80] =	vst v63  }
0x12d: {  	s1 =	sadd.s32 s7, s12  }
0x12e: {  	s7 =	sshrl.u32 s1, $0x3  }
0x12f: {  	s7 =	sadd.s32 $0x4E20, s7  }
0x130: {  	s9 =	sadd.s32 s16, s7  }
0x131: {  	[tilespmem:s11], [sflag:$0x2] =	stream.linear.gather [hbm4b:s9+s14], $0x28, $0x38;
	[tilespmem:$0x18A80] =	vst v63  }
0x132: {  	s1 =	sshll.u32 s1, $0x4;
	s7 =	sadd.s32 s18, s7  }
0x133: {  	[tilespmem:s15], [sflag:$0x4] =	stream.linear.gather [hbm4b:s7+s14], $0x28, $0x38;
	[tilespmem:$0x18A80] =	vst v63  }
0x134: {  	s1 =	sadd.s32 s23, s1;
	s9 =	simm.s32 $0x3E00  }
0x135: {  	[tilespmem:s9], [sflag:$0x8] =	stream.linear.gather [hbm4b:s1+s14], $0x1400, $0x38;
	[tilespmem:$0x18A80] =	vst v63  }
0x136: {  	_ =	swait.ge [sflag:s24], $0x28  }
0x137: {  	[sflag:s24] =	ssyncset.done $0x0  }
0x138: {  	[sflag:s24] =	ssyncadd.s32 $0xFFFFFFD8  }
0x139: {  	[tilespmem:s19], [sflag:$0x5] =	stream.indirect.gather [hbm4b:s13+s25], $0x80, s14, s25, $0xb8;
	[tilespmem:$0x18A80] =	vst v63  }
0x13a: {  	_ =	swait.ge [sflag:s26], $0x28  }
0x13b: {  	[sflag:s26] =	ssyncset.done $0x0  }
0x13c: {  	[sflag:s26] =	ssyncadd.s32 $0xFFFFFFD8  }
0x13d: {  	[tilespmem:s28], [sflag:$0x6] =	stream.indirect.gather [hbm4b:s13+s25], $0x80, s11, s25, $0xb8;
	[tilespmem:$0x18A80] =	vst v63  }
0x13e: {  	_ =	swait.ge [sflag:s29], $0x1400  }
0x13f: {  	[sflag:s29] =	ssyncset.done $0x0  }
0x140: {  	[sflag:s29] =	ssyncadd.s32 $0xFFFFEC00  }
0x141: {  	_ =	swait.ge [sflag:s30], $0x1400  }
0x142: {  	[sflag:s30] =	ssyncset.done $0x0  }
0x143: {  	s7 =	simm.s32 $0x0;
	[sflag:s30] =	ssyncadd.s32 $0xFFFFEC00  }
0x144: {  	v8 =	vld [tilespmem:s7+$0x2A00]  }
0x145: {  	v12 =	vld [tilespmem:s7+$0x2A10]  }
0x146: {  	v6 =	vld [tilespmem:s7+$0x2A20]  }
0x147: {  	v5 =	vld [tilespmem:s7+$0x2A30]  }
0x148: {  	v4 =	vld [tilespmem:s7+$0x2A40]  }
0x149: {  	v3 =	vld [tilespmem:s7+$0x2A50]  }
0x14a: {  	v2 =	vld [tilespmem:s7+$0x2A60]  }
0x14b: {  	v1 =	vld [tilespmem:s7+$0x2A70]  }
0x14c: {  	v13 =	vld [tilespmem:s7+$0x200]  }
0x14d: {  	v14 =	vld [tilespmem:s7+$0x210]  }
0x14e: {  	v11 =	vld [tilespmem:s7+$0x220]  }
0x14f: {  	v10 =	vld [tilespmem:s7+$0x230]  }
0x150: {  	v9 =	vld [tilespmem:s7+$0x240]  }
0x151: {  	v7 =	vld [tilespmem:s7+$0x250];
	v13 =	vmul.f32 v8, v13  }
0x152: {  	s8 =	simm.s32 $0x200;
	v12 =	vmul.f32 v12, v14;
	v8 =	vld [tilespmem:s7+$0x260]  }
.LBB2_9:
0x153: {  	s1 =	sshra.s32 s8, $0x2;
	p1 =	sne.s32 s8, $0x4E00;
	[tilespmem:s7+$0x200] =	vst v13;
	v6 =	vmul.f32 v6, v11;
	v11 =	vld [tilespmem:s7+$0x270]  }
0x154: {  	v13 =	vld [tilespmem:s1+$0x2A00];
	[tilespmem:s7+$0x210] =	vst v12;
	v5 =	vmul.f32 v5, v10  }
0x155: {  	v12 =	vld [tilespmem:s1+$0x2A10];
	[tilespmem:s7+$0x220] =	vst v6;
	v4 =	vmul.f32 v4, v9  }
0x156: {  	v6 =	vld [tilespmem:s1+$0x2A20];
	[tilespmem:s7+$0x230] =	vst v5;
	v3 =	vmul.f32 v3, v7  }
0x157: {  	v5 =	vld [tilespmem:s1+$0x2A30];
	[tilespmem:s7+$0x240] =	vst v4;
	v2 =	vmul.f32 v2, v8  }
0x158: {  	v4 =	vld [tilespmem:s1+$0x2A40];
	[tilespmem:s7+$0x250] =	vst v3;
	v1 =	vmul.f32 v1, v11  }
0x159: {  	v3 =	vld [tilespmem:s1+$0x2A50];
	[tilespmem:s7+$0x260] =	vst v2  }
0x15a: {  	v2 =	vld [tilespmem:s1+$0x2A60];
	[tilespmem:s7+$0x270] =	vst v1;
	s7 =	smov.u32 s1  }
0x15b: {  	v1 =	vld [tilespmem:s7+$0x2A70]  }
0x15c: {  	v7 =	vld [tilespmem:s7+$0x200]  }
0x15d: {  	v8 =	vld [tilespmem:s7+$0x210]  }
.Ltmp3:
0x15e: {  	v11 =	vld [tilespmem:s7+$0x220];
	(pc) =	sbr.rel @p1 .LBB2_9-.Ltmp3, $4  }
0x15f: {  	v10 =	vld [tilespmem:s7+$0x230]  }
0x160: {  	v9 =	vld [tilespmem:s7+$0x240]  }
0x161: {  	v13 =	vmul.f32 v13, v7;
	v7 =	vld [tilespmem:s7+$0x250]  }
0x162: {  	s8 =	sadd.s32 $0x200, s8;
	v12 =	vmul.f32 v12, v8;
	v8 =	vld [tilespmem:s7+$0x260]  }
0x163: {  	[tilespmem:s7+$0x200] =	vst v13;
	v6 =	vmul.f32 v6, v11;
	v11 =	vld [tilespmem:s7+$0x270]  }
0x164: {  	[tilespmem:s7+$0x210] =	vst v12;
	v5 =	vmul.f32 v5, v10  }
0x165: {  	[tilespmem:s7+$0x220] =	vst v6;
	v4 =	vmul.f32 v4, v9  }
0x166: {  	[tilespmem:s7+$0x230] =	vst v5;
	v3 =	vmul.f32 v3, v7  }
0x167: {  	[tilespmem:s7+$0x240] =	vst v4;
	v2 =	vmul.f32 v2, v8  }
0x168: {  	[tilespmem:s7+$0x250] =	vst v3;
	v1 =	vmul.f32 v1, v11  }
0x169: {  	[tilespmem:s7+$0x260] =	vst v2  }
0x16a: {  	[tilespmem:s7+$0x270] =	vst v1  }
0x16b: {  	_ =	swait.ge [sflag:s31], $0x28  }
0x16c: {  	[sflag:s31] =	ssyncset.done $0x0  }
0x16d: {  	[sflag:s31] =	ssyncadd.s32 $0xFFFFFFD8  }
0x16e: {  	[spmem:s21] =	stream.indirect.scatter.add.f32 [tilespmem:s19], [sflag:$0x9], $0x80, s22, s25, $0xb8;
	[tilespmem:$0x18A80] =	vst v63  }
0x16f: {  	_ =	swait.ge [sflag:s17], $0x1400  }
0x170: {  	[sflag:s17] =	ssyncset.done $0x0  }
0x171: {  	[sflag:s17] =	ssyncadd.s32 $0xFFFFEC00  }
0x172: {  	_ =	swait.ge [sflag:s0], $0x1400  }
0x173: {  	[sflag:s0] =	ssyncset.done $0x0  }
0x174: {  	s7 =	simm.s32 $0x0;
	[sflag:s0] =	ssyncadd.s32 $0xFFFFEC00  }
0x175: {  	v8 =	vld [tilespmem:s7+$0x3E00]  }
0x176: {  	v12 =	vld [tilespmem:s7+$0x3E10]  }
0x177: {  	v6 =	vld [tilespmem:s7+$0x3E20]  }
0x178: {  	v5 =	vld [tilespmem:s7+$0x3E30]  }
0x179: {  	v4 =	vld [tilespmem:s7+$0x3E40]  }
0x17a: {  	v3 =	vld [tilespmem:s7+$0x3E50]  }
0x17b: {  	v2 =	vld [tilespmem:s7+$0x3E60]  }
0x17c: {  	v1 =	vld [tilespmem:s7+$0x3E70]  }
0x17d: {  	v13 =	vld [tilespmem:s7+$0x1600]  }
0x17e: {  	v14 =	vld [tilespmem:s7+$0x1610]  }
0x17f: {  	v11 =	vld [tilespmem:s7+$0x1620]  }
0x180: {  	v10 =	vld [tilespmem:s7+$0x1630]  }
0x181: {  	v9 =	vld [tilespmem:s7+$0x1640]  }
0x182: {  	v7 =	vld [tilespmem:s7+$0x1650];
	v13 =	vmul.f32 v8, v13  }
0x183: {  	s8 =	simm.s32 $0x200;
	v12 =	vmul.f32 v12, v14;
	v8 =	vld [tilespmem:s7+$0x1660]  }
.LBB2_11:
0x184: {  	s1 =	sshra.s32 s8, $0x2;
	p1 =	sne.s32 s8, $0x4E00;
	[tilespmem:s7+$0x1600] =	vst v13;
	v6 =	vmul.f32 v6, v11;
	v11 =	vld [tilespmem:s7+$0x1670]  }
0x185: {  	v13 =	vld [tilespmem:s1+$0x3E00];
	[tilespmem:s7+$0x1610] =	vst v12;
	v5 =	vmul.f32 v5, v10  }
0x186: {  	v12 =	vld [tilespmem:s1+$0x3E10];
	[tilespmem:s7+$0x1620] =	vst v6;
	v4 =	vmul.f32 v4, v9  }
0x187: {  	v6 =	vld [tilespmem:s1+$0x3E20];
	[tilespmem:s7+$0x1630] =	vst v5;
	v3 =	vmul.f32 v3, v7  }
0x188: {  	v5 =	vld [tilespmem:s1+$0x3E30];
	[tilespmem:s7+$0x1640] =	vst v4;
	v2 =	vmul.f32 v2, v8  }
0x189: {  	v4 =	vld [tilespmem:s1+$0x3E40];
	[tilespmem:s7+$0x1650] =	vst v3;
	v1 =	vmul.f32 v1, v11  }
0x18a: {  	v3 =	vld [tilespmem:s1+$0x3E50];
	[tilespmem:s7+$0x1660] =	vst v2  }
0x18b: {  	v2 =	vld [tilespmem:s1+$0x3E60];
	[tilespmem:s7+$0x1670] =	vst v1;
	s7 =	smov.u32 s1  }
0x18c: {  	v1 =	vld [tilespmem:s7+$0x3E70]  }
0x18d: {  	v7 =	vld [tilespmem:s7+$0x1600]  }
0x18e: {  	v8 =	vld [tilespmem:s7+$0x1610]  }
.Ltmp4:
0x18f: {  	v11 =	vld [tilespmem:s7+$0x1620];
	(pc) =	sbr.rel @p1 .LBB2_11-.Ltmp4, $4  }
0x190: {  	v10 =	vld [tilespmem:s7+$0x1630]  }
0x191: {  	v9 =	vld [tilespmem:s7+$0x1640]  }
0x192: {  	v13 =	vmul.f32 v13, v7;
	v7 =	vld [tilespmem:s7+$0x1650]  }
0x193: {  	s8 =	sadd.s32 $0x200, s8;
	v12 =	vmul.f32 v12, v8;
	v8 =	vld [tilespmem:s7+$0x1660]  }
0x194: {  	[tilespmem:s7+$0x1600] =	vst v13;
	v6 =	vmul.f32 v6, v11;
	v63 =	vld [tilespmem:s7+$0x1670]  }
0x195: {  	[tilespmem:s7+$0x1610] =	vst v12;
	v5 =	vmul.f32 v5, v10  }
0x196: {  	[tilespmem:s7+$0x1620] =	vst v6;
	v4 =	vmul.f32 v4, v9  }
0x197: {  	[tilespmem:s7+$0x1630] =	vst v5;
	v3 =	vmul.f32 v3, v7  }
0x198: {  	[tilespmem:s7+$0x1640] =	vst v4;
	v2 =	vmul.f32 v2, v8  }
0x199: {  	s6 =	sadd.s32 $0x1, s6;
	[tilespmem:s7+$0x1650] =	vst v3;
	v1 =	vmul.f32 v1, v63  }
0x19a: {  	p1 =	sne.s32 s6, $0x3E;
	[tilespmem:s7+$0x1660] =	vst v2  }
.Ltmp5:
0x19b: {  	[tilespmem:s7+$0x1670] =	vst v1;
	(pc) =	sbr.rel @p1 .LBB2_8-.Ltmp5, $4  }
0x19c: {  	_ =	swait.ge [sflag:s2], $0x28  }
0x19d: {  	[sflag:s2] =	ssyncset.done $0x0  }
0x19e: {  	[sflag:s2] =	ssyncadd.s32 $0xFFFFFFD8  }
0x19f: {  	[spmem:s21] =	stream.indirect.scatter.add.f32 [tilespmem:s28], [sflag:$0xA], $0x80, s15, s25, $0xb8;
	[tilespmem:$0x18A80] =	vst v63  }
0x1a0: {  	_ =	swait.ge [sflag:s3], $0x1400  }
0x1a1: {  	s6 =	sld [smem:$0x7F7]  }
0x1a2: {  	[sflag:s3] =	ssyncset.done $0x0  }
0x1a3: {  	s1 =	simm.s32 $0x0;
	s9 =	sld [smem:$0x7F8];
	[sflag:s3] =	ssyncadd.s32 $0xFFFFEC00  }
0x1a4: {  	[tilespmem:s1], [sflag:$0x1] =	stream.linear.gather [hbm4b:s6+s1], $0x28, $0x38;
	[tilespmem:$0x18A80] =	vst v63  }
0x1a5: {  	s14 =	sld [smem:$0x7FC]  }
0x1a6: {  	[tilespmem:s22], [sflag:$0x3] =	stream.linear.gather [hbm4b:s9+s1], $0x28, $0x38;
	[tilespmem:$0x18A80] =	vst v63  }
0x1a7: {  	_ = 	snop  }
0x1a8: {  	[tilespmem:s10], [sflag:$0x7] =	stream.linear.gather [hbm4b:s14+s1], $0x1400, $0x38;
	[tilespmem:$0x18A80] =	vst v63  }
0x1a9: {  	_ =	swait.ge [sflag:s24], $0x28  }
0x1aa: {  	[sflag:s24] =	ssyncset.done $0x0  }
0x1ab: {  	[sflag:s24] =	ssyncadd.s32 $0xFFFFFFD8  }
0x1ac: {  	[tilespmem:s19], [sflag:$0x5] =	stream.indirect.gather [hbm4b:s13+s25], $0x80, s1, s25, $0xb8;
	[tilespmem:$0x18A80] =	vst v63  }
0x1ad: {  	_ =	swait.ge [sflag:s29], $0x1400  }
0x1ae: {  	[sflag:s29] =	ssyncset.done $0x0  }
0x1af: {  	[sflag:s29] =	ssyncadd.s32 $0xFFFFEC00  }
0x1b0: {  	_ =	swait.ge [sflag:s30], $0x1400  }
0x1b1: {  	[sflag:s30] =	ssyncset.done $0x0  }
0x1b2: {  	s6 =	simm.s32 $0x0;
	[sflag:s30] =	ssyncadd.s32 $0xFFFFEC00  }
0x1b3: {  	v8 =	vld [tilespmem:s6+$0x2A00]  }
0x1b4: {  	v12 =	vld [tilespmem:s6+$0x2A10]  }
0x1b5: {  	v6 =	vld [tilespmem:s6+$0x2A20]  }
0x1b6: {  	v5 =	vld [tilespmem:s6+$0x2A30]  }
0x1b7: {  	v4 =	vld [tilespmem:s6+$0x2A40]  }
0x1b8: {  	v3 =	vld [tilespmem:s6+$0x2A50]  }
0x1b9: {  	v2 =	vld [tilespmem:s6+$0x2A60]  }
0x1ba: {  	v1 =	vld [tilespmem:s6+$0x2A70]  }
0x1bb: {  	v13 =	vld [tilespmem:s6+$0x200]  }
0x1bc: {  	v14 =	vld [tilespmem:s6+$0x210]  }
0x1bd: {  	v11 =	vld [tilespmem:s6+$0x220]  }
0x1be: {  	v10 =	vld [tilespmem:s6+$0x230]  }
0x1bf: {  	v9 =	vld [tilespmem:s6+$0x240]  }
0x1c0: {  	v7 =	vld [tilespmem:s6+$0x250];
	v13 =	vmul.f32 v8, v13  }
0x1c1: {  	s7 =	simm.s32 $0x200;
	s8 =	rddreg [dreg:$0x19];
	v12 =	vmul.f32 v12, v14;
	v8 =	vld [tilespmem:s6+$0x260]  }
.LBB2_14:
0x1c2: {  	s1 =	sshra.s32 s7, $0x2;
	p1 =	sne.s32 s7, $0x4E00;
	[tilespmem:s6+$0x200] =	vst v13;
	v6 =	vmul.f32 v6, v11;
	v11 =	vld [tilespmem:s6+$0x270]  }
0x1c3: {  	v13 =	vld [tilespmem:s1+$0x2A00];
	[tilespmem:s6+$0x210] =	vst v12;
	v5 =	vmul.f32 v5, v10  }
0x1c4: {  	v12 =	vld [tilespmem:s1+$0x2A10];
	[tilespmem:s6+$0x220] =	vst v6;
	v4 =	vmul.f32 v4, v9  }
0x1c5: {  	v6 =	vld [tilespmem:s1+$0x2A20];
	[tilespmem:s6+$0x230] =	vst v5;
	v3 =	vmul.f32 v3, v7  }
0x1c6: {  	v5 =	vld [tilespmem:s1+$0x2A30];
	[tilespmem:s6+$0x240] =	vst v4;
	v2 =	vmul.f32 v2, v8  }
0x1c7: {  	v4 =	vld [tilespmem:s1+$0x2A40];
	[tilespmem:s6+$0x250] =	vst v3;
	v1 =	vmul.f32 v1, v11  }
0x1c8: {  	v3 =	vld [tilespmem:s1+$0x2A50];
	[tilespmem:s6+$0x260] =	vst v2  }
0x1c9: {  	v2 =	vld [tilespmem:s1+$0x2A60];
	[tilespmem:s6+$0x270] =	vst v1;
	s6 =	smov.u32 s1  }
0x1ca: {  	v1 =	vld [tilespmem:s6+$0x2A70]  }
0x1cb: {  	v7 =	vld [tilespmem:s6+$0x200]  }
0x1cc: {  	v8 =	vld [tilespmem:s6+$0x210]  }
.Ltmp6:
0x1cd: {  	v11 =	vld [tilespmem:s6+$0x220];
	(pc) =	sbr.rel @p1 .LBB2_14-.Ltmp6, $4  }
0x1ce: {  	v10 =	vld [tilespmem:s6+$0x230]  }
0x1cf: {  	v9 =	vld [tilespmem:s6+$0x240]  }
0x1d0: {  	v13 =	vmul.f32 v13, v7;
	v7 =	vld [tilespmem:s6+$0x250]  }
0x1d1: {  	s7 =	sadd.s32 $0x200, s7;
	v12 =	vmul.f32 v12, v8;
	v8 =	vld [tilespmem:s6+$0x260]  }
0x1d2: {  	[tilespmem:s6+$0x200] =	vst v13;
	v6 =	vmul.f32 v6, v11;
	v63 =	vld [tilespmem:s6+$0x270]  }
0x1d3: {  	[tilespmem:s6+$0x210] =	vst v12;
	v5 =	vmul.f32 v5, v10  }
0x1d4: {  	[tilespmem:s6+$0x220] =	vst v6;
	v4 =	vmul.f32 v4, v9  }
0x1d5: {  	[tilespmem:s6+$0x230] =	vst v5;
	v3 =	vmul.f32 v3, v7  }
0x1d6: {  	[tilespmem:s6+$0x240] =	vst v4;
	v2 =	vmul.f32 v2, v8  }
0x1d7: {  	[tilespmem:s6+$0x250] =	vst v3;
	v1 =	vmul.f32 v1, v63  }
0x1d8: {  	[tilespmem:s6+$0x260] =	vst v2  }
0x1d9: {  	[tilespmem:s6+$0x270] =	vst v1  }
0x1da: {  	_ =	swait.ge [sflag:s31], $0x28  }
0x1db: {  	[sflag:s31] =	ssyncset.done $0x0  }
0x1dc: {  	[sflag:s31] =	ssyncadd.s32 $0xFFFFFFD8  }
0x1dd: {  	[spmem:s21] =	stream.indirect.scatter.add.f32 [tilespmem:s19], [sflag:$0x9], $0x80, s22, s25, $0xb8;
	[tilespmem:$0x18A80] =	vst v63  }
0x1de: {  	_ =	swait.ge [sflag:s3], $0x1400  }
0x1df: {  	[sflag:s3] =	ssyncset.done $0x0  }
0x1e0: {  	[sflag:s3] =	ssyncadd.s32 $0xFFFFEC00  }
0x1e1: {  	_ =	swait.ge [sflag:s5], $0x1400  }
0x1e2: {  	[sflag:s5] =	ssyncset.done $0x0  }
0x1e3: {  	[sflag:s5] =	ssyncadd.s32 $0xFFFFEC00  }
0x1e4: {  	s1 =	stileid.u32;
	[bflag:$0x0] =	sbarrier.arrive $0xFFFF  }
0x1e5: {  	s1 =	sshll.u32 s1, $0x6;
	s9 =	rddreg [dreg:$0x17]  }
0x1e6: {  	s6 =	sor.u32 $0x1C0B, s1;
	s7 =	rddreg [dreg:$0x7];
	s14 =	sshrl.u32 s9, $0x3  }
0x1e7: {  	[hbm:s7], [sflag:s6] =	dma.local [spmem:s14], $0x280  }
0x1e8: {  	_ =	swait.ge [sflag:s20], $0x280  }
0x1e9: {  	[sflag:s20] =	ssyncset.done $0x0;
	s7 =	rddreg [dreg:$0x18]  }
0x1ea: {  	s14 =	rddreg [dreg:$0x8];
	[sflag:s20] =	ssyncadd.s32 $0xFFFFFD80;
	s1 =	sshrl.u32 s7, $0x3  }
0x1eb: {  	[hbm:s14], [sflag:s6] =	dma.local [spmem:s1], $0x280  }
0x1ec: {  	_ =	swait.ge [sflag:s20], $0x280  }
0x1ed: {  	[sflag:s20] =	ssyncset.done $0x0  }
0x1ee: {  	s7 =	sshrl.u32 s8, $0x3;
	s14 =	rddreg [dreg:$0x9];
	[sflag:s20] =	ssyncadd.s32 $0xFFFFFD80  }
0x1ef: {  	[hbm:s14], [sflag:s6] =	dma.local [spmem:s7], $0x280  }
0x1f0: {  	_ =	swait.ge [sflag:s20], $0x280  }
0x1f1: {  	[sflag:s20] =	ssyncset.done $0x0;
	s7 =	rddreg [dreg:$0x1a]  }
0x1f2: {  	s14 =	rddreg [dreg:$0xa];
	[sflag:s20] =	ssyncadd.s32 $0xFFFFFD80;
	s1 =	sshrl.u32 s7, $0x3  }
0x1f3: {  	[hbm:s14], [sflag:s6] =	dma.local [spmem:s1], $0x280  }
0x1f4: {  	_ =	swait.ge [sflag:s20], $0x280  }
0x1f5: {  	[sflag:s20] =	ssyncset.done $0x0;
	s7 =	rddreg [dreg:$0x1b]  }
0x1f6: {  	s14 =	rddreg [dreg:$0xb];
	[sflag:s20] =	ssyncadd.s32 $0xFFFFFD80;
	s1 =	sshrl.u32 s7, $0x3  }
0x1f7: {  	[hbm:s14], [sflag:s6] =	dma.local [spmem:s1], $0x280  }
0x1f8: {  	_ =	swait.ge [sflag:s20], $0x280  }
0x1f9: {  	[sflag:s20] =	ssyncset.done $0x0;
	s7 =	rddreg [dreg:$0x1c]  }
0x1fa: {  	s14 =	rddreg [dreg:$0xc];
	[sflag:s20] =	ssyncadd.s32 $0xFFFFFD80;
	s1 =	sshrl.u32 s7, $0x3  }
0x1fb: {  	[hbm:s14], [sflag:s6] =	dma.local [spmem:s1], $0x280  }
0x1fc: {  	_ =	swait.ge [sflag:s20], $0x280  }
0x1fd: {  	[sflag:s20] =	ssyncset.done $0x0;
	s7 =	rddreg [dreg:$0x1d]  }
0x1fe: {  	s14 =	rddreg [dreg:$0xd];
	[sflag:s20] =	ssyncadd.s32 $0xFFFFFD80;
	s1 =	sshrl.u32 s7, $0x3  }
0x1ff: {  	[hbm:s14], [sflag:s6] =	dma.local [spmem:s1], $0x280  }
0x200: {  	_ =	swait.ge [sflag:s20], $0x280  }
0x201: {  	[sflag:s20] =	ssyncset.done $0x0;
	s7 =	rddreg [dreg:$0x1e]  }
0x202: {  	s14 =	rddreg [dreg:$0xe];
	[sflag:s20] =	ssyncadd.s32 $0xFFFFFD80;
	s1 =	sshrl.u32 s7, $0x3  }
0x203: {  	[hbm:s14], [sflag:s6] =	dma.local [spmem:s1], $0x280  }
0x204: {  	_ =	swait.ge [sflag:s20], $0x280  }
0x205: {  	[sflag:s20] =	ssyncset.done $0x0;
	s7 =	rddreg [dreg:$0x1f]  }
0x206: {  	s14 =	rddreg [dreg:$0xf];
	[sflag:s20] =	ssyncadd.s32 $0xFFFFFD80;
	s1 =	sshrl.u32 s7, $0x3  }
0x207: {  	[hbm:s14], [sflag:s6] =	dma.local [spmem:s1], $0x280  }
0x208: {  	_ =	swait.ge [sflag:s20], $0x280  }
0x209: {  	s14 =	sld [smem:$0x7FD];
	_ =	sdelay $0x1  }
0x20a: {  	[sflag:s20] =	ssyncset.done $0x0  }
0x20b: {  	s7 =	rddreg [dreg:$0x10];
	[sflag:s20] =	ssyncadd.s32 $0xFFFFFD80;
	s1 =	sshrl.u32 s14, $0x3  }
0x20c: {  	[hbm:s7], [sflag:s6] =	dma.local [spmem:s1], $0x280  }
0x20d: {  	_ =	swait.ge [sflag:s20], $0x280  }
0x20e: {  	s7 =	sld [smem:$0x7EB];
	_ =	sdelay $0x1  }
0x20f: {  	[sflag:s20] =	ssyncset.done $0x0  }
0x210: {  	[sflag:s20] =	ssyncadd.s32 $0xFFFFFD80;
	s1 =	sshrl.u32 s7, $0x3;
	s7 =	rddreg [dreg:$0x11]  }
0x211: {  	[hbm:s7], [sflag:s6] =	dma.local [spmem:s1], $0x280  }
0x212: {  	_ =	swait.ge [sflag:s20], $0x280  }
0x213: {  	s7 =	sld [smem:$0x7ED];
	_ =	sdelay $0x1  }
0x214: {  	[sflag:s20] =	ssyncset.done $0x0  }
0x215: {  	[sflag:s20] =	ssyncadd.s32 $0xFFFFFD80;
	s1 =	sshrl.u32 s7, $0x3;
	s7 =	rddreg [dreg:$0x12]  }
0x216: {  	[hbm:s7], [sflag:s6] =	dma.local [spmem:s1], $0x280  }
0x217: {  	_ =	swait.ge [sflag:s20], $0x280  }
0x218: {  	s7 =	sld [smem:$0x7EE];
	_ =	sdelay $0x1  }
0x219: {  	[sflag:s20] =	ssyncset.done $0x0  }
0x21a: {  	[sflag:s20] =	ssyncadd.s32 $0xFFFFFD80;
	s1 =	sshrl.u32 s7, $0x3;
	s7 =	rddreg [dreg:$0x13]  }
0x21b: {  	[hbm:s7], [sflag:s6] =	dma.local [spmem:s1], $0x280  }
0x21c: {  	_ =	swait.ge [sflag:s20], $0x280  }
0x21d: {  	s7 =	sld [smem:$0x7EF];
	_ =	sdelay $0x1  }
0x21e: {  	[sflag:s20] =	ssyncset.done $0x0  }
0x21f: {  	[sflag:s20] =	ssyncadd.s32 $0xFFFFFD80;
	s1 =	sshrl.u32 s7, $0x3;
	s7 =	rddreg [dreg:$0x14]  }
0x220: {  	[hbm:s7], [sflag:s6] =	dma.local [spmem:s1], $0x280  }
0x221: {  	_ =	swait.ge [sflag:s20], $0x280  }
0x222: {  	s7 =	sld [smem:$0x7F0];
	_ =	sdelay $0x1  }
0x223: {  	[sflag:s20] =	ssyncset.done $0x0  }
0x224: {  	[sflag:s20] =	ssyncadd.s32 $0xFFFFFD80;
	s1 =	sshrl.u32 s7, $0x3;
	s7 =	rddreg [dreg:$0x15]  }
0x225: {  	[hbm:s7], [sflag:s6] =	dma.local [spmem:s1], $0x280  }
0x226: {  	_ =	swait.ge [sflag:s20], $0x280  }
0x227: {  	s1 =	sld [smem:$0x7F1];
	_ =	sdelay $0x1  }
0x228: {  	[sflag:s20] =	ssyncset.done $0x0  }
0x229: {  	s7 =	rddreg [dreg:$0x16];
	[sflag:s20] =	ssyncadd.s32 $0xFFFFFD80;
	s1 =	sshrl.u32 @!p0 s1, $0x3  }
0x22a: {  	[hbm:s7], [sflag:s6] =	dma.local @!p0 [spmem:s1], $0x280  }
0x22b: {  	s1 =	simm.s32 @!p0 $0xB  }
0x22c: {  	_ =	swait.ge @!p0 [sflag:s1], $0x280  }
0x22d: {  	s7 =	rddreg [dreg:$0x6]  }
0x22e: {  	s6 =	sadd.s32 $0x1, s7;
	s7 =	sld [smem:$0x7FA];
	_ =	sdelay $0x2  }
0x22f: {  	p1 =	sne.s32 s6, s7  }
.Ltmp7:
0x230: {  	_ = 	snop;
	(pc) =	sbr.rel @p1 .LBB2_1-.Ltmp7, $3  }
0x231: {  	_ =	sdelay $0x1  }
0x232: {  	[sflag:s1] =	ssyncset.done @!p0 $0x0  }
0x233: {  	[sflag:s1] =	ssyncadd.s32 @!p0 $0xFFFFFD80;
	[dreg:$0x6] =	wrdreg s6  }
0x234: {  	_ =	sfence.sel $0x180000  }
0x235: {  	[bflag:$0x0] =	sbarrier.arrive $0xFFFF  }
0x236: {  	_ =	strace $0x90000047  }
0x237: {  	s0 =	stileid.u32;
	[bflag:$0x2] =	sbarrier.arrive $0xFFFF  }
0x238: {  	p0 =	sne.s32 s0, $0x0;
	s0 =	rddreg [dreg:$0x5]  }
0x239: {  	s0 =	sadd.s32 @!p0 $0x100000, s0  }
0x23a: {  	[sflag:s0] =	ssyncadd.tile.s32 @!p0 $0x1;
	_ =	shalt  }
.Lfunc_end2:
_tile_overlayer_lowered:
.L_overlay_start_2:
0x23b: {  	(tag) =	ssettag $0x2  }
0x23c: {  	s0 =	rddreg [dreg:$0x0];
	s2 =	stileid.u32  }
0x23d: {  	s1 =	rddreg [dreg:$0x1];
	p0 =	sne.s32 s2, $0x0  }
0x23e: {  	s3 =	rddreg [dreg:$0x2];
	[bflag:$0x3] =	sbarrier.arrive $0xFFFF;
	s2 =	simm.s32 @!p0 $0x1C0B  }
0x23f: {  	[timem:s3], [sflag:s2] =	dma.local @!p0 [hbm:s0], s1  }
0x240: {  	s0 =	simm.s32 @!p0 $0xB  }
0x241: {  	_ =	swait.ge @!p0 [sflag:s0], s1  }
0x242: {  	s1 =	ssub.s32 @!p0 $0x0, s1;
	[sflag:s0] =	ssyncset.done @!p0 $0x0  }
0x243: {  	[sflag:s0] =	ssyncadd.s32 @!p0 s1  }
0x244: {  	[bflag:$0x3] =	sbarrier.arrive $0xFFFF  }
0x245: {  	_ =	shalt  }

// kernel: kernel.8.cloned.1.call-start
scs
__scs_entry_jumppad:
0x0: {  	(pc) =	sbr.rel $0x88, $3  }
0x1: {  	(tag) =	ssettag $0x0;
	lr =	simm.s32 $0x1  }
0x2: {  	[smem:$0x3F92] =	sst lr;
	_ =	strace $0xD0000000  }
0x3: {  	_ = 	snop  }
0x4: {  	_ = 	snop  }
0x5: {  	_ = 	snop  }
0x6: {  	_ = 	snop  }
0x7: {  	_ = 	snop  }
__scs_overlays_trampoline_lowered:
0x8: {  	[smem:$0x3FA1] =	sst s0  }
0x9: {  	[smem:$0x3FA2] =	sst s1  }
0xa: {  	[smem:$0x3FA3] =	sst s2  }
0xb: {  	[smem:$0x3FA4] =	sst s3  }
0xc: {  	[smem:$0x3FA5] =	sst s4  }
0xd: {  	[smem:$0x3FA6] =	sst s5  }
0xe: {  	[smem:$0x3FA7] =	sst s6  }
0xf: {  	[smem:$0x3FA8] =	sst s7  }
0x10: {  	[smem:$0x3FA9] =	sst s8  }
0x11: {  	[smem:$0x3FAA] =	sst s9;
	s0 =	simm.s32 @!p0 $0x0  }
0x12: {  	s1 =	sld [smem:$0x3F90];
	s0 =	simm.s32 @p0 $0x1  }
0x13: {  	[smem:$0x3FAB] =	sst s0;
	s0 =	simm.s32 @!p1 $0x0  }
0x14: {  	s2 =	sld [smem:$0x3F8F];
	s0 =	simm.s32 @p1 $0x1  }
0x15: {  	[smem:$0x3FAC] =	sst s0;
	s0 =	simm.s32 @!p2 $0x0  }
0x16: {  	s3 =	sld [smem:$0x3FDB];
	s0 =	simm.s32 @p2 $0x1  }
0x17: {  	s4 =	simm.s32 $0x1BF5;
	[smem:$0x3FAE] =	sst s0  }
0x18: {  	s0 =	sld [smem:$0x3F91];
	_ =	swait.ge [sflag:s4], $0x0  }
0x19: {  	s7 =	sld [smem:$0x3F92]  }
0x1a: {  	s8 =	sadd.s32 $0xFFFFE003, lr  }
0x1b: {  	s9 =	sadd.s32 $0xFFFFFEF7, lr;
	s5 =	simm.s32 $0xFFFFFFFF;
	p2 =	slt.u32 s8, $0xFFFFF086  }
0x1c: {  	p1 =	slt.u32 s9, $0xF7A;
	s5 =	simm.s32 @!p2 $0x0  }
0x1d: {  	s5 =	simm.s32 @p1 $0x1;
	p0 =	seq.s32 s7, s2  }
0x1e: {  	s7 =	smul.u32 @!p0 $0xF7A, s2;
	p2 =	seq.s32 @!p0 s5, $0x0  }
0x1f: {  	s9 =	smul.u32 $0xF7A, s1;
	s8 =	simm.s32 @!p0 $0x1BF5;
	p2 =	por !p2, p0  }
0x20: {  	[sflag:s8] =	ssyncset.s32 @!p0 $0xFFFFF086;
	s6 =	sadd.s32 @!p0 s3, s7;
	s7 =	simm.s32 @!p0 $0x108  }
0x21: {  	s3 =	sadd.s32 s3, s9;
	s6 =	sadd.s32 @!p0 $0x88, s6;
	s7 =	simm.s32 @p2 $0x1082  }
0x22: {  	[simem:s7], [sflag:s8] =	dma.local @!p0 [hbm:s6], $0xF7A  }
0x23: {  	s9 =	sor.u32 $0xD0000000, s2;
	s6 =	simm.s32 $0x108;
	_ =	swait.ge @!p0 [sflag:s8], $0x0  }
0x24: {  	s3 =	sadd.s32 $0x88, s3;
	s6 =	simm.s32 @!p1 $0x1082;
	[sflag:s4] =	ssyncset.s32 $0xFFFFF086  }
0x25: {  	[simem:s6], [sflag:s4] =	dma.local [hbm:s3], $0xF7A  }
0x26: {  	[smem:$0x3F92] =	sst s1;
	(tag) =	ssettag s2;
	_ =	strace s9  }
0x27: {  	s1 =	sld [smem:$0x3FA2]  }
0x28: {  	s2 =	sld [smem:$0x3FA3]  }
0x29: {  	s4 =	sld [smem:$0x3FA5]  }
0x2a: {  	p0 =	seq.s32 s5, $0x0;
	s5 =	sld [smem:$0x3FA6]  }
0x2b: {  	s6 =	sld [smem:$0x3FA7]  }
0x2c: {  	s7 =	sld [smem:$0x3FA8]  }
0x2d: {  	s3 =	simm.s32 $0x108;
	s8 =	sld [smem:$0x3FA9]  }
0x2e: {  	s3 =	simm.s32 @!p0 $0x1082;
	s9 =	sld [smem:$0x3FAA]  }
0x2f: {  	lr =	sadd.s32 s0, s3;
	s0 =	sld [smem:$0x3FA1]  }
0x30: {  	s3 =	sld [smem:$0x3FA4]  }
0x31: {  	[smem:$0x3FAD] =	sst s10  }
0x32: {  	s10 =	sld [smem:$0x3FAB];
	_ =	sdelay $0x3  }
0x33: {  	p0 =	seq.s32 s10, $0x1;
	s10 =	sld [smem:$0x3FAD];
	_ =	sdelay $0x3  }
0x34: {  	[smem:$0x3FAD] =	sst s10  }
0x35: {  	s10 =	sld [smem:$0x3FAC];
	_ =	sdelay $0x3  }
0x36: {  	p1 =	seq.s32 s10, $0x1;
	s10 =	sld [smem:$0x3FAD];
	_ =	sdelay $0x3  }
0x37: {  	[smem:$0x3FAD] =	sst s10  }
0x38: {  	s10 =	sld [smem:$0x3FAE]  }
0x39: {  	_ = 	snop;
	(pc) =	sbr.ind lr, $3  }
0x3a: {  	_ = 	snop  }
0x3b: {  	_ = 	snop  }
0x3c: {  	p2 =	seq.s32 s10, $0x1;
	s10 =	sld [smem:$0x3FAD]  }
0x3d: {  	_ =	shalt  }
0x3e: {  	_ =	shalt  }
0x3f: {  	_ =	shalt  }
0x40: {  	_ =	shalt  }
0x41: {  	_ =	shalt  }
0x42: {  	_ =	shalt  }
0x43: {  	_ =	shalt  }
0x44: {  	_ =	shalt  }
0x45: {  	_ =	shalt  }
0x46: {  	_ =	shalt  }
0x47: {  	_ =	shalt  }
0x48: {  	_ =	shalt  }
0x49: {  	_ =	shalt  }
0x4a: {  	_ =	shalt  }
0x4b: {  	_ =	shalt  }
0x4c: {  	_ =	shalt  }
0x4d: {  	_ =	shalt  }
0x4e: {  	_ =	shalt  }
0x4f: {  	_ =	shalt  }
0x50: {  	_ =	shalt  }
0x51: {  	_ =	shalt  }
0x52: {  	_ =	shalt  }
0x53: {  	_ =	shalt  }
0x54: {  	_ =	shalt  }
0x55: {  	_ =	shalt  }
0x56: {  	_ =	shalt  }
0x57: {  	_ =	shalt  }
0x58: {  	_ =	shalt  }
0x59: {  	_ =	shalt  }
0x5a: {  	_ =	shalt  }
0x5b: {  	_ =	shalt  }
0x5c: {  	_ =	shalt  }
0x5d: {  	_ =	shalt  }
0x5e: {  	_ =	shalt  }
0x5f: {  	_ =	shalt  }
0x60: {  	_ =	shalt  }
0x61: {  	_ =	shalt  }
0x62: {  	_ =	shalt  }
0x63: {  	_ =	shalt  }
0x64: {  	_ =	shalt  }
0x65: {  	_ =	shalt  }
0x66: {  	_ =	shalt  }
0x67: {  	_ =	shalt  }
0x68: {  	_ =	shalt  }
0x69: {  	_ =	shalt  }
0x6a: {  	_ =	shalt  }
0x6b: {  	_ =	shalt  }
0x6c: {  	_ =	shalt  }
0x6d: {  	_ =	shalt  }
0x6e: {  	_ =	shalt  }
0x6f: {  	_ =	shalt  }
0x70: {  	_ =	shalt  }
0x71: {  	_ =	shalt  }
0x72: {  	_ =	shalt  }
0x73: {  	_ =	shalt  }
0x74: {  	_ =	shalt  }
0x75: {  	_ =	shalt  }
0x76: {  	_ =	shalt  }
0x77: {  	_ =	shalt  }
0x78: {  	_ =	shalt  }
0x79: {  	_ =	shalt  }
0x7a: {  	_ =	shalt  }
0x7b: {  	_ =	shalt  }
0x7c: {  	_ =	shalt  }
0x7d: {  	_ =	shalt  }
0x7e: {  	_ =	shalt  }
0x7f: {  	_ =	shalt  }
0x80: {  	_ =	shalt  }
0x81: {  	_ =	shalt  }
0x82: {  	_ =	shalt  }
0x83: {  	_ =	shalt  }
0x84: {  	_ =	shalt  }
0x85: {  	_ =	shalt  }
0x86: {  	_ =	shalt  }
0x87: {  	_ =	shalt  }
.Lfunc_end0:
.L_simem_size_0:
called_computation_lowered:
.L_overlay_start_0:
0x88: {  	s2 =	sld [smem:$0x3FD9]  }
0x89: {  	s3 =	sld [smem:$0x3FFE];
	_ =	sdelay $0x1  }
0x8a: {  	s1 =	srdreg.scid  }
0x8b: {  	s0 =	sand.u32 $0x1, s1  }
0x8c: {  	s17 =	sshll.u32 s0, $0xA;
	s2 =	sadd.s32 s3, s2  }
0x8d: {  	s2 =	sadd.s32 s2, s17  }
0x8e: {  	[smem:$0x3FB9] =	sst s2  }
0x8f: {  	_ = 	snop  }
0x90: {  	s18 =	sld [smem:$0x3FC7]  }
0x91: {  	s4 =	sld [smem:$0x3FC6]  }
0x92: {  	s5 =	sld [smem:$0x3FD0];
	(tm) =	ssettm $0x1  }
0x93: {  	s19 =	sld [smem:$0x3FFB];
	_ =	sdelay $0x3  }
0x94: {  	_ =	strace s19  }
0x95: {  	s2 =	sld [smem:$0x3FFC];
	_ =	sdelay $0x3  }
0x96: {  	_ =	strace s2  }
0x97: {  	s2 =	sld [smem:$0x3FFD];
	_ =	sdelay $0x3  }
0x98: {  	_ =	strace s2  }
0x99: {  	_ =	strace $0x8FFFFFFF  }
0x9a: {  	s20 =	sld [smem:$0x3FDB];
	_ =	sdelay $0x1  }
0x9b: {  	s6 =	simm.s32 $_scs_section_size  }
0x9c: {  	s7 =	simm.s32 $_size__tile_overlayer_lowered;
	s8 =	simm.s32 $_tile_overlayer_lowered  }
0x9d: {  	s9 =	simm.s32 $0x1BFF;
	s21 =	sshll.u32 s8, $0x1;
	s6 =	sadd.s32 s6, s20  }
0x9e: {  	s22 =	simm.s32 $0x0;
	s7 =	sshll.u32 s7, $0x1;
	s8 =	sadd.s32 s21, s6  }
0x9f: {  	[timem:s22], [sflag:s9] =	dma.local [hbm:s8], s7  }
0xa0: {  	_ =	swait.ge [sflag:s9], s7  }
0xa1: {  	s7 =	ssub.s32 $0x0, s7;
	[sflag:s9] =	ssyncset.done $0x0  }
0xa2: {  	[sflag:s9] =	ssyncadd.s32 s7;
	_ =	sdelay $0x1  }
0xa3: {  	s23 =	simm.s32 $0x1B8B  }
0xa4: {  	_ =	swait.ge [sflag:s23], $0x1  }
0xa5: {  	[sflag:s23] =	ssyncset.done $0x0  }
0xa6: {  	[sflag:s23] =	ssyncadd.s32 $0xFFFFFFFF  }
0xa7: {  	s7 =	sld [smem:$0x0]  }
0xa8: {  	s8 =	sand.u32 $0xFFFFFFFE, s1  }
0xa9: {  	p0 =	sne.s32 s1, s8  }
0xaa: {  	s8 =	sshll.u32 @p0 s8, $0xE  }
0xab: {  	s8 =	sadd.s32 @p0 $0x11B8D, s8;
	s9 =	sshll.u32 @p0 s7, $0x11  }
0xac: {  	s8 =	sor.u32 @p0 s9, s8  }
0xad: {  	[sflag:s8] =	ssyncadd.remote.s32 @p0 $0x1;
	_ =	sdelay $0x1  }
0xae: {  	s8 =	simm.s32 @p0 $0x1B8D  }
0xaf: {  	_ =	swait.eq @p0 [sflag:s8], $0x1  }
0xb0: {  	[sflag:s8] =	ssyncadd.s32 @p0 $0xFFFFFFFF  }
0xb1: {  	s9 =	sshll.u32 @!p0 s1, $0xE  }
0xb2: {  	s9 =	sor.u32 @!p0 $0x4000, s9;
	s8 =	simm.s32 @!p0 $0x1B8D  }
0xb3: {  	s7 =	sshll.u32 @!p0 s7, $0x11;
	s9 =	sadd.s32 @!p0 $0x11B8D, s9;
	_ =	swait.eq @!p0 [sflag:s8], $0x1  }
0xb4: {  	s7 =	sor.u32 @!p0 s7, s9;
	[sflag:s8] =	ssyncadd.s32 @!p0 $0xFFFFFFFF  }
0xb5: {  	s25 =	simm.s32 $0x1B8E;
	s24 =	sld [smem:$0x3FFE];
	[sflag:s7] =	ssyncadd.remote.s32 @!p0 $0x1  }
0xb6: {  	s26 =	simm.s32 $execute0_lowered;
	[smem:$0x3FD2] =	sst s25  }
0xb7: {  	s8 =	sshll.u32 s26, $0x1;
	_ =	strace $0x80000049;
	[dreg:$0x1] =	wrdreg $0xFFFFFFFF  }
0xb8: {  	s28 =	simm.s32 $_size_execute0_lowered;
	s6 =	sadd.s32 s6, s8;
	[dreg:$0x0] =	wrdreg $0x0  }
0xb9: {  	s8 =	sshll.u32 s28, $0x1;
	[dreg:$0x2] =	wrdreg s6  }
0xba: {  	[dreg:$0x3] =	wrdreg s8  }
0xbb: {  	[dreg:$0x4] =	wrdreg $0xC0  }
0xbc: {  	_ =	task [dreg:s22], $0x5FFFF  }
0xbd: {  	[dreg:$0x1] =	wrdreg $0xFFFFFFFF  }
0xbe: {  	[dreg:$0x0] =	wrdreg $0x60  }
0xbf: {  	[dreg:$0x2] =	wrdreg s5  }
0xc0: {  	[dreg:$0x3] =	wrdreg s24  }
0xc1: {  	[dreg:$0x4] =	wrdreg s4  }
0xc2: {  	[dreg:$0x5] =	wrdreg s18  }
0xc3: {  	[dreg:$0x6] =	wrdreg $0x52000  }
0xc4: {  	[dreg:$0x7] =	wrdreg $0x9  }
0xc5: {  	_ =	task.clear_ibuf [dreg:s22], $0x8FFFF;
	_ =	strace $0x90000049  }
0xc6: {  	s29 =	simm.s32 $0x9;
	_ =	strace $0x8000004B  }
0xc7: {  	_ =	swait.ge [sflag:s29], $0x1  }
0xc8: {  	[sflag:s29] =	ssyncadd.s32 $0xFFFFFFFF  }
0xc9: {  	_ =	strace $0x9000004B  }
0xca: {  	_ =	sfence  }
0xcb: {  	s30 =	sld [smem:$0x0];
	_ =	sdelay $0x2  }
0xcc: {  	s31 =	sshll.u32 s1, $0xD;
	s1 =	sshrl.u32 s1, $0x2  }
0xcd: {  	s4 =	sand.u32 $0x4000, s31;
	s1 =	sadd.s32 s1, s30  }
0xce: {  	s0 =	sor.u32 s4, s0;
	s1 =	sshll.u32 s1, $0x11  }
0xcf: {  	s0 =	sor.u32 s1, s0  }
0xd0: {  	s0 =	sadd.s32 $0x8F2B, s0  }
0xd1: {  	[sflag:s0] =	ssyncadd.remote.s32 $0x1  }
0xd2: {  	_ =	sfence.sel $0xFFFF  }
0xd3: {  	[dreg:$0x0] =	wrdreg $0xFFFFFFFF;
	(pc) =	sbr.abs _section_cstart, $3  }
0xd4: {  	[dreg:$0x1] =	wrdreg $0xFFFFFFFF  }
0xd5: {  	_ =	task.clear_ibuf [dreg:s22], $0x2FFFF;
	_ =	strace $0x9FFFFFFF  }
0xd6: {  	(tm) =	ssettm $0x7FFFFFFF  }
0xd7: {  	_ =	shalt  }
tec
execute0_lowered:
.L_overlay_start_1:
0x0: {  	(tag) =	ssettag $0x1  }
0x1: {  	s0 =	srdreg.scid;
	s5 =	stileid.u32  }
0x2: {  	s1 =	sand.u32 $0x1, s0;
	s13 =	smul.u32 $0x1400, s5  }
0x3: {  	s19 =	sor.u32 $0x10, s5;
	s8 =	sor.u32 $0x20, s5;
	s15 =	smul.u32 $0x138800, s1  }
0x4: {  	s9 =	sor.u32 $0x30, s5;
	s10 =	sor.u32 $0x40, s5;
	s14 =	smul.u32 $0x1400, s19  }
0x5: {  	s25 =	sshll.u32 s5, $0x1;
	s11 =	sor.u32 $0x50, s5;
	s16 =	smul.u32 $0x1400, s8  }
0x6: {  	s12 =	sor.u32 $0x60, s5;
	s7 =	sor.u32 $0x70, s5;
	s17 =	smul.u32 $0x1400, s9  }
0x7: {  	s4 =	sor.u32 $0x80, s5;
	s3 =	sor.u32 $0x90, s5;
	s18 =	smul.u32 $0x1400, s10  }
0x8: {  	s0 =	ssub.s32 $0x2, s1;
	s26 =	sor.u32 s1, s25;
	s1 =	smul.u32 $0x1400, s11  }
0x9: {  	s6 =	sor.u32 $0xB0, s5;
	[smem:$0x7E7] =	sst s4;
	s20 =	smul.u32 $0x1400, s12  }
0xa: {  	p0 =	sgt.u32 s5, $0x9;
	[smem:$0x7E8] =	sst s3;
	s21 =	smul.u32 $0x1400, s7  }
0xb: {  	[smem:$0x7EA] =	sst s6;
	s23 =	smul.u32 $0x1400, s4;
	s2 =	sshrl.u32 s0, $0x1  }
0xc: {  	s25 =	smul.u32 $0x1400, s3;
	[smem:$0x7EE] =	sst s26;
	s0 =	ssub.s32 s0, s2  }
0xd: {  	s22 =	sadd.s32 s13, s15;
	s24 =	sadd.s32 s15, s14;
	s16 =	sadd.s32 s15, s16  }
0xe: {  	s26 =	sadd.s32 s15, s17;
	s28 =	sadd.s32 s15, s18;
	s13 =	sor.u32 $0xC0, s5  }
0xf: {  	s30 =	sadd.s32 s15, s1;
	s14 =	sor.u32 $0xD0, s5;
	s31 =	smul.u32 $0x1400, s13  }
0x10: {  	s20 =	sadd.s32 s15, s20;
	s17 =	sor.u32 $0xE0, s5;
	s1 =	smul.u32 $0x1400, s14  }
0x11: {  	[smem:$0x7FB] =	sst s0;
	s0 =	sor.u32 $0xA0, s5;
	s4 =	smul.u32 $0x1400, s17  }
0x12: {  	s21 =	sadd.s32 s15, s21;
	s23 =	sadd.s32 s15, s23;
	s29 =	smul.u32 $0x1400, s0  }
0x13: {  	s18 =	sor.u32 $0xF0, s5;
	[smem:$0x7E9] =	sst s0;
	s0 =	smul.u32 $0x1400, s6  }
0x14: {  	s25 =	sadd.s32 s15, s25;
	s6 =	smul.u32 $0x1400, s18;
	s31 =	sadd.s32 s15, s31  }
0x15: {  	s2 =	sadd.s32 s15, s1;
	s4 =	sadd.s32 s15, s4;
	s1 =	rddreg [dreg:$0x1]  }
0x16: {  	s29 =	sadd.s32 s15, s29;
	s3 =	sadd.s32 s15, s0;
	s6 =	sadd.s32 s15, s6  }
0x17: {  	s15 =	sshrl.u32 s22, $0x3;
	s22 =	sadd.s32 $0x532800, s1;
	s1 =	simm.s32 $0x0  }
0x18: {  	s11 =	smul.u32 $0x5000, s11;
	s0 =	simm.s32 $0x0;
	[dreg:$0x6] =	wrdreg s1  }
0x19: {  	s2 =	sshrl.u32 s2, $0x3;
	[smem:$0x7FF] =	sst s0;
	s15 =	sadd.s32 s22, s15  }
0x1a: {  	s1 =	sshrl.u32 s24, $0x3;
	s2 =	sadd.s32 s22, s2;
	[dreg:$0x7] =	wrdreg s15  }
0x1b: {  	s0 =	sshrl.u32 s16, $0x3;
	s24 =	sadd.s32 s22, s1;
	[dreg:$0x14] =	wrdreg s2  }
0x1c: {  	s1 =	sshrl.u32 s26, $0x3;
	s15 =	sadd.s32 s22, s0;
	[dreg:$0x8] =	wrdreg s24  }
0x1d: {  	s0 =	sshrl.u32 s30, $0x3;
	[dreg:$0x9] =	wrdreg s15;
	s16 =	sadd.s32 s22, s1  }
0x1e: {  	s18 =	smul.u32 $0x5000, s18;
	s15 =	sadd.s32 s22, s0;
	[dreg:$0xa] =	wrdreg s16  }
0x1f: {  	s3 =	sshrl.u32 s3, $0x3;
	s24 =	sshrl.u32 s28, $0x3;
	[dreg:$0xc] =	wrdreg s15  }
0x20: {  	s1 =	sshrl.u32 s20, $0x3;
	s26 =	sadd.s32 s22, s24;
	s16 =	rddreg [dreg:$0x2]  }
0x21: {  	s0 =	sshrl.u32 s23, $0x3;
	s20 =	sadd.s32 s22, s1;
	[dreg:$0xb] =	wrdreg s26  }
0x22: {  	s6 =	sshrl.u32 s6, $0x3;
	s15 =	sadd.s32 s22, s0;
	[dreg:$0xd] =	wrdreg s20  }
0x23: {  	s1 =	sshrl.u32 s25, $0x3;
	s25 =	sadd.s32 s22, s3;
	[dreg:$0xf] =	wrdreg s15  }
0x24: {  	s30 =	simm.s32 $0x7;
	s28 =	simm.s32 $0x1600;
	[dreg:$0x12] =	wrdreg s25  }
0x25: {  	s24 =	sshrl.u32 s21, $0x3;
	s21 =	sshrl.u32 s29, $0x3;
	s15 =	rddreg [dreg:$0x0]  }
0x26: {  	s0 =	sadd.s32 s22, s6;
	s23 =	sadd.s32 s22, s21;
	s21 =	rddreg [dreg:$0x4]  }
0x27: {  	s6 =	smul.u32 $0x5000, s10;
	s26 =	sadd.s32 s22, s24;
	[dreg:$0x16] =	wrdreg s0  }
0x28: {  	s29 =	simm.s32 $0x5;
	s20 =	sadd.s32 s22, s1;
	[dreg:$0xe] =	wrdreg s26  }
0x29: {  	s24 =	sshrl.u32 s31, $0x3;
	s1 =	sshrl.u32 s4, $0x3;
	[dreg:$0x10] =	wrdreg s20  }
0x2a: {  	s25 =	smul.u32 $0x5000, s8;
	[dreg:$0x11] =	wrdreg s23;
	s26 =	sadd.s32 s22, s24  }
0x2b: {  	s4 =	sadd.s32 s22, s1;
	s20 =	rddreg [dreg:$0x3];
	s23 =	smul.u32 $0x5000, s5  }
0x2c: {  	s24 =	smul.u32 $0x5000, s19;
	s19 =	sshrl.u32 s6, $0x2;
	[dreg:$0x13] =	wrdreg s26  }
0x2d: {  	[dreg:$0x15] =	wrdreg s4;
	s3 =	sshrl.u32 s25, $0x2;
	s25 =	sadd.s32 s19, s21  }
0x2e: {  	s22 =	smul.u32 $0x5000, s12;
	_ =	strace $0x8000004A;
	[dreg:$0x1b] =	wrdreg s25  }
0x2f: {  	s4 =	smul.u32 $0x5000, s9;
	s9 =	sadd.s32 s3, s21;
	s26 =	rddreg [dreg:$0x1]  }
0x30: {  	s2 =	sshrl.u32 s23, $0x2;
	s0 =	sshrl.u32 s24, $0x2;
	[dreg:$0x19] =	wrdreg s9  }
0x31: {  	s8 =	sadd.s32 s2, s21;
	s10 =	sadd.s32 s0, s21;
	s6 =	sld [smem:$0x7E7]  }
0x32: {  	s2 =	sshrl.u32 s4, $0x2;
	s0 =	sshrl.u32 s11, $0x2;
	s11 =	sld [smem:$0x7E8]  }
0x33: {  	s4 =	sshrl.u32 s22, $0x2;
	s19 =	sld [smem:$0x7E9];
	s23 =	sadd.s32 $0x2C1800, s26  }
0x34: {  	s26 =	smul.u32 $0x5000, s7;
	s9 =	sadd.s32 s4, s21;
	[dreg:$0x17] =	wrdreg s8  }
0x35: {  	s31 =	simm.s32 $0x3;
	[dreg:$0x1d] =	wrdreg s9;
	s9 =	smul.u32 $0x5000, s14  }
0x36: {  	s0 =	sadd.s32 s0, s21;
	[dreg:$0x18] =	wrdreg s10;
	s7 =	smul.u32 $0x5000, s6  }
0x37: {  	s24 =	sadd.s32 s2, s21;
	[dreg:$0x1c] =	wrdreg s0;
	s0 =	smul.u32 $0x5000, s11  }
0x38: {  	[dreg:$0x1a] =	wrdreg s24;
	s2 =	sshrl.u32 s26, $0x2;
	s22 =	smul.u32 $0x5000, s19  }
0x39: {  	s26 =	sld [smem:$0x7EA];
	s6 =	smul.u32 $0x5000, s13;
	s24 =	sadd.s32 s2, s21  }
0x3a: {  	s12 =	sshrl.u32 s7, $0x2;
	[dreg:$0x1e] =	wrdreg s24;
	s0 =	sshrl.u32 s0, $0x2  }
0x3b: {  	s4 =	sshrl.u32 s22, $0x2;
	s11 =	sshrl.u32 s6, $0x2;
	s22 =	sld [smem:$0x7EE]  }
0x3c: {  	s25 =	sadd.s32 s12, s21;
	s1 =	smul.u32 $0x5000, s26;
	s13 =	sadd.s32 s0, s21  }
0x3d: {  	s7 =	sadd.s32 s4, s21;
	s12 =	smul.u32 $0x5000, s17;
	[dreg:$0x1f] =	wrdreg s25  }
0x3e: {  	s17 =	sadd.s32 s11, s21;
	s0 =	sshrl.u32 s9, $0x2;
	[smem:$0x7EB] =	sst s7  }
0x3f: {  	s3 =	simm.s32 $0x9;
	[smem:$0x7ED] =	sst s17;
	s0 =	sadd.s32 s0, s21  }
0x40: {  	s25 =	sshrl.u32 s18, $0x2;
	[smem:$0x7FD] =	sst s13;
	s2 =	sshrl.u32 s1, $0x2  }
0x41: {  	s19 =	sshrl.u32 s12, $0x2;
	[smem:$0x7EF] =	sst s0;
	s0 =	sadd.s32 s25, s21  }
0x42: {  	s6 =	smul.u32 $0x1388, s22;
	s14 =	sadd.s32 s2, s21;
	[smem:$0x7F1] =	sst s0  }
0x43: {  	s26 =	smul.u32 $0x13880, s22;
	s24 =	sadd.s32 s19, s21;
	[smem:$0x7EC] =	sst s14  }
0x44: {  	[smem:$0x7F0] =	sst s24;
	s4 =	sshrl.u32 s6, $0x3;
	s9 =	sadd.s32 $0x28, s6  }
0x45: {  	s14 =	sadd.s32 s23, s26;
	s19 =	sadd.s32 $0x1360, s6;
	s26 =	sld [smem:$0x7FB]  }
0x46: {  	s7 =	sadd.s32 s16, s4;
	s11 =	sshrl.u32 s9, $0x3;
	s12 =	sadd.s32 s20, s4  }
0x47: {  	[smem:$0x7F4] =	sst s14;
	s18 =	sshll.u32 s9, $0x4;
	s22 =	sshrl.u32 s19, $0x3  }
0x48: {  	s2 =	sshll.u32 s19, $0x4;
	s14 =	simm.s32 $0x200;
	[smem:$0x7F2] =	sst s7  }
0x49: {  	s19 =	simm.s32 $0x6;
	[smem:$0x7F3] =	sst s12;
	s17 =	sadd.s32 s16, s11  }
0x4a: {  	s4 =	simm.s32 $0xA;
	s0 =	sadd.s32 s20, s11;
	[smem:$0x7F5] =	sst s17  }
0x4b: {  	s24 =	sadd.s32 s16, s22;
	s25 =	sadd.s32 s23, s2;
	[smem:$0x7F6] =	sst s0  }
0x4c: {  	s11 =	simm.s32 $0x80;
	s12 =	simm.s32 $0x180;
	[smem:$0x7F8] =	sst s24  }
0x4d: {  	s2 =	simm.s32 $0x4;
	s0 =	sadd.s32 s23, s18;
	[smem:$0x7FA] =	sst s25  }
0x4e: {  	s17 =	simm.s32 $0xB;
	s18 =	simm.s32 $0x100;
	s24 =	simm.s32 $0x1  }
0x4f: {  	s25 =	simm.s32 $0x28;
	[smem:$0x7F7] =	sst s0;
	s0 =	sadd.s32 s20, s22  }
0x50: {  	s22 =	simm.s32 $0x2A00;
	[smem:$0x7F9] =	sst s0;
	s0 =	smax.u32 s26, $0x1  }
0x51: {  	v0 =	vimm.f32 $0.0e+00;
	s26 =	simm.s32 $0x2;
	[smem:$0x7FC] =	sst s0;
	s0 =	simm.s32 $0x8  }
.LBB2_1:
0x52: {  	s5 =	simm.s32 $0x0;
	s7 =	simm.s32 $0x200  }
.LBB2_2:
0x53: {  	p1 =	sne.s32 s7, $0x4E00;
	[tilespmem:s5+$0x270] =	vst v0  }
0x54: {  	[tilespmem:s5+$0x200] =	vst v0  }
0x55: {  	[tilespmem:s5+$0x210] =	vst v0  }
.Ltmp0:
0x56: {  	[tilespmem:s5+$0x220] =	vst v0;
	(pc) =	sbr.rel @p1 .LBB2_2-.Ltmp0, $4  }
0x57: {  	[tilespmem:s5+$0x230] =	vst v0  }
0x58: {  	[tilespmem:s5+$0x240] =	vst v0  }
0x59: {  	[tilespmem:s5+$0x250] =	vst v0  }
0x5a: {  	[tilespmem:s5+$0x260] =	vst v0;
	s5 =	sshra.s32 s7, $0x2;
	s7 =	sadd.s32 $0x200, s7  }
0x5b: {  	[tilespmem:s5+$0x270] =	vst v0  }
0x5c: {  	[tilespmem:s5+$0x200] =	vst v0  }
0x5d: {  	[tilespmem:s5+$0x210] =	vst v0  }
0x5e: {  	[tilespmem:s5+$0x220] =	vst v0  }
0x5f: {  	[tilespmem:s5+$0x230] =	vst v0  }
0x60: {  	[tilespmem:s5+$0x240] =	vst v0  }
0x61: {  	[tilespmem:s5+$0x250] =	vst v0  }
0x62: {  	[tilespmem:s5+$0x260] =	vst v0  }
0x63: {  	[spmem:s8] =	stream.linear.scatter [tilespmem:s14], [sflag:$0xB], $0x1400, $0x38;
	[tilespmem:$0x18A80] =	vst v63  }
0x64: {  	_ =	swait.ge [sflag:s17], $0x1400  }
0x65: {  	[sflag:s17] =	ssyncset.done $0x0  }
0x66: {  	[sflag:s17] =	ssyncadd.s32 $0xFFFFEC00  }
0x67: {  	[spmem:s10] =	stream.linear.scatter [tilespmem:s14], [sflag:$0xB], $0x1400, $0x38;
	[tilespmem:$0x18A80] =	vst v63  }
0x68: {  	_ =	swait.ge [sflag:s17], $0x1400  }
0x69: {  	[sflag:s17] =	ssyncset.done $0x0  }
0x6a: {  	s1 =	rddreg [dreg:$0x19];
	[sflag:s17] =	ssyncadd.s32 $0xFFFFEC00  }
0x6b: {  	[spmem:s1] =	stream.linear.scatter [tilespmem:s14], [sflag:$0xB], $0x1400, $0x38;
	[tilespmem:$0x18A80] =	vst v63  }
0x6c: {  	_ =	swait.ge [sflag:s17], $0x1400  }
0x6d: {  	[sflag:s17] =	ssyncset.done $0x0  }
0x6e: {  	s7 =	rddreg [dreg:$0x1a];
	[sflag:s17] =	ssyncadd.s32 $0xFFFFEC00  }
0x6f: {  	[spmem:s7] =	stream.linear.scatter [tilespmem:s14], [sflag:$0xB], $0x1400, $0x38;
	[tilespmem:$0x18A80] =	vst v63  }
0x70: {  	_ =	swait.ge [sflag:s17], $0x1400  }
0x71: {  	[sflag:s17] =	ssyncset.done $0x0  }
0x72: {  	s8 =	rddreg [dreg:$0x1b];
	[sflag:s17] =	ssyncadd.s32 $0xFFFFEC00  }
0x73: {  	[spmem:s8] =	stream.linear.scatter [tilespmem:s14], [sflag:$0xB], $0x1400, $0x38;
	[tilespmem:$0x18A80] =	vst v63  }
0x74: {  	_ =	swait.ge [sflag:s17], $0x1400  }
0x75: {  	[sflag:s17] =	ssyncset.done $0x0  }
0x76: {  	s10 =	rddreg [dreg:$0x1c];
	[sflag:s17] =	ssyncadd.s32 $0xFFFFEC00  }
0x77: {  	[spmem:s10] =	stream.linear.scatter [tilespmem:s14], [sflag:$0xB], $0x1400, $0x38;
	[tilespmem:$0x18A80] =	vst v63  }
0x78: {  	_ =	swait.ge [sflag:s17], $0x1400  }
0x79: {  	[sflag:s17] =	ssyncset.done $0x0  }
0x7a: {  	s5 =	rddreg [dreg:$0x1d];
	[sflag:s17] =	ssyncadd.s32 $0xFFFFEC00  }
0x7b: {  	[spmem:s5] =	stream.linear.scatter [tilespmem:s14], [sflag:$0xB], $0x1400, $0x38;
	[tilespmem:$0x18A80] =	vst v63  }
0x7c: {  	_ =	swait.ge [sflag:s17], $0x1400  }
0x7d: {  	[sflag:s17] =	ssyncset.done $0x0  }
0x7e: {  	s7 =	rddreg [dreg:$0x1e];
	[sflag:s17] =	ssyncadd.s32 $0xFFFFEC00  }
0x7f: {  	[spmem:s7] =	stream.linear.scatter [tilespmem:s14], [sflag:$0xB], $0x1400, $0x38;
	[tilespmem:$0x18A80] =	vst v63  }
0x80: {  	_ =	swait.ge [sflag:s17], $0x1400  }
0x81: {  	[sflag:s17] =	ssyncset.done $0x0  }
0x82: {  	s8 =	rddreg [dreg:$0x1f];
	[sflag:s17] =	ssyncadd.s32 $0xFFFFEC00  }
0x83: {  	[spmem:s8] =	stream.linear.scatter [tilespmem:s14], [sflag:$0xB], $0x1400, $0x38;
	[tilespmem:$0x18A80] =	vst v63  }
0x84: {  	_ =	swait.ge [sflag:s17], $0x1400  }
0x85: {  	[sflag:s17] =	ssyncset.done $0x0  }
0x86: {  	[sflag:s17] =	ssyncadd.s32 $0xFFFFEC00  }
0x87: {  	[spmem:s13] =	stream.linear.scatter [tilespmem:s14], [sflag:$0xB], $0x1400, $0x38;
	[tilespmem:$0x18A80] =	vst v63  }
0x88: {  	_ =	swait.ge [sflag:s17], $0x1400  }
0x89: {  	s10 =	sld [smem:$0x7EB]  }
0x8a: {  	[sflag:s17] =	ssyncset.done $0x0  }
0x8b: {  	[sflag:s17] =	ssyncadd.s32 $0xFFFFEC00  }
0x8c: {  	[spmem:s10] =	stream.linear.scatter [tilespmem:s14], [sflag:$0xB], $0x1400, $0x38;
	[tilespmem:$0x18A80] =	vst v63  }
0x8d: {  	_ =	swait.ge [sflag:s17], $0x1400  }
0x8e: {  	s13 =	sld [smem:$0x7EC]  }
0x8f: {  	[sflag:s17] =	ssyncset.done $0x0  }
0x90: {  	[sflag:s17] =	ssyncadd.s32 $0xFFFFEC00  }
0x91: {  	[spmem:s13] =	stream.linear.scatter [tilespmem:s14], [sflag:$0xB], $0x1400, $0x38;
	[tilespmem:$0x18A80] =	vst v63  }
0x92: {  	_ =	swait.ge [sflag:s17], $0x1400  }
0x93: {  	s5 =	sld [smem:$0x7ED]  }
0x94: {  	[sflag:s17] =	ssyncset.done $0x0  }
0x95: {  	[sflag:s17] =	ssyncadd.s32 $0xFFFFEC00  }
0x96: {  	[spmem:s5] =	stream.linear.scatter [tilespmem:s14], [sflag:$0xB], $0x1400, $0x38;
	[tilespmem:$0x18A80] =	vst v63  }
0x97: {  	_ =	swait.ge [sflag:s17], $0x1400  }
0x98: {  	s7 =	sld [smem:$0x7EF]  }
0x99: {  	[sflag:s17] =	ssyncset.done $0x0  }
0x9a: {  	[sflag:s17] =	ssyncadd.s32 $0xFFFFEC00  }
0x9b: {  	[spmem:s7] =	stream.linear.scatter [tilespmem:s14], [sflag:$0xB], $0x1400, $0x38;
	[tilespmem:$0x18A80] =	vst v63  }
0x9c: {  	_ =	swait.ge [sflag:s17], $0x1400  }
0x9d: {  	s8 =	sld [smem:$0x7F0]  }
0x9e: {  	[sflag:s17] =	ssyncset.done $0x0  }
0x9f: {  	[sflag:s17] =	ssyncadd.s32 $0xFFFFEC00  }
0xa0: {  	[spmem:s8] =	stream.linear.scatter [tilespmem:s14], [sflag:$0xB], $0x1400, $0x38;
	[tilespmem:$0x18A80] =	vst v63  }
0xa1: {  	_ =	swait.ge [sflag:s17], $0x1400  }
0xa2: {  	s1 =	sld [smem:$0x7F1]  }
0xa3: {  	[sflag:s17] =	ssyncset.done $0x0  }
0xa4: {  	s5 =	simm.s32 @!p0 $0x200;
	[sflag:s17] =	ssyncadd.s32 $0xFFFFEC00  }
0xa5: {  	[spmem:s1] =	stream.linear.scatter @!p0 [tilespmem:s5], [sflag:$0xB], $0x1400, $0x38;
	[tilespmem:$0x18A80] =	vst v63  }
0xa6: {  	s5 =	simm.s32 @!p0 $0xB  }
0xa7: {  	_ =	swait.ge @!p0 [sflag:s5], $0x1400  }
0xa8: {  	[sflag:s5] =	ssyncset.done @!p0 $0x0  }
0xa9: {  	[sflag:s5] =	ssyncadd.s32 @!p0 $0xFFFFEC00  }
0xaa: {  	[bflag:$0x0] =	sbarrier.arrive $0xFFFF  }
0xab: {  	s10 =	sld [smem:$0x7F2];
	_ =	sdelay $0x1  }
0xac: {  	s5 =	simm.s32 $0x0;
	s13 =	sld [smem:$0x7F3]  }
0xad: {  	[tilespmem:s5], [sflag:$0x1] =	stream.linear.gather [hbm4b:s10+s5], $0x28, $0x38;
	[tilespmem:$0x18A80] =	vst v63  }
0xae: {  	s7 =	sld [smem:$0x7F4]  }
0xaf: {  	[tilespmem:s18], [sflag:$0x3] =	stream.linear.gather [hbm4b:s13+s5], $0x28, $0x38;
	[tilespmem:$0x18A80] =	vst v63  }
0xb0: {  	s8 =	sld [smem:$0x7F5]  }
0xb1: {  	[tilespmem:s22], [sflag:$0x7] =	stream.linear.gather [hbm4b:s7+s5], $0x1400, $0x38;
	[tilespmem:$0x18A80] =	vst v63  }
0xb2: {  	s10 =	sld [smem:$0x7F6]  }
0xb3: {  	[tilespmem:s11], [sflag:$0x2] =	stream.linear.gather [hbm4b:s8+s5], $0x28, $0x38;
	[tilespmem:$0x18A80] =	vst v63  }
0xb4: {  	s13 =	sld [smem:$0x7F7]  }
0xb5: {  	[tilespmem:s12], [sflag:$0x4] =	stream.linear.gather [hbm4b:s10+s5], $0x28, $0x38;
	[tilespmem:$0x18A80] =	vst v63  }
0xb6: {  	s7 =	simm.s32 $0x3E00  }
0xb7: {  	[tilespmem:s7], [sflag:$0x8] =	stream.linear.gather [hbm4b:s13+s5], $0x1400, $0x38;
	[tilespmem:$0x18A80] =	vst v63  }
0xb8: {  	_ =	swait.ge [sflag:s24], $0x28  }
0xb9: {  	[sflag:s24] =	ssyncset.done $0x0  }
0xba: {  	[sflag:s24] =	ssyncadd.s32 $0xFFFFFFD8  }
0xbb: {  	[tilespmem:s14], [sflag:$0x5] =	stream.indirect.gather [hbm4b:s15+s25], $0x80, s5, s25, $0xb8;
	[tilespmem:$0x18A80] =	vst v63  }
0xbc: {  	_ =	swait.ge [sflag:s26], $0x28  }
0xbd: {  	[sflag:s26] =	ssyncset.done $0x0  }
0xbe: {  	[sflag:s26] =	ssyncadd.s32 $0xFFFFFFD8  }
0xbf: {  	[tilespmem:s28], [sflag:$0x6] =	stream.indirect.gather [hbm4b:s15+s25], $0x80, s11, s25, $0xb8;
	[tilespmem:$0x18A80] =	vst v63  }
0xc0: {  	_ =	swait.ge [sflag:s29], $0x1400  }
0xc1: {  	[sflag:s29] =	ssyncset.done $0x0  }
0xc2: {  	[sflag:s29] =	ssyncadd.s32 $0xFFFFEC00  }
0xc3: {  	_ =	swait.ge [sflag:s30], $0x1400  }
0xc4: {  	[sflag:s30] =	ssyncset.done $0x0  }
0xc5: {  	s5 =	simm.s32 $0x0;
	[sflag:s30] =	ssyncadd.s32 $0xFFFFEC00  }
0xc6: {  	v8 =	vld [tilespmem:s5+$0x2A00]  }
0xc7: {  	v12 =	vld [tilespmem:s5+$0x2A10]  }
0xc8: {  	v6 =	vld [tilespmem:s5+$0x2A20]  }
0xc9: {  	v5 =	vld [tilespmem:s5+$0x2A30]  }
0xca: {  	v4 =	vld [tilespmem:s5+$0x2A40]  }
0xcb: {  	v3 =	vld [tilespmem:s5+$0x2A50]  }
0xcc: {  	v2 =	vld [tilespmem:s5+$0x2A60]  }
0xcd: {  	v1 =	vld [tilespmem:s5+$0x2A70]  }
0xce: {  	v13 =	vld [tilespmem:s5+$0x200]  }
0xcf: {  	v14 =	vld [tilespmem:s5+$0x210]  }
0xd0: {  	v11 =	vld [tilespmem:s5+$0x220]  }
0xd1: {  	v10 =	vld [tilespmem:s5+$0x230]  }
0xd2: {  	v9 =	vld [tilespmem:s5+$0x240]  }
0xd3: {  	v7 =	vld [tilespmem:s5+$0x250];
	v13 =	vmul.f32 v8, v13  }
0xd4: {  	s7 =	simm.s32 $0x200;
	v12 =	vmul.f32 v12, v14;
	v8 =	vld [tilespmem:s5+$0x260]  }
.LBB2_4:
0xd5: {  	s8 =	sshra.s32 s7, $0x2;
	p1 =	sne.s32 s7, $0x4E00;
	[tilespmem:s5+$0x200] =	vst v13;
	v6 =	vmul.f32 v6, v11;
	v11 =	vld [tilespmem:s5+$0x270]  }
0xd6: {  	v13 =	vld [tilespmem:s8+$0x2A00];
	[tilespmem:s5+$0x210] =	vst v12;
	v5 =	vmul.f32 v5, v10  }
0xd7: {  	v12 =	vld [tilespmem:s8+$0x2A10];
	[tilespmem:s5+$0x220] =	vst v6;
	v4 =	vmul.f32 v4, v9  }
0xd8: {  	v6 =	vld [tilespmem:s8+$0x2A20];
	[tilespmem:s5+$0x230] =	vst v5;
	v3 =	vmul.f32 v3, v7  }
0xd9: {  	v5 =	vld [tilespmem:s8+$0x2A30];
	[tilespmem:s5+$0x240] =	vst v4;
	v2 =	vmul.f32 v2, v8  }
0xda: {  	v4 =	vld [tilespmem:s8+$0x2A40];
	[tilespmem:s5+$0x250] =	vst v3;
	v1 =	vmul.f32 v1, v11  }
0xdb: {  	v3 =	vld [tilespmem:s8+$0x2A50];
	[tilespmem:s5+$0x260] =	vst v2  }
0xdc: {  	v2 =	vld [tilespmem:s8+$0x2A60];
	[tilespmem:s5+$0x270] =	vst v1;
	s5 =	smov.u32 s8  }
0xdd: {  	v1 =	vld [tilespmem:s5+$0x2A70]  }
0xde: {  	v7 =	vld [tilespmem:s5+$0x200]  }
0xdf: {  	v8 =	vld [tilespmem:s5+$0x210]  }
.Ltmp1:
0xe0: {  	v11 =	vld [tilespmem:s5+$0x220];
	(pc) =	sbr.rel @p1 .LBB2_4-.Ltmp1, $4  }
0xe1: {  	v10 =	vld [tilespmem:s5+$0x230]  }
0xe2: {  	v9 =	vld [tilespmem:s5+$0x240]  }
0xe3: {  	v13 =	vmul.f32 v13, v7;
	v7 =	vld [tilespmem:s5+$0x250]  }
0xe4: {  	s7 =	sadd.s32 $0x200, s7;
	v12 =	vmul.f32 v12, v8;
	v8 =	vld [tilespmem:s5+$0x260]  }
0xe5: {  	[tilespmem:s5+$0x200] =	vst v13;
	v6 =	vmul.f32 v6, v11;
	v11 =	vld [tilespmem:s5+$0x270]  }
0xe6: {  	[tilespmem:s5+$0x210] =	vst v12;
	v5 =	vmul.f32 v5, v10  }
0xe7: {  	[tilespmem:s5+$0x220] =	vst v6;
	v4 =	vmul.f32 v4, v9  }
0xe8: {  	[tilespmem:s5+$0x230] =	vst v5;
	v3 =	vmul.f32 v3, v7  }
0xe9: {  	[tilespmem:s5+$0x240] =	vst v4;
	v2 =	vmul.f32 v2, v8  }
0xea: {  	[tilespmem:s5+$0x250] =	vst v3;
	v1 =	vmul.f32 v1, v11  }
0xeb: {  	[tilespmem:s5+$0x260] =	vst v2  }
0xec: {  	[tilespmem:s5+$0x270] =	vst v1  }
0xed: {  	_ =	swait.ge [sflag:s31], $0x28  }
0xee: {  	[sflag:s31] =	ssyncset.done $0x0  }
0xef: {  	[sflag:s31] =	ssyncadd.s32 $0xFFFFFFD8  }
0xf0: {  	[spmem:s21] =	stream.indirect.scatter.add.f32 [tilespmem:s14], [sflag:$0x9], $0x80, s18, s25, $0xb8;
	[tilespmem:$0x18A80] =	vst v63  }
0xf1: {  	_ =	swait.ge [sflag:s19], $0x1400  }
0xf2: {  	[sflag:s19] =	ssyncset.done $0x0  }
0xf3: {  	[sflag:s19] =	ssyncadd.s32 $0xFFFFEC00  }
0xf4: {  	_ =	swait.ge [sflag:s0], $0x1400  }
0xf5: {  	[sflag:s0] =	ssyncset.done $0x0  }
0xf6: {  	s5 =	simm.s32 $0x0;
	[sflag:s0] =	ssyncadd.s32 $0xFFFFEC00  }
0xf7: {  	v8 =	vld [tilespmem:s5+$0x3E00]  }
0xf8: {  	v12 =	vld [tilespmem:s5+$0x3E10]  }
0xf9: {  	v6 =	vld [tilespmem:s5+$0x3E20]  }
0xfa: {  	v5 =	vld [tilespmem:s5+$0x3E30]  }
0xfb: {  	v4 =	vld [tilespmem:s5+$0x3E40]  }
0xfc: {  	v3 =	vld [tilespmem:s5+$0x3E50]  }
0xfd: {  	v2 =	vld [tilespmem:s5+$0x3E60]  }
0xfe: {  	v1 =	vld [tilespmem:s5+$0x3E70]  }
0xff: {  	v13 =	vld [tilespmem:s5+$0x1600]  }
0x100: {  	v14 =	vld [tilespmem:s5+$0x1610]  }
0x101: {  	v11 =	vld [tilespmem:s5+$0x1620]  }
0x102: {  	v10 =	vld [tilespmem:s5+$0x1630]  }
0x103: {  	v9 =	vld [tilespmem:s5+$0x1640]  }
0x104: {  	v7 =	vld [tilespmem:s5+$0x1650];
	v13 =	vmul.f32 v8, v13  }
0x105: {  	s7 =	simm.s32 $0x200;
	v12 =	vmul.f32 v12, v14;
	v8 =	vld [tilespmem:s5+$0x1660]  }
.LBB2_6:
0x106: {  	s8 =	sshra.s32 s7, $0x2;
	p1 =	sne.s32 s7, $0x4E00;
	[tilespmem:s5+$0x1600] =	vst v13;
	v6 =	vmul.f32 v6, v11;
	v11 =	vld [tilespmem:s5+$0x1670]  }
0x107: {  	v13 =	vld [tilespmem:s8+$0x3E00];
	[tilespmem:s5+$0x1610] =	vst v12;
	v5 =	vmul.f32 v5, v10  }
0x108: {  	v12 =	vld [tilespmem:s8+$0x3E10];
	[tilespmem:s5+$0x1620] =	vst v6;
	v4 =	vmul.f32 v4, v9  }
0x109: {  	v6 =	vld [tilespmem:s8+$0x3E20];
	[tilespmem:s5+$0x1630] =	vst v5;
	v3 =	vmul.f32 v3, v7  }
0x10a: {  	v5 =	vld [tilespmem:s8+$0x3E30];
	[tilespmem:s5+$0x1640] =	vst v4;
	v2 =	vmul.f32 v2, v8  }
0x10b: {  	v4 =	vld [tilespmem:s8+$0x3E40];
	[tilespmem:s5+$0x1650] =	vst v3;
	v1 =	vmul.f32 v1, v11  }
0x10c: {  	v3 =	vld [tilespmem:s8+$0x3E50];
	[tilespmem:s5+$0x1660] =	vst v2  }
0x10d: {  	v2 =	vld [tilespmem:s8+$0x3E60];
	[tilespmem:s5+$0x1670] =	vst v1;
	s5 =	smov.u32 s8  }
0x10e: {  	v1 =	vld [tilespmem:s5+$0x3E70]  }
0x10f: {  	v7 =	vld [tilespmem:s5+$0x1600]  }
0x110: {  	v8 =	vld [tilespmem:s5+$0x1610]  }
.Ltmp2:
0x111: {  	v11 =	vld [tilespmem:s5+$0x1620];
	(pc) =	sbr.rel @p1 .LBB2_6-.Ltmp2, $4  }
0x112: {  	v10 =	vld [tilespmem:s5+$0x1630]  }
0x113: {  	v9 =	vld [tilespmem:s5+$0x1640]  }
0x114: {  	v13 =	vmul.f32 v13, v7;
	v7 =	vld [tilespmem:s5+$0x1650]  }
0x115: {  	s7 =	sadd.s32 $0x200, s7;
	v12 =	vmul.f32 v12, v8;
	v8 =	vld [tilespmem:s5+$0x1660]  }
0x116: {  	[tilespmem:s5+$0x1600] =	vst v13;
	v6 =	vmul.f32 v6, v11;
	v63 =	vld [tilespmem:s5+$0x1670]  }
0x117: {  	[tilespmem:s5+$0x1610] =	vst v12;
	v5 =	vmul.f32 v5, v10  }
0x118: {  	[tilespmem:s5+$0x1620] =	vst v6;
	v4 =	vmul.f32 v4, v9  }
0x119: {  	[tilespmem:s5+$0x1630] =	vst v5;
	v3 =	vmul.f32 v3, v7  }
0x11a: {  	[tilespmem:s5+$0x1640] =	vst v4;
	v2 =	vmul.f32 v2, v8  }
0x11b: {  	[tilespmem:s5+$0x1650] =	vst v3;
	v1 =	vmul.f32 v1, v63  }
0x11c: {  	[tilespmem:s5+$0x1660] =	vst v2  }
0x11d: {  	[tilespmem:s5+$0x1670] =	vst v1  }
0x11e: {  	_ =	swait.ge [sflag:s2], $0x28  }
0x11f: {  	[sflag:s2] =	ssyncset.done $0x0  }
0x120: {  	s5 =	simm.s32 $0x1;
	[sflag:s2] =	ssyncadd.s32 $0xFFFFFFD8  }
0x121: {  	[spmem:s21] =	stream.indirect.scatter.add.f32 [tilespmem:s28], [sflag:$0xA], $0x80, s12, s25, $0xb8;
	[tilespmem:$0x18A80] =	vst v63  }
.LBB2_8:
0x122: {  	_ =	swait.ge [sflag:s3], $0x1400  }
0x123: {  	s7 =	smul.u32 $0x50, s5;
	[sflag:s3] =	ssyncset.done $0x0  }
0x124: {  	[sflag:s3] =	ssyncadd.s32 $0xFFFFEC00  }
0x125: {  	s8 =	sadd.s32 s6, s7;
	_ =	swait.ge [sflag:s4], $0x1400  }
0x126: {  	s10 =	sshrl.u32 s8, $0x3;
	[sflag:s4] =	ssyncset.done $0x0  }
0x127: {  	s13 =	simm.s32 $0x0;
	s1 =	sadd.s32 s16, s10;
	[sflag:s4] =	ssyncadd.s32 $0xFFFFEC00  }
0x128: {  	[tilespmem:s13], [sflag:$0x1] =	stream.linear.gather [hbm4b:s1+s13], $0x28, $0x38;
	[tilespmem:$0x18A80] =	vst v63  }
0x129: {  	s8 =	sshll.u32 s8, $0x4;
	s10 =	sadd.s32 s20, s10  }
0x12a: {  	[tilespmem:s18], [sflag:$0x3] =	stream.linear.gather [hbm4b:s10+s13], $0x28, $0x38;
	[tilespmem:$0x18A80] =	vst v63  }
0x12b: {  	s1 =	sadd.s32 s23, s8  }
0x12c: {  	[tilespmem:s22], [sflag:$0x7] =	stream.linear.gather [hbm4b:s1+s13], $0x1400, $0x38;
	[tilespmem:$0x18A80] =	vst v63  }
0x12d: {  	s1 =	sadd.s32 s7, s9  }
0x12e: {  	s7 =	sshrl.u32 s1, $0x3  }
0x12f: {  	s10 =	sadd.s32 s16, s7  }
0x130: {  	[tilespmem:s11], [sflag:$0x2] =	stream.linear.gather [hbm4b:s10+s13], $0x28, $0x38;
	[tilespmem:$0x18A80] =	vst v63  }
0x131: {  	s1 =	sshll.u32 s1, $0x4;
	s7 =	sadd.s32 s20, s7  }
0x132: {  	[tilespmem:s12], [sflag:$0x4] =	stream.linear.gather [hbm4b:s7+s13], $0x28, $0x38;
	[tilespmem:$0x18A80] =	vst v63  }
0x133: {  	s1 =	sadd.s32 s23, s1;
	s10 =	simm.s32 $0x3E00  }
0x134: {  	[tilespmem:s10], [sflag:$0x8] =	stream.linear.gather [hbm4b:s1+s13], $0x1400, $0x38;
	[tilespmem:$0x18A80] =	vst v63  }
0x135: {  	_ =	swait.ge [sflag:s24], $0x28  }
0x136: {  	[sflag:s24] =	ssyncset.done $0x0  }
0x137: {  	[sflag:s24] =	ssyncadd.s32 $0xFFFFFFD8  }
0x138: {  	[tilespmem:s14], [sflag:$0x5] =	stream.indirect.gather [hbm4b:s15+s25], $0x80, s13, s25, $0xb8;
	[tilespmem:$0x18A80] =	vst v63  }
0x139: {  	_ =	swait.ge [sflag:s26], $0x28  }
0x13a: {  	[sflag:s26] =	ssyncset.done $0x0  }
0x13b: {  	[sflag:s26] =	ssyncadd.s32 $0xFFFFFFD8  }
0x13c: {  	[tilespmem:s28], [sflag:$0x6] =	stream.indirect.gather [hbm4b:s15+s25], $0x80, s11, s25, $0xb8;
	[tilespmem:$0x18A80] =	vst v63  }
0x13d: {  	_ =	swait.ge [sflag:s29], $0x1400  }
0x13e: {  	[sflag:s29] =	ssyncset.done $0x0  }
0x13f: {  	[sflag:s29] =	ssyncadd.s32 $0xFFFFEC00  }
0x140: {  	_ =	swait.ge [sflag:s30], $0x1400  }
0x141: {  	[sflag:s30] =	ssyncset.done $0x0  }
0x142: {  	s7 =	simm.s32 $0x0;
	[sflag:s30] =	ssyncadd.s32 $0xFFFFEC00  }
0x143: {  	v8 =	vld [tilespmem:s7+$0x2A00]  }
0x144: {  	v12 =	vld [tilespmem:s7+$0x2A10]  }
0x145: {  	v6 =	vld [tilespmem:s7+$0x2A20]  }
0x146: {  	v5 =	vld [tilespmem:s7+$0x2A30]  }
0x147: {  	v4 =	vld [tilespmem:s7+$0x2A40]  }
0x148: {  	v3 =	vld [tilespmem:s7+$0x2A50]  }
0x149: {  	v2 =	vld [tilespmem:s7+$0x2A60]  }
0x14a: {  	v1 =	vld [tilespmem:s7+$0x2A70]  }
0x14b: {  	v13 =	vld [tilespmem:s7+$0x200]  }
0x14c: {  	v14 =	vld [tilespmem:s7+$0x210]  }
0x14d: {  	v11 =	vld [tilespmem:s7+$0x220]  }
0x14e: {  	v10 =	vld [tilespmem:s7+$0x230]  }
0x14f: {  	v9 =	vld [tilespmem:s7+$0x240]  }
0x150: {  	v7 =	vld [tilespmem:s7+$0x250];
	v13 =	vmul.f32 v8, v13  }
0x151: {  	s8 =	simm.s32 $0x200;
	v12 =	vmul.f32 v12, v14;
	v8 =	vld [tilespmem:s7+$0x260]  }
.LBB2_9:
0x152: {  	s1 =	sshra.s32 s8, $0x2;
	p1 =	sne.s32 s8, $0x4E00;
	[tilespmem:s7+$0x200] =	vst v13;
	v6 =	vmul.f32 v6, v11;
	v11 =	vld [tilespmem:s7+$0x270]  }
0x153: {  	v13 =	vld [tilespmem:s1+$0x2A00];
	[tilespmem:s7+$0x210] =	vst v12;
	v5 =	vmul.f32 v5, v10  }
0x154: {  	v12 =	vld [tilespmem:s1+$0x2A10];
	[tilespmem:s7+$0x220] =	vst v6;
	v4 =	vmul.f32 v4, v9  }
0x155: {  	v6 =	vld [tilespmem:s1+$0x2A20];
	[tilespmem:s7+$0x230] =	vst v5;
	v3 =	vmul.f32 v3, v7  }
0x156: {  	v5 =	vld [tilespmem:s1+$0x2A30];
	[tilespmem:s7+$0x240] =	vst v4;
	v2 =	vmul.f32 v2, v8  }
0x157: {  	v4 =	vld [tilespmem:s1+$0x2A40];
	[tilespmem:s7+$0x250] =	vst v3;
	v1 =	vmul.f32 v1, v11  }
0x158: {  	v3 =	vld [tilespmem:s1+$0x2A50];
	[tilespmem:s7+$0x260] =	vst v2  }
0x159: {  	v2 =	vld [tilespmem:s1+$0x2A60];
	[tilespmem:s7+$0x270] =	vst v1;
	s7 =	smov.u32 s1  }
0x15a: {  	v1 =	vld [tilespmem:s7+$0x2A70]  }
0x15b: {  	v7 =	vld [tilespmem:s7+$0x200]  }
0x15c: {  	v8 =	vld [tilespmem:s7+$0x210]  }
.Ltmp3:
0x15d: {  	v11 =	vld [tilespmem:s7+$0x220];
	(pc) =	sbr.rel @p1 .LBB2_9-.Ltmp3, $4  }
0x15e: {  	v10 =	vld [tilespmem:s7+$0x230]  }
0x15f: {  	v9 =	vld [tilespmem:s7+$0x240]  }
0x160: {  	v13 =	vmul.f32 v13, v7;
	v7 =	vld [tilespmem:s7+$0x250]  }
0x161: {  	s8 =	sadd.s32 $0x200, s8;
	v12 =	vmul.f32 v12, v8;
	v8 =	vld [tilespmem:s7+$0x260]  }
0x162: {  	[tilespmem:s7+$0x200] =	vst v13;
	v6 =	vmul.f32 v6, v11;
	v11 =	vld [tilespmem:s7+$0x270]  }
0x163: {  	[tilespmem:s7+$0x210] =	vst v12;
	v5 =	vmul.f32 v5, v10  }
0x164: {  	[tilespmem:s7+$0x220] =	vst v6;
	v4 =	vmul.f32 v4, v9  }
0x165: {  	[tilespmem:s7+$0x230] =	vst v5;
	v3 =	vmul.f32 v3, v7  }
0x166: {  	[tilespmem:s7+$0x240] =	vst v4;
	v2 =	vmul.f32 v2, v8  }
0x167: {  	[tilespmem:s7+$0x250] =	vst v3;
	v1 =	vmul.f32 v1, v11  }
0x168: {  	[tilespmem:s7+$0x260] =	vst v2  }
0x169: {  	[tilespmem:s7+$0x270] =	vst v1  }
0x16a: {  	_ =	swait.ge [sflag:s31], $0x28  }
0x16b: {  	[sflag:s31] =	ssyncset.done $0x0  }
0x16c: {  	[sflag:s31] =	ssyncadd.s32 $0xFFFFFFD8  }
0x16d: {  	[spmem:s21] =	stream.indirect.scatter.add.f32 [tilespmem:s14], [sflag:$0x9], $0x80, s18, s25, $0xb8;
	[tilespmem:$0x18A80] =	vst v63  }
0x16e: {  	_ =	swait.ge [sflag:s19], $0x1400  }
0x16f: {  	[sflag:s19] =	ssyncset.done $0x0  }
0x170: {  	[sflag:s19] =	ssyncadd.s32 $0xFFFFEC00  }
0x171: {  	_ =	swait.ge [sflag:s0], $0x1400  }
0x172: {  	[sflag:s0] =	ssyncset.done $0x0  }
0x173: {  	s7 =	simm.s32 $0x0;
	[sflag:s0] =	ssyncadd.s32 $0xFFFFEC00  }
0x174: {  	v8 =	vld [tilespmem:s7+$0x3E00]  }
0x175: {  	v12 =	vld [tilespmem:s7+$0x3E10]  }
0x176: {  	v6 =	vld [tilespmem:s7+$0x3E20]  }
0x177: {  	v5 =	vld [tilespmem:s7+$0x3E30]  }
0x178: {  	v4 =	vld [tilespmem:s7+$0x3E40]  }
0x179: {  	v3 =	vld [tilespmem:s7+$0x3E50]  }
0x17a: {  	v2 =	vld [tilespmem:s7+$0x3E60]  }
0x17b: {  	v1 =	vld [tilespmem:s7+$0x3E70]  }
0x17c: {  	v13 =	vld [tilespmem:s7+$0x1600]  }
0x17d: {  	v14 =	vld [tilespmem:s7+$0x1610]  }
0x17e: {  	v11 =	vld [tilespmem:s7+$0x1620]  }
0x17f: {  	v10 =	vld [tilespmem:s7+$0x1630]  }
0x180: {  	v9 =	vld [tilespmem:s7+$0x1640]  }
0x181: {  	v7 =	vld [tilespmem:s7+$0x1650];
	v13 =	vmul.f32 v8, v13  }
0x182: {  	s8 =	simm.s32 $0x200;
	v12 =	vmul.f32 v12, v14;
	v8 =	vld [tilespmem:s7+$0x1660]  }
.LBB2_11:
0x183: {  	s1 =	sshra.s32 s8, $0x2;
	p1 =	sne.s32 s8, $0x4E00;
	[tilespmem:s7+$0x1600] =	vst v13;
	v6 =	vmul.f32 v6, v11;
	v11 =	vld [tilespmem:s7+$0x1670]  }
0x184: {  	v13 =	vld [tilespmem:s1+$0x3E00];
	[tilespmem:s7+$0x1610] =	vst v12;
	v5 =	vmul.f32 v5, v10  }
0x185: {  	v12 =	vld [tilespmem:s1+$0x3E10];
	[tilespmem:s7+$0x1620] =	vst v6;
	v4 =	vmul.f32 v4, v9  }
0x186: {  	v6 =	vld [tilespmem:s1+$0x3E20];
	[tilespmem:s7+$0x1630] =	vst v5;
	v3 =	vmul.f32 v3, v7  }
0x187: {  	v5 =	vld [tilespmem:s1+$0x3E30];
	[tilespmem:s7+$0x1640] =	vst v4;
	v2 =	vmul.f32 v2, v8  }
0x188: {  	v4 =	vld [tilespmem:s1+$0x3E40];
	[tilespmem:s7+$0x1650] =	vst v3;
	v1 =	vmul.f32 v1, v11  }
0x189: {  	v3 =	vld [tilespmem:s1+$0x3E50];
	[tilespmem:s7+$0x1660] =	vst v2  }
0x18a: {  	v2 =	vld [tilespmem:s1+$0x3E60];
	[tilespmem:s7+$0x1670] =	vst v1;
	s7 =	smov.u32 s1  }
0x18b: {  	v1 =	vld [tilespmem:s7+$0x3E70]  }
0x18c: {  	v7 =	vld [tilespmem:s7+$0x1600]  }
0x18d: {  	v8 =	vld [tilespmem:s7+$0x1610]  }
.Ltmp4:
0x18e: {  	v11 =	vld [tilespmem:s7+$0x1620];
	(pc) =	sbr.rel @p1 .LBB2_11-.Ltmp4, $4  }
0x18f: {  	v10 =	vld [tilespmem:s7+$0x1630]  }
0x190: {  	v9 =	vld [tilespmem:s7+$0x1640]  }
0x191: {  	v13 =	vmul.f32 v13, v7;
	v7 =	vld [tilespmem:s7+$0x1650]  }
0x192: {  	s8 =	sadd.s32 $0x200, s8;
	v12 =	vmul.f32 v12, v8;
	v8 =	vld [tilespmem:s7+$0x1660]  }
0x193: {  	[tilespmem:s7+$0x1600] =	vst v13;
	v6 =	vmul.f32 v6, v11;
	v63 =	vld [tilespmem:s7+$0x1670]  }
0x194: {  	[tilespmem:s7+$0x1610] =	vst v12;
	v5 =	vmul.f32 v5, v10  }
0x195: {  	[tilespmem:s7+$0x1620] =	vst v6;
	v4 =	vmul.f32 v4, v9  }
0x196: {  	[tilespmem:s7+$0x1630] =	vst v5;
	v3 =	vmul.f32 v3, v7  }
0x197: {  	[tilespmem:s7+$0x1640] =	vst v4;
	v2 =	vmul.f32 v2, v8  }
0x198: {  	s5 =	sadd.s32 $0x1, s5;
	[tilespmem:s7+$0x1650] =	vst v3;
	v1 =	vmul.f32 v1, v63  }
0x199: {  	p1 =	sne.s32 s5, $0x3E;
	[tilespmem:s7+$0x1660] =	vst v2  }
.Ltmp5:
0x19a: {  	[tilespmem:s7+$0x1670] =	vst v1;
	(pc) =	sbr.rel @p1 .LBB2_8-.Ltmp5, $4  }
0x19b: {  	_ =	swait.ge [sflag:s2], $0x28  }
0x19c: {  	[sflag:s2] =	ssyncset.done $0x0  }
0x19d: {  	[sflag:s2] =	ssyncadd.s32 $0xFFFFFFD8  }
0x19e: {  	[spmem:s21] =	stream.indirect.scatter.add.f32 [tilespmem:s28], [sflag:$0xA], $0x80, s12, s25, $0xb8;
	[tilespmem:$0x18A80] =	vst v63  }
0x19f: {  	_ =	swait.ge [sflag:s3], $0x1400  }
0x1a0: {  	s5 =	sld [smem:$0x7F8]  }
0x1a1: {  	[sflag:s3] =	ssyncset.done $0x0  }
0x1a2: {  	s1 =	simm.s32 $0x0;
	s10 =	sld [smem:$0x7F9];
	[sflag:s3] =	ssyncadd.s32 $0xFFFFEC00  }
0x1a3: {  	[tilespmem:s1], [sflag:$0x1] =	stream.linear.gather [hbm4b:s5+s1], $0x28, $0x38;
	[tilespmem:$0x18A80] =	vst v63  }
0x1a4: {  	s13 =	sld [smem:$0x7FA]  }
0x1a5: {  	[tilespmem:s18], [sflag:$0x3] =	stream.linear.gather [hbm4b:s10+s1], $0x28, $0x38;
	[tilespmem:$0x18A80] =	vst v63  }
0x1a6: {  	_ = 	snop  }
0x1a7: {  	[tilespmem:s22], [sflag:$0x7] =	stream.linear.gather [hbm4b:s13+s1], $0x1400, $0x38;
	[tilespmem:$0x18A80] =	vst v63  }
0x1a8: {  	_ =	swait.ge [sflag:s24], $0x28  }
0x1a9: {  	[sflag:s24] =	ssyncset.done $0x0  }
0x1aa: {  	[sflag:s24] =	ssyncadd.s32 $0xFFFFFFD8  }
0x1ab: {  	[tilespmem:s14], [sflag:$0x5] =	stream.indirect.gather [hbm4b:s15+s25], $0x80, s1, s25, $0xb8;
	[tilespmem:$0x18A80] =	vst v63  }
0x1ac: {  	_ =	swait.ge [sflag:s29], $0x1400  }
0x1ad: {  	[sflag:s29] =	ssyncset.done $0x0  }
0x1ae: {  	[sflag:s29] =	ssyncadd.s32 $0xFFFFEC00  }
0x1af: {  	_ =	swait.ge [sflag:s30], $0x1400  }
0x1b0: {  	[sflag:s30] =	ssyncset.done $0x0  }
0x1b1: {  	s5 =	simm.s32 $0x0;
	[sflag:s30] =	ssyncadd.s32 $0xFFFFEC00  }
0x1b2: {  	v8 =	vld [tilespmem:s5+$0x2A00]  }
0x1b3: {  	v12 =	vld [tilespmem:s5+$0x2A10]  }
0x1b4: {  	v6 =	vld [tilespmem:s5+$0x2A20]  }
0x1b5: {  	v5 =	vld [tilespmem:s5+$0x2A30]  }
0x1b6: {  	v4 =	vld [tilespmem:s5+$0x2A40]  }
0x1b7: {  	v3 =	vld [tilespmem:s5+$0x2A50]  }
0x1b8: {  	v2 =	vld [tilespmem:s5+$0x2A60]  }
0x1b9: {  	v1 =	vld [tilespmem:s5+$0x2A70]  }
0x1ba: {  	v13 =	vld [tilespmem:s5+$0x200]  }
0x1bb: {  	v14 =	vld [tilespmem:s5+$0x210]  }
0x1bc: {  	v11 =	vld [tilespmem:s5+$0x220]  }
0x1bd: {  	v10 =	vld [tilespmem:s5+$0x230]  }
0x1be: {  	v9 =	vld [tilespmem:s5+$0x240]  }
0x1bf: {  	v7 =	vld [tilespmem:s5+$0x250];
	v13 =	vmul.f32 v8, v13  }
0x1c0: {  	s7 =	simm.s32 $0x200;
	s8 =	rddreg [dreg:$0x17];
	v12 =	vmul.f32 v12, v14;
	v8 =	vld [tilespmem:s5+$0x260]  }
.LBB2_14:
0x1c1: {  	s1 =	sshra.s32 s7, $0x2;
	p1 =	sne.s32 s7, $0x4E00;
	[tilespmem:s5+$0x200] =	vst v13;
	v6 =	vmul.f32 v6, v11;
	v11 =	vld [tilespmem:s5+$0x270]  }
0x1c2: {  	v13 =	vld [tilespmem:s1+$0x2A00];
	[tilespmem:s5+$0x210] =	vst v12;
	v5 =	vmul.f32 v5, v10  }
0x1c3: {  	v12 =	vld [tilespmem:s1+$0x2A10];
	[tilespmem:s5+$0x220] =	vst v6;
	v4 =	vmul.f32 v4, v9  }
0x1c4: {  	v6 =	vld [tilespmem:s1+$0x2A20];
	[tilespmem:s5+$0x230] =	vst v5;
	v3 =	vmul.f32 v3, v7  }
0x1c5: {  	v5 =	vld [tilespmem:s1+$0x2A30];
	[tilespmem:s5+$0x240] =	vst v4;
	v2 =	vmul.f32 v2, v8  }
0x1c6: {  	v4 =	vld [tilespmem:s1+$0x2A40];
	[tilespmem:s5+$0x250] =	vst v3;
	v1 =	vmul.f32 v1, v11  }
0x1c7: {  	v3 =	vld [tilespmem:s1+$0x2A50];
	[tilespmem:s5+$0x260] =	vst v2  }
0x1c8: {  	v2 =	vld [tilespmem:s1+$0x2A60];
	[tilespmem:s5+$0x270] =	vst v1;
	s5 =	smov.u32 s1  }
0x1c9: {  	v1 =	vld [tilespmem:s5+$0x2A70]  }
0x1ca: {  	v7 =	vld [tilespmem:s5+$0x200]  }
0x1cb: {  	v8 =	vld [tilespmem:s5+$0x210]  }
.Ltmp6:
0x1cc: {  	v11 =	vld [tilespmem:s5+$0x220];
	(pc) =	sbr.rel @p1 .LBB2_14-.Ltmp6, $4  }
0x1cd: {  	v10 =	vld [tilespmem:s5+$0x230]  }
0x1ce: {  	v9 =	vld [tilespmem:s5+$0x240]  }
0x1cf: {  	v13 =	vmul.f32 v13, v7;
	v7 =	vld [tilespmem:s5+$0x250]  }
0x1d0: {  	s7 =	sadd.s32 $0x200, s7;
	v12 =	vmul.f32 v12, v8;
	v8 =	vld [tilespmem:s5+$0x260]  }
0x1d1: {  	[tilespmem:s5+$0x200] =	vst v13;
	v6 =	vmul.f32 v6, v11;
	v63 =	vld [tilespmem:s5+$0x270]  }
0x1d2: {  	[tilespmem:s5+$0x210] =	vst v12;
	v5 =	vmul.f32 v5, v10  }
0x1d3: {  	[tilespmem:s5+$0x220] =	vst v6;
	v4 =	vmul.f32 v4, v9  }
0x1d4: {  	[tilespmem:s5+$0x230] =	vst v5;
	v3 =	vmul.f32 v3, v7  }
0x1d5: {  	[tilespmem:s5+$0x240] =	vst v4;
	v2 =	vmul.f32 v2, v8  }
0x1d6: {  	[tilespmem:s5+$0x250] =	vst v3;
	v1 =	vmul.f32 v1, v63  }
0x1d7: {  	[tilespmem:s5+$0x260] =	vst v2  }
0x1d8: {  	[tilespmem:s5+$0x270] =	vst v1  }
0x1d9: {  	_ =	swait.ge [sflag:s31], $0x28  }
0x1da: {  	[sflag:s31] =	ssyncset.done $0x0  }
0x1db: {  	[sflag:s31] =	ssyncadd.s32 $0xFFFFFFD8  }
0x1dc: {  	[spmem:s21] =	stream.indirect.scatter.add.f32 [tilespmem:s14], [sflag:$0x9], $0x80, s18, s25, $0xb8;
	[tilespmem:$0x18A80] =	vst v63  }
0x1dd: {  	_ =	swait.ge [sflag:s3], $0x1400  }
0x1de: {  	[sflag:s3] =	ssyncset.done $0x0  }
0x1df: {  	[sflag:s3] =	ssyncadd.s32 $0xFFFFEC00  }
0x1e0: {  	_ =	swait.ge [sflag:s4], $0x1400  }
0x1e1: {  	[sflag:s4] =	ssyncset.done $0x0  }
0x1e2: {  	s1 =	stileid.u32;
	[sflag:s4] =	ssyncadd.s32 $0xFFFFEC00  }
0x1e3: {  	s1 =	sshll.u32 s1, $0x6;
	[bflag:$0x0] =	sbarrier.arrive $0xFFFF  }
0x1e4: {  	s13 =	sshrl.u32 s8, $0x3;
	s5 =	sor.u32 $0x1C0B, s1;
	s7 =	rddreg [dreg:$0x7]  }
0x1e5: {  	[hbm:s7], [sflag:s5] =	dma.local [spmem:s13], $0x280  }
0x1e6: {  	_ =	swait.ge [sflag:s17], $0x280  }
0x1e7: {  	[sflag:s17] =	ssyncset.done $0x0;
	s10 =	rddreg [dreg:$0x18]  }
0x1e8: {  	s13 =	rddreg [dreg:$0x8];
	[sflag:s17] =	ssyncadd.s32 $0xFFFFFD80;
	s7 =	sshrl.u32 s10, $0x3  }
0x1e9: {  	[hbm:s13], [sflag:s5] =	dma.local [spmem:s7], $0x280  }
0x1ea: {  	_ =	swait.ge [sflag:s17], $0x280  }
0x1eb: {  	[sflag:s17] =	ssyncset.done $0x0;
	s7 =	rddreg [dreg:$0x19]  }
0x1ec: {  	s13 =	rddreg [dreg:$0x9];
	[sflag:s17] =	ssyncadd.s32 $0xFFFFFD80;
	s1 =	sshrl.u32 s7, $0x3  }
0x1ed: {  	[hbm:s13], [sflag:s5] =	dma.local [spmem:s1], $0x280  }
0x1ee: {  	_ =	swait.ge [sflag:s17], $0x280  }
0x1ef: {  	[sflag:s17] =	ssyncset.done $0x0;
	s7 =	rddreg [dreg:$0x1a]  }
0x1f0: {  	s13 =	rddreg [dreg:$0xa];
	[sflag:s17] =	ssyncadd.s32 $0xFFFFFD80;
	s1 =	sshrl.u32 s7, $0x3  }
0x1f1: {  	[hbm:s13], [sflag:s5] =	dma.local [spmem:s1], $0x280  }
0x1f2: {  	_ =	swait.ge [sflag:s17], $0x280  }
0x1f3: {  	[sflag:s17] =	ssyncset.done $0x0;
	s7 =	rddreg [dreg:$0x1b]  }
0x1f4: {  	s13 =	rddreg [dreg:$0xb];
	[sflag:s17] =	ssyncadd.s32 $0xFFFFFD80;
	s1 =	sshrl.u32 s7, $0x3  }
0x1f5: {  	[hbm:s13], [sflag:s5] =	dma.local [spmem:s1], $0x280  }
0x1f6: {  	_ =	swait.ge [sflag:s17], $0x280  }
0x1f7: {  	[sflag:s17] =	ssyncset.done $0x0;
	s7 =	rddreg [dreg:$0x1c]  }
0x1f8: {  	s13 =	rddreg [dreg:$0xc];
	[sflag:s17] =	ssyncadd.s32 $0xFFFFFD80;
	s1 =	sshrl.u32 s7, $0x3  }
0x1f9: {  	[hbm:s13], [sflag:s5] =	dma.local [spmem:s1], $0x280  }
0x1fa: {  	_ =	swait.ge [sflag:s17], $0x280  }
0x1fb: {  	[sflag:s17] =	ssyncset.done $0x0;
	s7 =	rddreg [dreg:$0x1d]  }
0x1fc: {  	s13 =	rddreg [dreg:$0xd];
	[sflag:s17] =	ssyncadd.s32 $0xFFFFFD80;
	s1 =	sshrl.u32 s7, $0x3  }
0x1fd: {  	[hbm:s13], [sflag:s5] =	dma.local [spmem:s1], $0x280  }
0x1fe: {  	_ =	swait.ge [sflag:s17], $0x280  }
0x1ff: {  	[sflag:s17] =	ssyncset.done $0x0;
	s7 =	rddreg [dreg:$0x1e]  }
0x200: {  	s13 =	rddreg [dreg:$0xe];
	[sflag:s17] =	ssyncadd.s32 $0xFFFFFD80;
	s1 =	sshrl.u32 s7, $0x3  }
0x201: {  	[hbm:s13], [sflag:s5] =	dma.local [spmem:s1], $0x280  }
0x202: {  	_ =	swait.ge [sflag:s17], $0x280  }
0x203: {  	[sflag:s17] =	ssyncset.done $0x0;
	s7 =	rddreg [dreg:$0x1f]  }
0x204: {  	s13 =	rddreg [dreg:$0xf];
	[sflag:s17] =	ssyncadd.s32 $0xFFFFFD80;
	s1 =	sshrl.u32 s7, $0x3  }
0x205: {  	[hbm:s13], [sflag:s5] =	dma.local [spmem:s1], $0x280  }
0x206: {  	_ =	swait.ge [sflag:s17], $0x280  }
0x207: {  	s13 =	sld [smem:$0x7FD];
	_ =	sdelay $0x1  }
0x208: {  	[sflag:s17] =	ssyncset.done $0x0  }
0x209: {  	s7 =	rddreg [dreg:$0x10];
	[sflag:s17] =	ssyncadd.s32 $0xFFFFFD80;
	s1 =	sshrl.u32 s13, $0x3  }
0x20a: {  	[hbm:s7], [sflag:s5] =	dma.local [spmem:s1], $0x280  }
0x20b: {  	_ =	swait.ge [sflag:s17], $0x280  }
0x20c: {  	s7 =	sld [smem:$0x7EB];
	_ =	sdelay $0x1  }
0x20d: {  	[sflag:s17] =	ssyncset.done $0x0  }
0x20e: {  	[sflag:s17] =	ssyncadd.s32 $0xFFFFFD80;
	s1 =	sshrl.u32 s7, $0x3;
	s7 =	rddreg [dreg:$0x11]  }
0x20f: {  	[hbm:s7], [sflag:s5] =	dma.local [spmem:s1], $0x280  }
0x210: {  	_ =	swait.ge [sflag:s17], $0x280  }
0x211: {  	s7 =	sld [smem:$0x7EC];
	_ =	sdelay $0x1  }
0x212: {  	[sflag:s17] =	ssyncset.done $0x0  }
0x213: {  	[sflag:s17] =	ssyncadd.s32 $0xFFFFFD80;
	s1 =	sshrl.u32 s7, $0x3;
	s7 =	rddreg [dreg:$0x12]  }
0x214: {  	[hbm:s7], [sflag:s5] =	dma.local [spmem:s1], $0x280  }
0x215: {  	_ =	swait.ge [sflag:s17], $0x280  }
0x216: {  	s7 =	sld [smem:$0x7ED];
	_ =	sdelay $0x1  }
0x217: {  	[sflag:s17] =	ssyncset.done $0x0  }
0x218: {  	[sflag:s17] =	ssyncadd.s32 $0xFFFFFD80;
	s1 =	sshrl.u32 s7, $0x3;
	s7 =	rddreg [dreg:$0x13]  }
0x219: {  	[hbm:s7], [sflag:s5] =	dma.local [spmem:s1], $0x280  }
0x21a: {  	_ =	swait.ge [sflag:s17], $0x280  }
0x21b: {  	s7 =	sld [smem:$0x7EF];
	_ =	sdelay $0x1  }
0x21c: {  	[sflag:s17] =	ssyncset.done $0x0  }
0x21d: {  	[sflag:s17] =	ssyncadd.s32 $0xFFFFFD80;
	s1 =	sshrl.u32 s7, $0x3;
	s7 =	rddreg [dreg:$0x14]  }
0x21e: {  	[hbm:s7], [sflag:s5] =	dma.local [spmem:s1], $0x280  }
0x21f: {  	_ =	swait.ge [sflag:s17], $0x280  }
0x220: {  	s7 =	sld [smem:$0x7F0];
	_ =	sdelay $0x1  }
0x221: {  	[sflag:s17] =	ssyncset.done $0x0  }
0x222: {  	[sflag:s17] =	ssyncadd.s32 $0xFFFFFD80;
	s1 =	sshrl.u32 s7, $0x3;
	s7 =	rddreg [dreg:$0x15]  }
0x223: {  	[hbm:s7], [sflag:s5] =	dma.local [spmem:s1], $0x280  }
0x224: {  	_ =	swait.ge [sflag:s17], $0x280  }
0x225: {  	s1 =	sld [smem:$0x7F1];
	_ =	sdelay $0x1  }
0x226: {  	[sflag:s17] =	ssyncset.done $0x0  }
0x227: {  	s7 =	rddreg [dreg:$0x16];
	[sflag:s17] =	ssyncadd.s32 $0xFFFFFD80;
	s1 =	sshrl.u32 @!p0 s1, $0x3  }
0x228: {  	[hbm:s7], [sflag:s5] =	dma.local @!p0 [spmem:s1], $0x280  }
0x229: {  	s1 =	simm.s32 @!p0 $0xB  }
0x22a: {  	_ =	swait.ge @!p0 [sflag:s1], $0x280  }
0x22b: {  	s7 =	rddreg [dreg:$0x6]  }
0x22c: {  	s5 =	sadd.s32 $0x1, s7;
	s7 =	sld [smem:$0x7FC];
	_ =	sdelay $0x2  }
0x22d: {  	p1 =	sne.s32 s5, s7  }
.Ltmp7:
0x22e: {  	_ = 	snop;
	(pc) =	sbr.rel @p1 .LBB2_1-.Ltmp7, $3  }
0x22f: {  	_ =	sdelay $0x1  }
0x230: {  	[sflag:s1] =	ssyncset.done @!p0 $0x0  }
0x231: {  	[sflag:s1] =	ssyncadd.s32 @!p0 $0xFFFFFD80;
	[dreg:$0x6] =	wrdreg s5  }
0x232: {  	_ =	sfence.sel $0x180000  }
0x233: {  	[bflag:$0x0] =	sbarrier.arrive $0xFFFF  }
0x234: {  	_ =	strace $0x9000004A  }
0x235: {  	s0 =	stileid.u32;
	[bflag:$0x2] =	sbarrier.arrive $0xFFFF  }
0x236: {  	p0 =	sne.s32 s0, $0x0;
	s0 =	rddreg [dreg:$0x5]  }
0x237: {  	s0 =	sadd.s32 @!p0 $0x100000, s0  }
0x238: {  	[sflag:s0] =	ssyncadd.tile.s32 @!p0 $0x1;
	_ =	shalt  }
.Lfunc_end2:
_tile_overlayer_lowered:
.L_overlay_start_2:
0x239: {  	(tag) =	ssettag $0x2  }
0x23a: {  	s0 =	rddreg [dreg:$0x0];
	s2 =	stileid.u32  }
0x23b: {  	s1 =	rddreg [dreg:$0x1];
	p0 =	sne.s32 s2, $0x0  }
0x23c: {  	s3 =	rddreg [dreg:$0x2];
	[bflag:$0x3] =	sbarrier.arrive $0xFFFF;
	s2 =	simm.s32 @!p0 $0x1C0B  }
0x23d: {  	[timem:s3], [sflag:s2] =	dma.local @!p0 [hbm:s0], s1  }
0x23e: {  	s0 =	simm.s32 @!p0 $0xB  }
0x23f: {  	_ =	swait.ge @!p0 [sflag:s0], s1  }
0x240: {  	s1 =	ssub.s32 @!p0 $0x0, s1;
	[sflag:s0] =	ssyncset.done @!p0 $0x0  }
0x241: {  	[sflag:s0] =	ssyncadd.s32 @!p0 s1  }
0x242: {  	[bflag:$0x3] =	sbarrier.arrive $0xFFFF  }
0x243: {  	_ =	shalt  }

</sc_bundles>
